<compile_context>
chip_gen: v7x
topology: tpu7x:2x2x1
jax: 0.10.2.dev20260603
libtpu: 0.0.44.dev20260713+nightly
codegen_flags: <defaults>
</compile_context>

<pallas_src>
import functools

import jax
import jax.numpy as jnp
from jax import lax
from jax.experimental import pallas as pl
from jax.experimental.pallas import tpu as pltpu
from jax.experimental.pallas import tpu_sc as plsc

DIM = 768
INTER = 256
E = 8
SI = 512
T = 2048
P = 2 * T
STEPS = 40
BLK = 128
NB = T // BLK
MT = P // BLK
NC, NS = 2, 16
NW = NC * NS
TPW = T // NW

_HI = jax.lax.Precision.HIGHEST


def _route_kernel(x_ref, gw_ref, p0_ref, p1_ref, w0_ref, w1_ref, meta_ref):
    xf = x_ref[...]
    scores = jax.nn.sigmoid(
        lax.dot_general(xf, gw_ref[...], (((1,), (1,)), ((), ())),
                        preferred_element_type=jnp.float32))
    lane8 = lax.broadcasted_iota(jnp.int32, (T, E), 1)
    m1 = jnp.max(scores, axis=1, keepdims=True)
    i1 = jnp.argmax(scores, axis=1)[:, None]
    masked = jnp.where(lane8 == i1, -jnp.inf, scores)
    m2 = jnp.max(masked, axis=1, keepdims=True)
    i2 = jnp.argmax(masked, axis=1)[:, None]
    denom = m1 + m2
    lane16 = jnp.ones((1, 16), jnp.float32)
    w0_ref[...] = (m1 / denom) * lane16
    w1_ref[...] = (m2 / denom) * lane16

    oh0 = (lane8 == i1).astype(jnp.float32)
    oh1 = (lane8 == i2).astype(jnp.float32)

    c16 = jnp.concatenate([oh0, oh1], axis=1)
    ri = lax.broadcasted_iota(jnp.int32, (BLK, BLK), 0)
    ci = lax.broadcasted_iota(jnp.int32, (BLK, BLK), 1)
    ltri = (ri >= ci).astype(jnp.float32)
    parts = []
    running = jnp.zeros((1, 2 * E), jnp.float32)
    for b in range(NB):
        blk = c16[b * BLK:(b + 1) * BLK, :]
        incl = lax.dot(ltri, blk, precision=_HI,
                       preferred_element_type=jnp.float32)
        parts.append(incl - blk + running)
        running = running + incl[BLK - 1:BLK, :]
    rex = jnp.concatenate(parts, axis=0)
    r0, r1 = rex[:, :E], rex[:, E:]

    cnt0 = jnp.sum(oh0, axis=0, keepdims=True)
    cnt = cnt0 + jnp.sum(oh1, axis=0, keepdims=True)
    e_r = lax.broadcasted_iota(jnp.int32, (E, E), 0)
    e_c = lax.broadcasted_iota(jnp.int32, (E, E), 1)
    utri = (e_r <= e_c).astype(jnp.float32)
    off_incl = lax.dot(cnt, utri, precision=_HI,
                       preferred_element_type=jnp.float32)
    off_excl = off_incl - cnt

    p0_ref[...] = jnp.sum(oh0 * (off_excl + r0), axis=1,
                          keepdims=True).astype(jnp.int32)
    p1_ref[...] = jnp.sum(oh1 * (off_excl + cnt0 + r1), axis=1,
                          keepdims=True).astype(jnp.int32)

    eye8 = (e_r == e_c).astype(jnp.float32)
    offx_col = jnp.sum(eye8 * off_excl, axis=1, keepdims=True)
    offi_col = jnp.sum(eye8 * off_incl, axis=1, keepdims=True)
    mlane = lax.broadcasted_iota(jnp.int32, (1, MT), 1).astype(jnp.float32) * BLK
    ovT = ((offx_col < mlane + BLK) & (offi_col > mlane)
           ).astype(jnp.float32)
    nT = jnp.sum(ovT, axis=0, keepdims=True)
    m_r = lax.broadcasted_iota(jnp.int32, (MT, MT), 0)
    m_c = lax.broadcasted_iota(jnp.int32, (MT, MT), 1)
    start_m = lax.dot(nT, (m_r < m_c).astype(jnp.float32), precision=_HI,
                      preferred_element_type=jnp.float32)
    total = jnp.sum(nT)
    eyeN = (m_r == m_c).astype(jnp.float32)
    start_col = jnp.sum(eyeN * start_m, axis=1, keepdims=True)

    svec = lax.broadcasted_iota(jnp.int32, (1, STEPS), 1).astype(jnp.float32)
    m_s = jnp.sum((start_col <= svec).astype(jnp.float32), axis=0,
                  keepdims=True) - 1.0
    sub32 = lax.broadcasted_iota(jnp.int32, (MT, STEPS), 0).astype(jnp.float32)
    m1hot = (sub32 == m_s).astype(jnp.float32)
    start_s = jnp.sum(m1hot * start_col, axis=0, keepdims=True)
    r_s = svec - start_s
    ov_s = lax.dot(ovT, m1hot, precision=_HI,
                   preferred_element_type=jnp.float32)
    ltri8 = (e_r > e_c).astype(jnp.float32)
    rank_s = lax.dot(ltri8, ov_s, precision=_HI,
                     preferred_element_type=jnp.float32)
    pick = ((ov_s > 0.5) & (rank_s == r_s)).astype(jnp.float32)
    sub8 = lax.broadcasted_iota(jnp.int32, (E, STEPS), 0).astype(jnp.float32)
    e_s = jnp.sum(pick * sub8, axis=0, keepdims=True)
    off_s = jnp.sum(pick * offx_col, axis=0, keepdims=True)
    end_s = jnp.sum(pick * offi_col, axis=0, keepdims=True)
    valid = svec < total
    e_last = jnp.sum(jnp.where(svec == total - 1.0, e_s, 0.0))
    e_s = jnp.where(valid, e_s, e_last)
    lo_s = jnp.maximum(off_s - m_s * BLK, 0.0)
    hi_s = jnp.clip(end_s - m_s * BLK, 0.0, float(BLK))
    lo_s = jnp.where(valid, lo_s, 0.0)
    hi_s = jnp.where(valid, hi_s, 0.0)
    zpad = jnp.zeros((E - 4, STEPS), jnp.float32)
    meta_ref[...] = jnp.concatenate(
        [m_s, e_s, lo_s, hi_s, zpad], axis=0).astype(jnp.int32)


def _shared_kernel(x_ref, sw13_ref, sw2_ref, z_ref):
    xb = x_ref[...].astype(jnp.bfloat16)
    ab = lax.dot(xb, sw13_ref[...], preferred_element_type=jnp.float32)
    hs = (jax.nn.silu(ab[:, :SI]) * ab[:, SI:]).astype(jnp.bfloat16)
    z_ref[...] = lax.dot(hs, sw2_ref[...], preferred_element_type=jnp.float32)


def _gmm_kernel(meta_ref, xs_ref, w13_ref, w2_ref, ys_ref):
    s = pl.program_id(0)
    lo = meta_ref[2, s]
    hi = meta_ref[3, s]

    @pl.when(hi > 0)
    def _do():
        riota = lax.broadcasted_iota(jnp.int32, (BLK, 1), 0)
        maskf = ((riota >= lo) & (riota < hi)).astype(jnp.float32)
        xb = (xs_ref[...] * maskf).astype(jnp.bfloat16)
        ab = lax.dot(xb, w13_ref[0], preferred_element_type=jnp.float32)
        h = (jax.nn.silu(ab[:, :INTER]) * ab[:, INTER:]).astype(jnp.bfloat16)
        y = lax.dot(h, w2_ref[0], preferred_element_type=jnp.float32)

        @pl.when(lo == 0)
        def _init():
            ys_ref[...] = y

        @pl.when(lo > 0)
        def _acc():
            ys_ref[...] += y


_HTOK = TPW // 2


@functools.cache
def _sc_kernels():
    mesh = plsc.VectorSubcoreMesh(core_axis_name="c", subcore_axis_name="s",
                                  num_cores=NC, num_subcores=NS)

    @functools.partial(
        pl.kernel,
        out_type=jax.ShapeDtypeStruct((P, DIM), jnp.float32),
        mesh=mesh,
        scratch_types=[
            pltpu.VMEM((TPW, DIM), jnp.float32),
            pltpu.VMEM((TPW,), jnp.int32),
            pltpu.VMEM((TPW,), jnp.int32),
        ],
    )
    def dispatch_kernel(x_hbm, p0_hbm, p1_hbm, xs_hbm, x_v, i0_v, i1_v):
        wid = lax.axis_index("s") * NC + lax.axis_index("c")
        base = pl.multiple_of(wid * TPW, TPW)
        pltpu.sync_copy(x_hbm.at[pl.ds(base, TPW)], x_v)
        pltpu.sync_copy(p0_hbm.at[pl.ds(base, TPW)], i0_v)
        pltpu.sync_copy(p1_hbm.at[pl.ds(base, TPW)], i1_v)
        pltpu.sync_copy(x_v, xs_hbm.at[i0_v])
        pltpu.sync_copy(x_v, xs_hbm.at[i1_v])

    @functools.partial(
        pl.kernel,
        out_type=jax.ShapeDtypeStruct((T, DIM), jnp.float32),
        mesh=mesh,
        scratch_types=[
            pltpu.VMEM((_HTOK, DIM), jnp.float32),
            pltpu.VMEM((_HTOK, DIM), jnp.float32),
            pltpu.VMEM((_HTOK, DIM), jnp.float32),
            pltpu.VMEM((_HTOK, DIM), jnp.float32),
            pltpu.VMEM((_HTOK,), jnp.int32),
            pltpu.VMEM((_HTOK,), jnp.int32),
            pltpu.VMEM((_HTOK, 16), jnp.float32),
            pltpu.VMEM((_HTOK, 16), jnp.float32),
        ],
    )
    def combine_kernel(ys_hbm, z_hbm, p0_hbm, p1_hbm, w0_hbm, w1_hbm, out_hbm,
                       r0_v, r1_v, z_v, o_v, i0_v, i1_v, w0_v, w1_v):
        wid = lax.axis_index("s") * NC + lax.axis_index("c")
        for c in range(2):
            base = pl.multiple_of(wid * TPW + c * _HTOK, _HTOK)
            pltpu.sync_copy(p0_hbm.at[pl.ds(base, _HTOK)], i0_v)
            pltpu.sync_copy(p1_hbm.at[pl.ds(base, _HTOK)], i1_v)
            pltpu.sync_copy(w0_hbm.at[pl.ds(base, _HTOK)], w0_v)
            pltpu.sync_copy(w1_hbm.at[pl.ds(base, _HTOK)], w1_v)
            pltpu.sync_copy(z_hbm.at[pl.ds(base, _HTOK)], z_v)
            pltpu.sync_copy(ys_hbm.at[i0_v], r0_v)
            pltpu.sync_copy(ys_hbm.at[i1_v], r1_v)

            def tok(i, _):
                a = w0_v[i, :]
                b = w1_v[i, :]
                for j in range(DIM // 16):
                    sl = pl.ds(j * 16, 16)
                    o_v[i, sl] = (a * r0_v[i, sl] + b * r1_v[i, sl]
                                  + z_v[i, sl])
                return 0

            lax.fori_loop(0, _HTOK, tok, 0)
            pltpu.sync_copy(o_v, out_hbm.at[pl.ds(base, _HTOK)])

    return dispatch_kernel, combine_kernel


@jax.jit
def kernel(x, gate_w, w1, w2, w3, sw1, sw2, sw3):
    shape = x.shape
    xt = x.reshape(-1, DIM)
    w13 = jnp.concatenate([w1, w3], axis=2).astype(jnp.bfloat16)
    w2b = w2.astype(jnp.bfloat16)
    sw13 = jnp.concatenate([sw1, sw3], axis=1).astype(jnp.bfloat16)
    sw2b = sw2.astype(jnp.bfloat16)

    full = lambda shp: pl.BlockSpec(shp, lambda *_: (0,) * len(shp))

    p0, p1, w0, w1r, meta = pl.pallas_call(
        _route_kernel,
        in_specs=[full((T, DIM)), full((E, DIM))],
        out_specs=[full((T, 1)), full((T, 1)), full((T, 16)), full((T, 16)),
                   full((E, STEPS))],
        out_shape=[
            jax.ShapeDtypeStruct((T, 1), jnp.int32),
            jax.ShapeDtypeStruct((T, 1), jnp.int32),
            jax.ShapeDtypeStruct((T, 16), jnp.float32),
            jax.ShapeDtypeStruct((T, 16), jnp.float32),
            jax.ShapeDtypeStruct((E, STEPS), jnp.int32),
        ],
    )(xt, gate_w)
    p0f = p0.reshape(T)
    p1f = p1.reshape(T)
    w0f = w0
    w1f = w1r

    z = pl.pallas_call(
        _shared_kernel,
        in_specs=[full((T, DIM)), full((DIM, 2 * SI)), full((SI, DIM))],
        out_specs=full((T, DIM)),
        out_shape=jax.ShapeDtypeStruct((T, DIM), jnp.float32),
    )(xt, sw13, sw2b)

    dispatch_kernel, combine_kernel = _sc_kernels()
    xs = dispatch_kernel(xt, p0f, p1f)

    ys = pl.pallas_call(
        _gmm_kernel,
        grid_spec=pltpu.PrefetchScalarGridSpec(
            num_scalar_prefetch=1,
            grid=(STEPS,),
            in_specs=[
                pl.BlockSpec((BLK, DIM), lambda s, m: (m[0, s], 0)),
                pl.BlockSpec((1, DIM, 2 * INTER), lambda s, m: (m[1, s], 0, 0)),
                pl.BlockSpec((1, INTER, DIM), lambda s, m: (m[1, s], 0, 0)),
            ],
            out_specs=pl.BlockSpec((BLK, DIM), lambda s, m: (m[0, s], 0)),
        ),
        out_shape=jax.ShapeDtypeStruct((P, DIM), jnp.float32),
    )(meta, xs, w13, w2b)

    out = combine_kernel(ys, z, p0f, p1f, w0f, w1f)
    return out.reshape(shape)

# --- scband reference (transcript-rebuilt; emitter-appended) ---
"""Pipeline reference for scband-mo-e-66803921322559 (READ-ONLY COPY).

The authoritative reference and input builder live on the scoring server;
editing this copy changes nothing except your own understanding.
"""

import jax, jax.numpy as jnp
import numpy as np

DIM = 768
INTER = 256
E = 8
TOPK = 2
ROUTE_SCALE = 1.0
N_SHARED = 2


def setup_inputs(seed: int = 0) -> dict:
    key = jax.random.key(seed)
    ks = jax.random.split(key, 8)
    x = jax.random.normal(ks[0], (1, 2048, DIM), dtype=jnp.float32)
    gate_w = jax.random.normal(ks[1], (E, DIM), dtype=jnp.float32) * 0.02
    w1 = jax.random.normal(ks[2], (E, DIM, INTER), dtype=jnp.float32) * 0.02
    w2 = jax.random.normal(ks[3], (E, INTER, DIM), dtype=jnp.float32) * 0.02
    w3 = jax.random.normal(ks[4], (E, DIM, INTER), dtype=jnp.float32) * 0.02
    si = N_SHARED * INTER
    sw1 = jax.random.normal(ks[5], (DIM, si), dtype=jnp.float32) * 0.02
    sw2 = jax.random.normal(ks[6], (si, DIM), dtype=jnp.float32) * 0.02
    sw3 = jax.random.normal(ks[7], (DIM, si), dtype=jnp.float32) * 0.02
    return {"x": x, "gate_w": gate_w, "w1": w1, "w2": w2, "w3": w3,
            "sw1": sw1, "sw2": sw2, "sw3": sw3}


def reference(x, gate_w, w1, w2, w3, sw1, sw2, sw3):
    shape = x.shape
    xt = x.reshape(-1, DIM)
    # Gate: sigmoid scoring (dim != 7168 so no bias; n_groups == 1 so no group routing)
    scores = jax.nn.sigmoid(xt @ gate_w.T)
    topw, topi = jax.lax.top_k(scores, TOPK)
    # sigmoid score_func -> normalize selected weights, then scale
    weights = topw / jnp.sum(topw, axis=-1, keepdims=True)
    weights = weights * ROUTE_SCALE
    # per-token combine weights over experts [T, E]; zero weight == token not routed,
    # identical math to the sparse torch loop y[idx] += expert(x[idx]) * w
    combine = jnp.sum(jax.nn.one_hot(topi, E, dtype=xt.dtype) * weights[..., None], axis=1)
    y = jnp.zeros_like(xt)
    for e in range(E):
        h = jax.nn.silu(xt @ w1[e]) * (xt @ w3[e])
        y = y + (h @ w2[e]) * combine[:, e:e + 1]
    # shared experts MLP (gated SiLU, inter = n_shared_experts * moe_inter_dim)
    z = (jax.nn.silu(xt @ sw1) * (xt @ sw3)) @ sw2
    return (y + z).reshape(shape)

if __name__ == "__main__":
    import jax
    _d = setup_inputs()
    print(jax.jit(kernel)(*tuple(_d.values())))

</pallas_src>

<mosaic_0001>
#map = affine_map<(d0, d1) -> (0, 0)>
#map1 = affine_map<(d0, d1) -> (0)>
module attributes {stable_mosaic.version = 14 : i64} {
  func.func @combine_kernel(%arg0: i32, %arg1: i32, %arg2: memref<4096x768xf32, #tpu.memory_space<hbm>>, %arg3: memref<2048x768xf32, #tpu.memory_space<hbm>>, %arg4: memref<2048xi32, #tpu.memory_space<hbm>>, %arg5: memref<2048xi32, #tpu.memory_space<hbm>>, %arg6: memref<2048x16xf32, #tpu.memory_space<hbm>>, %arg7: memref<2048x16xf32, #tpu.memory_space<hbm>>, %arg8: memref<2048x768xf32, #tpu.memory_space<hbm>>, %arg9: memref<32x768xf32, #tpu.memory_space<vmem>>, %arg10: memref<32x768xf32, #tpu.memory_space<vmem>>, %arg11: memref<32x768xf32, #tpu.memory_space<vmem>>, %arg12: memref<32x768xf32, #tpu.memory_space<vmem>>, %arg13: memref<32xi32, #tpu.memory_space<vmem>>, %arg14: memref<32xi32, #tpu.memory_space<vmem>>, %arg15: memref<32x16xf32, #tpu.memory_space<vmem>>, %arg16: memref<32x16xf32, #tpu.memory_space<vmem>>) attributes {dimension_semantics = [#tpu.dimension_semantics<core_parallel>, #tpu.dimension_semantics<subcore_parallel>], iteration_bounds = array<i64: 2, 16>, scalar_prefetch = 0 : i64, scratch_operands = 8 : i64, tpu.core_type = #tpu.core_type<sc_vector_subcore>, window_params = [{transform_indices = #map}, {transform_indices = #map}, {transform_indices = #map1}, {transform_indices = #map1}, {transform_indices = #map}, {transform_indices = #map}, {transform_indices = #map}]} {
    %mul3A = arith.constant 2 : i32
    %mul3A_0 = arith.muli %arg1, %mul3A : i32
    %add3A = arith.addi %mul3A_0, %arg0 : i32
    %mul3A_1 = arith.constant 64 : i32
    %mul3A_2 = arith.muli %add3A, %mul3A_1 : i32
    %add3A_3 = arith.constant 0 : i32
    %add3A_4 = arith.addi %mul3A_2, %add3A_3 : i32
    %multiple_of3A = tpu.assume_multiple %add3A_4, 32 : i32
    "tpu.region"() ({
      %run_scoped3A = tpu.sem_alloc : memref<!tpu.dma_semaphore, #tpu.memory_space<semaphore_mem>>
      %dma_start3A = tpu.memref_slice %arg4[%multiple_of3A] : memref<2048xi32, #tpu.memory_space<hbm>> -> memref<32xi32, #tpu.memory_space<hbm>>
      %dma_start3A_23 = tpu.memref_slice %arg4[%multiple_of3A] : memref<2048xi32, #tpu.memory_space<hbm>> -> memref<32xi32, #tpu.memory_space<hbm>>
      tpu.enqueue_dma source(%dma_start3A_23 : memref<32xi32, #tpu.memory_space<hbm>>) target(%arg13 : memref<32xi32, #tpu.memory_space<vmem>>) target_semaphore(%run_scoped3A : memref<!tpu.dma_semaphore, #tpu.memory_space<semaphore_mem>>)
      %dma_wait3A = tpu.memref_slice %arg4[%multiple_of3A] : memref<2048xi32, #tpu.memory_space<hbm>> -> memref<32xi32, #tpu.memory_space<hbm>>
      %dma_wait3A_24 = tpu.memref_slice %arg4[%multiple_of3A] : memref<2048xi32, #tpu.memory_space<hbm>> -> memref<32xi32, #tpu.memory_space<hbm>>
      tpu.wait_dma2 semaphore(%run_scoped3A : memref<!tpu.dma_semaphore, #tpu.memory_space<semaphore_mem>>) src(%dma_wait3A_24 : memref<32xi32, #tpu.memory_space<hbm>>) dst(%arg13 : memref<32xi32, #tpu.memory_space<vmem>>)
      tpu.yield
    }) : () -> ()
    "tpu.region"() ({
      %run_scoped3A = tpu.sem_alloc : memref<!tpu.dma_semaphore, #tpu.memory_space<semaphore_mem>>
      %dma_start3A = tpu.memref_slice %arg5[%multiple_of3A] : memref<2048xi32, #tpu.memory_space<hbm>> -> memref<32xi32, #tpu.memory_space<hbm>>
      %dma_start3A_23 = tpu.memref_slice %arg5[%multiple_of3A] : memref<2048xi32, #tpu.memory_space<hbm>> -> memref<32xi32, #tpu.memory_space<hbm>>
      tpu.enqueue_dma source(%dma_start3A_23 : memref<32xi32, #tpu.memory_space<hbm>>) target(%arg14 : memref<32xi32, #tpu.memory_space<vmem>>) target_semaphore(%run_scoped3A : memref<!tpu.dma_semaphore, #tpu.memory_space<semaphore_mem>>)
      %dma_wait3A = tpu.memref_slice %arg5[%multiple_of3A] : memref<2048xi32, #tpu.memory_space<hbm>> -> memref<32xi32, #tpu.memory_space<hbm>>
      %dma_wait3A_24 = tpu.memref_slice %arg5[%multiple_of3A] : memref<2048xi32, #tpu.memory_space<hbm>> -> memref<32xi32, #tpu.memory_space<hbm>>
      tpu.wait_dma2 semaphore(%run_scoped3A : memref<!tpu.dma_semaphore, #tpu.memory_space<semaphore_mem>>) src(%dma_wait3A_24 : memref<32xi32, #tpu.memory_space<hbm>>) dst(%arg14 : memref<32xi32, #tpu.memory_space<vmem>>)
      tpu.yield
    }) : () -> ()
    "tpu.region"() ({
      %run_scoped3A = tpu.sem_alloc : memref<!tpu.dma_semaphore, #tpu.memory_space<semaphore_mem>>
      %dma_start3A = arith.constant 0 : i32
      %dma_start3A_23 = tpu.memref_slice %arg6[%multiple_of3A, %dma_start3A] : memref<2048x16xf32, #tpu.memory_space<hbm>> -> memref<32x16xf32, #tpu.memory_space<hbm>>
      %dma_start3A_24 = arith.constant 0 : i32
      %dma_start3A_25 = tpu.memref_slice %arg6[%multiple_of3A, %dma_start3A_24] : memref<2048x16xf32, #tpu.memory_space<hbm>> -> memref<32x16xf32, #tpu.memory_space<hbm>>
      tpu.enqueue_dma source(%dma_start3A_25 : memref<32x16xf32, #tpu.memory_space<hbm>>) target(%arg15 : memref<32x16xf32, #tpu.memory_space<vmem>>) target_semaphore(%run_scoped3A : memref<!tpu.dma_semaphore, #tpu.memory_space<semaphore_mem>>)
      %dma_wait3A = arith.constant 0 : i32
      %dma_wait3A_26 = tpu.memref_slice %arg6[%multiple_of3A, %dma_wait3A] : memref<2048x16xf32, #tpu.memory_space<hbm>> -> memref<32x16xf32, #tpu.memory_space<hbm>>
      %dma_wait3A_27 = arith.constant 0 : i32
      %dma_wait3A_28 = tpu.memref_slice %arg6[%multiple_of3A, %dma_wait3A_27] : memref<2048x16xf32, #tpu.memory_space<hbm>> -> memref<32x16xf32, #tpu.memory_space<hbm>>
      tpu.wait_dma2 semaphore(%run_scoped3A : memref<!tpu.dma_semaphore, #tpu.memory_space<semaphore_mem>>) src(%dma_wait3A_28 : memref<32x16xf32, #tpu.memory_space<hbm>>) dst(%arg15 : memref<32x16xf32, #tpu.memory_space<vmem>>)
      tpu.yield
    }) : () -> ()
    "tpu.region"() ({
      %run_scoped3A = tpu.sem_alloc : memref<!tpu.dma_semaphore, #tpu.memory_space<semaphore_mem>>
      %dma_start3A = arith.constant 0 : i32
      %dma_start3A_23 = tpu.memref_slice %arg7[%multiple_of3A, %dma_start3A] : memref<2048x16xf32, #tpu.memory_space<hbm>> -> memref<32x16xf32, #tpu.memory_space<hbm>>
      %dma_start3A_24 = arith.constant 0 : i32
      %dma_start3A_25 = tpu.memref_slice %arg7[%multiple_of3A, %dma_start3A_24] : memref<2048x16xf32, #tpu.memory_space<hbm>> -> memref<32x16xf32, #tpu.memory_space<hbm>>
      tpu.enqueue_dma source(%dma_start3A_25 : memref<32x16xf32, #tpu.memory_space<hbm>>) target(%arg16 : memref<32x16xf32, #tpu.memory_space<vmem>>) target_semaphore(%run_scoped3A : memref<!tpu.dma_semaphore, #tpu.memory_space<semaphore_mem>>)
      %dma_wait3A = arith.constant 0 : i32
      %dma_wait3A_26 = tpu.memref_slice %arg7[%multiple_of3A, %dma_wait3A] : memref<2048x16xf32, #tpu.memory_space<hbm>> -> memref<32x16xf32, #tpu.memory_space<hbm>>
      %dma_wait3A_27 = arith.constant 0 : i32
      %dma_wait3A_28 = tpu.memref_slice %arg7[%multiple_of3A, %dma_wait3A_27] : memref<2048x16xf32, #tpu.memory_space<hbm>> -> memref<32x16xf32, #tpu.memory_space<hbm>>
      tpu.wait_dma2 semaphore(%run_scoped3A : memref<!tpu.dma_semaphore, #tpu.memory_space<semaphore_mem>>) src(%dma_wait3A_28 : memref<32x16xf32, #tpu.memory_space<hbm>>) dst(%arg16 : memref<32x16xf32, #tpu.memory_space<vmem>>)
      tpu.yield
    }) : () -> ()
    "tpu.region"() ({
      %run_scoped3A = tpu.sem_alloc : memref<!tpu.dma_semaphore, #tpu.memory_space<semaphore_mem>>
      %dma_start3A = arith.constant 0 : i32
      %dma_start3A_23 = tpu.memref_slice %arg3[%multiple_of3A, %dma_start3A] : memref<2048x768xf32, #tpu.memory_space<hbm>> -> memref<32x768xf32, #tpu.memory_space<hbm>>
      %dma_start3A_24 = arith.constant 0 : i32
      %dma_start3A_25 = tpu.memref_slice %arg3[%multiple_of3A, %dma_start3A_24] : memref<2048x768xf32, #tpu.memory_space<hbm>> -> memref<32x768xf32, #tpu.memory_space<hbm>>
      tpu.enqueue_dma source(%dma_start3A_25 : memref<32x768xf32, #tpu.memory_space<hbm>>) target(%arg11 : memref<32x768xf32, #tpu.memory_space<vmem>>) target_semaphore(%run_scoped3A : memref<!tpu.dma_semaphore, #tpu.memory_space<semaphore_mem>>)
      %dma_wait3A = arith.constant 0 : i32
      %dma_wait3A_26 = tpu.memref_slice %arg3[%multiple_of3A, %dma_wait3A] : memref<2048x768xf32, #tpu.memory_space<hbm>> -> memref<32x768xf32, #tpu.memory_space<hbm>>
      %dma_wait3A_27 = arith.constant 0 : i32
      %dma_wait3A_28 = tpu.memref_slice %arg3[%multiple_of3A, %dma_wait3A_27] : memref<2048x768xf32, #tpu.memory_space<hbm>> -> memref<32x768xf32, #tpu.memory_space<hbm>>
      tpu.wait_dma2 semaphore(%run_scoped3A : memref<!tpu.dma_semaphore, #tpu.memory_space<semaphore_mem>>) src(%dma_wait3A_28 : memref<32x768xf32, #tpu.memory_space<hbm>>) dst(%arg11 : memref<32x768xf32, #tpu.memory_space<vmem>>)
      tpu.yield
    }) : () -> ()
    "tpu.region"() ({
      %run_scoped3A = tpu.sem_alloc : memref<!tpu.dma_semaphore, #tpu.memory_space<semaphore_mem>>
      %dma_start3A = arith.constant 0 : i32
      %dma_start3A_23 = arith.constant 0 : i32
      %dma_start3A_24 = tpu.memref_slice %arg2[%dma_start3A, %dma_start3A_23] : memref<4096x768xf32, #tpu.memory_space<hbm>> -> memref<4096x768xf32, #tpu.memory_space<hbm>>
      tpu.enqueue_indirect_dma source(%dma_start3A_24 : memref<4096x768xf32, #tpu.memory_space<hbm>>) target(%arg9 : memref<32x768xf32, #tpu.memory_space<vmem>>) offsets(%arg13 : memref<32xi32, #tpu.memory_space<vmem>>) semaphore(%run_scoped3A : memref<!tpu.dma_semaphore, #tpu.memory_space<semaphore_mem>>)
      %dma_wait3A = arith.constant 0 : i32
      %dma_wait3A_25 = arith.constant 0 : i32
      %dma_wait3A_26 = tpu.memref_slice %arg2[%dma_wait3A, %dma_wait3A_25] : memref<4096x768xf32, #tpu.memory_space<hbm>> -> memref<4096x768xf32, #tpu.memory_space<hbm>>
      tpu.wait_indirect_dma semaphore(%run_scoped3A : memref<!tpu.dma_semaphore, #tpu.memory_space<semaphore_mem>>) src(%dma_wait3A_26 : memref<4096x768xf32, #tpu.memory_space<hbm>>) dst(%arg9 : memref<32x768xf32, #tpu.memory_space<vmem>>)
      tpu.yield
    }) : () -> ()
    "tpu.region"() ({
      %run_scoped3A = tpu.sem_alloc : memref<!tpu.dma_semaphore, #tpu.memory_space<semaphore_mem>>
      %dma_start3A = arith.constant 0 : i32
      %dma_start3A_23 = arith.constant 0 : i32
      %dma_start3A_24 = tpu.memref_slice %arg2[%dma_start3A, %dma_start3A_23] : memref<4096x768xf32, #tpu.memory_space<hbm>> -> memref<4096x768xf32, #tpu.memory_space<hbm>>
      tpu.enqueue_indirect_dma source(%dma_start3A_24 : memref<4096x768xf32, #tpu.memory_space<hbm>>) target(%arg10 : memref<32x768xf32, #tpu.memory_space<vmem>>) offsets(%arg14 : memref<32xi32, #tpu.memory_space<vmem>>) semaphore(%run_scoped3A : memref<!tpu.dma_semaphore, #tpu.memory_space<semaphore_mem>>)
      %dma_wait3A = arith.constant 0 : i32
      %dma_wait3A_25 = arith.constant 0 : i32
      %dma_wait3A_26 = tpu.memref_slice %arg2[%dma_wait3A, %dma_wait3A_25] : memref<4096x768xf32, #tpu.memory_space<hbm>> -> memref<4096x768xf32, #tpu.memory_space<hbm>>
      tpu.wait_indirect_dma semaphore(%run_scoped3A : memref<!tpu.dma_semaphore, #tpu.memory_space<semaphore_mem>>) src(%dma_wait3A_26 : memref<4096x768xf32, #tpu.memory_space<hbm>>) dst(%arg10 : memref<32x768xf32, #tpu.memory_space<vmem>>)
      tpu.yield
    }) : () -> ()
    %scan3A = arith.constant 0 : i32
    %scan3A_5 = arith.constant 0 : i32
    %scan3A_6 = arith.constant 32 : i32
    %scan3A_7 = arith.addi %scan3A_5, %scan3A_6 : i32
    %scan3A_8 = arith.constant 1 : i32
    %scan3A_9 = scf.for %scan3A_23 = %scan3A_5 to %scan3A_7 step %scan3A_8 iter_args(%scan3A_24 = %scan3A) -> (i32)  : i32 {
      %get3A = arith.index_cast %scan3A_23 : i32 to index
      %get3A_25 = arith.constant 0 : index
      %get3A_26 = tpu.vector_load %arg15[%get3A, %get3A_25] {strides = array<i32>} : memref<32x16xf32, #tpu.memory_space<vmem>>, vector<1x16xf32>,
      %get3A_27 = vector.shape_cast %get3A_26 : vector<1x16xf32> to vector<16xf32>
      %get3A_28 = arith.index_cast %scan3A_23 : i32 to index
      %get3A_29 = arith.constant 0 : index
      %get3A_30 = tpu.vector_load %arg16[%get3A_28, %get3A_29] {strides = array<i32>} : memref<32x16xf32, #tpu.memory_space<vmem>>, vector<1x16xf32>,
      %get3A_31 = vector.shape_cast %get3A_30 : vector<1x16xf32> to vector<16xf32>
      %get3A_32 = arith.index_cast %scan3A_23 : i32 to index
      %get3A_33 = arith.constant 0 : index
      %get3A_34 = tpu.vector_load %arg9[%get3A_32, %get3A_33] {strides = array<i32>} : memref<32x768xf32, #tpu.memory_space<vmem>>, vector<1x16xf32>,
      %get3A_35 = vector.shape_cast %get3A_34 : vector<1x16xf32> to vector<16xf32>
      %mul3A_36 = arith.mulf %get3A_27, %get3A_35 : vector<16xf32>
      %get3A_37 = arith.index_cast %scan3A_23 : i32 to index
      %get3A_38 = arith.constant 0 : index
      %get3A_39 = tpu.vector_load %arg10[%get3A_37, %get3A_38] {strides = array<i32>} : memref<32x768xf32, #tpu.memory_space<vmem>>, vector<1x16xf32>,
      %get3A_40 = vector.shape_cast %get3A_39 : vector<1x16xf32> to vector<16xf32>
      %mul3A_41 = arith.mulf %get3A_31, %get3A_40 : vector<16xf32>
      %add3A_42 = arith.addf %mul3A_36, %mul3A_41 : vector<16xf32>
      %get3A_43 = arith.index_cast %scan3A_23 : i32 to index
      %get3A_44 = arith.constant 0 : index
      %get3A_45 = tpu.vector_load %arg11[%get3A_43, %get3A_44] {strides = array<i32>} : memref<32x768xf32, #tpu.memory_space<vmem>>, vector<1x16xf32>,
      %get3A_46 = vector.shape_cast %get3A_45 : vector<1x16xf32> to vector<16xf32>
      %add3A_47 = arith.addf %add3A_42, %get3A_46 : vector<16xf32>
      %swap3A = arith.index_cast %scan3A_23 : i32 to index
      %swap3A_48 = arith.constant 0 : index
      %swap3A_49 = tpu.vector_load %arg12[%swap3A, %swap3A_48] {strides = array<i32>} : memref<32x768xf32, #tpu.memory_space<vmem>>, vector<1x16xf32>,
      %swap3A_50 = vector.shape_cast %swap3A_49 : vector<1x16xf32> to vector<16xf32>
      %swap3A_51 = vector.shape_cast %add3A_47 : vector<16xf32> to vector<1x16xf32>
      tpu.vector_store %arg12[%swap3A, %swap3A_48], %swap3A_51 {strides = array<i32>} : memref<32x768xf32, #tpu.memory_space<vmem>>, vector<1x16xf32>,
      %get3A_52 = arith.index_cast %scan3A_23 : i32 to index
      %get3A_53 = arith.constant 16 : index
      %get3A_54 = tpu.vector_load %arg9[%get3A_52, %get3A_53] {strides = array<i32>} : memref<32x768xf32, #tpu.memory_space<vmem>>, vector<1x16xf32>,
      %get3A_55 = vector.shape_cast %get3A_54 : vector<1x16xf32> to vector<16xf32>
      %mul3A_56 = arith.mulf %get3A_27, %get3A_55 : vector<16xf32>
      %get3A_57 = arith.index_cast %scan3A_23 : i32 to index
      %get3A_58 = arith.constant 16 : index
      %get3A_59 = tpu.vector_load %arg10[%get3A_57, %get3A_58] {strides = array<i32>} : memref<32x768xf32, #tpu.memory_space<vmem>>, vector<1x16xf32>,
      %get3A_60 = vector.shape_cast %get3A_59 : vector<1x16xf32> to vector<16xf32>
      %mul3A_61 = arith.mulf %get3A_31, %get3A_60 : vector<16xf32>
      %add3A_62 = arith.addf %mul3A_56, %mul3A_61 : vector<16xf32>
      %get3A_63 = arith.index_cast %scan3A_23 : i32 to index
      %get3A_64 = arith.constant 16 : index
      %get3A_65 = tpu.vector_load %arg11[%get3A_63, %get3A_64] {strides = array<i32>} : memref<32x768xf32, #tpu.memory_space<vmem>>, vector<1x16xf32>,
      %get3A_66 = vector.shape_cast %get3A_65 : vector<1x16xf32> to vector<16xf32>
      %add3A_67 = arith.addf %add3A_62, %get3A_66 : vector<16xf32>
      %swap3A_68 = arith.index_cast %scan3A_23 : i32 to index
      %swap3A_69 = arith.constant 16 : index
      %swap3A_70 = tpu.vector_load %arg12[%swap3A_68, %swap3A_69] {strides = array<i32>} : memref<32x768xf32, #tpu.memory_space<vmem>>, vector<1x16xf32>,
      %swap3A_71 = vector.shape_cast %swap3A_70 : vector<1x16xf32> to vector<16xf32>
      %swap3A_72 = vector.shape_cast %add3A_67 : vector<16xf32> to vector<1x16xf32>
      tpu.vector_store %arg12[%swap3A_68, %swap3A_69], %swap3A_72 {strides = array<i32>} : memref<32x768xf32, #tpu.memory_space<vmem>>, vector<1x16xf32>,
      %get3A_73 = arith.index_cast %scan3A_23 : i32 to index
      %get3A_74 = arith.constant 32 : index
      %get3A_75 = tpu.vector_load %arg9[%get3A_73, %get3A_74] {strides = array<i32>} : memref<32x768xf32, #tpu.memory_space<vmem>>, vector<1x16xf32>,
      %get3A_76 = vector.shape_cast %get3A_75 : vector<1x16xf32> to vector<16xf32>
      %mul3A_77 = arith.mulf %get3A_27, %get3A_76 : vector<16xf32>
      %get3A_78 = arith.index_cast %scan3A_23 : i32 to index
      %get3A_79 = arith.constant 32 : index
      %get3A_80 = tpu.vector_load %arg10[%get3A_78, %get3A_79] {strides = array<i32>} : memref<32x768xf32, #tpu.memory_space<vmem>>, vector<1x16xf32>,
      %get3A_81 = vector.shape_cast %get3A_80 : vector<1x16xf32> to vector<16xf32>
      %mul3A_82 = arith.mulf %get3A_31, %get3A_81 : vector<16xf32>
      %add3A_83 = arith.addf %mul3A_77, %mul3A_82 : vector<16xf32>
      %get3A_84 = arith.index_cast %scan3A_23 : i32 to index
      %get3A_85 = arith.constant 32 : index
      %get3A_86 = tpu.vector_load %arg11[%get3A_84, %get3A_85] {strides = array<i32>} : memref<32x768xf32, #tpu.memory_space<vmem>>, vector<1x16xf32>,
      %get3A_87 = vector.shape_cast %get3A_86 : vector<1x16xf32> to vector<16xf32>
      %add3A_88 = arith.addf %add3A_83, %get3A_87 : vector<16xf32>
      %swap3A_89 = arith.index_cast %scan3A_23 : i32 to index
      %swap3A_90 = arith.constant 32 : index
      %swap3A_91 = tpu.vector_load %arg12[%swap3A_89, %swap3A_90] {strides = array<i32>} : memref<32x768xf32, #tpu.memory_space<vmem>>, vector<1x16xf32>,
      %swap3A_92 = vector.shape_cast %swap3A_91 : vector<1x16xf32> to vector<16xf32>
      %swap3A_93 = vector.shape_cast %add3A_88 : vector<16xf32> to vector<1x16xf32>
      tpu.vector_store %arg12[%swap3A_89, %swap3A_90], %swap3A_93 {strides = array<i32>} : memref<32x768xf32, #tpu.memory_space<vmem>>, vector<1x16xf32>,
      %get3A_94 = arith.index_cast %scan3A_23 : i32 to index
      %get3A_95 = arith.constant 48 : index
      %get3A_96 = tpu.vector_load %arg9[%get3A_94, %get3A_95] {strides = array<i32>} : memref<32x768xf32, #tpu.memory_space<vmem>>, vector<1x16xf32>,
      %get3A_97 = vector.shape_cast %get3A_96 : vector<1x16xf32> to vector<16xf32>
      %mul3A_98 = arith.mulf %get3A_27, %get3A_97 : vector<16xf32>
      %get3A_99 = arith.index_cast %scan3A_23 : i32 to index
      %get3A_100 = arith.constant 48 : index
      %get3A_101 = tpu.vector_load %arg10[%get3A_99, %get3A_100] {strides = array<i32>} : memref<32x768xf32, #tpu.memory_space<vmem>>, vector<1x16xf32>,
      %get3A_102 = vector.shape_cast %get3A_101 : vector<1x16xf32> to vector<16xf32>
      %mul3A_103 = arith.mulf %get3A_31, %get3A_102 : vector<16xf32>
      %add3A_104 = arith.addf %mul3A_98, %mul3A_103 : vector<16xf32>
      %get3A_105 = arith.index_cast %scan3A_23 : i32 to index
      %get3A_106 = arith.constant 48 : index
      %get3A_107 = tpu.vector_load %arg11[%get3A_105, %get3A_106] {strides = array<i32>} : memref<32x768xf32, #tpu.memory_space<vmem>>, vector<1x16xf32>,
      %get3A_108 = vector.shape_cast %get3A_107 : vector<1x16xf32> to vector<16xf32>
      %add3A_109 = arith.addf %add3A_104, %get3A_108 : vector<16xf32>
      %swap3A_110 = arith.index_cast %scan3A_23 : i32 to index
      %swap3A_111 = arith.constant 48 : index
      %swap3A_112 = tpu.vector_load %arg12[%swap3A_110, %swap3A_111] {strides = array<i32>} : memref<32x768xf32, #tpu.memory_space<vmem>>, vector<1x16xf32>,
      %swap3A_113 = vector.shape_cast %swap3A_112 : vector<1x16xf32> to vector<16xf32>
      %swap3A_114 = vector.shape_cast %add3A_109 : vector<16xf32> to vector<1x16xf32>
      tpu.vector_store %arg12[%swap3A_110, %swap3A_111], %swap3A_114 {strides = array<i32>} : memref<32x768xf32, #tpu.memory_space<vmem>>, vector<1x16xf32>,
      %get3A_115 = arith.index_cast %scan3A_23 : i32 to index
      %get3A_116 = arith.constant 64 : index
      %get3A_117 = tpu.vector_load %arg9[%get3A_115, %get3A_116] {strides = array<i32>} : memref<32x768xf32, #tpu.memory_space<vmem>>, vector<1x16xf32>,
      %get3A_118 = vector.shape_cast %get3A_117 : vector<1x16xf32> to vector<16xf32>
      %mul3A_119 = arith.mulf %get3A_27, %get3A_118 : vector<16xf32>
      %get3A_120 = arith.index_cast %scan3A_23 : i32 to index
      %get3A_121 = arith.constant 64 : index
      %get3A_122 = tpu.vector_load %arg10[%get3A_120, %get3A_121] {strides = array<i32>} : memref<32x768xf32, #tpu.memory_space<vmem>>, vector<1x16xf32>,
      %get3A_123 = vector.shape_cast %get3A_122 : vector<1x16xf32> to vector<16xf32>
      %mul3A_124 = arith.mulf %get3A_31, %get3A_123 : vector<16xf32>
      %add3A_125 = arith.addf %mul3A_119, %mul3A_124 : vector<16xf32>
      %get3A_126 = arith.index_cast %scan3A_23 : i32 to index
      %get3A_127 = arith.constant 64 : index
      %get3A_128 = tpu.vector_load %arg11[%get3A_126, %get3A_127] {strides = array<i32>} : memref<32x768xf32, #tpu.memory_space<vmem>>, vector<1x16xf32>,
      %get3A_129 = vector.shape_cast %get3A_128 : vector<1x16xf32> to vector<16xf32>
      %add3A_130 = arith.addf %add3A_125, %get3A_129 : vector<16xf32>
      %swap3A_131 = arith.index_cast %scan3A_23 : i32 to index
      %swap3A_132 = arith.constant 64 : index
      %swap3A_133 = tpu.vector_load %arg12[%swap3A_131, %swap3A_132] {strides = array<i32>} : memref<32x768xf32, #tpu.memory_space<vmem>>, vector<1x16xf32>,
      %swap3A_134 = vector.shape_cast %swap3A_133 : vector<1x16xf32> to vector<16xf32>
      %swap3A_135 = vector.shape_cast %add3A_130 : vector<16xf32> to vector<1x16xf32>
      tpu.vector_store %arg12[%swap3A_131, %swap3A_132], %swap3A_135 {strides = array<i32>} : memref<32x768xf32, #tpu.memory_space<vmem>>, vector<1x16xf32>,
      %get3A_136 = arith.index_cast %scan3A_23 : i32 to index
      %get3A_137 = arith.constant 80 : index
      %get3A_138 = tpu.vector_load %arg9[%get3A_136, %get3A_137] {strides = array<i32>} : memref<32x768xf32, #tpu.memory_space<vmem>>, vector<1x16xf32>,
      %get3A_139 = vector.shape_cast %get3A_138 : vector<1x16xf32> to vector<16xf32>
      %mul3A_140 = arith.mulf %get3A_27, %get3A_139 : vector<16xf32>
      %get3A_141 = arith.index_cast %scan3A_23 : i32 to index
      %get3A_142 = arith.constant 80 : index
      %get3A_143 = tpu.vector_load %arg10[%get3A_141, %get3A_142] {strides = array<i32>} : memref<32x768xf32, #tpu.memory_space<vmem>>, vector<1x16xf32>,
      %get3A_144 = vector.shape_cast %get3A_143 : vector<1x16xf32> to vector<16xf32>
      %mul3A_145 = arith.mulf %get3A_31, %get3A_144 : vector<16xf32>
      %add3A_146 = arith.addf %mul3A_140, %mul3A_145 : vector<16xf32>
      %get3A_147 = arith.index_cast %scan3A_23 : i32 to index
      %get3A_148 = arith.constant 80 : index
      %get3A_149 = tpu.vector_load %arg11[%get3A_147, %get3A_148] {strides = array<i32>} : memref<32x768xf32, #tpu.memory_space<vmem>>, vector<1x16xf32>,
      %get3A_150 = vector.shape_cast %get3A_149 : vector<1x16xf32> to vector<16xf32>
      %add3A_151 = arith.addf %add3A_146, %get3A_150 : vector<16xf32>
      %swap3A_152 = arith.index_cast %scan3A_23 : i32 to index
      %swap3A_153 = arith.constant 80 : index
      %swap3A_154 = tpu.vector_load %arg12[%swap3A_152, %swap3A_153] {strides = array<i32>} : memref<32x768xf32, #tpu.memory_space<vmem>>, vector<1x16xf32>,
      %swap3A_155 = vector.shape_cast %swap3A_154 : vector<1x16xf32> to vector<16xf32>
      %swap3A_156 = vector.shape_cast %add3A_151 : vector<16xf32> to vector<1x16xf32>
      tpu.vector_store %arg12[%swap3A_152, %swap3A_153], %swap3A_156 {strides = array<i32>} : memref<32x768xf32, #tpu.memory_space<vmem>>, vector<1x16xf32>,
      %get3A_157 = arith.index_cast %scan3A_23 : i32 to index
      %get3A_158 = arith.constant 96 : index
      %get3A_159 = tpu.vector_load %arg9[%get3A_157, %get3A_158] {strides = array<i32>} : memref<32x768xf32, #tpu.memory_space<vmem>>, vector<1x16xf32>,
      %get3A_160 = vector.shape_cast %get3A_159 : vector<1x16xf32> to vector<16xf32>
      %mul3A_161 = arith.mulf %get3A_27, %get3A_160 : vector<16xf32>
      %get3A_162 = arith.index_cast %scan3A_23 : i32 to index
      %get3A_163 = arith.constant 96 : index
      %get3A_164 = tpu.vector_load %arg10[%get3A_162, %get3A_163] {strides = array<i32>} : memref<32x768xf32, #tpu.memory_space<vmem>>, vector<1x16xf32>,
      %get3A_165 = vector.shape_cast %get3A_164 : vector<1x16xf32> to vector<16xf32>
      %mul3A_166 = arith.mulf %get3A_31, %get3A_165 : vector<16xf32>
      %add3A_167 = arith.addf %mul3A_161, %mul3A_166 : vector<16xf32>
      %get3A_168 = arith.index_cast %scan3A_23 : i32 to index
      %get3A_169 = arith.constant 96 : index
      %get3A_170 = tpu.vector_load %arg11[%get3A_168, %get3A_169] {strides = array<i32>} : memref<32x768xf32, #tpu.memory_space<vmem>>, vector<1x16xf32>,
      %get3A_171 = vector.shape_cast %get3A_170 : vector<1x16xf32> to vector<16xf32>
      %add3A_172 = arith.addf %add3A_167, %get3A_171 : vector<16xf32>
      %swap3A_173 = arith.index_cast %scan3A_23 : i32 to index
      %swap3A_174 = arith.constant 96 : index
      %swap3A_175 = tpu.vector_load %arg12[%swap3A_173, %swap3A_174] {strides = array<i32>} : memref<32x768xf32, #tpu.memory_space<vmem>>, vector<1x16xf32>,
      %swap3A_176 = vector.shape_cast %swap3A_175 : vector<1x16xf32> to vector<16xf32>
      %swap3A_177 = vector.shape_cast %add3A_172 : vector<16xf32> to vector<1x16xf32>
      tpu.vector_store %arg12[%swap3A_173, %swap3A_174], %swap3A_177 {strides = array<i32>} : memref<32x768xf32, #tpu.memory_space<vmem>>, vector<1x16xf32>,
      %get3A_178 = arith.index_cast %scan3A_23 : i32 to index
      %get3A_179 = arith.constant 112 : index
      %get3A_180 = tpu.vector_load %arg9[%get3A_178, %get3A_179] {strides = array<i32>} : memref<32x768xf32, #tpu.memory_space<vmem>>, vector<1x16xf32>,
      %get3A_181 = vector.shape_cast %get3A_180 : vector<1x16xf32> to vector<16xf32>
      %mul3A_182 = arith.mulf %get3A_27, %get3A_181 : vector<16xf32>
      %get3A_183 = arith.index_cast %scan3A_23 : i32 to index
      %get3A_184 = arith.constant 112 : index
      %get3A_185 = tpu.vector_load %arg10[%get3A_183, %get3A_184] {strides = array<i32>} : memref<32x768xf32, #tpu.memory_space<vmem>>, vector<1x16xf32>,
      %get3A_186 = vector.shape_cast %get3A_185 : vector<1x16xf32> to vector<16xf32>
      %mul3A_187 = arith.mulf %get3A_31, %get3A_186 : vector<16xf32>
      %add3A_188 = arith.addf %mul3A_182, %mul3A_187 : vector<16xf32>
      %get3A_189 = arith.index_cast %scan3A_23 : i32 to index
      %get3A_190 = arith.constant 112 : index
      %get3A_191 = tpu.vector_load %arg11[%get3A_189, %get3A_190] {strides = array<i32>} : memref<32x768xf32, #tpu.memory_space<vmem>>, vector<1x16xf32>,
      %get3A_192 = vector.shape_cast %get3A_191 : vector<1x16xf32> to vector<16xf32>
      %add3A_193 = arith.addf %add3A_188, %get3A_192 : vector<16xf32>
      %swap3A_194 = arith.index_cast %scan3A_23 : i32 to index
      %swap3A_195 = arith.constant 112 : index
      %swap3A_196 = tpu.vector_load %arg12[%swap3A_194, %swap3A_195] {strides = array<i32>} : memref<32x768xf32, #tpu.memory_space<vmem>>, vector<1x16xf32>,
      %swap3A_197 = vector.shape_cast %swap3A_196 : vector<1x16xf32> to vector<16xf32>
      %swap3A_198 = vector.shape_cast %add3A_193 : vector<16xf32> to vector<1x16xf32>
      tpu.vector_store %arg12[%swap3A_194, %swap3A_195], %swap3A_198 {strides = array<i32>} : memref<32x768xf32, #tpu.memory_space<vmem>>, vector<1x16xf32>,
      %get3A_199 = arith.index_cast %scan3A_23 : i32 to index
      %get3A_200 = arith.constant 128 : index
      %get3A_201 = tpu.vector_load %arg9[%get3A_199, %get3A_200] {strides = array<i32>} : memref<32x768xf32, #tpu.memory_space<vmem>>, vector<1x16xf32>,
      %get3A_202 = vector.shape_cast %get3A_201 : vector<1x16xf32> to vector<16xf32>
      %mul3A_203 = arith.mulf %get3A_27, %get3A_202 : vector<16xf32>
      %get3A_204 = arith.index_cast %scan3A_23 : i32 to index
      %get3A_205 = arith.constant 128 : index
      %get3A_206 = tpu.vector_load %arg10[%get3A_204, %get3A_205] {strides = array<i32>} : memref<32x768xf32, #tpu.memory_space<vmem>>, vector<1x16xf32>,
      %get3A_207 = vector.shape_cast %get3A_206 : vector<1x16xf32> to vector<16xf32>
      %mul3A_208 = arith.mulf %get3A_31, %get3A_207 : vector<16xf32>
      %add3A_209 = arith.addf %mul3A_203, %mul3A_208 : vector<16xf32>
      %get3A_210 = arith.index_cast %scan3A_23 : i32 to index
      %get3A_211 = arith.constant 128 : index
      %get3A_212 = tpu.vector_load %arg11[%get3A_210, %get3A_211] {strides = array<i32>} : memref<32x768xf32, #tpu.memory_space<vmem>>, vector<1x16xf32>,
      %get3A_213 = vector.shape_cast %get3A_212 : vector<1x16xf32> to vector<16xf32>
      %add3A_214 = arith.addf %add3A_209, %get3A_213 : vector<16xf32>
      %swap3A_215 = arith.index_cast %scan3A_23 : i32 to index
      %swap3A_216 = arith.constant 128 : index
      %swap3A_217 = tpu.vector_load %arg12[%swap3A_215, %swap3A_216] {strides = array<i32>} : memref<32x768xf32, #tpu.memory_space<vmem>>, vector<1x16xf32>,
      %swap3A_218 = vector.shape_cast %swap3A_217 : vector<1x16xf32> to vector<16xf32>
      %swap3A_219 = vector.shape_cast %add3A_214 : vector<16xf32> to vector<1x16xf32>
      tpu.vector_store %arg12[%swap3A_215, %swap3A_216], %swap3A_219 {strides = array<i32>} : memref<32x768xf32, #tpu.memory_space<vmem>>, vector<1x16xf32>,
      %get3A_220 = arith.index_cast %scan3A_23 : i32 to index
      %get3A_221 = arith.constant 144 : index
      %get3A_222 = tpu.vector_load %arg9[%get3A_220, %get3A_221] {strides = array<i32>} : memref<32x768xf32, #tpu.memory_space<vmem>>, vector<1x16xf32>,
      %get3A_223 = vector.shape_cast %get3A_222 : vector<1x16xf32> to vector<16xf32>
      %mul3A_224 = arith.mulf %get3A_27, %get3A_223 : vector<16xf32>
      %get3A_225 = arith.index_cast %scan3A_23 : i32 to index
      %get3A_226 = arith.constant 144 : index
      %get3A_227 = tpu.vector_load %arg10[%get3A_225, %get3A_226] {strides = array<i32>} : memref<32x768xf32, #tpu.memory_space<vmem>>, vector<1x16xf32>,
      %get3A_228 = vector.shape_cast %get3A_227 : vector<1x16xf32> to vector<16xf32>
      %mul3A_229 = arith.mulf %get3A_31, %get3A_228 : vector<16xf32>
      %add3A_230 = arith.addf %mul3A_224, %mul3A_229 : vector<16xf32>
      %get3A_231 = arith.index_cast %scan3A_23 : i32 to index
      %get3A_232 = arith.constant 144 : index
      %get3A_233 = tpu.vector_load %arg11[%get3A_231, %get3A_232] {strides = array<i32>} : memref<32x768xf32, #tpu.memory_space<vmem>>, vector<1x16xf32>,
      %get3A_234 = vector.shape_cast %get3A_233 : vector<1x16xf32> to vector<16xf32>
      %add3A_235 = arith.addf %add3A_230, %get3A_234 : vector<16xf32>
      %swap3A_236 = arith.index_cast %scan3A_23 : i32 to index
      %swap3A_237 = arith.constant 144 : index
      %swap3A_238 = tpu.vector_load %arg12[%swap3A_236, %swap3A_237] {strides = array<i32>} : memref<32x768xf32, #tpu.memory_space<vmem>>, vector<1x16xf32>,
      %swap3A_239 = vector.shape_cast %swap3A_238 : vector<1x16xf32> to vector<16xf32>
      %swap3A_240 = vector.shape_cast %add3A_235 : vector<16xf32> to vector<1x16xf32>
      tpu.vector_store %arg12[%swap3A_236, %swap3A_237], %swap3A_240 {strides = array<i32>} : memref<32x768xf32, #tpu.memory_space<vmem>>, vector<1x16xf32>,
      %get3A_241 = arith.index_cast %scan3A_23 : i32 to index
      %get3A_242 = arith.constant 160 : index
      %get3A_243 = tpu.vector_load %arg9[%get3A_241, %get3A_242] {strides = array<i32>} : memref<32x768xf32, #tpu.memory_space<vmem>>, vector<1x16xf32>,
      %get3A_244 = vector.shape_cast %get3A_243 : vector<1x16xf32> to vector<16xf32>
      %mul3A_245 = arith.mulf %get3A_27, %get3A_244 : vector<16xf32>
      %get3A_246 = arith.index_cast %scan3A_23 : i32 to index
      %get3A_247 = arith.constant 160 : index
      %get3A_248 = tpu.vector_load %arg10[%get3A_246, %get3A_247] {strides = array<i32>} : memref<32x768xf32, #tpu.memory_space<vmem>>, vector<1x16xf32>,
      %get3A_249 = vector.shape_cast %get3A_248 : vector<1x16xf32> to vector<16xf32>
      %mul3A_250 = arith.mulf %get3A_31, %get3A_249 : vector<16xf32>
      %add3A_251 = arith.addf %mul3A_245, %mul3A_250 : vector<16xf32>
      %get3A_252 = arith.index_cast %scan3A_23 : i32 to index
      %get3A_253 = arith.constant 160 : index
      %get3A_254 = tpu.vector_load %arg11[%get3A_252, %get3A_253] {strides = array<i32>} : memref<32x768xf32, #tpu.memory_space<vmem>>, vector<1x16xf32>,
      %get3A_255 = vector.shape_cast %get3A_254 : vector<1x16xf32> to vector<16xf32>
      %add3A_256 = arith.addf %add3A_251, %get3A_255 : vector<16xf32>
      %swap3A_257 = arith.index_cast %scan3A_23 : i32 to index
      %swap3A_258 = arith.constant 160 : index
      %swap3A_259 = tpu.vector_load %arg12[%swap3A_257, %swap3A_258] {strides = array<i32>} : memref<32x768xf32, #tpu.memory_space<vmem>>, vector<1x16xf32>,
      %swap3A_260 = vector.shape_cast %swap3A_259 : vector<1x16xf32> to vector<16xf32>
      %swap3A_261 = vector.shape_cast %add3A_256 : vector<16xf32> to vector<1x16xf32>
      tpu.vector_store %arg12[%swap3A_257, %swap3A_258], %swap3A_261 {strides = array<i32>} : memref<32x768xf32, #tpu.memory_space<vmem>>, vector<1x16xf32>,
      %get3A_262 = arith.index_cast %scan3A_23 : i32 to index
      %get3A_263 = arith.constant 176 : index
      %get3A_264 = tpu.vector_load %arg9[%get3A_262, %get3A_263] {strides = array<i32>} : memref<32x768xf32, #tpu.memory_space<vmem>>, vector<1x16xf32>,
      %get3A_265 = vector.shape_cast %get3A_264 : vector<1x16xf32> to vector<16xf32>
      %mul3A_266 = arith.mulf %get3A_27, %get3A_265 : vector<16xf32>
      %get3A_267 = arith.index_cast %scan3A_23 : i32 to index
      %get3A_268 = arith.constant 176 : index
      %get3A_269 = tpu.vector_load %arg10[%get3A_267, %get3A_268] {strides = array<i32>} : memref<32x768xf32, #tpu.memory_space<vmem>>, vector<1x16xf32>,
      %get3A_270 = vector.shape_cast %get3A_269 : vector<1x16xf32> to vector<16xf32>
      %mul3A_271 = arith.mulf %get3A_31, %get3A_270 : vector<16xf32>
      %add3A_272 = arith.addf %mul3A_266, %mul3A_271 : vector<16xf32>
      %get3A_273 = arith.index_cast %scan3A_23 : i32 to index
      %get3A_274 = arith.constant 176 : index
      %get3A_275 = tpu.vector_load %arg11[%get3A_273, %get3A_274] {strides = array<i32>} : memref<32x768xf32, #tpu.memory_space<vmem>>, vector<1x16xf32>,
      %get3A_276 = vector.shape_cast %get3A_275 : vector<1x16xf32> to vector<16xf32>
      %add3A_277 = arith.addf %add3A_272, %get3A_276 : vector<16xf32>
      %swap3A_278 = arith.index_cast %scan3A_23 : i32 to index
      %swap3A_279 = arith.constant 176 : index
      %swap3A_280 = tpu.vector_load %arg12[%swap3A_278, %swap3A_279] {strides = array<i32>} : memref<32x768xf32, #tpu.memory_space<vmem>>, vector<1x16xf32>,
      %swap3A_281 = vector.shape_cast %swap3A_280 : vector<1x16xf32> to vector<16xf32>
      %swap3A_282 = vector.shape_cast %add3A_277 : vector<16xf32> to vector<1x16xf32>
      tpu.vector_store %arg12[%swap3A_278, %swap3A_279], %swap3A_282 {strides = array<i32>} : memref<32x768xf32, #tpu.memory_space<vmem>>, vector<1x16xf32>,
      %get3A_283 = arith.index_cast %scan3A_23 : i32 to index
      %get3A_284 = arith.constant 192 : index
      %get3A_285 = tpu.vector_load %arg9[%get3A_283, %get3A_284] {strides = array<i32>} : memref<32x768xf32, #tpu.memory_space<vmem>>, vector<1x16xf32>,
      %get3A_286 = vector.shape_cast %get3A_285 : vector<1x16xf32> to vector<16xf32>
      %mul3A_287 = arith.mulf %get3A_27, %get3A_286 : vector<16xf32>
      %get3A_288 = arith.index_cast %scan3A_23 : i32 to index
      %get3A_289 = arith.constant 192 : index
      %get3A_290 = tpu.vector_load %arg10[%get3A_288, %get3A_289] {strides = array<i32>} : memref<32x768xf32, #tpu.memory_space<vmem>>, vector<1x16xf32>,
      %get3A_291 = vector.shape_cast %get3A_290 : vector<1x16xf32> to vector<16xf32>
      %mul3A_292 = arith.mulf %get3A_31, %get3A_291 : vector<16xf32>
      %add3A_293 = arith.addf %mul3A_287, %mul3A_292 : vector<16xf32>
      %get3A_294 = arith.index_cast %scan3A_23 : i32 to index
      %get3A_295 = arith.constant 192 : index
      %get3A_296 = tpu.vector_load %arg11[%get3A_294, %get3A_295] {strides = array<i32>} : memref<32x768xf32, #tpu.memory_space<vmem>>, vector<1x16xf32>,
      %get3A_297 = vector.shape_cast %get3A_296 : vector<1x16xf32> to vector<16xf32>
      %add3A_298 = arith.addf %add3A_293, %get3A_297 : vector<16xf32>
      %swap3A_299 = arith.index_cast %scan3A_23 : i32 to index
      %swap3A_300 = arith.constant 192 : index
      %swap3A_301 = tpu.vector_load %arg12[%swap3A_299, %swap3A_300] {strides = array<i32>} : memref<32x768xf32, #tpu.memory_space<vmem>>, vector<1x16xf32>,
      %swap3A_302 = vector.shape_cast %swap3A_301 : vector<1x16xf32> to vector<16xf32>
      %swap3A_303 = vector.shape_cast %add3A_298 : vector<16xf32> to vector<1x16xf32>
      tpu.vector_store %arg12[%swap3A_299, %swap3A_300], %swap3A_303 {strides = array<i32>} : memref<32x768xf32, #tpu.memory_space<vmem>>, vector<1x16xf32>,
      %get3A_304 = arith.index_cast %scan3A_23 : i32 to index
      %get3A_305 = arith.constant 208 : index
      %get3A_306 = tpu.vector_load %arg9[%get3A_304, %get3A_305] {strides = array<i32>} : memref<32x768xf32, #tpu.memory_space<vmem>>, vector<1x16xf32>,
      %get3A_307 = vector.shape_cast %get3A_306 : vector<1x16xf32> to vector<16xf32>
      %mul3A_308 = arith.mulf %get3A_27, %get3A_307 : vector<16xf32>
      %get3A_309 = arith.index_cast %scan3A_23 : i32 to index
      %get3A_310 = arith.constant 208 : index
      %get3A_311 = tpu.vector_load %arg10[%get3A_309, %get3A_310] {strides = array<i32>} : memref<32x768xf32, #tpu.memory_space<vmem>>, vector<1x16xf32>,
      %get3A_312 = vector.shape_cast %get3A_311 : vector<1x16xf32> to vector<16xf32>
      %mul3A_313 = arith.mulf %get3A_31, %get3A_312 : vector<16xf32>
      %add3A_314 = arith.addf %mul3A_308, %mul3A_313 : vector<16xf32>
      %get3A_315 = arith.index_cast %scan3A_23 : i32 to index
      %get3A_316 = arith.constant 208 : index
      %get3A_317 = tpu.vector_load %arg11[%get3A_315, %get3A_316] {strides = array<i32>} : memref<32x768xf32, #tpu.memory_space<vmem>>, vector<1x16xf32>,
      %get3A_318 = vector.shape_cast %get3A_317 : vector<1x16xf32> to vector<16xf32>
      %add3A_319 = arith.addf %add3A_314, %get3A_318 : vector<16xf32>
      %swap3A_320 = arith.index_cast %scan3A_23 : i32 to index
      %swap3A_321 = arith.constant 208 : index
      %swap3A_322 = tpu.vector_load %arg12[%swap3A_320, %swap3A_321] {strides = array<i32>} : memref<32x768xf32, #tpu.memory_space<vmem>>, vector<1x16xf32>,
      %swap3A_323 = vector.shape_cast %swap3A_322 : vector<1x16xf32> to vector<16xf32>
      %swap3A_324 = vector.shape_cast %add3A_319 : vector<16xf32> to vector<1x16xf32>
      tpu.vector_store %arg12[%swap3A_320, %swap3A_321], %swap3A_324 {strides = array<i32>} : memref<32x768xf32, #tpu.memory_space<vmem>>, vector<1x16xf32>,
      %get3A_325 = arith.index_cast %scan3A_23 : i32 to index
      %get3A_326 = arith.constant 224 : index
      %get3A_327 = tpu.vector_load %arg9[%get3A_325, %get3A_326] {strides = array<i32>} : memref<32x768xf32, #tpu.memory_space<vmem>>, vector<1x16xf32>,
      %get3A_328 = vector.shape_cast %get3A_327 : vector<1x16xf32> to vector<16xf32>
      %mul3A_329 = arith.mulf %get3A_27, %get3A_328 : vector<16xf32>
      %get3A_330 = arith.index_cast %scan3A_23 : i32 to index
      %get3A_331 = arith.constant 224 : index
      %get3A_332 = tpu.vector_load %arg10[%get3A_330, %get3A_331] {strides = array<i32>} : memref<32x768xf32, #tpu.memory_space<vmem>>, vector<1x16xf32>,
      %get3A_333 = vector.shape_cast %get3A_332 : vector<1x16xf32> to vector<16xf32>
      %mul3A_334 = arith.mulf %get3A_31, %get3A_333 : vector<16xf32>
      %add3A_335 = arith.addf %mul3A_329, %mul3A_334 : vector<16xf32>
      %get3A_336 = arith.index_cast %scan3A_23 : i32 to index
      %get3A_337 = arith.constant 224 : index
      %get3A_338 = tpu.vector_load %arg11[%get3A_336, %get3A_337] {strides = array<i32>} : memref<32x768xf32, #tpu.memory_space<vmem>>, vector<1x16xf32>,
      %get3A_339 = vector.shape_cast %get3A_338 : vector<1x16xf32> to vector<16xf32>
      %add3A_340 = arith.addf %add3A_335, %get3A_339 : vector<16xf32>
      %swap3A_341 = arith.index_cast %scan3A_23 : i32 to index
      %swap3A_342 = arith.constant 224 : index
      %swap3A_343 = tpu.vector_load %arg12[%swap3A_341, %swap3A_342] {strides = array<i32>} : memref<32x768xf32, #tpu.memory_space<vmem>>, vector<1x16xf32>,
      %swap3A_344 = vector.shape_cast %swap3A_343 : vector<1x16xf32> to vector<16xf32>
      %swap3A_345 = vector.shape_cast %add3A_340 : vector<16xf32> to vector<1x16xf32>
      tpu.vector_store %arg12[%swap3A_341, %swap3A_342], %swap3A_345 {strides = array<i32>} : memref<32x768xf32, #tpu.memory_space<vmem>>, vector<1x16xf32>,
      %get3A_346 = arith.index_cast %scan3A_23 : i32 to index
      %get3A_347 = arith.constant 240 : index
      %get3A_348 = tpu.vector_load %arg9[%get3A_346, %get3A_347] {strides = array<i32>} : memref<32x768xf32, #tpu.memory_space<vmem>>, vector<1x16xf32>,
      %get3A_349 = vector.shape_cast %get3A_348 : vector<1x16xf32> to vector<16xf32>
      %mul3A_350 = arith.mulf %get3A_27, %get3A_349 : vector<16xf32>
      %get3A_351 = arith.index_cast %scan3A_23 : i32 to index
      %get3A_352 = arith.constant 240 : index
      %get3A_353 = tpu.vector_load %arg10[%get3A_351, %get3A_352] {strides = array<i32>} : memref<32x768xf32, #tpu.memory_space<vmem>>, vector<1x16xf32>,
      %get3A_354 = vector.shape_cast %get3A_353 : vector<1x16xf32> to vector<16xf32>
      %mul3A_355 = arith.mulf %get3A_31, %get3A_354 : vector<16xf32>
      %add3A_356 = arith.addf %mul3A_350, %mul3A_355 : vector<16xf32>
      %get3A_357 = arith.index_cast %scan3A_23 : i32 to index
      %get3A_358 = arith.constant 240 : index
      %get3A_359 = tpu.vector_load %arg11[%get3A_357, %get3A_358] {strides = array<i32>} : memref<32x768xf32, #tpu.memory_space<vmem>>, vector<1x16xf32>,
      %get3A_360 = vector.shape_cast %get3A_359 : vector<1x16xf32> to vector<16xf32>
      %add3A_361 = arith.addf %add3A_356, %get3A_360 : vector<16xf32>
      %swap3A_362 = arith.index_cast %scan3A_23 : i32 to index
      %swap3A_363 = arith.constant 240 : index
      %swap3A_364 = tpu.vector_load %arg12[%swap3A_362, %swap3A_363] {strides = array<i32>} : memref<32x768xf32, #tpu.memory_space<vmem>>, vector<1x16xf32>,
      %swap3A_365 = vector.shape_cast %swap3A_364 : vector<1x16xf32> to vector<16xf32>
      %swap3A_366 = vector.shape_cast %add3A_361 : vector<16xf32> to vector<1x16xf32>
      tpu.vector_store %arg12[%swap3A_362, %swap3A_363], %swap3A_366 {strides = array<i32>} : memref<32x768xf32, #tpu.memory_space<vmem>>, vector<1x16xf32>,
      %get3A_367 = arith.index_cast %scan3A_23 : i32 to index
      %get3A_368 = arith.constant 256 : index
      %get3A_369 = tpu.vector_load %arg9[%get3A_367, %get3A_368] {strides = array<i32>} : memref<32x768xf32, #tpu.memory_space<vmem>>, vector<1x16xf32>,
      %get3A_370 = vector.shape_cast %get3A_369 : vector<1x16xf32> to vector<16xf32>
      %mul3A_371 = arith.mulf %get3A_27, %get3A_370 : vector<16xf32>
      %get3A_372 = arith.index_cast %scan3A_23 : i32 to index
      %get3A_373 = arith.constant 256 : index
      %get3A_374 = tpu.vector_load %arg10[%get3A_372, %get3A_373] {strides = array<i32>} : memref<32x768xf32, #tpu.memory_space<vmem>>, vector<1x16xf32>,
      %get3A_375 = vector.shape_cast %get3A_374 : vector<1x16xf32> to vector<16xf32>
      %mul3A_376 = arith.mulf %get3A_31, %get3A_375 : vector<16xf32>
      %add3A_377 = arith.addf %mul3A_371, %mul3A_376 : vector<16xf32>
      %get3A_378 = arith.index_cast %scan3A_23 : i32 to index
      %get3A_379 = arith.constant 256 : index
      %get3A_380 = tpu.vector_load %arg11[%get3A_378, %get3A_379] {strides = array<i32>} : memref<32x768xf32, #tpu.memory_space<vmem>>, vector<1x16xf32>,
      %get3A_381 = vector.shape_cast %get3A_380 : vector<1x16xf32> to vector<16xf32>
      %add3A_382 = arith.addf %add3A_377, %get3A_381 : vector<16xf32>
      %swap3A_383 = arith.index_cast %scan3A_23 : i32 to index
      %swap3A_384 = arith.constant 256 : index
      %swap3A_385 = tpu.vector_load %arg12[%swap3A_383, %swap3A_384] {strides = array<i32>} : memref<32x768xf32, #tpu.memory_space<vmem>>, vector<1x16xf32>,
      %swap3A_386 = vector.shape_cast %swap3A_385 : vector<1x16xf32> to vector<16xf32>
      %swap3A_387 = vector.shape_cast %add3A_382 : vector<16xf32> to vector<1x16xf32>
      tpu.vector_store %arg12[%swap3A_383, %swap3A_384], %swap3A_387 {strides = array<i32>} : memref<32x768xf32, #tpu.memory_space<vmem>>, vector<1x16xf32>,
      %get3A_388 = arith.index_cast %scan3A_23 : i32 to index
      %get3A_389 = arith.constant 272 : index
      %get3A_390 = tpu.vector_load %arg9[%get3A_388, %get3A_389] {strides = array<i32>} : memref<32x768xf32, #tpu.memory_space<vmem>>, vector<1x16xf32>,
      %get3A_391 = vector.shape_cast %get3A_390 : vector<1x16xf32> to vector<16xf32>
      %mul3A_392 = arith.mulf %get3A_27, %get3A_391 : vector<16xf32>
      %get3A_393 = arith.index_cast %scan3A_23 : i32 to index
      %get3A_394 = arith.constant 272 : index
      %get3A_395 = tpu.vector_load %arg10[%get3A_393, %get3A_394] {strides = array<i32>} : memref<32x768xf32, #tpu.memory_space<vmem>>, vector<1x16xf32>,
      %get3A_396 = vector.shape_cast %get3A_395 : vector<1x16xf32> to vector<16xf32>
      %mul3A_397 = arith.mulf %get3A_31, %get3A_396 : vector<16xf32>
      %add3A_398 = arith.addf %mul3A_392, %mul3A_397 : vector<16xf32>
      %get3A_399 = arith.index_cast %scan3A_23 : i32 to index
      %get3A_400 = arith.constant 272 : index
      %get3A_401 = tpu.vector_load %arg11[%get3A_399, %get3A_400] {strides = array<i32>} : memref<32x768xf32, #tpu.memory_space<vmem>>, vector<1x16xf32>,
      %get3A_402 = vector.shape_cast %get3A_401 : vector<1x16xf32> to vector<16xf32>
      %add3A_403 = arith.addf %add3A_398, %get3A_402 : vector<16xf32>
      %swap3A_404 = arith.index_cast %scan3A_23 : i32 to index
      %swap3A_405 = arith.constant 272 : index
      %swap3A_406 = tpu.vector_load %arg12[%swap3A_404, %swap3A_405] {strides = array<i32>} : memref<32x768xf32, #tpu.memory_space<vmem>>, vector<1x16xf32>,
      %swap3A_407 = vector.shape_cast %swap3A_406 : vector<1x16xf32> to vector<16xf32>
      %swap3A_408 = vector.shape_cast %add3A_403 : vector<16xf32> to vector<1x16xf32>
      tpu.vector_store %arg12[%swap3A_404, %swap3A_405], %swap3A_408 {strides = array<i32>} : memref<32x768xf32, #tpu.memory_space<vmem>>, vector<1x16xf32>,
      %get3A_409 = arith.index_cast %scan3A_23 : i32 to index
      %get3A_410 = arith.constant 288 : index
      %get3A_411 = tpu.vector_load %arg9[%get3A_409, %get3A_410] {strides = array<i32>} : memref<32x768xf32, #tpu.memory_space<vmem>>, vector<1x16xf32>,
      %get3A_412 = vector.shape_cast %get3A_411 : vector<1x16xf32> to vector<16xf32>
      %mul3A_413 = arith.mulf %get3A_27, %get3A_412 : vector<16xf32>
      %get3A_414 = arith.index_cast %scan3A_23 : i32 to index
      %get3A_415 = arith.constant 288 : index
      %get3A_416 = tpu.vector_load %arg10[%get3A_414, %get3A_415] {strides = array<i32>} : memref<32x768xf32, #tpu.memory_space<vmem>>, vector<1x16xf32>,
      %get3A_417 = vector.shape_cast %get3A_416 : vector<1x16xf32> to vector<16xf32>
      %mul3A_418 = arith.mulf %get3A_31, %get3A_417 : vector<16xf32>
      %add3A_419 = arith.addf %mul3A_413, %mul3A_418 : vector<16xf32>
      %get3A_420 = arith.index_cast %scan3A_23 : i32 to index
      %get3A_421 = arith.constant 288 : index
      %get3A_422 = tpu.vector_load %arg11[%get3A_420, %get3A_421] {strides = array<i32>} : memref<32x768xf32, #tpu.memory_space<vmem>>, vector<1x16xf32>,
      %get3A_423 = vector.shape_cast %get3A_422 : vector<1x16xf32> to vector<16xf32>
      %add3A_424 = arith.addf %add3A_419, %get3A_423 : vector<16xf32>
      %swap3A_425 = arith.index_cast %scan3A_23 : i32 to index
      %swap3A_426 = arith.constant 288 : index
      %swap3A_427 = tpu.vector_load %arg12[%swap3A_425, %swap3A_426] {strides = array<i32>} : memref<32x768xf32, #tpu.memory_space<vmem>>, vector<1x16xf32>,
      %swap3A_428 = vector.shape_cast %swap3A_427 : vector<1x16xf32> to vector<16xf32>
      %swap3A_429 = vector.shape_cast %add3A_424 : vector<16xf32> to vector<1x16xf32>
      tpu.vector_store %arg12[%swap3A_425, %swap3A_426], %swap3A_429 {strides = array<i32>} : memref<32x768xf32, #tpu.memory_space<vmem>>, vector<1x16xf32>,
      %get3A_430 = arith.index_cast %scan3A_23 : i32 to index
      %get3A_431 = arith.constant 304 : index
      %get3A_432 = tpu.vector_load %arg9[%get3A_430, %get3A_431] {strides = array<i32>} : memref<32x768xf32, #tpu.memory_space<vmem>>, vector<1x16xf32>,
      %get3A_433 = vector.shape_cast %get3A_432 : vector<1x16xf32> to vector<16xf32>
      %mul3A_434 = arith.mulf %get3A_27, %get3A_433 : vector<16xf32>
      %get3A_435 = arith.index_cast %scan3A_23 : i32 to index
      %get3A_436 = arith.constant 304 : index
      %get3A_437 = tpu.vector_load %arg10[%get3A_435, %get3A_436] {strides = array<i32>} : memref<32x768xf32, #tpu.memory_space<vmem>>, vector<1x16xf32>,
      %get3A_438 = vector.shape_cast %get3A_437 : vector<1x16xf32> to vector<16xf32>
      %mul3A_439 = arith.mulf %get3A_31, %get3A_438 : vector<16xf32>
      %add3A_440 = arith.addf %mul3A_434, %mul3A_439 : vector<16xf32>
      %get3A_441 = arith.index_cast %scan3A_23 : i32 to index
      %get3A_442 = arith.constant 304 : index
      %get3A_443 = tpu.vector_load %arg11[%get3A_441, %get3A_442] {strides = array<i32>} : memref<32x768xf32, #tpu.memory_space<vmem>>, vector<1x16xf32>,
      %get3A_444 = vector.shape_cast %get3A_443 : vector<1x16xf32> to vector<16xf32>
      %add3A_445 = arith.addf %add3A_440, %get3A_444 : vector<16xf32>
      %swap3A_446 = arith.index_cast %scan3A_23 : i32 to index
      %swap3A_447 = arith.constant 304 : index
      %swap3A_448 = tpu.vector_load %arg12[%swap3A_446, %swap3A_447] {strides = array<i32>} : memref<32x768xf32, #tpu.memory_space<vmem>>, vector<1x16xf32>,
      %swap3A_449 = vector.shape_cast %swap3A_448 : vector<1x16xf32> to vector<16xf32>
      %swap3A_450 = vector.shape_cast %add3A_445 : vector<16xf32> to vector<1x16xf32>
      tpu.vector_store %arg12[%swap3A_446, %swap3A_447], %swap3A_450 {strides = array<i32>} : memref<32x768xf32, #tpu.memory_space<vmem>>, vector<1x16xf32>,
      %get3A_451 = arith.index_cast %scan3A_23 : i32 to index
      %get3A_452 = arith.constant 320 : index
      %get3A_453 = tpu.vector_load %arg9[%get3A_451, %get3A_452] {strides = array<i32>} : memref<32x768xf32, #tpu.memory_space<vmem>>, vector<1x16xf32>,
      %get3A_454 = vector.shape_cast %get3A_453 : vector<1x16xf32> to vector<16xf32>
      %mul3A_455 = arith.mulf %get3A_27, %get3A_454 : vector<16xf32>
      %get3A_456 = arith.index_cast %scan3A_23 : i32 to index
      %get3A_457 = arith.constant 320 : index
      %get3A_458 = tpu.vector_load %arg10[%get3A_456, %get3A_457] {strides = array<i32>} : memref<32x768xf32, #tpu.memory_space<vmem>>, vector<1x16xf32>,
      %get3A_459 = vector.shape_cast %get3A_458 : vector<1x16xf32> to vector<16xf32>
      %mul3A_460 = arith.mulf %get3A_31, %get3A_459 : vector<16xf32>
      %add3A_461 = arith.addf %mul3A_455, %mul3A_460 : vector<16xf32>
      %get3A_462 = arith.index_cast %scan3A_23 : i32 to index
      %get3A_463 = arith.constant 320 : index
      %get3A_464 = tpu.vector_load %arg11[%get3A_462, %get3A_463] {strides = array<i32>} : memref<32x768xf32, #tpu.memory_space<vmem>>, vector<1x16xf32>,
      %get3A_465 = vector.shape_cast %get3A_464 : vector<1x16xf32> to vector<16xf32>
      %add3A_466 = arith.addf %add3A_461, %get3A_465 : vector<16xf32>
      %swap3A_467 = arith.index_cast %scan3A_23 : i32 to index
      %swap3A_468 = arith.constant 320 : index
      %swap3A_469 = tpu.vector_load %arg12[%swap3A_467, %swap3A_468] {strides = array<i32>} : memref<32x768xf32, #tpu.memory_space<vmem>>, vector<1x16xf32>,
      %swap3A_470 = vector.shape_cast %swap3A_469 : vector<1x16xf32> to vector<16xf32>
      %swap3A_471 = vector.shape_cast %add3A_466 : vector<16xf32> to vector<1x16xf32>
      tpu.vector_store %arg12[%swap3A_467, %swap3A_468], %swap3A_471 {strides = array<i32>} : memref<32x768xf32, #tpu.memory_space<vmem>>, vector<1x16xf32>,
      %get3A_472 = arith.index_cast %scan3A_23 : i32 to index
      %get3A_473 = arith.constant 336 : index
      %get3A_474 = tpu.vector_load %arg9[%get3A_472, %get3A_473] {strides = array<i32>} : memref<32x768xf32, #tpu.memory_space<vmem>>, vector<1x16xf32>,
      %get3A_475 = vector.shape_cast %get3A_474 : vector<1x16xf32> to vector<16xf32>
      %mul3A_476 = arith.mulf %get3A_27, %get3A_475 : vector<16xf32>
      %get3A_477 = arith.index_cast %scan3A_23 : i32 to index
      %get3A_478 = arith.constant 336 : index
      %get3A_479 = tpu.vector_load %arg10[%get3A_477, %get3A_478] {strides = array<i32>} : memref<32x768xf32, #tpu.memory_space<vmem>>, vector<1x16xf32>,
      %get3A_480 = vector.shape_cast %get3A_479 : vector<1x16xf32> to vector<16xf32>
      %mul3A_481 = arith.mulf %get3A_31, %get3A_480 : vector<16xf32>
      %add3A_482 = arith.addf %mul3A_476, %mul3A_481 : vector<16xf32>
      %get3A_483 = arith.index_cast %scan3A_23 : i32 to index
      %get3A_484 = arith.constant 336 : index
      %get3A_485 = tpu.vector_load %arg11[%get3A_483, %get3A_484] {strides = array<i32>} : memref<32x768xf32, #tpu.memory_space<vmem>>, vector<1x16xf32>,
      %get3A_486 = vector.shape_cast %get3A_485 : vector<1x16xf32> to vector<16xf32>
      %add3A_487 = arith.addf %add3A_482, %get3A_486 : vector<16xf32>
      %swap3A_488 = arith.index_cast %scan3A_23 : i32 to index
      %swap3A_489 = arith.constant 336 : index
      %swap3A_490 = tpu.vector_load %arg12[%swap3A_488, %swap3A_489] {strides = array<i32>} : memref<32x768xf32, #tpu.memory_space<vmem>>, vector<1x16xf32>,
      %swap3A_491 = vector.shape_cast %swap3A_490 : vector<1x16xf32> to vector<16xf32>
      %swap3A_492 = vector.shape_cast %add3A_487 : vector<16xf32> to vector<1x16xf32>
      tpu.vector_store %arg12[%swap3A_488, %swap3A_489], %swap3A_492 {strides = array<i32>} : memref<32x768xf32, #tpu.memory_space<vmem>>, vector<1x16xf32>,
      %get3A_493 = arith.index_cast %scan3A_23 : i32 to index
      %get3A_494 = arith.constant 352 : index
      %get3A_495 = tpu.vector_load %arg9[%get3A_493, %get3A_494] {strides = array<i32>} : memref<32x768xf32, #tpu.memory_space<vmem>>, vector<1x16xf32>,
      %get3A_496 = vector.shape_cast %get3A_495 : vector<1x16xf32> to vector<16xf32>
      %mul3A_497 = arith.mulf %get3A_27, %get3A_496 : vector<16xf32>
      %get3A_498 = arith.index_cast %scan3A_23 : i32 to index
      %get3A_499 = arith.constant 352 : index
      %get3A_500 = tpu.vector_load %arg10[%get3A_498, %get3A_499] {strides = array<i32>} : memref<32x768xf32, #tpu.memory_space<vmem>>, vector<1x16xf32>,
      %get3A_501 = vector.shape_cast %get3A_500 : vector<1x16xf32> to vector<16xf32>
      %mul3A_502 = arith.mulf %get3A_31, %get3A_501 : vector<16xf32>
      %add3A_503 = arith.addf %mul3A_497, %mul3A_502 : vector<16xf32>
      %get3A_504 = arith.index_cast %scan3A_23 : i32 to index
      %get3A_505 = arith.constant 352 : index
      %get3A_506 = tpu.vector_load %arg11[%get3A_504, %get3A_505] {strides = array<i32>} : memref<32x768xf32, #tpu.memory_space<vmem>>, vector<1x16xf32>,
      %get3A_507 = vector.shape_cast %get3A_506 : vector<1x16xf32> to vector<16xf32>
      %add3A_508 = arith.addf %add3A_503, %get3A_507 : vector<16xf32>
      %swap3A_509 = arith.index_cast %scan3A_23 : i32 to index
      %swap3A_510 = arith.constant 352 : index
      %swap3A_511 = tpu.vector_load %arg12[%swap3A_509, %swap3A_510] {strides = array<i32>} : memref<32x768xf32, #tpu.memory_space<vmem>>, vector<1x16xf32>,
      %swap3A_512 = vector.shape_cast %swap3A_511 : vector<1x16xf32> to vector<16xf32>
      %swap3A_513 = vector.shape_cast %add3A_508 : vector<16xf32> to vector<1x16xf32>
      tpu.vector_store %arg12[%swap3A_509, %swap3A_510], %swap3A_513 {strides = array<i32>} : memref<32x768xf32, #tpu.memory_space<vmem>>, vector<1x16xf32>,
      %get3A_514 = arith.index_cast %scan3A_23 : i32 to index
      %get3A_515 = arith.constant 368 : index
      %get3A_516 = tpu.vector_load %arg9[%get3A_514, %get3A_515] {strides = array<i32>} : memref<32x768xf32, #tpu.memory_space<vmem>>, vector<1x16xf32>,
      %get3A_517 = vector.shape_cast %get3A_516 : vector<1x16xf32> to vector<16xf32>
      %mul3A_518 = arith.mulf %get3A_27, %get3A_517 : vector<16xf32>
      %get3A_519 = arith.index_cast %scan3A_23 : i32 to index
      %get3A_520 = arith.constant 368 : index
      %get3A_521 = tpu.vector_load %arg10[%get3A_519, %get3A_520] {strides = array<i32>} : memref<32x768xf32, #tpu.memory_space<vmem>>, vector<1x16xf32>,
      %get3A_522 = vector.shape_cast %get3A_521 : vector<1x16xf32> to vector<16xf32>
      %mul3A_523 = arith.mulf %get3A_31, %get3A_522 : vector<16xf32>
      %add3A_524 = arith.addf %mul3A_518, %mul3A_523 : vector<16xf32>
      %get3A_525 = arith.index_cast %scan3A_23 : i32 to index
      %get3A_526 = arith.constant 368 : index
      %get3A_527 = tpu.vector_load %arg11[%get3A_525, %get3A_526] {strides = array<i32>} : memref<32x768xf32, #tpu.memory_space<vmem>>, vector<1x16xf32>,
      %get3A_528 = vector.shape_cast %get3A_527 : vector<1x16xf32> to vector<16xf32>
      %add3A_529 = arith.addf %add3A_524, %get3A_528 : vector<16xf32>
      %swap3A_530 = arith.index_cast %scan3A_23 : i32 to index
      %swap3A_531 = arith.constant 368 : index
      %swap3A_532 = tpu.vector_load %arg12[%swap3A_530, %swap3A_531] {strides = array<i32>} : memref<32x768xf32, #tpu.memory_space<vmem>>, vector<1x16xf32>,
      %swap3A_533 = vector.shape_cast %swap3A_532 : vector<1x16xf32> to vector<16xf32>
      %swap3A_534 = vector.shape_cast %add3A_529 : vector<16xf32> to vector<1x16xf32>
      tpu.vector_store %arg12[%swap3A_530, %swap3A_531], %swap3A_534 {strides = array<i32>} : memref<32x768xf32, #tpu.memory_space<vmem>>, vector<1x16xf32>,
      %get3A_535 = arith.index_cast %scan3A_23 : i32 to index
      %get3A_536 = arith.constant 384 : index
      %get3A_537 = tpu.vector_load %arg9[%get3A_535, %get3A_536] {strides = array<i32>} : memref<32x768xf32, #tpu.memory_space<vmem>>, vector<1x16xf32>,
      %get3A_538 = vector.shape_cast %get3A_537 : vector<1x16xf32> to vector<16xf32>
      %mul3A_539 = arith.mulf %get3A_27, %get3A_538 : vector<16xf32>
      %get3A_540 = arith.index_cast %scan3A_23 : i32 to index
      %get3A_541 = arith.constant 384 : index
      %get3A_542 = tpu.vector_load %arg10[%get3A_540, %get3A_541] {strides = array<i32>} : memref<32x768xf32, #tpu.memory_space<vmem>>, vector<1x16xf32>,
      %get3A_543 = vector.shape_cast %get3A_542 : vector<1x16xf32> to vector<16xf32>
      %mul3A_544 = arith.mulf %get3A_31, %get3A_543 : vector<16xf32>
      %add3A_545 = arith.addf %mul3A_539, %mul3A_544 : vector<16xf32>
      %get3A_546 = arith.index_cast %scan3A_23 : i32 to index
      %get3A_547 = arith.constant 384 : index
      %get3A_548 = tpu.vector_load %arg11[%get3A_546, %get3A_547] {strides = array<i32>} : memref<32x768xf32, #tpu.memory_space<vmem>>, vector<1x16xf32>,
      %get3A_549 = vector.shape_cast %get3A_548 : vector<1x16xf32> to vector<16xf32>
      %add3A_550 = arith.addf %add3A_545, %get3A_549 : vector<16xf32>
      %swap3A_551 = arith.index_cast %scan3A_23 : i32 to index
      %swap3A_552 = arith.constant 384 : index
      %swap3A_553 = tpu.vector_load %arg12[%swap3A_551, %swap3A_552] {strides = array<i32>} : memref<32x768xf32, #tpu.memory_space<vmem>>, vector<1x16xf32>,
      %swap3A_554 = vector.shape_cast %swap3A_553 : vector<1x16xf32> to vector<16xf32>
      %swap3A_555 = vector.shape_cast %add3A_550 : vector<16xf32> to vector<1x16xf32>
      tpu.vector_store %arg12[%swap3A_551, %swap3A_552], %swap3A_555 {strides = array<i32>} : memref<32x768xf32, #tpu.memory_space<vmem>>, vector<1x16xf32>,
      %get3A_556 = arith.index_cast %scan3A_23 : i32 to index
      %get3A_557 = arith.constant 400 : index
      %get3A_558 = tpu.vector_load %arg9[%get3A_556, %get3A_557] {strides = array<i32>} : memref<32x768xf32, #tpu.memory_space<vmem>>, vector<1x16xf32>,
      %get3A_559 = vector.shape_cast %get3A_558 : vector<1x16xf32> to vector<16xf32>
      %mul3A_560 = arith.mulf %get3A_27, %get3A_559 : vector<16xf32>
      %get3A_561 = arith.index_cast %scan3A_23 : i32 to index
      %get3A_562 = arith.constant 400 : index
      %get3A_563 = tpu.vector_load %arg10[%get3A_561, %get3A_562] {strides = array<i32>} : memref<32x768xf32, #tpu.memory_space<vmem>>, vector<1x16xf32>,
      %get3A_564 = vector.shape_cast %get3A_563 : vector<1x16xf32> to vector<16xf32>
      %mul3A_565 = arith.mulf %get3A_31, %get3A_564 : vector<16xf32>
      %add3A_566 = arith.addf %mul3A_560, %mul3A_565 : vector<16xf32>
      %get3A_567 = arith.index_cast %scan3A_23 : i32 to index
      %get3A_568 = arith.constant 400 : index
      %get3A_569 = tpu.vector_load %arg11[%get3A_567, %get3A_568] {strides = array<i32>} : memref<32x768xf32, #tpu.memory_space<vmem>>, vector<1x16xf32>,
      %get3A_570 = vector.shape_cast %get3A_569 : vector<1x16xf32> to vector<16xf32>
      %add3A_571 = arith.addf %add3A_566, %get3A_570 : vector<16xf32>
      %swap3A_572 = arith.index_cast %scan3A_23 : i32 to index
      %swap3A_573 = arith.constant 400 : index
      %swap3A_574 = tpu.vector_load %arg12[%swap3A_572, %swap3A_573] {strides = array<i32>} : memref<32x768xf32, #tpu.memory_space<vmem>>, vector<1x16xf32>,
      %swap3A_575 = vector.shape_cast %swap3A_574 : vector<1x16xf32> to vector<16xf32>
      %swap3A_576 = vector.shape_cast %add3A_571 : vector<16xf32> to vector<1x16xf32>
      tpu.vector_store %arg12[%swap3A_572, %swap3A_573], %swap3A_576 {strides = array<i32>} : memref<32x768xf32, #tpu.memory_space<vmem>>, vector<1x16xf32>,
      %get3A_577 = arith.index_cast %scan3A_23 : i32 to index
      %get3A_578 = arith.constant 416 : index
      %get3A_579 = tpu.vector_load %arg9[%get3A_577, %get3A_578] {strides = array<i32>} : memref<32x768xf32, #tpu.memory_space<vmem>>, vector<1x16xf32>,
      %get3A_580 = vector.shape_cast %get3A_579 : vector<1x16xf32> to vector<16xf32>
      %mul3A_581 = arith.mulf %get3A_27, %get3A_580 : vector<16xf32>
      %get3A_582 = arith.index_cast %scan3A_23 : i32 to index
      %get3A_583 = arith.constant 416 : index
      %get3A_584 = tpu.vector_load %arg10[%get3A_582, %get3A_583] {strides = array<i32>} : memref<32x768xf32, #tpu.memory_space<vmem>>, vector<1x16xf32>,
      %get3A_585 = vector.shape_cast %get3A_584 : vector<1x16xf32> to vector<16xf32>
      %mul3A_586 = arith.mulf %get3A_31, %get3A_585 : vector<16xf32>
      %add3A_587 = arith.addf %mul3A_581, %mul3A_586 : vector<16xf32>
      %get3A_588 = arith.index_cast %scan3A_23 : i32 to index
      %get3A_589 = arith.constant 416 : index
      %get3A_590 = tpu.vector_load %arg11[%get3A_588, %get3A_589] {strides = array<i32>} : memref<32x768xf32, #tpu.memory_space<vmem>>, vector<1x16xf32>,
      %get3A_591 = vector.shape_cast %get3A_590 : vector<1x16xf32> to vector<16xf32>
      %add3A_592 = arith.addf %add3A_587, %get3A_591 : vector<16xf32>
      %swap3A_593 = arith.index_cast %scan3A_23 : i32 to index
      %swap3A_594 = arith.constant 416 : index
      %swap3A_595 = tpu.vector_load %arg12[%swap3A_593, %swap3A_594] {strides = array<i32>} : memref<32x768xf32, #tpu.memory_space<vmem>>, vector<1x16xf32>,
      %swap3A_596 = vector.shape_cast %swap3A_595 : vector<1x16xf32> to vector<16xf32>
      %swap3A_597 = vector.shape_cast %add3A_592 : vector<16xf32> to vector<1x16xf32>
      tpu.vector_store %arg12[%swap3A_593, %swap3A_594], %swap3A_597 {strides = array<i32>} : memref<32x768xf32, #tpu.memory_space<vmem>>, vector<1x16xf32>,
      %get3A_598 = arith.index_cast %scan3A_23 : i32 to index
      %get3A_599 = arith.constant 432 : index
      %get3A_600 = tpu.vector_load %arg9[%get3A_598, %get3A_599] {strides = array<i32>} : memref<32x768xf32, #tpu.memory_space<vmem>>, vector<1x16xf32>,
      %get3A_601 = vector.shape_cast %get3A_600 : vector<1x16xf32> to vector<16xf32>
      %mul3A_602 = arith.mulf %get3A_27, %get3A_601 : vector<16xf32>
      %get3A_603 = arith.index_cast %scan3A_23 : i32 to index
      %get3A_604 = arith.constant 432 : index
      %get3A_605 = tpu.vector_load %arg10[%get3A_603, %get3A_604] {strides = array<i32>} : memref<32x768xf32, #tpu.memory_space<vmem>>, vector<1x16xf32>,
      %get3A_606 = vector.shape_cast %get3A_605 : vector<1x16xf32> to vector<16xf32>
      %mul3A_607 = arith.mulf %get3A_31, %get3A_606 : vector<16xf32>
      %add3A_608 = arith.addf %mul3A_602, %mul3A_607 : vector<16xf32>
      %get3A_609 = arith.index_cast %scan3A_23 : i32 to index
      %get3A_610 = arith.constant 432 : index
      %get3A_611 = tpu.vector_load %arg11[%get3A_609, %get3A_610] {strides = array<i32>} : memref<32x768xf32, #tpu.memory_space<vmem>>, vector<1x16xf32>,
      %get3A_612 = vector.shape_cast %get3A_611 : vector<1x16xf32> to vector<16xf32>
      %add3A_613 = arith.addf %add3A_608, %get3A_612 : vector<16xf32>
      %swap3A_614 = arith.index_cast %scan3A_23 : i32 to index
      %swap3A_615 = arith.constant 432 : index
      %swap3A_616 = tpu.vector_load %arg12[%swap3A_614, %swap3A_615] {strides = array<i32>} : memref<32x768xf32, #tpu.memory_space<vmem>>, vector<1x16xf32>,
      %swap3A_617 = vector.shape_cast %swap3A_616 : vector<1x16xf32> to vector<16xf32>
      %swap3A_618 = vector.shape_cast %add3A_613 : vector<16xf32> to vector<1x16xf32>
      tpu.vector_store %arg12[%swap3A_614, %swap3A_615], %swap3A_618 {strides = array<i32>} : memref<32x768xf32, #tpu.memory_space<vmem>>, vector<1x16xf32>,
      %get3A_619 = arith.index_cast %scan3A_23 : i32 to index
      %get3A_620 = arith.constant 448 : index
      %get3A_621 = tpu.vector_load %arg9[%get3A_619, %get3A_620] {strides = array<i32>} : memref<32x768xf32, #tpu.memory_space<vmem>>, vector<1x16xf32>,
      %get3A_622 = vector.shape_cast %get3A_621 : vector<1x16xf32> to vector<16xf32>
      %mul3A_623 = arith.mulf %get3A_27, %get3A_622 : vector<16xf32>
      %get3A_624 = arith.index_cast %scan3A_23 : i32 to index
      %get3A_625 = arith.constant 448 : index
      %get3A_626 = tpu.vector_load %arg10[%get3A_624, %get3A_625] {strides = array<i32>} : memref<32x768xf32, #tpu.memory_space<vmem>>, vector<1x16xf32>,
      %get3A_627 = vector.shape_cast %get3A_626 : vector<1x16xf32> to vector<16xf32>
      %mul3A_628 = arith.mulf %get3A_31, %get3A_627 : vector<16xf32>
      %add3A_629 = arith.addf %mul3A_623, %mul3A_628 : vector<16xf32>
      %get3A_630 = arith.index_cast %scan3A_23 : i32 to index
      %get3A_631 = arith.constant 448 : index
      %get3A_632 = tpu.vector_load %arg11[%get3A_630, %get3A_631] {strides = array<i32>} : memref<32x768xf32, #tpu.memory_space<vmem>>, vector<1x16xf32>,
      %get3A_633 = vector.shape_cast %get3A_632 : vector<1x16xf32> to vector<16xf32>
      %add3A_634 = arith.addf %add3A_629, %get3A_633 : vector<16xf32>
      %swap3A_635 = arith.index_cast %scan3A_23 : i32 to index
      %swap3A_636 = arith.constant 448 : index
      %swap3A_637 = tpu.vector_load %arg12[%swap3A_635, %swap3A_636] {strides = array<i32>} : memref<32x768xf32, #tpu.memory_space<vmem>>, vector<1x16xf32>,
      %swap3A_638 = vector.shape_cast %swap3A_637 : vector<1x16xf32> to vector<16xf32>
      %swap3A_639 = vector.shape_cast %add3A_634 : vector<16xf32> to vector<1x16xf32>
      tpu.vector_store %arg12[%swap3A_635, %swap3A_636], %swap3A_639 {strides = array<i32>} : memref<32x768xf32, #tpu.memory_space<vmem>>, vector<1x16xf32>,
      %get3A_640 = arith.index_cast %scan3A_23 : i32 to index
      %get3A_641 = arith.constant 464 : index
      %get3A_642 = tpu.vector_load %arg9[%get3A_640, %get3A_641] {strides = array<i32>} : memref<32x768xf32, #tpu.memory_space<vmem>>, vector<1x16xf32>,
      %get3A_643 = vector.shape_cast %get3A_642 : vector<1x16xf32> to vector<16xf32>
      %mul3A_644 = arith.mulf %get3A_27, %get3A_643 : vector<16xf32>
      %get3A_645 = arith.index_cast %scan3A_23 : i32 to index
      %get3A_646 = arith.constant 464 : index
      %get3A_647 = tpu.vector_load %arg10[%get3A_645, %get3A_646] {strides = array<i32>} : memref<32x768xf32, #tpu.memory_space<vmem>>, vector<1x16xf32>,
      %get3A_648 = vector.shape_cast %get3A_647 : vector<1x16xf32> to vector<16xf32>
      %mul3A_649 = arith.mulf %get3A_31, %get3A_648 : vector<16xf32>
      %add3A_650 = arith.addf %mul3A_644, %mul3A_649 : vector<16xf32>
      %get3A_651 = arith.index_cast %scan3A_23 : i32 to index
      %get3A_652 = arith.constant 464 : index
      %get3A_653 = tpu.vector_load %arg11[%get3A_651, %get3A_652] {strides = array<i32>} : memref<32x768xf32, #tpu.memory_space<vmem>>, vector<1x16xf32>,
      %get3A_654 = vector.shape_cast %get3A_653 : vector<1x16xf32> to vector<16xf32>
      %add3A_655 = arith.addf %add3A_650, %get3A_654 : vector<16xf32>
      %swap3A_656 = arith.index_cast %scan3A_23 : i32 to index
      %swap3A_657 = arith.constant 464 : index
      %swap3A_658 = tpu.vector_load %arg12[%swap3A_656, %swap3A_657] {strides = array<i32>} : memref<32x768xf32, #tpu.memory_space<vmem>>, vector<1x16xf32>,
      %swap3A_659 = vector.shape_cast %swap3A_658 : vector<1x16xf32> to vector<16xf32>
      %swap3A_660 = vector.shape_cast %add3A_655 : vector<16xf32> to vector<1x16xf32>
      tpu.vector_store %arg12[%swap3A_656, %swap3A_657], %swap3A_660 {strides = array<i32>} : memref<32x768xf32, #tpu.memory_space<vmem>>, vector<1x16xf32>,
      %get3A_661 = arith.index_cast %scan3A_23 : i32 to index
      %get3A_662 = arith.constant 480 : index
      %get3A_663 = tpu.vector_load %arg9[%get3A_661, %get3A_662] {strides = array<i32>} : memref<32x768xf32, #tpu.memory_space<vmem>>, vector<1x16xf32>,
      %get3A_664 = vector.shape_cast %get3A_663 : vector<1x16xf32> to vector<16xf32>
      %mul3A_665 = arith.mulf %get3A_27, %get3A_664 : vector<16xf32>
      %get3A_666 = arith.index_cast %scan3A_23 : i32 to index
      %get3A_667 = arith.constant 480 : index
      %get3A_668 = tpu.vector_load %arg10[%get3A_666, %get3A_667] {strides = array<i32>} : memref<32x768xf32, #tpu.memory_space<vmem>>, vector<1x16xf32>,
      %get3A_669 = vector.shape_cast %get3A_668 : vector<1x16xf32> to vector<16xf32>
      %mul3A_670 = arith.mulf %get3A_31, %get3A_669 : vector<16xf32>
      %add3A_671 = arith.addf %mul3A_665, %mul3A_670 : vector<16xf32>
      %get3A_672 = arith.index_cast %scan3A_23 : i32 to index
      %get3A_673 = arith.constant 480 : index
      %get3A_674 = tpu.vector_load %arg11[%get3A_672, %get3A_673] {strides = array<i32>} : memref<32x768xf32, #tpu.memory_space<vmem>>, vector<1x16xf32>,
      %get3A_675 = vector.shape_cast %get3A_674 : vector<1x16xf32> to vector<16xf32>
      %add3A_676 = arith.addf %add3A_671, %get3A_675 : vector<16xf32>
      %swap3A_677 = arith.index_cast %scan3A_23 : i32 to index
      %swap3A_678 = arith.constant 480 : index
      %swap3A_679 = tpu.vector_load %arg12[%swap3A_677, %swap3A_678] {strides = array<i32>} : memref<32x768xf32, #tpu.memory_space<vmem>>, vector<1x16xf32>,
      %swap3A_680 = vector.shape_cast %swap3A_679 : vector<1x16xf32> to vector<16xf32>
      %swap3A_681 = vector.shape_cast %add3A_676 : vector<16xf32> to vector<1x16xf32>
      tpu.vector_store %arg12[%swap3A_677, %swap3A_678], %swap3A_681 {strides = array<i32>} : memref<32x768xf32, #tpu.memory_space<vmem>>, vector<1x16xf32>,
      %get3A_682 = arith.index_cast %scan3A_23 : i32 to index
      %get3A_683 = arith.constant 496 : index
      %get3A_684 = tpu.vector_load %arg9[%get3A_682, %get3A_683] {strides = array<i32>} : memref<32x768xf32, #tpu.memory_space<vmem>>, vector<1x16xf32>,
      %get3A_685 = vector.shape_cast %get3A_684 : vector<1x16xf32> to vector<16xf32>
      %mul3A_686 = arith.mulf %get3A_27, %get3A_685 : vector<16xf32>
      %get3A_687 = arith.index_cast %scan3A_23 : i32 to index
      %get3A_688 = arith.constant 496 : index
      %get3A_689 = tpu.vector_load %arg10[%get3A_687, %get3A_688] {strides = array<i32>} : memref<32x768xf32, #tpu.memory_space<vmem>>, vector<1x16xf32>,
      %get3A_690 = vector.shape_cast %get3A_689 : vector<1x16xf32> to vector<16xf32>
      %mul3A_691 = arith.mulf %get3A_31, %get3A_690 : vector<16xf32>
      %add3A_692 = arith.addf %mul3A_686, %mul3A_691 : vector<16xf32>
      %get3A_693 = arith.index_cast %scan3A_23 : i32 to index
      %get3A_694 = arith.constant 496 : index
      %get3A_695 = tpu.vector_load %arg11[%get3A_693, %get3A_694] {strides = array<i32>} : memref<32x768xf32, #tpu.memory_space<vmem>>, vector<1x16xf32>,
      %get3A_696 = vector.shape_cast %get3A_695 : vector<1x16xf32> to vector<16xf32>
      %add3A_697 = arith.addf %add3A_692, %get3A_696 : vector<16xf32>
      %swap3A_698 = arith.index_cast %scan3A_23 : i32 to index
      %swap3A_699 = arith.constant 496 : index
      %swap3A_700 = tpu.vector_load %arg12[%swap3A_698, %swap3A_699] {strides = array<i32>} : memref<32x768xf32, #tpu.memory_space<vmem>>, vector<1x16xf32>,
      %swap3A_701 = vector.shape_cast %swap3A_700 : vector<1x16xf32> to vector<16xf32>
      %swap3A_702 = vector.shape_cast %add3A_697 : vector<16xf32> to vector<1x16xf32>
      tpu.vector_store %arg12[%swap3A_698, %swap3A_699], %swap3A_702 {strides = array<i32>} : memref<32x768xf32, #tpu.memory_space<vmem>>, vector<1x16xf32>,
      %get3A_703 = arith.index_cast %scan3A_23 : i32 to index
      %get3A_704 = arith.constant 512 : index
      %get3A_705 = tpu.vector_load %arg9[%get3A_703, %get3A_704] {strides = array<i32>} : memref<32x768xf32, #tpu.memory_space<vmem>>, vector<1x16xf32>,
      %get3A_706 = vector.shape_cast %get3A_705 : vector<1x16xf32> to vector<16xf32>
      %mul3A_707 = arith.mulf %get3A_27, %get3A_706 : vector<16xf32>
      %get3A_708 = arith.index_cast %scan3A_23 : i32 to index
      %get3A_709 = arith.constant 512 : index
      %get3A_710 = tpu.vector_load %arg10[%get3A_708, %get3A_709] {strides = array<i32>} : memref<32x768xf32, #tpu.memory_space<vmem>>, vector<1x16xf32>,
      %get3A_711 = vector.shape_cast %get3A_710 : vector<1x16xf32> to vector<16xf32>
      %mul3A_712 = arith.mulf %get3A_31, %get3A_711 : vector<16xf32>
      %add3A_713 = arith.addf %mul3A_707, %mul3A_712 : vector<16xf32>
      %get3A_714 = arith.index_cast %scan3A_23 : i32 to index
      %get3A_715 = arith.constant 512 : index
      %get3A_716 = tpu.vector_load %arg11[%get3A_714, %get3A_715] {strides = array<i32>} : memref<32x768xf32, #tpu.memory_space<vmem>>, vector<1x16xf32>,
      %get3A_717 = vector.shape_cast %get3A_716 : vector<1x16xf32> to vector<16xf32>
      %add3A_718 = arith.addf %add3A_713, %get3A_717 : vector<16xf32>
      %swap3A_719 = arith.index_cast %scan3A_23 : i32 to index
      %swap3A_720 = arith.constant 512 : index
      %swap3A_721 = tpu.vector_load %arg12[%swap3A_719, %swap3A_720] {strides = array<i32>} : memref<32x768xf32, #tpu.memory_space<vmem>>, vector<1x16xf32>,
      %swap3A_722 = vector.shape_cast %swap3A_721 : vector<1x16xf32> to vector<16xf32>
      %swap3A_723 = vector.shape_cast %add3A_718 : vector<16xf32> to vector<1x16xf32>
      tpu.vector_store %arg12[%swap3A_719, %swap3A_720], %swap3A_723 {strides = array<i32>} : memref<32x768xf32, #tpu.memory_space<vmem>>, vector<1x16xf32>,
      %get3A_724 = arith.index_cast %scan3A_23 : i32 to index
      %get3A_725 = arith.constant 528 : index
      %get3A_726 = tpu.vector_load %arg9[%get3A_724, %get3A_725] {strides = array<i32>} : memref<32x768xf32, #tpu.memory_space<vmem>>, vector<1x16xf32>,
      %get3A_727 = vector.shape_cast %get3A_726 : vector<1x16xf32> to vector<16xf32>
      %mul3A_728 = arith.mulf %get3A_27, %get3A_727 : vector<16xf32>
      %get3A_729 = arith.index_cast %scan3A_23 : i32 to index
      %get3A_730 = arith.constant 528 : index
      %get3A_731 = tpu.vector_load %arg10[%get3A_729, %get3A_730] {strides = array<i32>} : memref<32x768xf32, #tpu.memory_space<vmem>>, vector<1x16xf32>,
      %get3A_732 = vector.shape_cast %get3A_731 : vector<1x16xf32> to vector<16xf32>
      %mul3A_733 = arith.mulf %get3A_31, %get3A_732 : vector<16xf32>
      %add3A_734 = arith.addf %mul3A_728, %mul3A_733 : vector<16xf32>
      %get3A_735 = arith.index_cast %scan3A_23 : i32 to index
      %get3A_736 = arith.constant 528 : index
      %get3A_737 = tpu.vector_load %arg11[%get3A_735, %get3A_736] {strides = array<i32>} : memref<32x768xf32, #tpu.memory_space<vmem>>, vector<1x16xf32>,
      %get3A_738 = vector.shape_cast %get3A_737 : vector<1x16xf32> to vector<16xf32>
      %add3A_739 = arith.addf %add3A_734, %get3A_738 : vector<16xf32>
      %swap3A_740 = arith.index_cast %scan3A_23 : i32 to index
      %swap3A_741 = arith.constant 528 : index
      %swap3A_742 = tpu.vector_load %arg12[%swap3A_740, %swap3A_741] {strides = array<i32>} : memref<32x768xf32, #tpu.memory_space<vmem>>, vector<1x16xf32>,
      %swap3A_743 = vector.shape_cast %swap3A_742 : vector<1x16xf32> to vector<16xf32>
      %swap3A_744 = vector.shape_cast %add3A_739 : vector<16xf32> to vector<1x16xf32>
      tpu.vector_store %arg12[%swap3A_740, %swap3A_741], %swap3A_744 {strides = array<i32>} : memref<32x768xf32, #tpu.memory_space<vmem>>, vector<1x16xf32>,
      %get3A_745 = arith.index_cast %scan3A_23 : i32 to index
      %get3A_746 = arith.constant 544 : index
      %get3A_747 = tpu.vector_load %arg9[%get3A_745, %get3A_746] {strides = array<i32>} : memref<32x768xf32, #tpu.memory_space<vmem>>, vector<1x16xf32>,
      %get3A_748 = vector.shape_cast %get3A_747 : vector<1x16xf32> to vector<16xf32>
      %mul3A_749 = arith.mulf %get3A_27, %get3A_748 : vector<16xf32>
      %get3A_750 = arith.index_cast %scan3A_23 : i32 to index
      %get3A_751 = arith.constant 544 : index
      %get3A_752 = tpu.vector_load %arg10[%get3A_750, %get3A_751] {strides = array<i32>} : memref<32x768xf32, #tpu.memory_space<vmem>>, vector<1x16xf32>,
      %get3A_753 = vector.shape_cast %get3A_752 : vector<1x16xf32> to vector<16xf32>
      %mul3A_754 = arith.mulf %get3A_31, %get3A_753 : vector<16xf32>
      %add3A_755 = arith.addf %mul3A_749, %mul3A_754 : vector<16xf32>
      %get3A_756 = arith.index_cast %scan3A_23 : i32 to index
      %get3A_757 = arith.constant 544 : index
      %get3A_758 = tpu.vector_load %arg11[%get3A_756, %get3A_757] {strides = array<i32>} : memref<32x768xf32, #tpu.memory_space<vmem>>, vector<1x16xf32>,
      %get3A_759 = vector.shape_cast %get3A_758 : vector<1x16xf32> to vector<16xf32>
      %add3A_760 = arith.addf %add3A_755, %get3A_759 : vector<16xf32>
      %swap3A_761 = arith.index_cast %scan3A_23 : i32 to index
      %swap3A_762 = arith.constant 544 : index
      %swap3A_763 = tpu.vector_load %arg12[%swap3A_761, %swap3A_762] {strides = array<i32>} : memref<32x768xf32, #tpu.memory_space<vmem>>, vector<1x16xf32>,
      %swap3A_764 = vector.shape_cast %swap3A_763 : vector<1x16xf32> to vector<16xf32>
      %swap3A_765 = vector.shape_cast %add3A_760 : vector<16xf32> to vector<1x16xf32>
      tpu.vector_store %arg12[%swap3A_761, %swap3A_762], %swap3A_765 {strides = array<i32>} : memref<32x768xf32, #tpu.memory_space<vmem>>, vector<1x16xf32>,
      %get3A_766 = arith.index_cast %scan3A_23 : i32 to index
      %get3A_767 = arith.constant 560 : index
      %get3A_768 = tpu.vector_load %arg9[%get3A_766, %get3A_767] {strides = array<i32>} : memref<32x768xf32, #tpu.memory_space<vmem>>, vector<1x16xf32>,
      %get3A_769 = vector.shape_cast %get3A_768 : vector<1x16xf32> to vector<16xf32>
      %mul3A_770 = arith.mulf %get3A_27, %get3A_769 : vector<16xf32>
      %get3A_771 = arith.index_cast %scan3A_23 : i32 to index
      %get3A_772 = arith.constant 560 : index
      %get3A_773 = tpu.vector_load %arg10[%get3A_771, %get3A_772] {strides = array<i32>} : memref<32x768xf32, #tpu.memory_space<vmem>>, vector<1x16xf32>,
      %get3A_774 = vector.shape_cast %get3A_773 : vector<1x16xf32> to vector<16xf32>
      %mul3A_775 = arith.mulf %get3A_31, %get3A_774 : vector<16xf32>
      %add3A_776 = arith.addf %mul3A_770, %mul3A_775 : vector<16xf32>
      %get3A_777 = arith.index_cast %scan3A_23 : i32 to index
      %get3A_778 = arith.constant 560 : index
      %get3A_779 = tpu.vector_load %arg11[%get3A_777, %get3A_778] {strides = array<i32>} : memref<32x768xf32, #tpu.memory_space<vmem>>, vector<1x16xf32>,
      %get3A_780 = vector.shape_cast %get3A_779 : vector<1x16xf32> to vector<16xf32>
      %add3A_781 = arith.addf %add3A_776, %get3A_780 : vector<16xf32>
      %swap3A_782 = arith.index_cast %scan3A_23 : i32 to index
      %swap3A_783 = arith.constant 560 : index
      %swap3A_784 = tpu.vector_load %arg12[%swap3A_782, %swap3A_783] {strides = array<i32>} : memref<32x768xf32, #tpu.memory_space<vmem>>, vector<1x16xf32>,
      %swap3A_785 = vector.shape_cast %swap3A_784 : vector<1x16xf32> to vector<16xf32>
      %swap3A_786 = vector.shape_cast %add3A_781 : vector<16xf32> to vector<1x16xf32>
      tpu.vector_store %arg12[%swap3A_782, %swap3A_783], %swap3A_786 {strides = array<i32>} : memref<32x768xf32, #tpu.memory_space<vmem>>, vector<1x16xf32>,
      %get3A_787 = arith.index_cast %scan3A_23 : i32 to index
      %get3A_788 = arith.constant 576 : index
      %get3A_789 = tpu.vector_load %arg9[%get3A_787, %get3A_788] {strides = array<i32>} : memref<32x768xf32, #tpu.memory_space<vmem>>, vector<1x16xf32>,
      %get3A_790 = vector.shape_cast %get3A_789 : vector<1x16xf32> to vector<16xf32>
      %mul3A_791 = arith.mulf %get3A_27, %get3A_790 : vector<16xf32>
      %get3A_792 = arith.index_cast %scan3A_23 : i32 to index
      %get3A_793 = arith.constant 576 : index
      %get3A_794 = tpu.vector_load %arg10[%get3A_792, %get3A_793] {strides = array<i32>} : memref<32x768xf32, #tpu.memory_space<vmem>>, vector<1x16xf32>,
      %get3A_795 = vector.shape_cast %get3A_794 : vector<1x16xf32> to vector<16xf32>
      %mul3A_796 = arith.mulf %get3A_31, %get3A_795 : vector<16xf32>
      %add3A_797 = arith.addf %mul3A_791, %mul3A_796 : vector<16xf32>
      %get3A_798 = arith.index_cast %scan3A_23 : i32 to index
      %get3A_799 = arith.constant 576 : index
      %get3A_800 = tpu.vector_load %arg11[%get3A_798, %get3A_799] {strides = array<i32>} : memref<32x768xf32, #tpu.memory_space<vmem>>, vector<1x16xf32>,
      %get3A_801 = vector.shape_cast %get3A_800 : vector<1x16xf32> to vector<16xf32>
      %add3A_802 = arith.addf %add3A_797, %get3A_801 : vector<16xf32>
      %swap3A_803 = arith.index_cast %scan3A_23 : i32 to index
      %swap3A_804 = arith.constant 576 : index
      %swap3A_805 = tpu.vector_load %arg12[%swap3A_803, %swap3A_804] {strides = array<i32>} : memref<32x768xf32, #tpu.memory_space<vmem>>, vector<1x16xf32>,
      %swap3A_806 = vector.shape_cast %swap3A_805 : vector<1x16xf32> to vector<16xf32>
      %swap3A_807 = vector.shape_cast %add3A_802 : vector<16xf32> to vector<1x16xf32>
      tpu.vector_store %arg12[%swap3A_803, %swap3A_804], %swap3A_807 {strides = array<i32>} : memref<32x768xf32, #tpu.memory_space<vmem>>, vector<1x16xf32>,
      %get3A_808 = arith.index_cast %scan3A_23 : i32 to index
      %get3A_809 = arith.constant 592 : index
      %get3A_810 = tpu.vector_load %arg9[%get3A_808, %get3A_809] {strides = array<i32>} : memref<32x768xf32, #tpu.memory_space<vmem>>, vector<1x16xf32>,
      %get3A_811 = vector.shape_cast %get3A_810 : vector<1x16xf32> to vector<16xf32>
      %mul3A_812 = arith.mulf %get3A_27, %get3A_811 : vector<16xf32>
      %get3A_813 = arith.index_cast %scan3A_23 : i32 to index
      %get3A_814 = arith.constant 592 : index
      %get3A_815 = tpu.vector_load %arg10[%get3A_813, %get3A_814] {strides = array<i32>} : memref<32x768xf32, #tpu.memory_space<vmem>>, vector<1x16xf32>,
      %get3A_816 = vector.shape_cast %get3A_815 : vector<1x16xf32> to vector<16xf32>
      %mul3A_817 = arith.mulf %get3A_31, %get3A_816 : vector<16xf32>
      %add3A_818 = arith.addf %mul3A_812, %mul3A_817 : vector<16xf32>
      %get3A_819 = arith.index_cast %scan3A_23 : i32 to index
      %get3A_820 = arith.constant 592 : index
      %get3A_821 = tpu.vector_load %arg11[%get3A_819, %get3A_820] {strides = array<i32>} : memref<32x768xf32, #tpu.memory_space<vmem>>, vector<1x16xf32>,
      %get3A_822 = vector.shape_cast %get3A_821 : vector<1x16xf32> to vector<16xf32>
      %add3A_823 = arith.addf %add3A_818, %get3A_822 : vector<16xf32>
      %swap3A_824 = arith.index_cast %scan3A_23 : i32 to index
      %swap3A_825 = arith.constant 592 : index
      %swap3A_826 = tpu.vector_load %arg12[%swap3A_824, %swap3A_825] {strides = array<i32>} : memref<32x768xf32, #tpu.memory_space<vmem>>, vector<1x16xf32>,
      %swap3A_827 = vector.shape_cast %swap3A_826 : vector<1x16xf32> to vector<16xf32>
      %swap3A_828 = vector.shape_cast %add3A_823 : vector<16xf32> to vector<1x16xf32>
      tpu.vector_store %arg12[%swap3A_824, %swap3A_825], %swap3A_828 {strides = array<i32>} : memref<32x768xf32, #tpu.memory_space<vmem>>, vector<1x16xf32>,
      %get3A_829 = arith.index_cast %scan3A_23 : i32 to index
      %get3A_830 = arith.constant 608 : index
      %get3A_831 = tpu.vector_load %arg9[%get3A_829, %get3A_830] {strides = array<i32>} : memref<32x768xf32, #tpu.memory_space<vmem>>, vector<1x16xf32>,
      %get3A_832 = vector.shape_cast %get3A_831 : vector<1x16xf32> to vector<16xf32>
      %mul3A_833 = arith.mulf %get3A_27, %get3A_832 : vector<16xf32>
      %get3A_834 = arith.index_cast %scan3A_23 : i32 to index
      %get3A_835 = arith.constant 608 : index
      %get3A_836 = tpu.vector_load %arg10[%get3A_834, %get3A_835] {strides = array<i32>} : memref<32x768xf32, #tpu.memory_space<vmem>>, vector<1x16xf32>,
      %get3A_837 = vector.shape_cast %get3A_836 : vector<1x16xf32> to vector<16xf32>
      %mul3A_838 = arith.mulf %get3A_31, %get3A_837 : vector<16xf32>
      %add3A_839 = arith.addf %mul3A_833, %mul3A_838 : vector<16xf32>
      %get3A_840 = arith.index_cast %scan3A_23 : i32 to index
      %get3A_841 = arith.constant 608 : index
      %get3A_842 = tpu.vector_load %arg11[%get3A_840, %get3A_841] {strides = array<i32>} : memref<32x768xf32, #tpu.memory_space<vmem>>, vector<1x16xf32>,
      %get3A_843 = vector.shape_cast %get3A_842 : vector<1x16xf32> to vector<16xf32>
      %add3A_844 = arith.addf %add3A_839, %get3A_843 : vector<16xf32>
      %swap3A_845 = arith.index_cast %scan3A_23 : i32 to index
      %swap3A_846 = arith.constant 608 : index
      %swap3A_847 = tpu.vector_load %arg12[%swap3A_845, %swap3A_846] {strides = array<i32>} : memref<32x768xf32, #tpu.memory_space<vmem>>, vector<1x16xf32>,
      %swap3A_848 = vector.shape_cast %swap3A_847 : vector<1x16xf32> to vector<16xf32>
      %swap3A_849 = vector.shape_cast %add3A_844 : vector<16xf32> to vector<1x16xf32>
      tpu.vector_store %arg12[%swap3A_845, %swap3A_846], %swap3A_849 {strides = array<i32>} : memref<32x768xf32, #tpu.memory_space<vmem>>, vector<1x16xf32>,
      %get3A_850 = arith.index_cast %scan3A_23 : i32 to index
      %get3A_851 = arith.constant 624 : index
      %get3A_852 = tpu.vector_load %arg9[%get3A_850, %get3A_851] {strides = array<i32>} : memref<32x768xf32, #tpu.memory_space<vmem>>, vector<1x16xf32>,
      %get3A_853 = vector.shape_cast %get3A_852 : vector<1x16xf32> to vector<16xf32>
      %mul3A_854 = arith.mulf %get3A_27, %get3A_853 : vector<16xf32>
      %get3A_855 = arith.index_cast %scan3A_23 : i32 to index
      %get3A_856 = arith.constant 624 : index
      %get3A_857 = tpu.vector_load %arg10[%get3A_855, %get3A_856] {strides = array<i32>} : memref<32x768xf32, #tpu.memory_space<vmem>>, vector<1x16xf32>,
      %get3A_858 = vector.shape_cast %get3A_857 : vector<1x16xf32> to vector<16xf32>
      %mul3A_859 = arith.mulf %get3A_31, %get3A_858 : vector<16xf32>
      %add3A_860 = arith.addf %mul3A_854, %mul3A_859 : vector<16xf32>
      %get3A_861 = arith.index_cast %scan3A_23 : i32 to index
      %get3A_862 = arith.constant 624 : index
      %get3A_863 = tpu.vector_load %arg11[%get3A_861, %get3A_862] {strides = array<i32>} : memref<32x768xf32, #tpu.memory_space<vmem>>, vector<1x16xf32>,
      %get3A_864 = vector.shape_cast %get3A_863 : vector<1x16xf32> to vector<16xf32>
      %add3A_865 = arith.addf %add3A_860, %get3A_864 : vector<16xf32>
      %swap3A_866 = arith.index_cast %scan3A_23 : i32 to index
      %swap3A_867 = arith.constant 624 : index
      %swap3A_868 = tpu.vector_load %arg12[%swap3A_866, %swap3A_867] {strides = array<i32>} : memref<32x768xf32, #tpu.memory_space<vmem>>, vector<1x16xf32>,
      %swap3A_869 = vector.shape_cast %swap3A_868 : vector<1x16xf32> to vector<16xf32>
      %swap3A_870 = vector.shape_cast %add3A_865 : vector<16xf32> to vector<1x16xf32>
      tpu.vector_store %arg12[%swap3A_866, %swap3A_867], %swap3A_870 {strides = array<i32>} : memref<32x768xf32, #tpu.memory_space<vmem>>, vector<1x16xf32>,
      %get3A_871 = arith.index_cast %scan3A_23 : i32 to index
      %get3A_872 = arith.constant 640 : index
      %get3A_873 = tpu.vector_load %arg9[%get3A_871, %get3A_872] {strides = array<i32>} : memref<32x768xf32, #tpu.memory_space<vmem>>, vector<1x16xf32>,
      %get3A_874 = vector.shape_cast %get3A_873 : vector<1x16xf32> to vector<16xf32>
      %mul3A_875 = arith.mulf %get3A_27, %get3A_874 : vector<16xf32>
      %get3A_876 = arith.index_cast %scan3A_23 : i32 to index
      %get3A_877 = arith.constant 640 : index
      %get3A_878 = tpu.vector_load %arg10[%get3A_876, %get3A_877] {strides = array<i32>} : memref<32x768xf32, #tpu.memory_space<vmem>>, vector<1x16xf32>,
      %get3A_879 = vector.shape_cast %get3A_878 : vector<1x16xf32> to vector<16xf32>
      %mul3A_880 = arith.mulf %get3A_31, %get3A_879 : vector<16xf32>
      %add3A_881 = arith.addf %mul3A_875, %mul3A_880 : vector<16xf32>
      %get3A_882 = arith.index_cast %scan3A_23 : i32 to index
      %get3A_883 = arith.constant 640 : index
      %get3A_884 = tpu.vector_load %arg11[%get3A_882, %get3A_883] {strides = array<i32>} : memref<32x768xf32, #tpu.memory_space<vmem>>, vector<1x16xf32>,
      %get3A_885 = vector.shape_cast %get3A_884 : vector<1x16xf32> to vector<16xf32>
      %add3A_886 = arith.addf %add3A_881, %get3A_885 : vector<16xf32>
      %swap3A_887 = arith.index_cast %scan3A_23 : i32 to index
      %swap3A_888 = arith.constant 640 : index
      %swap3A_889 = tpu.vector_load %arg12[%swap3A_887, %swap3A_888] {strides = array<i32>} : memref<32x768xf32, #tpu.memory_space<vmem>>, vector<1x16xf32>,
      %swap3A_890 = vector.shape_cast %swap3A_889 : vector<1x16xf32> to vector<16xf32>
      %swap3A_891 = vector.shape_cast %add3A_886 : vector<16xf32> to vector<1x16xf32>
      tpu.vector_store %arg12[%swap3A_887, %swap3A_888], %swap3A_891 {strides = array<i32>} : memref<32x768xf32, #tpu.memory_space<vmem>>, vector<1x16xf32>,
      %get3A_892 = arith.index_cast %scan3A_23 : i32 to index
      %get3A_893 = arith.constant 656 : index
      %get3A_894 = tpu.vector_load %arg9[%get3A_892, %get3A_893] {strides = array<i32>} : memref<32x768xf32, #tpu.memory_space<vmem>>, vector<1x16xf32>,
      %get3A_895 = vector.shape_cast %get3A_894 : vector<1x16xf32> to vector<16xf32>
      %mul3A_896 = arith.mulf %get3A_27, %get3A_895 : vector<16xf32>
      %get3A_897 = arith.index_cast %scan3A_23 : i32 to index
      %get3A_898 = arith.constant 656 : index
      %get3A_899 = tpu.vector_load %arg10[%get3A_897, %get3A_898] {strides = array<i32>} : memref<32x768xf32, #tpu.memory_space<vmem>>, vector<1x16xf32>,
      %get3A_900 = vector.shape_cast %get3A_899 : vector<1x16xf32> to vector<16xf32>
      %mul3A_901 = arith.mulf %get3A_31, %get3A_900 : vector<16xf32>
      %add3A_902 = arith.addf %mul3A_896, %mul3A_901 : vector<16xf32>
      %get3A_903 = arith.index_cast %scan3A_23 : i32 to index
      %get3A_904 = arith.constant 656 : index
      %get3A_905 = tpu.vector_load %arg11[%get3A_903, %get3A_904] {strides = array<i32>} : memref<32x768xf32, #tpu.memory_space<vmem>>, vector<1x16xf32>,
      %get3A_906 = vector.shape_cast %get3A_905 : vector<1x16xf32> to vector<16xf32>
      %add3A_907 = arith.addf %add3A_902, %get3A_906 : vector<16xf32>
      %swap3A_908 = arith.index_cast %scan3A_23 : i32 to index
      %swap3A_909 = arith.constant 656 : index
      %swap3A_910 = tpu.vector_load %arg12[%swap3A_908, %swap3A_909] {strides = array<i32>} : memref<32x768xf32, #tpu.memory_space<vmem>>, vector<1x16xf32>,
      %swap3A_911 = vector.shape_cast %swap3A_910 : vector<1x16xf32> to vector<16xf32>
      %swap3A_912 = vector.shape_cast %add3A_907 : vector<16xf32> to vector<1x16xf32>
      tpu.vector_store %arg12[%swap3A_908, %swap3A_909], %swap3A_912 {strides = array<i32>} : memref<32x768xf32, #tpu.memory_space<vmem>>, vector<1x16xf32>,
      %get3A_913 = arith.index_cast %scan3A_23 : i32 to index
      %get3A_914 = arith.constant 672 : index
      %get3A_915 = tpu.vector_load %arg9[%get3A_913, %get3A_914] {strides = array<i32>} : memref<32x768xf32, #tpu.memory_space<vmem>>, vector<1x16xf32>,
      %get3A_916 = vector.shape_cast %get3A_915 : vector<1x16xf32> to vector<16xf32>
      %mul3A_917 = arith.mulf %get3A_27, %get3A_916 : vector<16xf32>
      %get3A_918 = arith.index_cast %scan3A_23 : i32 to index
      %get3A_919 = arith.constant 672 : index
      %get3A_920 = tpu.vector_load %arg10[%get3A_918, %get3A_919] {strides = array<i32>} : memref<32x768xf32, #tpu.memory_space<vmem>>, vector<1x16xf32>,
      %get3A_921 = vector.shape_cast %get3A_920 : vector<1x16xf32> to vector<16xf32>
      %mul3A_922 = arith.mulf %get3A_31, %get3A_921 : vector<16xf32>
      %add3A_923 = arith.addf %mul3A_917, %mul3A_922 : vector<16xf32>
      %get3A_924 = arith.index_cast %scan3A_23 : i32 to index
      %get3A_925 = arith.constant 672 : index
      %get3A_926 = tpu.vector_load %arg11[%get3A_924, %get3A_925] {strides = array<i32>} : memref<32x768xf32, #tpu.memory_space<vmem>>, vector<1x16xf32>,
      %get3A_927 = vector.shape_cast %get3A_926 : vector<1x16xf32> to vector<16xf32>
      %add3A_928 = arith.addf %add3A_923, %get3A_927 : vector<16xf32>
      %swap3A_929 = arith.index_cast %scan3A_23 : i32 to index
      %swap3A_930 = arith.constant 672 : index
      %swap3A_931 = tpu.vector_load %arg12[%swap3A_929, %swap3A_930] {strides = array<i32>} : memref<32x768xf32, #tpu.memory_space<vmem>>, vector<1x16xf32>,
      %swap3A_932 = vector.shape_cast %swap3A_931 : vector<1x16xf32> to vector<16xf32>
      %swap3A_933 = vector.shape_cast %add3A_928 : vector<16xf32> to vector<1x16xf32>
      tpu.vector_store %arg12[%swap3A_929, %swap3A_930], %swap3A_933 {strides = array<i32>} : memref<32x768xf32, #tpu.memory_space<vmem>>, vector<1x16xf32>,
      %get3A_934 = arith.index_cast %scan3A_23 : i32 to index
      %get3A_935 = arith.constant 688 : index
      %get3A_936 = tpu.vector_load %arg9[%get3A_934, %get3A_935] {strides = array<i32>} : memref<32x768xf32, #tpu.memory_space<vmem>>, vector<1x16xf32>,
      %get3A_937 = vector.shape_cast %get3A_936 : vector<1x16xf32> to vector<16xf32>
      %mul3A_938 = arith.mulf %get3A_27, %get3A_937 : vector<16xf32>
      %get3A_939 = arith.index_cast %scan3A_23 : i32 to index
      %get3A_940 = arith.constant 688 : index
      %get3A_941 = tpu.vector_load %arg10[%get3A_939, %get3A_940] {strides = array<i32>} : memref<32x768xf32, #tpu.memory_space<vmem>>, vector<1x16xf32>,
      %get3A_942 = vector.shape_cast %get3A_941 : vector<1x16xf32> to vector<16xf32>
      %mul3A_943 = arith.mulf %get3A_31, %get3A_942 : vector<16xf32>
      %add3A_944 = arith.addf %mul3A_938, %mul3A_943 : vector<16xf32>
      %get3A_945 = arith.index_cast %scan3A_23 : i32 to index
      %get3A_946 = arith.constant 688 : index
      %get3A_947 = tpu.vector_load %arg11[%get3A_945, %get3A_946] {strides = array<i32>} : memref<32x768xf32, #tpu.memory_space<vmem>>, vector<1x16xf32>,
      %get3A_948 = vector.shape_cast %get3A_947 : vector<1x16xf32> to vector<16xf32>
      %add3A_949 = arith.addf %add3A_944, %get3A_948 : vector<16xf32>
      %swap3A_950 = arith.index_cast %scan3A_23 : i32 to index
      %swap3A_951 = arith.constant 688 : index
      %swap3A_952 = tpu.vector_load %arg12[%swap3A_950, %swap3A_951] {strides = array<i32>} : memref<32x768xf32, #tpu.memory_space<vmem>>, vector<1x16xf32>,
      %swap3A_953 = vector.shape_cast %swap3A_952 : vector<1x16xf32> to vector<16xf32>
      %swap3A_954 = vector.shape_cast %add3A_949 : vector<16xf32> to vector<1x16xf32>
      tpu.vector_store %arg12[%swap3A_950, %swap3A_951], %swap3A_954 {strides = array<i32>} : memref<32x768xf32, #tpu.memory_space<vmem>>, vector<1x16xf32>,
      %get3A_955 = arith.index_cast %scan3A_23 : i32 to index
      %get3A_956 = arith.constant 704 : index
      %get3A_957 = tpu.vector_load %arg9[%get3A_955, %get3A_956] {strides = array<i32>} : memref<32x768xf32, #tpu.memory_space<vmem>>, vector<1x16xf32>,
      %get3A_958 = vector.shape_cast %get3A_957 : vector<1x16xf32> to vector<16xf32>
      %mul3A_959 = arith.mulf %get3A_27, %get3A_958 : vector<16xf32>
      %get3A_960 = arith.index_cast %scan3A_23 : i32 to index
      %get3A_961 = arith.constant 704 : index
      %get3A_962 = tpu.vector_load %arg10[%get3A_960, %get3A_961] {strides = array<i32>} : memref<32x768xf32, #tpu.memory_space<vmem>>, vector<1x16xf32>,
      %get3A_963 = vector.shape_cast %get3A_962 : vector<1x16xf32> to vector<16xf32>
      %mul3A_964 = arith.mulf %get3A_31, %get3A_963 : vector<16xf32>
      %add3A_965 = arith.addf %mul3A_959, %mul3A_964 : vector<16xf32>
      %get3A_966 = arith.index_cast %scan3A_23 : i32 to index
      %get3A_967 = arith.constant 704 : index
      %get3A_968 = tpu.vector_load %arg11[%get3A_966, %get3A_967] {strides = array<i32>} : memref<32x768xf32, #tpu.memory_space<vmem>>, vector<1x16xf32>,
      %get3A_969 = vector.shape_cast %get3A_968 : vector<1x16xf32> to vector<16xf32>
      %add3A_970 = arith.addf %add3A_965, %get3A_969 : vector<16xf32>
      %swap3A_971 = arith.index_cast %scan3A_23 : i32 to index
      %swap3A_972 = arith.constant 704 : index
      %swap3A_973 = tpu.vector_load %arg12[%swap3A_971, %swap3A_972] {strides = array<i32>} : memref<32x768xf32, #tpu.memory_space<vmem>>, vector<1x16xf32>,
      %swap3A_974 = vector.shape_cast %swap3A_973 : vector<1x16xf32> to vector<16xf32>
      %swap3A_975 = vector.shape_cast %add3A_970 : vector<16xf32> to vector<1x16xf32>
      tpu.vector_store %arg12[%swap3A_971, %swap3A_972], %swap3A_975 {strides = array<i32>} : memref<32x768xf32, #tpu.memory_space<vmem>>, vector<1x16xf32>,
      %get3A_976 = arith.index_cast %scan3A_23 : i32 to index
      %get3A_977 = arith.constant 720 : index
      %get3A_978 = tpu.vector_load %arg9[%get3A_976, %get3A_977] {strides = array<i32>} : memref<32x768xf32, #tpu.memory_space<vmem>>, vector<1x16xf32>,
      %get3A_979 = vector.shape_cast %get3A_978 : vector<1x16xf32> to vector<16xf32>
      %mul3A_980 = arith.mulf %get3A_27, %get3A_979 : vector<16xf32>
      %get3A_981 = arith.index_cast %scan3A_23 : i32 to index
      %get3A_982 = arith.constant 720 : index
      %get3A_983 = tpu.vector_load %arg10[%get3A_981, %get3A_982] {strides = array<i32>} : memref<32x768xf32, #tpu.memory_space<vmem>>, vector<1x16xf32>,
      %get3A_984 = vector.shape_cast %get3A_983 : vector<1x16xf32> to vector<16xf32>
      %mul3A_985 = arith.mulf %get3A_31, %get3A_984 : vector<16xf32>
      %add3A_986 = arith.addf %mul3A_980, %mul3A_985 : vector<16xf32>
      %get3A_987 = arith.index_cast %scan3A_23 : i32 to index
      %get3A_988 = arith.constant 720 : index
      %get3A_989 = tpu.vector_load %arg11[%get3A_987, %get3A_988] {strides = array<i32>} : memref<32x768xf32, #tpu.memory_space<vmem>>, vector<1x16xf32>,
      %get3A_990 = vector.shape_cast %get3A_989 : vector<1x16xf32> to vector<16xf32>
      %add3A_991 = arith.addf %add3A_986, %get3A_990 : vector<16xf32>
      %swap3A_992 = arith.index_cast %scan3A_23 : i32 to index
      %swap3A_993 = arith.constant 720 : index
      %swap3A_994 = tpu.vector_load %arg12[%swap3A_992, %swap3A_993] {strides = array<i32>} : memref<32x768xf32, #tpu.memory_space<vmem>>, vector<1x16xf32>,
      %swap3A_995 = vector.shape_cast %swap3A_994 : vector<1x16xf32> to vector<16xf32>
      %swap3A_996 = vector.shape_cast %add3A_991 : vector<16xf32> to vector<1x16xf32>
      tpu.vector_store %arg12[%swap3A_992, %swap3A_993], %swap3A_996 {strides = array<i32>} : memref<32x768xf32, #tpu.memory_space<vmem>>, vector<1x16xf32>,
      %get3A_997 = arith.index_cast %scan3A_23 : i32 to index
      %get3A_998 = arith.constant 736 : index
      %get3A_999 = tpu.vector_load %arg9[%get3A_997, %get3A_998] {strides = array<i32>} : memref<32x768xf32, #tpu.memory_space<vmem>>, vector<1x16xf32>,
      %get3A_1000 = vector.shape_cast %get3A_999 : vector<1x16xf32> to vector<16xf32>
      %mul3A_1001 = arith.mulf %get3A_27, %get3A_1000 : vector<16xf32>
      %get3A_1002 = arith.index_cast %scan3A_23 : i32 to index
      %get3A_1003 = arith.constant 736 : index
      %get3A_1004 = tpu.vector_load %arg10[%get3A_1002, %get3A_1003] {strides = array<i32>} : memref<32x768xf32, #tpu.memory_space<vmem>>, vector<1x16xf32>,
      %get3A_1005 = vector.shape_cast %get3A_1004 : vector<1x16xf32> to vector<16xf32>
      %mul3A_1006 = arith.mulf %get3A_31, %get3A_1005 : vector<16xf32>
      %add3A_1007 = arith.addf %mul3A_1001, %mul3A_1006 : vector<16xf32>
      %get3A_1008 = arith.index_cast %scan3A_23 : i32 to index
      %get3A_1009 = arith.constant 736 : index
      %get3A_1010 = tpu.vector_load %arg11[%get3A_1008, %get3A_1009] {strides = array<i32>} : memref<32x768xf32, #tpu.memory_space<vmem>>, vector<1x16xf32>,
      %get3A_1011 = vector.shape_cast %get3A_1010 : vector<1x16xf32> to vector<16xf32>
      %add3A_1012 = arith.addf %add3A_1007, %get3A_1011 : vector<16xf32>
      %swap3A_1013 = arith.index_cast %scan3A_23 : i32 to index
      %swap3A_1014 = arith.constant 736 : index
      %swap3A_1015 = tpu.vector_load %arg12[%swap3A_1013, %swap3A_1014] {strides = array<i32>} : memref<32x768xf32, #tpu.memory_space<vmem>>, vector<1x16xf32>,
      %swap3A_1016 = vector.shape_cast %swap3A_1015 : vector<1x16xf32> to vector<16xf32>
      %swap3A_1017 = vector.shape_cast %add3A_1012 : vector<16xf32> to vector<1x16xf32>
      tpu.vector_store %arg12[%swap3A_1013, %swap3A_1014], %swap3A_1017 {strides = array<i32>} : memref<32x768xf32, #tpu.memory_space<vmem>>, vector<1x16xf32>,
      %get3A_1018 = arith.index_cast %scan3A_23 : i32 to index
      %get3A_1019 = arith.constant 752 : index
      %get3A_1020 = tpu.vector_load %arg9[%get3A_1018, %get3A_1019] {strides = array<i32>} : memref<32x768xf32, #tpu.memory_space<vmem>>, vector<1x16xf32>,
      %get3A_1021 = vector.shape_cast %get3A_1020 : vector<1x16xf32> to vector<16xf32>
      %mul3A_1022 = arith.mulf %get3A_27, %get3A_1021 : vector<16xf32>
      %get3A_1023 = arith.index_cast %scan3A_23 : i32 to index
      %get3A_1024 = arith.constant 752 : index
      %get3A_1025 = tpu.vector_load %arg10[%get3A_1023, %get3A_1024] {strides = array<i32>} : memref<32x768xf32, #tpu.memory_space<vmem>>, vector<1x16xf32>,
      %get3A_1026 = vector.shape_cast %get3A_1025 : vector<1x16xf32> to vector<16xf32>
      %mul3A_1027 = arith.mulf %get3A_31, %get3A_1026 : vector<16xf32>
      %add3A_1028 = arith.addf %mul3A_1022, %mul3A_1027 : vector<16xf32>
      %get3A_1029 = arith.index_cast %scan3A_23 : i32 to index
      %get3A_1030 = arith.constant 752 : index
      %get3A_1031 = tpu.vector_load %arg11[%get3A_1029, %get3A_1030] {strides = array<i32>} : memref<32x768xf32, #tpu.memory_space<vmem>>, vector<1x16xf32>,
      %get3A_1032 = vector.shape_cast %get3A_1031 : vector<1x16xf32> to vector<16xf32>
      %add3A_1033 = arith.addf %add3A_1028, %get3A_1032 : vector<16xf32>
      %swap3A_1034 = arith.index_cast %scan3A_23 : i32 to index
      %swap3A_1035 = arith.constant 752 : index
      %swap3A_1036 = tpu.vector_load %arg12[%swap3A_1034, %swap3A_1035] {strides = array<i32>} : memref<32x768xf32, #tpu.memory_space<vmem>>, vector<1x16xf32>,
      %swap3A_1037 = vector.shape_cast %swap3A_1036 : vector<1x16xf32> to vector<16xf32>
      %swap3A_1038 = vector.shape_cast %add3A_1033 : vector<16xf32> to vector<1x16xf32>
      tpu.vector_store %arg12[%swap3A_1034, %swap3A_1035], %swap3A_1038 {strides = array<i32>} : memref<32x768xf32, #tpu.memory_space<vmem>>, vector<1x16xf32>,
      %scan3A_1039 = arith.constant 0 : i32
      scf.yield %scan3A_1039 : i32
    }
    %scan3A_10 = arith.constant 32 : i32
    "tpu.region"() ({
      %run_scoped3A = tpu.sem_alloc : memref<!tpu.dma_semaphore, #tpu.memory_space<semaphore_mem>>
      %dma_start3A = arith.constant 0 : i32
      %dma_start3A_23 = tpu.memref_slice %arg8[%multiple_of3A, %dma_start3A] : memref<2048x768xf32, #tpu.memory_space<hbm>> -> memref<32x768xf32, #tpu.memory_space<hbm>>
      %dma_start3A_24 = arith.constant 0 : i32
      %dma_start3A_25 = tpu.memref_slice %arg8[%multiple_of3A, %dma_start3A_24] : memref<2048x768xf32, #tpu.memory_space<hbm>> -> memref<32x768xf32, #tpu.memory_space<hbm>>
      tpu.enqueue_dma source(%arg12 : memref<32x768xf32, #tpu.memory_space<vmem>>) target(%dma_start3A_25 : memref<32x768xf32, #tpu.memory_space<hbm>>) target_semaphore(%run_scoped3A : memref<!tpu.dma_semaphore, #tpu.memory_space<semaphore_mem>>)
      %dma_wait3A = arith.constant 0 : i32
      %dma_wait3A_26 = tpu.memref_slice %arg8[%multiple_of3A, %dma_wait3A] : memref<2048x768xf32, #tpu.memory_space<hbm>> -> memref<32x768xf32, #tpu.memory_space<hbm>>
      %dma_wait3A_27 = arith.constant 0 : i32
      %dma_wait3A_28 = tpu.memref_slice %arg8[%multiple_of3A, %dma_wait3A_27] : memref<2048x768xf32, #tpu.memory_space<hbm>> -> memref<32x768xf32, #tpu.memory_space<hbm>>
      tpu.wait_dma2 semaphore(%run_scoped3A : memref<!tpu.dma_semaphore, #tpu.memory_space<semaphore_mem>>) src(%arg12 : memref<32x768xf32, #tpu.memory_space<vmem>>) dst(%dma_wait3A_28 : memref<32x768xf32, #tpu.memory_space<hbm>>)
      tpu.yield
    }) : () -> ()
    %mul3A_11 = arith.constant 64 : i32
    %mul3A_12 = arith.muli %add3A, %mul3A_11 : i32
    %add3A_13 = arith.constant 32 : i32
    %add3A_14 = arith.addi %mul3A_12, %add3A_13 : i32
    %multiple_of3A_15 = tpu.assume_multiple %add3A_14, 32 : i32
    "tpu.region"() ({
      %run_scoped3A = tpu.sem_alloc : memref<!tpu.dma_semaphore, #tpu.memory_space<semaphore_mem>>
      %dma_start3A = tpu.memref_slice %arg4[%multiple_of3A_15] : memref<2048xi32, #tpu.memory_space<hbm>> -> memref<32xi32, #tpu.memory_space<hbm>>
      %dma_start3A_23 = tpu.memref_slice %arg4[%multiple_of3A_15] : memref<2048xi32, #tpu.memory_space<hbm>> -> memref<32xi32, #tpu.memory_space<hbm>>
      tpu.enqueue_dma source(%dma_start3A_23 : memref<32xi32, #tpu.memory_space<hbm>>) target(%arg13 : memref<32xi32, #tpu.memory_space<vmem>>) target_semaphore(%run_scoped3A : memref<!tpu.dma_semaphore, #tpu.memory_space<semaphore_mem>>)
      %dma_wait3A = tpu.memref_slice %arg4[%multiple_of3A_15] : memref<2048xi32, #tpu.memory_space<hbm>> -> memref<32xi32, #tpu.memory_space<hbm>>
      %dma_wait3A_24 = tpu.memref_slice %arg4[%multiple_of3A_15] : memref<2048xi32, #tpu.memory_space<hbm>> -> memref<32xi32, #tpu.memory_space<hbm>>
      tpu.wait_dma2 semaphore(%run_scoped3A : memref<!tpu.dma_semaphore, #tpu.memory_space<semaphore_mem>>) src(%dma_wait3A_24 : memref<32xi32, #tpu.memory_space<hbm>>) dst(%arg13 : memref<32xi32, #tpu.memory_space<vmem>>)
      tpu.yield
    }) : () -> ()
    "tpu.region"() ({
      %run_scoped3A = tpu.sem_alloc : memref<!tpu.dma_semaphore, #tpu.memory_space<semaphore_mem>>
      %dma_start3A = tpu.memref_slice %arg5[%multiple_of3A_15] : memref<2048xi32, #tpu.memory_space<hbm>> -> memref<32xi32, #tpu.memory_space<hbm>>
      %dma_start3A_23 = tpu.memref_slice %arg5[%multiple_of3A_15] : memref<2048xi32, #tpu.memory_space<hbm>> -> memref<32xi32, #tpu.memory_space<hbm>>
      tpu.enqueue_dma source(%dma_start3A_23 : memref<32xi32, #tpu.memory_space<hbm>>) target(%arg14 : memref<32xi32, #tpu.memory_space<vmem>>) target_semaphore(%run_scoped3A : memref<!tpu.dma_semaphore, #tpu.memory_space<semaphore_mem>>)
      %dma_wait3A = tpu.memref_slice %arg5[%multiple_of3A_15] : memref<2048xi32, #tpu.memory_space<hbm>> -> memref<32xi32, #tpu.memory_space<hbm>>
      %dma_wait3A_24 = tpu.memref_slice %arg5[%multiple_of3A_15] : memref<2048xi32, #tpu.memory_space<hbm>> -> memref<32xi32, #tpu.memory_space<hbm>>
      tpu.wait_dma2 semaphore(%run_scoped3A : memref<!tpu.dma_semaphore, #tpu.memory_space<semaphore_mem>>) src(%dma_wait3A_24 : memref<32xi32, #tpu.memory_space<hbm>>) dst(%arg14 : memref<32xi32, #tpu.memory_space<vmem>>)
      tpu.yield
    }) : () -> ()
    "tpu.region"() ({
      %run_scoped3A = tpu.sem_alloc : memref<!tpu.dma_semaphore, #tpu.memory_space<semaphore_mem>>
      %dma_start3A = arith.constant 0 : i32
      %dma_start3A_23 = tpu.memref_slice %arg6[%multiple_of3A_15, %dma_start3A] : memref<2048x16xf32, #tpu.memory_space<hbm>> -> memref<32x16xf32, #tpu.memory_space<hbm>>
      %dma_start3A_24 = arith.constant 0 : i32
      %dma_start3A_25 = tpu.memref_slice %arg6[%multiple_of3A_15, %dma_start3A_24] : memref<2048x16xf32, #tpu.memory_space<hbm>> -> memref<32x16xf32, #tpu.memory_space<hbm>>
      tpu.enqueue_dma source(%dma_start3A_25 : memref<32x16xf32, #tpu.memory_space<hbm>>) target(%arg15 : memref<32x16xf32, #tpu.memory_space<vmem>>) target_semaphore(%run_scoped3A : memref<!tpu.dma_semaphore, #tpu.memory_space<semaphore_mem>>)
      %dma_wait3A = arith.constant 0 : i32
      %dma_wait3A_26 = tpu.memref_slice %arg6[%multiple_of3A_15, %dma_wait3A] : memref<2048x16xf32, #tpu.memory_space<hbm>> -> memref<32x16xf32, #tpu.memory_space<hbm>>
      %dma_wait3A_27 = arith.constant 0 : i32
      %dma_wait3A_28 = tpu.memref_slice %arg6[%multiple_of3A_15, %dma_wait3A_27] : memref<2048x16xf32, #tpu.memory_space<hbm>> -> memref<32x16xf32, #tpu.memory_space<hbm>>
      tpu.wait_dma2 semaphore(%run_scoped3A : memref<!tpu.dma_semaphore, #tpu.memory_space<semaphore_mem>>) src(%dma_wait3A_28 : memref<32x16xf32, #tpu.memory_space<hbm>>) dst(%arg15 : memref<32x16xf32, #tpu.memory_space<vmem>>)
      tpu.yield
    }) : () -> ()
    "tpu.region"() ({
      %run_scoped3A = tpu.sem_alloc : memref<!tpu.dma_semaphore, #tpu.memory_space<semaphore_mem>>
      %dma_start3A = arith.constant 0 : i32
      %dma_start3A_23 = tpu.memref_slice %arg7[%multiple_of3A_15, %dma_start3A] : memref<2048x16xf32, #tpu.memory_space<hbm>> -> memref<32x16xf32, #tpu.memory_space<hbm>>
      %dma_start3A_24 = arith.constant 0 : i32
      %dma_start3A_25 = tpu.memref_slice %arg7[%multiple_of3A_15, %dma_start3A_24] : memref<2048x16xf32, #tpu.memory_space<hbm>> -> memref<32x16xf32, #tpu.memory_space<hbm>>
      tpu.enqueue_dma source(%dma_start3A_25 : memref<32x16xf32, #tpu.memory_space<hbm>>) target(%arg16 : memref<32x16xf32, #tpu.memory_space<vmem>>) target_semaphore(%run_scoped3A : memref<!tpu.dma_semaphore, #tpu.memory_space<semaphore_mem>>)
      %dma_wait3A = arith.constant 0 : i32
      %dma_wait3A_26 = tpu.memref_slice %arg7[%multiple_of3A_15, %dma_wait3A] : memref<2048x16xf32, #tpu.memory_space<hbm>> -> memref<32x16xf32, #tpu.memory_space<hbm>>
      %dma_wait3A_27 = arith.constant 0 : i32
      %dma_wait3A_28 = tpu.memref_slice %arg7[%multiple_of3A_15, %dma_wait3A_27] : memref<2048x16xf32, #tpu.memory_space<hbm>> -> memref<32x16xf32, #tpu.memory_space<hbm>>
      tpu.wait_dma2 semaphore(%run_scoped3A : memref<!tpu.dma_semaphore, #tpu.memory_space<semaphore_mem>>) src(%dma_wait3A_28 : memref<32x16xf32, #tpu.memory_space<hbm>>) dst(%arg16 : memref<32x16xf32, #tpu.memory_space<vmem>>)
      tpu.yield
    }) : () -> ()
    "tpu.region"() ({
      %run_scoped3A = tpu.sem_alloc : memref<!tpu.dma_semaphore, #tpu.memory_space<semaphore_mem>>
      %dma_start3A = arith.constant 0 : i32
      %dma_start3A_23 = tpu.memref_slice %arg3[%multiple_of3A_15, %dma_start3A] : memref<2048x768xf32, #tpu.memory_space<hbm>> -> memref<32x768xf32, #tpu.memory_space<hbm>>
      %dma_start3A_24 = arith.constant 0 : i32
      %dma_start3A_25 = tpu.memref_slice %arg3[%multiple_of3A_15, %dma_start3A_24] : memref<2048x768xf32, #tpu.memory_space<hbm>> -> memref<32x768xf32, #tpu.memory_space<hbm>>
      tpu.enqueue_dma source(%dma_start3A_25 : memref<32x768xf32, #tpu.memory_space<hbm>>) target(%arg11 : memref<32x768xf32, #tpu.memory_space<vmem>>) target_semaphore(%run_scoped3A : memref<!tpu.dma_semaphore, #tpu.memory_space<semaphore_mem>>)
      %dma_wait3A = arith.constant 0 : i32
      %dma_wait3A_26 = tpu.memref_slice %arg3[%multiple_of3A_15, %dma_wait3A] : memref<2048x768xf32, #tpu.memory_space<hbm>> -> memref<32x768xf32, #tpu.memory_space<hbm>>
      %dma_wait3A_27 = arith.constant 0 : i32
      %dma_wait3A_28 = tpu.memref_slice %arg3[%multiple_of3A_15, %dma_wait3A_27] : memref<2048x768xf32, #tpu.memory_space<hbm>> -> memref<32x768xf32, #tpu.memory_space<hbm>>
      tpu.wait_dma2 semaphore(%run_scoped3A : memref<!tpu.dma_semaphore, #tpu.memory_space<semaphore_mem>>) src(%dma_wait3A_28 : memref<32x768xf32, #tpu.memory_space<hbm>>) dst(%arg11 : memref<32x768xf32, #tpu.memory_space<vmem>>)
      tpu.yield
    }) : () -> ()
    "tpu.region"() ({
      %run_scoped3A = tpu.sem_alloc : memref<!tpu.dma_semaphore, #tpu.memory_space<semaphore_mem>>
      %dma_start3A = arith.constant 0 : i32
      %dma_start3A_23 = arith.constant 0 : i32
      %dma_start3A_24 = tpu.memref_slice %arg2[%dma_start3A, %dma_start3A_23] : memref<4096x768xf32, #tpu.memory_space<hbm>> -> memref<4096x768xf32, #tpu.memory_space<hbm>>
      tpu.enqueue_indirect_dma source(%dma_start3A_24 : memref<4096x768xf32, #tpu.memory_space<hbm>>) target(%arg9 : memref<32x768xf32, #tpu.memory_space<vmem>>) offsets(%arg13 : memref<32xi32, #tpu.memory_space<vmem>>) semaphore(%run_scoped3A : memref<!tpu.dma_semaphore, #tpu.memory_space<semaphore_mem>>)
      %dma_wait3A = arith.constant 0 : i32
      %dma_wait3A_25 = arith.constant 0 : i32
      %dma_wait3A_26 = tpu.memref_slice %arg2[%dma_wait3A, %dma_wait3A_25] : memref<4096x768xf32, #tpu.memory_space<hbm>> -> memref<4096x768xf32, #tpu.memory_space<hbm>>
      tpu.wait_indirect_dma semaphore(%run_scoped3A : memref<!tpu.dma_semaphore, #tpu.memory_space<semaphore_mem>>) src(%dma_wait3A_26 : memref<4096x768xf32, #tpu.memory_space<hbm>>) dst(%arg9 : memref<32x768xf32, #tpu.memory_space<vmem>>)
      tpu.yield
    }) : () -> ()
    "tpu.region"() ({
      %run_scoped3A = tpu.sem_alloc : memref<!tpu.dma_semaphore, #tpu.memory_space<semaphore_mem>>
      %dma_start3A = arith.constant 0 : i32
      %dma_start3A_23 = arith.constant 0 : i32
      %dma_start3A_24 = tpu.memref_slice %arg2[%dma_start3A, %dma_start3A_23] : memref<4096x768xf32, #tpu.memory_space<hbm>> -> memref<4096x768xf32, #tpu.memory_space<hbm>>
      tpu.enqueue_indirect_dma source(%dma_start3A_24 : memref<4096x768xf32, #tpu.memory_space<hbm>>) target(%arg10 : memref<32x768xf32, #tpu.memory_space<vmem>>) offsets(%arg14 : memref<32xi32, #tpu.memory_space<vmem>>) semaphore(%run_scoped3A : memref<!tpu.dma_semaphore, #tpu.memory_space<semaphore_mem>>)
      %dma_wait3A = arith.constant 0 : i32
      %dma_wait3A_25 = arith.constant 0 : i32
      %dma_wait3A_26 = tpu.memref_slice %arg2[%dma_wait3A, %dma_wait3A_25] : memref<4096x768xf32, #tpu.memory_space<hbm>> -> memref<4096x768xf32, #tpu.memory_space<hbm>>
      tpu.wait_indirect_dma semaphore(%run_scoped3A : memref<!tpu.dma_semaphore, #tpu.memory_space<semaphore_mem>>) src(%dma_wait3A_26 : memref<4096x768xf32, #tpu.memory_space<hbm>>) dst(%arg10 : memref<32x768xf32, #tpu.memory_space<vmem>>)
      tpu.yield
    }) : () -> ()
    %scan3A_16 = arith.constant 0 : i32
    %scan3A_17 = arith.constant 0 : i32
    %scan3A_18 = arith.constant 32 : i32
    %scan3A_19 = arith.addi %scan3A_17, %scan3A_18 : i32
    %scan3A_20 = arith.constant 1 : i32
    %scan3A_21 = scf.for %scan3A_23 = %scan3A_17 to %scan3A_19 step %scan3A_20 iter_args(%scan3A_24 = %scan3A_16) -> (i32)  : i32 {
      %get3A = arith.index_cast %scan3A_23 : i32 to index
      %get3A_25 = arith.constant 0 : index
      %get3A_26 = tpu.vector_load %arg15[%get3A, %get3A_25] {strides = array<i32>} : memref<32x16xf32, #tpu.memory_space<vmem>>, vector<1x16xf32>,
      %get3A_27 = vector.shape_cast %get3A_26 : vector<1x16xf32> to vector<16xf32>
      %get3A_28 = arith.index_cast %scan3A_23 : i32 to index
      %get3A_29 = arith.constant 0 : index
      %get3A_30 = tpu.vector_load %arg16[%get3A_28, %get3A_29] {strides = array<i32>} : memref<32x16xf32, #tpu.memory_space<vmem>>, vector<1x16xf32>,
      %get3A_31 = vector.shape_cast %get3A_30 : vector<1x16xf32> to vector<16xf32>
      %get3A_32 = arith.index_cast %scan3A_23 : i32 to index
      %get3A_33 = arith.constant 0 : index
      %get3A_34 = tpu.vector_load %arg9[%get3A_32, %get3A_33] {strides = array<i32>} : memref<32x768xf32, #tpu.memory_space<vmem>>, vector<1x16xf32>,
      %get3A_35 = vector.shape_cast %get3A_34 : vector<1x16xf32> to vector<16xf32>
      %mul3A_36 = arith.mulf %get3A_27, %get3A_35 : vector<16xf32>
      %get3A_37 = arith.index_cast %scan3A_23 : i32 to index
      %get3A_38 = arith.constant 0 : index
      %get3A_39 = tpu.vector_load %arg10[%get3A_37, %get3A_38] {strides = array<i32>} : memref<32x768xf32, #tpu.memory_space<vmem>>, vector<1x16xf32>,
      %get3A_40 = vector.shape_cast %get3A_39 : vector<1x16xf32> to vector<16xf32>
      %mul3A_41 = arith.mulf %get3A_31, %get3A_40 : vector<16xf32>
      %add3A_42 = arith.addf %mul3A_36, %mul3A_41 : vector<16xf32>
      %get3A_43 = arith.index_cast %scan3A_23 : i32 to index
      %get3A_44 = arith.constant 0 : index
      %get3A_45 = tpu.vector_load %arg11[%get3A_43, %get3A_44] {strides = array<i32>} : memref<32x768xf32, #tpu.memory_space<vmem>>, vector<1x16xf32>,
      %get3A_46 = vector.shape_cast %get3A_45 : vector<1x16xf32> to vector<16xf32>
      %add3A_47 = arith.addf %add3A_42, %get3A_46 : vector<16xf32>
      %swap3A = arith.index_cast %scan3A_23 : i32 to index
      %swap3A_48 = arith.constant 0 : index
      %swap3A_49 = tpu.vector_load %arg12[%swap3A, %swap3A_48] {strides = array<i32>} : memref<32x768xf32, #tpu.memory_space<vmem>>, vector<1x16xf32>,
      %swap3A_50 = vector.shape_cast %swap3A_49 : vector<1x16xf32> to vector<16xf32>
      %swap3A_51 = vector.shape_cast %add3A_47 : vector<16xf32> to vector<1x16xf32>
      tpu.vector_store %arg12[%swap3A, %swap3A_48], %swap3A_51 {strides = array<i32>} : memref<32x768xf32, #tpu.memory_space<vmem>>, vector<1x16xf32>,
      %get3A_52 = arith.index_cast %scan3A_23 : i32 to index
      %get3A_53 = arith.constant 16 : index
      %get3A_54 = tpu.vector_load %arg9[%get3A_52, %get3A_53] {strides = array<i32>} : memref<32x768xf32, #tpu.memory_space<vmem>>, vector<1x16xf32>,
      %get3A_55 = vector.shape_cast %get3A_54 : vector<1x16xf32> to vector<16xf32>
      %mul3A_56 = arith.mulf %get3A_27, %get3A_55 : vector<16xf32>
      %get3A_57 = arith.index_cast %scan3A_23 : i32 to index
      %get3A_58 = arith.constant 16 : index
      %get3A_59 = tpu.vector_load %arg10[%get3A_57, %get3A_58] {strides = array<i32>} : memref<32x768xf32, #tpu.memory_space<vmem>>, vector<1x16xf32>,
      %get3A_60 = vector.shape_cast %get3A_59 : vector<1x16xf32> to vector<16xf32>
      %mul3A_61 = arith.mulf %get3A_31, %get3A_60 : vector<16xf32>
      %add3A_62 = arith.addf %mul3A_56, %mul3A_61 : vector<16xf32>
      %get3A_63 = arith.index_cast %scan3A_23 : i32 to index
      %get3A_64 = arith.constant 16 : index
      %get3A_65 = tpu.vector_load %arg11[%get3A_63, %get3A_64] {strides = array<i32>} : memref<32x768xf32, #tpu.memory_space<vmem>>, vector<1x16xf32>,
      %get3A_66 = vector.shape_cast %get3A_65 : vector<1x16xf32> to vector<16xf32>
      %add3A_67 = arith.addf %add3A_62, %get3A_66 : vector<16xf32>
      %swap3A_68 = arith.index_cast %scan3A_23 : i32 to index
      %swap3A_69 = arith.constant 16 : index
      %swap3A_70 = tpu.vector_load %arg12[%swap3A_68, %swap3A_69] {strides = array<i32>} : memref<32x768xf32, #tpu.memory_space<vmem>>, vector<1x16xf32>,
      %swap3A_71 = vector.shape_cast %swap3A_70 : vector<1x16xf32> to vector<16xf32>
      %swap3A_72 = vector.shape_cast %add3A_67 : vector<16xf32> to vector<1x16xf32>
      tpu.vector_store %arg12[%swap3A_68, %swap3A_69], %swap3A_72 {strides = array<i32>} : memref<32x768xf32, #tpu.memory_space<vmem>>, vector<1x16xf32>,
      %get3A_73 = arith.index_cast %scan3A_23 : i32 to index
      %get3A_74 = arith.constant 32 : index
      %get3A_75 = tpu.vector_load %arg9[%get3A_73, %get3A_74] {strides = array<i32>} : memref<32x768xf32, #tpu.memory_space<vmem>>, vector<1x16xf32>,
      %get3A_76 = vector.shape_cast %get3A_75 : vector<1x16xf32> to vector<16xf32>
      %mul3A_77 = arith.mulf %get3A_27, %get3A_76 : vector<16xf32>
      %get3A_78 = arith.index_cast %scan3A_23 : i32 to index
      %get3A_79 = arith.constant 32 : index
      %get3A_80 = tpu.vector_load %arg10[%get3A_78, %get3A_79] {strides = array<i32>} : memref<32x768xf32, #tpu.memory_space<vmem>>, vector<1x16xf32>,
      %get3A_81 = vector.shape_cast %get3A_80 : vector<1x16xf32> to vector<16xf32>
      %mul3A_82 = arith.mulf %get3A_31, %get3A_81 : vector<16xf32>
      %add3A_83 = arith.addf %mul3A_77, %mul3A_82 : vector<16xf32>
      %get3A_84 = arith.index_cast %scan3A_23 : i32 to index
      %get3A_85 = arith.constant 32 : index
      %get3A_86 = tpu.vector_load %arg11[%get3A_84, %get3A_85] {strides = array<i32>} : memref<32x768xf32, #tpu.memory_space<vmem>>, vector<1x16xf32>,
      %get3A_87 = vector.shape_cast %get3A_86 : vector<1x16xf32> to vector<16xf32>
      %add3A_88 = arith.addf %add3A_83, %get3A_87 : vector<16xf32>
      %swap3A_89 = arith.index_cast %scan3A_23 : i32 to index
      %swap3A_90 = arith.constant 32 : index
      %swap3A_91 = tpu.vector_load %arg12[%swap3A_89, %swap3A_90] {strides = array<i32>} : memref<32x768xf32, #tpu.memory_space<vmem>>, vector<1x16xf32>,
      %swap3A_92 = vector.shape_cast %swap3A_91 : vector<1x16xf32> to vector<16xf32>
      %swap3A_93 = vector.shape_cast %add3A_88 : vector<16xf32> to vector<1x16xf32>
      tpu.vector_store %arg12[%swap3A_89, %swap3A_90], %swap3A_93 {strides = array<i32>} : memref<32x768xf32, #tpu.memory_space<vmem>>, vector<1x16xf32>,
      %get3A_94 = arith.index_cast %scan3A_23 : i32 to index
      %get3A_95 = arith.constant 48 : index
      %get3A_96 = tpu.vector_load %arg9[%get3A_94, %get3A_95] {strides = array<i32>} : memref<32x768xf32, #tpu.memory_space<vmem>>, vector<1x16xf32>,
      %get3A_97 = vector.shape_cast %get3A_96 : vector<1x16xf32> to vector<16xf32>
      %mul3A_98 = arith.mulf %get3A_27, %get3A_97 : vector<16xf32>
      %get3A_99 = arith.index_cast %scan3A_23 : i32 to index
      %get3A_100 = arith.constant 48 : index
      %get3A_101 = tpu.vector_load %arg10[%get3A_99, %get3A_100] {strides = array<i32>} : memref<32x768xf32, #tpu.memory_space<vmem>>, vector<1x16xf32>,
      %get3A_102 = vector.shape_cast %get3A_101 : vector<1x16xf32> to vector<16xf32>
      %mul3A_103 = arith.mulf %get3A_31, %get3A_102 : vector<16xf32>
      %add3A_104 = arith.addf %mul3A_98, %mul3A_103 : vector<16xf32>
      %get3A_105 = arith.index_cast %scan3A_23 : i32 to index
      %get3A_106 = arith.constant 48 : index
      %get3A_107 = tpu.vector_load %arg11[%get3A_105, %get3A_106] {strides = array<i32>} : memref<32x768xf32, #tpu.memory_space<vmem>>, vector<1x16xf32>,
      %get3A_108 = vector.shape_cast %get3A_107 : vector<1x16xf32> to vector<16xf32>
      %add3A_109 = arith.addf %add3A_104, %get3A_108 : vector<16xf32>
      %swap3A_110 = arith.index_cast %scan3A_23 : i32 to index
      %swap3A_111 = arith.constant 48 : index
      %swap3A_112 = tpu.vector_load %arg12[%swap3A_110, %swap3A_111] {strides = array<i32>} : memref<32x768xf32, #tpu.memory_space<vmem>>, vector<1x16xf32>,
      %swap3A_113 = vector.shape_cast %swap3A_112 : vector<1x16xf32> to vector<16xf32>
      %swap3A_114 = vector.shape_cast %add3A_109 : vector<16xf32> to vector<1x16xf32>
      tpu.vector_store %arg12[%swap3A_110, %swap3A_111], %swap3A_114 {strides = array<i32>} : memref<32x768xf32, #tpu.memory_space<vmem>>, vector<1x16xf32>,
      %get3A_115 = arith.index_cast %scan3A_23 : i32 to index
      %get3A_116 = arith.constant 64 : index
      %get3A_117 = tpu.vector_load %arg9[%get3A_115, %get3A_116] {strides = array<i32>} : memref<32x768xf32, #tpu.memory_space<vmem>>, vector<1x16xf32>,
      %get3A_118 = vector.shape_cast %get3A_117 : vector<1x16xf32> to vector<16xf32>
      %mul3A_119 = arith.mulf %get3A_27, %get3A_118 : vector<16xf32>
      %get3A_120 = arith.index_cast %scan3A_23 : i32 to index
      %get3A_121 = arith.constant 64 : index
      %get3A_122 = tpu.vector_load %arg10[%get3A_120, %get3A_121] {strides = array<i32>} : memref<32x768xf32, #tpu.memory_space<vmem>>, vector<1x16xf32>,
      %get3A_123 = vector.shape_cast %get3A_122 : vector<1x16xf32> to vector<16xf32>
      %mul3A_124 = arith.mulf %get3A_31, %get3A_123 : vector<16xf32>
      %add3A_125 = arith.addf %mul3A_119, %mul3A_124 : vector<16xf32>
      %get3A_126 = arith.index_cast %scan3A_23 : i32 to index
      %get3A_127 = arith.constant 64 : index
      %get3A_128 = tpu.vector_load %arg11[%get3A_126, %get3A_127] {strides = array<i32>} : memref<32x768xf32, #tpu.memory_space<vmem>>, vector<1x16xf32>,
      %get3A_129 = vector.shape_cast %get3A_128 : vector<1x16xf32> to vector<16xf32>
      %add3A_130 = arith.addf %add3A_125, %get3A_129 : vector<16xf32>
      %swap3A_131 = arith.index_cast %scan3A_23 : i32 to index
      %swap3A_132 = arith.constant 64 : index
      %swap3A_133 = tpu.vector_load %arg12[%swap3A_131, %swap3A_132] {strides = array<i32>} : memref<32x768xf32, #tpu.memory_space<vmem>>, vector<1x16xf32>,
      %swap3A_134 = vector.shape_cast %swap3A_133 : vector<1x16xf32> to vector<16xf32>
      %swap3A_135 = vector.shape_cast %add3A_130 : vector<16xf32> to vector<1x16xf32>
      tpu.vector_store %arg12[%swap3A_131, %swap3A_132], %swap3A_135 {strides = array<i32>} : memref<32x768xf32, #tpu.memory_space<vmem>>, vector<1x16xf32>,
      %get3A_136 = arith.index_cast %scan3A_23 : i32 to index
      %get3A_137 = arith.constant 80 : index
      %get3A_138 = tpu.vector_load %arg9[%get3A_136, %get3A_137] {strides = array<i32>} : memref<32x768xf32, #tpu.memory_space<vmem>>, vector<1x16xf32>,
      %get3A_139 = vector.shape_cast %get3A_138 : vector<1x16xf32> to vector<16xf32>
      %mul3A_140 = arith.mulf %get3A_27, %get3A_139 : vector<16xf32>
      %get3A_141 = arith.index_cast %scan3A_23 : i32 to index
      %get3A_142 = arith.constant 80 : index
      %get3A_143 = tpu.vector_load %arg10[%get3A_141, %get3A_142] {strides = array<i32>} : memref<32x768xf32, #tpu.memory_space<vmem>>, vector<1x16xf32>,
      %get3A_144 = vector.shape_cast %get3A_143 : vector<1x16xf32> to vector<16xf32>
      %mul3A_145 = arith.mulf %get3A_31, %get3A_144 : vector<16xf32>
      %add3A_146 = arith.addf %mul3A_140, %mul3A_145 : vector<16xf32>
      %get3A_147 = arith.index_cast %scan3A_23 : i32 to index
      %get3A_148 = arith.constant 80 : index
      %get3A_149 = tpu.vector_load %arg11[%get3A_147, %get3A_148] {strides = array<i32>} : memref<32x768xf32, #tpu.memory_space<vmem>>, vector<1x16xf32>,
      %get3A_150 = vector.shape_cast %get3A_149 : vector<1x16xf32> to vector<16xf32>
      %add3A_151 = arith.addf %add3A_146, %get3A_150 : vector<16xf32>
      %swap3A_152 = arith.index_cast %scan3A_23 : i32 to index
      %swap3A_153 = arith.constant 80 : index
      %swap3A_154 = tpu.vector_load %arg12[%swap3A_152, %swap3A_153] {strides = array<i32>} : memref<32x768xf32, #tpu.memory_space<vmem>>, vector<1x16xf32>,
      %swap3A_155 = vector.shape_cast %swap3A_154 : vector<1x16xf32> to vector<16xf32>
      %swap3A_156 = vector.shape_cast %add3A_151 : vector<16xf32> to vector<1x16xf32>
      tpu.vector_store %arg12[%swap3A_152, %swap3A_153], %swap3A_156 {strides = array<i32>} : memref<32x768xf32, #tpu.memory_space<vmem>>, vector<1x16xf32>,
      %get3A_157 = arith.index_cast %scan3A_23 : i32 to index
      %get3A_158 = arith.constant 96 : index
      %get3A_159 = tpu.vector_load %arg9[%get3A_157, %get3A_158] {strides = array<i32>} : memref<32x768xf32, #tpu.memory_space<vmem>>, vector<1x16xf32>,
      %get3A_160 = vector.shape_cast %get3A_159 : vector<1x16xf32> to vector<16xf32>
      %mul3A_161 = arith.mulf %get3A_27, %get3A_160 : vector<16xf32>
      %get3A_162 = arith.index_cast %scan3A_23 : i32 to index
      %get3A_163 = arith.constant 96 : index
      %get3A_164 = tpu.vector_load %arg10[%get3A_162, %get3A_163] {strides = array<i32>} : memref<32x768xf32, #tpu.memory_space<vmem>>, vector<1x16xf32>,
      %get3A_165 = vector.shape_cast %get3A_164 : vector<1x16xf32> to vector<16xf32>
      %mul3A_166 = arith.mulf %get3A_31, %get3A_165 : vector<16xf32>
      %add3A_167 = arith.addf %mul3A_161, %mul3A_166 : vector<16xf32>
      %get3A_168 = arith.index_cast %scan3A_23 : i32 to index
      %get3A_169 = arith.constant 96 : index
      %get3A_170 = tpu.vector_load %arg11[%get3A_168, %get3A_169] {strides = array<i32>} : memref<32x768xf32, #tpu.memory_space<vmem>>, vector<1x16xf32>,
      %get3A_171 = vector.shape_cast %get3A_170 : vector<1x16xf32> to vector<16xf32>
      %add3A_172 = arith.addf %add3A_167, %get3A_171 : vector<16xf32>
      %swap3A_173 = arith.index_cast %scan3A_23 : i32 to index
      %swap3A_174 = arith.constant 96 : index
      %swap3A_175 = tpu.vector_load %arg12[%swap3A_173, %swap3A_174] {strides = array<i32>} : memref<32x768xf32, #tpu.memory_space<vmem>>, vector<1x16xf32>,
      %swap3A_176 = vector.shape_cast %swap3A_175 : vector<1x16xf32> to vector<16xf32>
      %swap3A_177 = vector.shape_cast %add3A_172 : vector<16xf32> to vector<1x16xf32>
      tpu.vector_store %arg12[%swap3A_173, %swap3A_174], %swap3A_177 {strides = array<i32>} : memref<32x768xf32, #tpu.memory_space<vmem>>, vector<1x16xf32>,
      %get3A_178 = arith.index_cast %scan3A_23 : i32 to index
      %get3A_179 = arith.constant 112 : index
      %get3A_180 = tpu.vector_load %arg9[%get3A_178, %get3A_179] {strides = array<i32>} : memref<32x768xf32, #tpu.memory_space<vmem>>, vector<1x16xf32>,
      %get3A_181 = vector.shape_cast %get3A_180 : vector<1x16xf32> to vector<16xf32>
      %mul3A_182 = arith.mulf %get3A_27, %get3A_181 : vector<16xf32>
      %get3A_183 = arith.index_cast %scan3A_23 : i32 to index
      %get3A_184 = arith.constant 112 : index
      %get3A_185 = tpu.vector_load %arg10[%get3A_183, %get3A_184] {strides = array<i32>} : memref<32x768xf32, #tpu.memory_space<vmem>>, vector<1x16xf32>,
      %get3A_186 = vector.shape_cast %get3A_185 : vector<1x16xf32> to vector<16xf32>
      %mul3A_187 = arith.mulf %get3A_31, %get3A_186 : vector<16xf32>
      %add3A_188 = arith.addf %mul3A_182, %mul3A_187 : vector<16xf32>
      %get3A_189 = arith.index_cast %scan3A_23 : i32 to index
      %get3A_190 = arith.constant 112 : index
      %get3A_191 = tpu.vector_load %arg11[%get3A_189, %get3A_190] {strides = array<i32>} : memref<32x768xf32, #tpu.memory_space<vmem>>, vector<1x16xf32>,
      %get3A_192 = vector.shape_cast %get3A_191 : vector<1x16xf32> to vector<16xf32>
      %add3A_193 = arith.addf %add3A_188, %get3A_192 : vector<16xf32>
      %swap3A_194 = arith.index_cast %scan3A_23 : i32 to index
      %swap3A_195 = arith.constant 112 : index
      %swap3A_196 = tpu.vector_load %arg12[%swap3A_194, %swap3A_195] {strides = array<i32>} : memref<32x768xf32, #tpu.memory_space<vmem>>, vector<1x16xf32>,
      %swap3A_197 = vector.shape_cast %swap3A_196 : vector<1x16xf32> to vector<16xf32>
      %swap3A_198 = vector.shape_cast %add3A_193 : vector<16xf32> to vector<1x16xf32>
      tpu.vector_store %arg12[%swap3A_194, %swap3A_195], %swap3A_198 {strides = array<i32>} : memref<32x768xf32, #tpu.memory_space<vmem>>, vector<1x16xf32>,
      %get3A_199 = arith.index_cast %scan3A_23 : i32 to index
      %get3A_200 = arith.constant 128 : index
      %get3A_201 = tpu.vector_load %arg9[%get3A_199, %get3A_200] {strides = array<i32>} : memref<32x768xf32, #tpu.memory_space<vmem>>, vector<1x16xf32>,
      %get3A_202 = vector.shape_cast %get3A_201 : vector<1x16xf32> to vector<16xf32>
      %mul3A_203 = arith.mulf %get3A_27, %get3A_202 : vector<16xf32>
      %get3A_204 = arith.index_cast %scan3A_23 : i32 to index
      %get3A_205 = arith.constant 128 : index
      %get3A_206 = tpu.vector_load %arg10[%get3A_204, %get3A_205] {strides = array<i32>} : memref<32x768xf32, #tpu.memory_space<vmem>>, vector<1x16xf32>,
      %get3A_207 = vector.shape_cast %get3A_206 : vector<1x16xf32> to vector<16xf32>
      %mul3A_208 = arith.mulf %get3A_31, %get3A_207 : vector<16xf32>
      %add3A_209 = arith.addf %mul3A_203, %mul3A_208 : vector<16xf32>
      %get3A_210 = arith.index_cast %scan3A_23 : i32 to index
      %get3A_211 = arith.constant 128 : index
      %get3A_212 = tpu.vector_load %arg11[%get3A_210, %get3A_211] {strides = array<i32>} : memref<32x768xf32, #tpu.memory_space<vmem>>, vector<1x16xf32>,
      %get3A_213 = vector.shape_cast %get3A_212 : vector<1x16xf32> to vector<16xf32>
      %add3A_214 = arith.addf %add3A_209, %get3A_213 : vector<16xf32>
      %swap3A_215 = arith.index_cast %scan3A_23 : i32 to index
      %swap3A_216 = arith.constant 128 : index
      %swap3A_217 = tpu.vector_load %arg12[%swap3A_215, %swap3A_216] {strides = array<i32>} : memref<32x768xf32, #tpu.memory_space<vmem>>, vector<1x16xf32>,
      %swap3A_218 = vector.shape_cast %swap3A_217 : vector<1x16xf32> to vector<16xf32>
      %swap3A_219 = vector.shape_cast %add3A_214 : vector<16xf32> to vector<1x16xf32>
      tpu.vector_store %arg12[%swap3A_215, %swap3A_216], %swap3A_219 {strides = array<i32>} : memref<32x768xf32, #tpu.memory_space<vmem>>, vector<1x16xf32>,
      %get3A_220 = arith.index_cast %scan3A_23 : i32 to index
      %get3A_221 = arith.constant 144 : index
      %get3A_222 = tpu.vector_load %arg9[%get3A_220, %get3A_221] {strides = array<i32>} : memref<32x768xf32, #tpu.memory_space<vmem>>, vector<1x16xf32>,
      %get3A_223 = vector.shape_cast %get3A_222 : vector<1x16xf32> to vector<16xf32>
      %mul3A_224 = arith.mulf %get3A_27, %get3A_223 : vector<16xf32>
      %get3A_225 = arith.index_cast %scan3A_23 : i32 to index
      %get3A_226 = arith.constant 144 : index
      %get3A_227 = tpu.vector_load %arg10[%get3A_225, %get3A_226] {strides = array<i32>} : memref<32x768xf32, #tpu.memory_space<vmem>>, vector<1x16xf32>,
      %get3A_228 = vector.shape_cast %get3A_227 : vector<1x16xf32> to vector<16xf32>
      %mul3A_229 = arith.mulf %get3A_31, %get3A_228 : vector<16xf32>
      %add3A_230 = arith.addf %mul3A_224, %mul3A_229 : vector<16xf32>
      %get3A_231 = arith.index_cast %scan3A_23 : i32 to index
      %get3A_232 = arith.constant 144 : index
      %get3A_233 = tpu.vector_load %arg11[%get3A_231, %get3A_232] {strides = array<i32>} : memref<32x768xf32, #tpu.memory_space<vmem>>, vector<1x16xf32>,
      %get3A_234 = vector.shape_cast %get3A_233 : vector<1x16xf32> to vector<16xf32>
      %add3A_235 = arith.addf %add3A_230, %get3A_234 : vector<16xf32>
      %swap3A_236 = arith.index_cast %scan3A_23 : i32 to index
      %swap3A_237 = arith.constant 144 : index
      %swap3A_238 = tpu.vector_load %arg12[%swap3A_236, %swap3A_237] {strides = array<i32>} : memref<32x768xf32, #tpu.memory_space<vmem>>, vector<1x16xf32>,
      %swap3A_239 = vector.shape_cast %swap3A_238 : vector<1x16xf32> to vector<16xf32>
      %swap3A_240 = vector.shape_cast %add3A_235 : vector<16xf32> to vector<1x16xf32>
      tpu.vector_store %arg12[%swap3A_236, %swap3A_237], %swap3A_240 {strides = array<i32>} : memref<32x768xf32, #tpu.memory_space<vmem>>, vector<1x16xf32>,
      %get3A_241 = arith.index_cast %scan3A_23 : i32 to index
      %get3A_242 = arith.constant 160 : index
      %get3A_243 = tpu.vector_load %arg9[%get3A_241, %get3A_242] {strides = array<i32>} : memref<32x768xf32, #tpu.memory_space<vmem>>, vector<1x16xf32>,
      %get3A_244 = vector.shape_cast %get3A_243 : vector<1x16xf32> to vector<16xf32>
      %mul3A_245 = arith.mulf %get3A_27, %get3A_244 : vector<16xf32>
      %get3A_246 = arith.index_cast %scan3A_23 : i32 to index
      %get3A_247 = arith.constant 160 : index
      %get3A_248 = tpu.vector_load %arg10[%get3A_246, %get3A_247] {strides = array<i32>} : memref<32x768xf32, #tpu.memory_space<vmem>>, vector<1x16xf32>,
      %get3A_249 = vector.shape_cast %get3A_248 : vector<1x16xf32> to vector<16xf32>
      %mul3A_250 = arith.mulf %get3A_31, %get3A_249 : vector<16xf32>
      %add3A_251 = arith.addf %mul3A_245, %mul3A_250 : vector<16xf32>
      %get3A_252 = arith.index_cast %scan3A_23 : i32 to index
      %get3A_253 = arith.constant 160 : index
      %get3A_254 = tpu.vector_load %arg11[%get3A_252, %get3A_253] {strides = array<i32>} : memref<32x768xf32, #tpu.memory_space<vmem>>, vector<1x16xf32>,
      %get3A_255 = vector.shape_cast %get3A_254 : vector<1x16xf32> to vector<16xf32>
      %add3A_256 = arith.addf %add3A_251, %get3A_255 : vector<16xf32>
      %swap3A_257 = arith.index_cast %scan3A_23 : i32 to index
      %swap3A_258 = arith.constant 160 : index
      %swap3A_259 = tpu.vector_load %arg12[%swap3A_257, %swap3A_258] {strides = array<i32>} : memref<32x768xf32, #tpu.memory_space<vmem>>, vector<1x16xf32>,
      %swap3A_260 = vector.shape_cast %swap3A_259 : vector<1x16xf32> to vector<16xf32>
      %swap3A_261 = vector.shape_cast %add3A_256 : vector<16xf32> to vector<1x16xf32>
      tpu.vector_store %arg12[%swap3A_257, %swap3A_258], %swap3A_261 {strides = array<i32>} : memref<32x768xf32, #tpu.memory_space<vmem>>, vector<1x16xf32>,
      %get3A_262 = arith.index_cast %scan3A_23 : i32 to index
      %get3A_263 = arith.constant 176 : index
      %get3A_264 = tpu.vector_load %arg9[%get3A_262, %get3A_263] {strides = array<i32>} : memref<32x768xf32, #tpu.memory_space<vmem>>, vector<1x16xf32>,
      %get3A_265 = vector.shape_cast %get3A_264 : vector<1x16xf32> to vector<16xf32>
      %mul3A_266 = arith.mulf %get3A_27, %get3A_265 : vector<16xf32>
      %get3A_267 = arith.index_cast %scan3A_23 : i32 to index
      %get3A_268 = arith.constant 176 : index
      %get3A_269 = tpu.vector_load %arg10[%get3A_267, %get3A_268] {strides = array<i32>} : memref<32x768xf32, #tpu.memory_space<vmem>>, vector<1x16xf32>,
      %get3A_270 = vector.shape_cast %get3A_269 : vector<1x16xf32> to vector<16xf32>
      %mul3A_271 = arith.mulf %get3A_31, %get3A_270 : vector<16xf32>
      %add3A_272 = arith.addf %mul3A_266, %mul3A_271 : vector<16xf32>
      %get3A_273 = arith.index_cast %scan3A_23 : i32 to index
      %get3A_274 = arith.constant 176 : index
      %get3A_275 = tpu.vector_load %arg11[%get3A_273, %get3A_274] {strides = array<i32>} : memref<32x768xf32, #tpu.memory_space<vmem>>, vector<1x16xf32>,
      %get3A_276 = vector.shape_cast %get3A_275 : vector<1x16xf32> to vector<16xf32>
      %add3A_277 = arith.addf %add3A_272, %get3A_276 : vector<16xf32>
      %swap3A_278 = arith.index_cast %scan3A_23 : i32 to index
      %swap3A_279 = arith.constant 176 : index
      %swap3A_280 = tpu.vector_load %arg12[%swap3A_278, %swap3A_279] {strides = array<i32>} : memref<32x768xf32, #tpu.memory_space<vmem>>, vector<1x16xf32>,
      %swap3A_281 = vector.shape_cast %swap3A_280 : vector<1x16xf32> to vector<16xf32>
      %swap3A_282 = vector.shape_cast %add3A_277 : vector<16xf32> to vector<1x16xf32>
      tpu.vector_store %arg12[%swap3A_278, %swap3A_279], %swap3A_282 {strides = array<i32>} : memref<32x768xf32, #tpu.memory_space<vmem>>, vector<1x16xf32>,
      %get3A_283 = arith.index_cast %scan3A_23 : i32 to index
      %get3A_284 = arith.constant 192 : index
      %get3A_285 = tpu.vector_load %arg9[%get3A_283, %get3A_284] {strides = array<i32>} : memref<32x768xf32, #tpu.memory_space<vmem>>, vector<1x16xf32>,
      %get3A_286 = vector.shape_cast %get3A_285 : vector<1x16xf32> to vector<16xf32>
      %mul3A_287 = arith.mulf %get3A_27, %get3A_286 : vector<16xf32>
      %get3A_288 = arith.index_cast %scan3A_23 : i32 to index
      %get3A_289 = arith.constant 192 : index
      %get3A_290 = tpu.vector_load %arg10[%get3A_288, %get3A_289] {strides = array<i32>} : memref<32x768xf32, #tpu.memory_space<vmem>>, vector<1x16xf32>,
      %get3A_291 = vector.shape_cast %get3A_290 : vector<1x16xf32> to vector<16xf32>
      %mul3A_292 = arith.mulf %get3A_31, %get3A_291 : vector<16xf32>
      %add3A_293 = arith.addf %mul3A_287, %mul3A_292 : vector<16xf32>
      %get3A_294 = arith.index_cast %scan3A_23 : i32 to index
      %get3A_295 = arith.constant 192 : index
      %get3A_296 = tpu.vector_load %arg11[%get3A_294, %get3A_295] {strides = array<i32>} : memref<32x768xf32, #tpu.memory_space<vmem>>, vector<1x16xf32>,
      %get3A_297 = vector.shape_cast %get3A_296 : vector<1x16xf32> to vector<16xf32>
      %add3A_298 = arith.addf %add3A_293, %get3A_297 : vector<16xf32>
      %swap3A_299 = arith.index_cast %scan3A_23 : i32 to index
      %swap3A_300 = arith.constant 192 : index
      %swap3A_301 = tpu.vector_load %arg12[%swap3A_299, %swap3A_300] {strides = array<i32>} : memref<32x768xf32, #tpu.memory_space<vmem>>, vector<1x16xf32>,
      %swap3A_302 = vector.shape_cast %swap3A_301 : vector<1x16xf32> to vector<16xf32>
      %swap3A_303 = vector.shape_cast %add3A_298 : vector<16xf32> to vector<1x16xf32>
      tpu.vector_store %arg12[%swap3A_299, %swap3A_300], %swap3A_303 {strides = array<i32>} : memref<32x768xf32, #tpu.memory_space<vmem>>, vector<1x16xf32>,
      %get3A_304 = arith.index_cast %scan3A_23 : i32 to index
      %get3A_305 = arith.constant 208 : index
      %get3A_306 = tpu.vector_load %arg9[%get3A_304, %get3A_305] {strides = array<i32>} : memref<32x768xf32, #tpu.memory_space<vmem>>, vector<1x16xf32>,
      %get3A_307 = vector.shape_cast %get3A_306 : vector<1x16xf32> to vector<16xf32>
      %mul3A_308 = arith.mulf %get3A_27, %get3A_307 : vector<16xf32>
      %get3A_309 = arith.index_cast %scan3A_23 : i32 to index
      %get3A_310 = arith.constant 208 : index
      %get3A_311 = tpu.vector_load %arg10[%get3A_309, %get3A_310] {strides = array<i32>} : memref<32x768xf32, #tpu.memory_space<vmem>>, vector<1x16xf32>,
      %get3A_312 = vector.shape_cast %get3A_311 : vector<1x16xf32> to vector<16xf32>
      %mul3A_313 = arith.mulf %get3A_31, %get3A_312 : vector<16xf32>
      %add3A_314 = arith.addf %mul3A_308, %mul3A_313 : vector<16xf32>
      %get3A_315 = arith.index_cast %scan3A_23 : i32 to index
      %get3A_316 = arith.constant 208 : index
      %get3A_317 = tpu.vector_load %arg11[%get3A_315, %get3A_316] {strides = array<i32>} : memref<32x768xf32, #tpu.memory_space<vmem>>, vector<1x16xf32>,
      %get3A_318 = vector.shape_cast %get3A_317 : vector<1x16xf32> to vector<16xf32>
      %add3A_319 = arith.addf %add3A_314, %get3A_318 : vector<16xf32>
      %swap3A_320 = arith.index_cast %scan3A_23 : i32 to index
      %swap3A_321 = arith.constant 208 : index
      %swap3A_322 = tpu.vector_load %arg12[%swap3A_320, %swap3A_321] {strides = array<i32>} : memref<32x768xf32, #tpu.memory_space<vmem>>, vector<1x16xf32>,
      %swap3A_323 = vector.shape_cast %swap3A_322 : vector<1x16xf32> to vector<16xf32>
      %swap3A_324 = vector.shape_cast %add3A_319 : vector<16xf32> to vector<1x16xf32>
      tpu.vector_store %arg12[%swap3A_320, %swap3A_321], %swap3A_324 {strides = array<i32>} : memref<32x768xf32, #tpu.memory_space<vmem>>, vector<1x16xf32>,
      %get3A_325 = arith.index_cast %scan3A_23 : i32 to index
      %get3A_326 = arith.constant 224 : index
      %get3A_327 = tpu.vector_load %arg9[%get3A_325, %get3A_326] {strides = array<i32>} : memref<32x768xf32, #tpu.memory_space<vmem>>, vector<1x16xf32>,
      %get3A_328 = vector.shape_cast %get3A_327 : vector<1x16xf32> to vector<16xf32>
      %mul3A_329 = arith.mulf %get3A_27, %get3A_328 : vector<16xf32>
      %get3A_330 = arith.index_cast %scan3A_23 : i32 to index
      %get3A_331 = arith.constant 224 : index
      %get3A_332 = tpu.vector_load %arg10[%get3A_330, %get3A_331] {strides = array<i32>} : memref<32x768xf32, #tpu.memory_space<vmem>>, vector<1x16xf32>,
      %get3A_333 = vector.shape_cast %get3A_332 : vector<1x16xf32> to vector<16xf32>
      %mul3A_334 = arith.mulf %get3A_31, %get3A_333 : vector<16xf32>
      %add3A_335 = arith.addf %mul3A_329, %mul3A_334 : vector<16xf32>
      %get3A_336 = arith.index_cast %scan3A_23 : i32 to index
      %get3A_337 = arith.constant 224 : index
      %get3A_338 = tpu.vector_load %arg11[%get3A_336, %get3A_337] {strides = array<i32>} : memref<32x768xf32, #tpu.memory_space<vmem>>, vector<1x16xf32>,
      %get3A_339 = vector.shape_cast %get3A_338 : vector<1x16xf32> to vector<16xf32>
      %add3A_340 = arith.addf %add3A_335, %get3A_339 : vector<16xf32>
      %swap3A_341 = arith.index_cast %scan3A_23 : i32 to index
      %swap3A_342 = arith.constant 224 : index
      %swap3A_343 = tpu.vector_load %arg12[%swap3A_341, %swap3A_342] {strides = array<i32>} : memref<32x768xf32, #tpu.memory_space<vmem>>, vector<1x16xf32>,
      %swap3A_344 = vector.shape_cast %swap3A_343 : vector<1x16xf32> to vector<16xf32>
      %swap3A_345 = vector.shape_cast %add3A_340 : vector<16xf32> to vector<1x16xf32>
      tpu.vector_store %arg12[%swap3A_341, %swap3A_342], %swap3A_345 {strides = array<i32>} : memref<32x768xf32, #tpu.memory_space<vmem>>, vector<1x16xf32>,
      %get3A_346 = arith.index_cast %scan3A_23 : i32 to index
      %get3A_347 = arith.constant 240 : index
      %get3A_348 = tpu.vector_load %arg9[%get3A_346, %get3A_347] {strides = array<i32>} : memref<32x768xf32, #tpu.memory_space<vmem>>, vector<1x16xf32>,
      %get3A_349 = vector.shape_cast %get3A_348 : vector<1x16xf32> to vector<16xf32>
      %mul3A_350 = arith.mulf %get3A_27, %get3A_349 : vector<16xf32>
      %get3A_351 = arith.index_cast %scan3A_23 : i32 to index
      %get3A_352 = arith.constant 240 : index
      %get3A_353 = tpu.vector_load %arg10[%get3A_351, %get3A_352] {strides = array<i32>} : memref<32x768xf32, #tpu.memory_space<vmem>>, vector<1x16xf32>,
      %get3A_354 = vector.shape_cast %get3A_353 : vector<1x16xf32> to vector<16xf32>
      %mul3A_355 = arith.mulf %get3A_31, %get3A_354 : vector<16xf32>
      %add3A_356 = arith.addf %mul3A_350, %mul3A_355 : vector<16xf32>
      %get3A_357 = arith.index_cast %scan3A_23 : i32 to index
      %get3A_358 = arith.constant 240 : index
      %get3A_359 = tpu.vector_load %arg11[%get3A_357, %get3A_358] {strides = array<i32>} : memref<32x768xf32, #tpu.memory_space<vmem>>, vector<1x16xf32>,
      %get3A_360 = vector.shape_cast %get3A_359 : vector<1x16xf32> to vector<16xf32>
      %add3A_361 = arith.addf %add3A_356, %get3A_360 : vector<16xf32>
      %swap3A_362 = arith.index_cast %scan3A_23 : i32 to index
      %swap3A_363 = arith.constant 240 : index
      %swap3A_364 = tpu.vector_load %arg12[%swap3A_362, %swap3A_363] {strides = array<i32>} : memref<32x768xf32, #tpu.memory_space<vmem>>, vector<1x16xf32>,
      %swap3A_365 = vector.shape_cast %swap3A_364 : vector<1x16xf32> to vector<16xf32>
      %swap3A_366 = vector.shape_cast %add3A_361 : vector<16xf32> to vector<1x16xf32>
      tpu.vector_store %arg12[%swap3A_362, %swap3A_363], %swap3A_366 {strides = array<i32>} : memref<32x768xf32, #tpu.memory_space<vmem>>, vector<1x16xf32>,
      %get3A_367 = arith.index_cast %scan3A_23 : i32 to index
      %get3A_368 = arith.constant 256 : index
      %get3A_369 = tpu.vector_load %arg9[%get3A_367, %get3A_368] {strides = array<i32>} : memref<32x768xf32, #tpu.memory_space<vmem>>, vector<1x16xf32>,
      %get3A_370 = vector.shape_cast %get3A_369 : vector<1x16xf32> to vector<16xf32>
      %mul3A_371 = arith.mulf %get3A_27, %get3A_370 : vector<16xf32>
      %get3A_372 = arith.index_cast %scan3A_23 : i32 to index
      %get3A_373 = arith.constant 256 : index
      %get3A_374 = tpu.vector_load %arg10[%get3A_372, %get3A_373] {strides = array<i32>} : memref<32x768xf32, #tpu.memory_space<vmem>>, vector<1x16xf32>,
      %get3A_375 = vector.shape_cast %get3A_374 : vector<1x16xf32> to vector<16xf32>
      %mul3A_376 = arith.mulf %get3A_31, %get3A_375 : vector<16xf32>
      %add3A_377 = arith.addf %mul3A_371, %mul3A_376 : vector<16xf32>
      %get3A_378 = arith.index_cast %scan3A_23 : i32 to index
      %get3A_379 = arith.constant 256 : index
      %get3A_380 = tpu.vector_load %arg11[%get3A_378, %get3A_379] {strides = array<i32>} : memref<32x768xf32, #tpu.memory_space<vmem>>, vector<1x16xf32>,
      %get3A_381 = vector.shape_cast %get3A_380 : vector<1x16xf32> to vector<16xf32>
      %add3A_382 = arith.addf %add3A_377, %get3A_381 : vector<16xf32>
      %swap3A_383 = arith.index_cast %scan3A_23 : i32 to index
      %swap3A_384 = arith.constant 256 : index
      %swap3A_385 = tpu.vector_load %arg12[%swap3A_383, %swap3A_384] {strides = array<i32>} : memref<32x768xf32, #tpu.memory_space<vmem>>, vector<1x16xf32>,
      %swap3A_386 = vector.shape_cast %swap3A_385 : vector<1x16xf32> to vector<16xf32>
      %swap3A_387 = vector.shape_cast %add3A_382 : vector<16xf32> to vector<1x16xf32>
      tpu.vector_store %arg12[%swap3A_383, %swap3A_384], %swap3A_387 {strides = array<i32>} : memref<32x768xf32, #tpu.memory_space<vmem>>, vector<1x16xf32>,
      %get3A_388 = arith.index_cast %scan3A_23 : i32 to index
      %get3A_389 = arith.constant 272 : index
      %get3A_390 = tpu.vector_load %arg9[%get3A_388, %get3A_389] {strides = array<i32>} : memref<32x768xf32, #tpu.memory_space<vmem>>, vector<1x16xf32>,
      %get3A_391 = vector.shape_cast %get3A_390 : vector<1x16xf32> to vector<16xf32>
      %mul3A_392 = arith.mulf %get3A_27, %get3A_391 : vector<16xf32>
      %get3A_393 = arith.index_cast %scan3A_23 : i32 to index
      %get3A_394 = arith.constant 272 : index
      %get3A_395 = tpu.vector_load %arg10[%get3A_393, %get3A_394] {strides = array<i32>} : memref<32x768xf32, #tpu.memory_space<vmem>>, vector<1x16xf32>,
      %get3A_396 = vector.shape_cast %get3A_395 : vector<1x16xf32> to vector<16xf32>
      %mul3A_397 = arith.mulf %get3A_31, %get3A_396 : vector<16xf32>
      %add3A_398 = arith.addf %mul3A_392, %mul3A_397 : vector<16xf32>
      %get3A_399 = arith.index_cast %scan3A_23 : i32 to index
      %get3A_400 = arith.constant 272 : index
      %get3A_401 = tpu.vector_load %arg11[%get3A_399, %get3A_400] {strides = array<i32>} : memref<32x768xf32, #tpu.memory_space<vmem>>, vector<1x16xf32>,
      %get3A_402 = vector.shape_cast %get3A_401 : vector<1x16xf32> to vector<16xf32>
      %add3A_403 = arith.addf %add3A_398, %get3A_402 : vector<16xf32>
      %swap3A_404 = arith.index_cast %scan3A_23 : i32 to index
      %swap3A_405 = arith.constant 272 : index
      %swap3A_406 = tpu.vector_load %arg12[%swap3A_404, %swap3A_405] {strides = array<i32>} : memref<32x768xf32, #tpu.memory_space<vmem>>, vector<1x16xf32>,
      %swap3A_407 = vector.shape_cast %swap3A_406 : vector<1x16xf32> to vector<16xf32>
      %swap3A_408 = vector.shape_cast %add3A_403 : vector<16xf32> to vector<1x16xf32>
      tpu.vector_store %arg12[%swap3A_404, %swap3A_405], %swap3A_408 {strides = array<i32>} : memref<32x768xf32, #tpu.memory_space<vmem>>, vector<1x16xf32>,
      %get3A_409 = arith.index_cast %scan3A_23 : i32 to index
      %get3A_410 = arith.constant 288 : index
      %get3A_411 = tpu.vector_load %arg9[%get3A_409, %get3A_410] {strides = array<i32>} : memref<32x768xf32, #tpu.memory_space<vmem>>, vector<1x16xf32>,
      %get3A_412 = vector.shape_cast %get3A_411 : vector<1x16xf32> to vector<16xf32>
      %mul3A_413 = arith.mulf %get3A_27, %get3A_412 : vector<16xf32>
      %get3A_414 = arith.index_cast %scan3A_23 : i32 to index
      %get3A_415 = arith.constant 288 : index
      %get3A_416 = tpu.vector_load %arg10[%get3A_414, %get3A_415] {strides = array<i32>} : memref<32x768xf32, #tpu.memory_space<vmem>>, vector<1x16xf32>,
      %get3A_417 = vector.shape_cast %get3A_416 : vector<1x16xf32> to vector<16xf32>
      %mul3A_418 = arith.mulf %get3A_31, %get3A_417 : vector<16xf32>
      %add3A_419 = arith.addf %mul3A_413, %mul3A_418 : vector<16xf32>
      %get3A_420 = arith.index_cast %scan3A_23 : i32 to index
      %get3A_421 = arith.constant 288 : index
      %get3A_422 = tpu.vector_load %arg11[%get3A_420, %get3A_421] {strides = array<i32>} : memref<32x768xf32, #tpu.memory_space<vmem>>, vector<1x16xf32>,
      %get3A_423 = vector.shape_cast %get3A_422 : vector<1x16xf32> to vector<16xf32>
      %add3A_424 = arith.addf %add3A_419, %get3A_423 : vector<16xf32>
      %swap3A_425 = arith.index_cast %scan3A_23 : i32 to index
      %swap3A_426 = arith.constant 288 : index
      %swap3A_427 = tpu.vector_load %arg12[%swap3A_425, %swap3A_426] {strides = array<i32>} : memref<32x768xf32, #tpu.memory_space<vmem>>, vector<1x16xf32>,
      %swap3A_428 = vector.shape_cast %swap3A_427 : vector<1x16xf32> to vector<16xf32>
      %swap3A_429 = vector.shape_cast %add3A_424 : vector<16xf32> to vector<1x16xf32>
      tpu.vector_store %arg12[%swap3A_425, %swap3A_426], %swap3A_429 {strides = array<i32>} : memref<32x768xf32, #tpu.memory_space<vmem>>, vector<1x16xf32>,
      %get3A_430 = arith.index_cast %scan3A_23 : i32 to index
      %get3A_431 = arith.constant 304 : index
      %get3A_432 = tpu.vector_load %arg9[%get3A_430, %get3A_431] {strides = array<i32>} : memref<32x768xf32, #tpu.memory_space<vmem>>, vector<1x16xf32>,
      %get3A_433 = vector.shape_cast %get3A_432 : vector<1x16xf32> to vector<16xf32>
      %mul3A_434 = arith.mulf %get3A_27, %get3A_433 : vector<16xf32>
      %get3A_435 = arith.index_cast %scan3A_23 : i32 to index
      %get3A_436 = arith.constant 304 : index
      %get3A_437 = tpu.vector_load %arg10[%get3A_435, %get3A_436] {strides = array<i32>} : memref<32x768xf32, #tpu.memory_space<vmem>>, vector<1x16xf32>,
      %get3A_438 = vector.shape_cast %get3A_437 : vector<1x16xf32> to vector<16xf32>
      %mul3A_439 = arith.mulf %get3A_31, %get3A_438 : vector<16xf32>
      %add3A_440 = arith.addf %mul3A_434, %mul3A_439 : vector<16xf32>
      %get3A_441 = arith.index_cast %scan3A_23 : i32 to index
      %get3A_442 = arith.constant 304 : index
      %get3A_443 = tpu.vector_load %arg11[%get3A_441, %get3A_442] {strides = array<i32>} : memref<32x768xf32, #tpu.memory_space<vmem>>, vector<1x16xf32>,
      %get3A_444 = vector.shape_cast %get3A_443 : vector<1x16xf32> to vector<16xf32>
      %add3A_445 = arith.addf %add3A_440, %get3A_444 : vector<16xf32>
      %swap3A_446 = arith.index_cast %scan3A_23 : i32 to index
      %swap3A_447 = arith.constant 304 : index
      %swap3A_448 = tpu.vector_load %arg12[%swap3A_446, %swap3A_447] {strides = array<i32>} : memref<32x768xf32, #tpu.memory_space<vmem>>, vector<1x16xf32>,
      %swap3A_449 = vector.shape_cast %swap3A_448 : vector<1x16xf32> to vector<16xf32>
      %swap3A_450 = vector.shape_cast %add3A_445 : vector<16xf32> to vector<1x16xf32>
      tpu.vector_store %arg12[%swap3A_446, %swap3A_447], %swap3A_450 {strides = array<i32>} : memref<32x768xf32, #tpu.memory_space<vmem>>, vector<1x16xf32>,
      %get3A_451 = arith.index_cast %scan3A_23 : i32 to index
      %get3A_452 = arith.constant 320 : index
      %get3A_453 = tpu.vector_load %arg9[%get3A_451, %get3A_452] {strides = array<i32>} : memref<32x768xf32, #tpu.memory_space<vmem>>, vector<1x16xf32>,
      %get3A_454 = vector.shape_cast %get3A_453 : vector<1x16xf32> to vector<16xf32>
      %mul3A_455 = arith.mulf %get3A_27, %get3A_454 : vector<16xf32>
      %get3A_456 = arith.index_cast %scan3A_23 : i32 to index
      %get3A_457 = arith.constant 320 : index
      %get3A_458 = tpu.vector_load %arg10[%get3A_456, %get3A_457] {strides = array<i32>} : memref<32x768xf32, #tpu.memory_space<vmem>>, vector<1x16xf32>,
      %get3A_459 = vector.shape_cast %get3A_458 : vector<1x16xf32> to vector<16xf32>
      %mul3A_460 = arith.mulf %get3A_31, %get3A_459 : vector<16xf32>
      %add3A_461 = arith.addf %mul3A_455, %mul3A_460 : vector<16xf32>
      %get3A_462 = arith.index_cast %scan3A_23 : i32 to index
      %get3A_463 = arith.constant 320 : index
      %get3A_464 = tpu.vector_load %arg11[%get3A_462, %get3A_463] {strides = array<i32>} : memref<32x768xf32, #tpu.memory_space<vmem>>, vector<1x16xf32>,
      %get3A_465 = vector.shape_cast %get3A_464 : vector<1x16xf32> to vector<16xf32>
      %add3A_466 = arith.addf %add3A_461, %get3A_465 : vector<16xf32>
      %swap3A_467 = arith.index_cast %scan3A_23 : i32 to index
      %swap3A_468 = arith.constant 320 : index
      %swap3A_469 = tpu.vector_load %arg12[%swap3A_467, %swap3A_468] {strides = array<i32>} : memref<32x768xf32, #tpu.memory_space<vmem>>, vector<1x16xf32>,
      %swap3A_470 = vector.shape_cast %swap3A_469 : vector<1x16xf32> to vector<16xf32>
      %swap3A_471 = vector.shape_cast %add3A_466 : vector<16xf32> to vector<1x16xf32>
      tpu.vector_store %arg12[%swap3A_467, %swap3A_468], %swap3A_471 {strides = array<i32>} : memref<32x768xf32, #tpu.memory_space<vmem>>, vector<1x16xf32>,
      %get3A_472 = arith.index_cast %scan3A_23 : i32 to index
      %get3A_473 = arith.constant 336 : index
      %get3A_474 = tpu.vector_load %arg9[%get3A_472, %get3A_473] {strides = array<i32>} : memref<32x768xf32, #tpu.memory_space<vmem>>, vector<1x16xf32>,
      %get3A_475 = vector.shape_cast %get3A_474 : vector<1x16xf32> to vector<16xf32>
      %mul3A_476 = arith.mulf %get3A_27, %get3A_475 : vector<16xf32>
      %get3A_477 = arith.index_cast %scan3A_23 : i32 to index
      %get3A_478 = arith.constant 336 : index
      %get3A_479 = tpu.vector_load %arg10[%get3A_477, %get3A_478] {strides = array<i32>} : memref<32x768xf32, #tpu.memory_space<vmem>>, vector<1x16xf32>,
      %get3A_480 = vector.shape_cast %get3A_479 : vector<1x16xf32> to vector<16xf32>
      %mul3A_481 = arith.mulf %get3A_31, %get3A_480 : vector<16xf32>
      %add3A_482 = arith.addf %mul3A_476, %mul3A_481 : vector<16xf32>
      %get3A_483 = arith.index_cast %scan3A_23 : i32 to index
      %get3A_484 = arith.constant 336 : index
      %get3A_485 = tpu.vector_load %arg11[%get3A_483, %get3A_484] {strides = array<i32>} : memref<32x768xf32, #tpu.memory_space<vmem>>, vector<1x16xf32>,
      %get3A_486 = vector.shape_cast %get3A_485 : vector<1x16xf32> to vector<16xf32>
      %add3A_487 = arith.addf %add3A_482, %get3A_486 : vector<16xf32>
      %swap3A_488 = arith.index_cast %scan3A_23 : i32 to index
      %swap3A_489 = arith.constant 336 : index
      %swap3A_490 = tpu.vector_load %arg12[%swap3A_488, %swap3A_489] {strides = array<i32>} : memref<32x768xf32, #tpu.memory_space<vmem>>, vector<1x16xf32>,
      %swap3A_491 = vector.shape_cast %swap3A_490 : vector<1x16xf32> to vector<16xf32>
      %swap3A_492 = vector.shape_cast %add3A_487 : vector<16xf32> to vector<1x16xf32>
      tpu.vector_store %arg12[%swap3A_488, %swap3A_489], %swap3A_492 {strides = array<i32>} : memref<32x768xf32, #tpu.memory_space<vmem>>, vector<1x16xf32>,
      %get3A_493 = arith.index_cast %scan3A_23 : i32 to index
      %get3A_494 = arith.constant 352 : index
      %get3A_495 = tpu.vector_load %arg9[%get3A_493, %get3A_494] {strides = array<i32>} : memref<32x768xf32, #tpu.memory_space<vmem>>, vector<1x16xf32>,
      %get3A_496 = vector.shape_cast %get3A_495 : vector<1x16xf32> to vector<16xf32>
      %mul3A_497 = arith.mulf %get3A_27, %get3A_496 : vector<16xf32>
      %get3A_498 = arith.index_cast %scan3A_23 : i32 to index
      %get3A_499 = arith.constant 352 : index
      %get3A_500 = tpu.vector_load %arg10[%get3A_498, %get3A_499] {strides = array<i32>} : memref<32x768xf32, #tpu.memory_space<vmem>>, vector<1x16xf32>,
      %get3A_501 = vector.shape_cast %get3A_500 : vector<1x16xf32> to vector<16xf32>
      %mul3A_502 = arith.mulf %get3A_31, %get3A_501 : vector<16xf32>
      %add3A_503 = arith.addf %mul3A_497, %mul3A_502 : vector<16xf32>
      %get3A_504 = arith.index_cast %scan3A_23 : i32 to index
      %get3A_505 = arith.constant 352 : index
      %get3A_506 = tpu.vector_load %arg11[%get3A_504, %get3A_505] {strides = array<i32>} : memref<32x768xf32, #tpu.memory_space<vmem>>, vector<1x16xf32>,
      %get3A_507 = vector.shape_cast %get3A_506 : vector<1x16xf32> to vector<16xf32>
      %add3A_508 = arith.addf %add3A_503, %get3A_507 : vector<16xf32>
      %swap3A_509 = arith.index_cast %scan3A_23 : i32 to index
      %swap3A_510 = arith.constant 352 : index
      %swap3A_511 = tpu.vector_load %arg12[%swap3A_509, %swap3A_510] {strides = array<i32>} : memref<32x768xf32, #tpu.memory_space<vmem>>, vector<1x16xf32>,
      %swap3A_512 = vector.shape_cast %swap3A_511 : vector<1x16xf32> to vector<16xf32>
      %swap3A_513 = vector.shape_cast %add3A_508 : vector<16xf32> to vector<1x16xf32>
      tpu.vector_store %arg12[%swap3A_509, %swap3A_510], %swap3A_513 {strides = array<i32>} : memref<32x768xf32, #tpu.memory_space<vmem>>, vector<1x16xf32>,
      %get3A_514 = arith.index_cast %scan3A_23 : i32 to index
      %get3A_515 = arith.constant 368 : index
      %get3A_516 = tpu.vector_load %arg9[%get3A_514, %get3A_515] {strides = array<i32>} : memref<32x768xf32, #tpu.memory_space<vmem>>, vector<1x16xf32>,
      %get3A_517 = vector.shape_cast %get3A_516 : vector<1x16xf32> to vector<16xf32>
      %mul3A_518 = arith.mulf %get3A_27, %get3A_517 : vector<16xf32>
      %get3A_519 = arith.index_cast %scan3A_23 : i32 to index
      %get3A_520 = arith.constant 368 : index
      %get3A_521 = tpu.vector_load %arg10[%get3A_519, %get3A_520] {strides = array<i32>} : memref<32x768xf32, #tpu.memory_space<vmem>>, vector<1x16xf32>,
      %get3A_522 = vector.shape_cast %get3A_521 : vector<1x16xf32> to vector<16xf32>
      %mul3A_523 = arith.mulf %get3A_31, %get3A_522 : vector<16xf32>
      %add3A_524 = arith.addf %mul3A_518, %mul3A_523 : vector<16xf32>
      %get3A_525 = arith.index_cast %scan3A_23 : i32 to index
      %get3A_526 = arith.constant 368 : index
      %get3A_527 = tpu.vector_load %arg11[%get3A_525, %get3A_526] {strides = array<i32>} : memref<32x768xf32, #tpu.memory_space<vmem>>, vector<1x16xf32>,
      %get3A_528 = vector.shape_cast %get3A_527 : vector<1x16xf32> to vector<16xf32>
      %add3A_529 = arith.addf %add3A_524, %get3A_528 : vector<16xf32>
      %swap3A_530 = arith.index_cast %scan3A_23 : i32 to index
      %swap3A_531 = arith.constant 368 : index
      %swap3A_532 = tpu.vector_load %arg12[%swap3A_530, %swap3A_531] {strides = array<i32>} : memref<32x768xf32, #tpu.memory_space<vmem>>, vector<1x16xf32>,
      %swap3A_533 = vector.shape_cast %swap3A_532 : vector<1x16xf32> to vector<16xf32>
      %swap3A_534 = vector.shape_cast %add3A_529 : vector<16xf32> to vector<1x16xf32>
      tpu.vector_store %arg12[%swap3A_530, %swap3A_531], %swap3A_534 {strides = array<i32>} : memref<32x768xf32, #tpu.memory_space<vmem>>, vector<1x16xf32>,
      %get3A_535 = arith.index_cast %scan3A_23 : i32 to index
      %get3A_536 = arith.constant 384 : index
      %get3A_537 = tpu.vector_load %arg9[%get3A_535, %get3A_536] {strides = array<i32>} : memref<32x768xf32, #tpu.memory_space<vmem>>, vector<1x16xf32>,
      %get3A_538 = vector.shape_cast %get3A_537 : vector<1x16xf32> to vector<16xf32>
      %mul3A_539 = arith.mulf %get3A_27, %get3A_538 : vector<16xf32>
      %get3A_540 = arith.index_cast %scan3A_23 : i32 to index
      %get3A_541 = arith.constant 384 : index
      %get3A_542 = tpu.vector_load %arg10[%get3A_540, %get3A_541] {strides = array<i32>} : memref<32x768xf32, #tpu.memory_space<vmem>>, vector<1x16xf32>,
      %get3A_543 = vector.shape_cast %get3A_542 : vector<1x16xf32> to vector<16xf32>
      %mul3A_544 = arith.mulf %get3A_31, %get3A_543 : vector<16xf32>
      %add3A_545 = arith.addf %mul3A_539, %mul3A_544 : vector<16xf32>
      %get3A_546 = arith.index_cast %scan3A_23 : i32 to index
      %get3A_547 = arith.constant 384 : index
      %get3A_548 = tpu.vector_load %arg11[%get3A_546, %get3A_547] {strides = array<i32>} : memref<32x768xf32, #tpu.memory_space<vmem>>, vector<1x16xf32>,
      %get3A_549 = vector.shape_cast %get3A_548 : vector<1x16xf32> to vector<16xf32>
      %add3A_550 = arith.addf %add3A_545, %get3A_549 : vector<16xf32>
      %swap3A_551 = arith.index_cast %scan3A_23 : i32 to index
      %swap3A_552 = arith.constant 384 : index
      %swap3A_553 = tpu.vector_load %arg12[%swap3A_551, %swap3A_552] {strides = array<i32>} : memref<32x768xf32, #tpu.memory_space<vmem>>, vector<1x16xf32>,
      %swap3A_554 = vector.shape_cast %swap3A_553 : vector<1x16xf32> to vector<16xf32>
      %swap3A_555 = vector.shape_cast %add3A_550 : vector<16xf32> to vector<1x16xf32>
      tpu.vector_store %arg12[%swap3A_551, %swap3A_552], %swap3A_555 {strides = array<i32>} : memref<32x768xf32, #tpu.memory_space<vmem>>, vector<1x16xf32>,
      %get3A_556 = arith.index_cast %scan3A_23 : i32 to index
      %get3A_557 = arith.constant 400 : index
      %get3A_558 = tpu.vector_load %arg9[%get3A_556, %get3A_557] {strides = array<i32>} : memref<32x768xf32, #tpu.memory_space<vmem>>, vector<1x16xf32>,
      %get3A_559 = vector.shape_cast %get3A_558 : vector<1x16xf32> to vector<16xf32>
      %mul3A_560 = arith.mulf %get3A_27, %get3A_559 : vector<16xf32>
      %get3A_561 = arith.index_cast %scan3A_23 : i32 to index
      %get3A_562 = arith.constant 400 : index
      %get3A_563 = tpu.vector_load %arg10[%get3A_561, %get3A_562] {strides = array<i32>} : memref<32x768xf32, #tpu.memory_space<vmem>>, vector<1x16xf32>,
      %get3A_564 = vector.shape_cast %get3A_563 : vector<1x16xf32> to vector<16xf32>
      %mul3A_565 = arith.mulf %get3A_31, %get3A_564 : vector<16xf32>
      %add3A_566 = arith.addf %mul3A_560, %mul3A_565 : vector<16xf32>
      %get3A_567 = arith.index_cast %scan3A_23 : i32 to index
      %get3A_568 = arith.constant 400 : index
      %get3A_569 = tpu.vector_load %arg11[%get3A_567, %get3A_568] {strides = array<i32>} : memref<32x768xf32, #tpu.memory_space<vmem>>, vector<1x16xf32>,
      %get3A_570 = vector.shape_cast %get3A_569 : vector<1x16xf32> to vector<16xf32>
      %add3A_571 = arith.addf %add3A_566, %get3A_570 : vector<16xf32>
      %swap3A_572 = arith.index_cast %scan3A_23 : i32 to index
      %swap3A_573 = arith.constant 400 : index
      %swap3A_574 = tpu.vector_load %arg12[%swap3A_572, %swap3A_573] {strides = array<i32>} : memref<32x768xf32, #tpu.memory_space<vmem>>, vector<1x16xf32>,
      %swap3A_575 = vector.shape_cast %swap3A_574 : vector<1x16xf32> to vector<16xf32>
      %swap3A_576 = vector.shape_cast %add3A_571 : vector<16xf32> to vector<1x16xf32>
      tpu.vector_store %arg12[%swap3A_572, %swap3A_573], %swap3A_576 {strides = array<i32>} : memref<32x768xf32, #tpu.memory_space<vmem>>, vector<1x16xf32>,
      %get3A_577 = arith.index_cast %scan3A_23 : i32 to index
      %get3A_578 = arith.constant 416 : index
      %get3A_579 = tpu.vector_load %arg9[%get3A_577, %get3A_578] {strides = array<i32>} : memref<32x768xf32, #tpu.memory_space<vmem>>, vector<1x16xf32>,
      %get3A_580 = vector.shape_cast %get3A_579 : vector<1x16xf32> to vector<16xf32>
      %mul3A_581 = arith.mulf %get3A_27, %get3A_580 : vector<16xf32>
      %get3A_582 = arith.index_cast %scan3A_23 : i32 to index
      %get3A_583 = arith.constant 416 : index
      %get3A_584 = tpu.vector_load %arg10[%get3A_582, %get3A_583] {strides = array<i32>} : memref<32x768xf32, #tpu.memory_space<vmem>>, vector<1x16xf32>,
      %get3A_585 = vector.shape_cast %get3A_584 : vector<1x16xf32> to vector<16xf32>
      %mul3A_586 = arith.mulf %get3A_31, %get3A_585 : vector<16xf32>
      %add3A_587 = arith.addf %mul3A_581, %mul3A_586 : vector<16xf32>
      %get3A_588 = arith.index_cast %scan3A_23 : i32 to index
      %get3A_589 = arith.constant 416 : index
      %get3A_590 = tpu.vector_load %arg11[%get3A_588, %get3A_589] {strides = array<i32>} : memref<32x768xf32, #tpu.memory_space<vmem>>, vector<1x16xf32>,
      %get3A_591 = vector.shape_cast %get3A_590 : vector<1x16xf32> to vector<16xf32>
      %add3A_592 = arith.addf %add3A_587, %get3A_591 : vector<16xf32>
      %swap3A_593 = arith.index_cast %scan3A_23 : i32 to index
      %swap3A_594 = arith.constant 416 : index
      %swap3A_595 = tpu.vector_load %arg12[%swap3A_593, %swap3A_594] {strides = array<i32>} : memref<32x768xf32, #tpu.memory_space<vmem>>, vector<1x16xf32>,
      %swap3A_596 = vector.shape_cast %swap3A_595 : vector<1x16xf32> to vector<16xf32>
      %swap3A_597 = vector.shape_cast %add3A_592 : vector<16xf32> to vector<1x16xf32>
      tpu.vector_store %arg12[%swap3A_593, %swap3A_594], %swap3A_597 {strides = array<i32>} : memref<32x768xf32, #tpu.memory_space<vmem>>, vector<1x16xf32>,
      %get3A_598 = arith.index_cast %scan3A_23 : i32 to index
      %get3A_599 = arith.constant 432 : index
      %get3A_600 = tpu.vector_load %arg9[%get3A_598, %get3A_599] {strides = array<i32>} : memref<32x768xf32, #tpu.memory_space<vmem>>, vector<1x16xf32>,
      %get3A_601 = vector.shape_cast %get3A_600 : vector<1x16xf32> to vector<16xf32>
      %mul3A_602 = arith.mulf %get3A_27, %get3A_601 : vector<16xf32>
      %get3A_603 = arith.index_cast %scan3A_23 : i32 to index
      %get3A_604 = arith.constant 432 : index
      %get3A_605 = tpu.vector_load %arg10[%get3A_603, %get3A_604] {strides = array<i32>} : memref<32x768xf32, #tpu.memory_space<vmem>>, vector<1x16xf32>,
      %get3A_606 = vector.shape_cast %get3A_605 : vector<1x16xf32> to vector<16xf32>
      %mul3A_607 = arith.mulf %get3A_31, %get3A_606 : vector<16xf32>
      %add3A_608 = arith.addf %mul3A_602, %mul3A_607 : vector<16xf32>
      %get3A_609 = arith.index_cast %scan3A_23 : i32 to index
      %get3A_610 = arith.constant 432 : index
      %get3A_611 = tpu.vector_load %arg11[%get3A_609, %get3A_610] {strides = array<i32>} : memref<32x768xf32, #tpu.memory_space<vmem>>, vector<1x16xf32>,
      %get3A_612 = vector.shape_cast %get3A_611 : vector<1x16xf32> to vector<16xf32>
      %add3A_613 = arith.addf %add3A_608, %get3A_612 : vector<16xf32>
      %swap3A_614 = arith.index_cast %scan3A_23 : i32 to index
      %swap3A_615 = arith.constant 432 : index
      %swap3A_616 = tpu.vector_load %arg12[%swap3A_614, %swap3A_615] {strides = array<i32>} : memref<32x768xf32, #tpu.memory_space<vmem>>, vector<1x16xf32>,
      %swap3A_617 = vector.shape_cast %swap3A_616 : vector<1x16xf32> to vector<16xf32>
      %swap3A_618 = vector.shape_cast %add3A_613 : vector<16xf32> to vector<1x16xf32>
      tpu.vector_store %arg12[%swap3A_614, %swap3A_615], %swap3A_618 {strides = array<i32>} : memref<32x768xf32, #tpu.memory_space<vmem>>, vector<1x16xf32>,
      %get3A_619 = arith.index_cast %scan3A_23 : i32 to index
      %get3A_620 = arith.constant 448 : index
      %get3A_621 = tpu.vector_load %arg9[%get3A_619, %get3A_620] {strides = array<i32>} : memref<32x768xf32, #tpu.memory_space<vmem>>, vector<1x16xf32>,
      %get3A_622 = vector.shape_cast %get3A_621 : vector<1x16xf32> to vector<16xf32>
      %mul3A_623 = arith.mulf %get3A_27, %get3A_622 : vector<16xf32>
      %get3A_624 = arith.index_cast %scan3A_23 : i32 to index
      %get3A_625 = arith.constant 448 : index
      %get3A_626 = tpu.vector_load %arg10[%get3A_624, %get3A_625] {strides = array<i32>} : memref<32x768xf32, #tpu.memory_space<vmem>>, vector<1x16xf32>,
      %get3A_627 = vector.shape_cast %get3A_626 : vector<1x16xf32> to vector<16xf32>
      %mul3A_628 = arith.mulf %get3A_31, %get3A_627 : vector<16xf32>
      %add3A_629 = arith.addf %mul3A_623, %mul3A_628 : vector<16xf32>
      %get3A_630 = arith.index_cast %scan3A_23 : i32 to index
      %get3A_631 = arith.constant 448 : index
      %get3A_632 = tpu.vector_load %arg11[%get3A_630, %get3A_631] {strides = array<i32>} : memref<32x768xf32, #tpu.memory_space<vmem>>, vector<1x16xf32>,
      %get3A_633 = vector.shape_cast %get3A_632 : vector<1x16xf32> to vector<16xf32>
      %add3A_634 = arith.addf %add3A_629, %get3A_633 : vector<16xf32>
      %swap3A_635 = arith.index_cast %scan3A_23 : i32 to index
      %swap3A_636 = arith.constant 448 : index
      %swap3A_637 = tpu.vector_load %arg12[%swap3A_635, %swap3A_636] {strides = array<i32>} : memref<32x768xf32, #tpu.memory_space<vmem>>, vector<1x16xf32>,
      %swap3A_638 = vector.shape_cast %swap3A_637 : vector<1x16xf32> to vector<16xf32>
      %swap3A_639 = vector.shape_cast %add3A_634 : vector<16xf32> to vector<1x16xf32>
      tpu.vector_store %arg12[%swap3A_635, %swap3A_636], %swap3A_639 {strides = array<i32>} : memref<32x768xf32, #tpu.memory_space<vmem>>, vector<1x16xf32>,
      %get3A_640 = arith.index_cast %scan3A_23 : i32 to index
      %get3A_641 = arith.constant 464 : index
      %get3A_642 = tpu.vector_load %arg9[%get3A_640, %get3A_641] {strides = array<i32>} : memref<32x768xf32, #tpu.memory_space<vmem>>, vector<1x16xf32>,
      %get3A_643 = vector.shape_cast %get3A_642 : vector<1x16xf32> to vector<16xf32>
      %mul3A_644 = arith.mulf %get3A_27, %get3A_643 : vector<16xf32>
      %get3A_645 = arith.index_cast %scan3A_23 : i32 to index
      %get3A_646 = arith.constant 464 : index
      %get3A_647 = tpu.vector_load %arg10[%get3A_645, %get3A_646] {strides = array<i32>} : memref<32x768xf32, #tpu.memory_space<vmem>>, vector<1x16xf32>,
      %get3A_648 = vector.shape_cast %get3A_647 : vector<1x16xf32> to vector<16xf32>
      %mul3A_649 = arith.mulf %get3A_31, %get3A_648 : vector<16xf32>
      %add3A_650 = arith.addf %mul3A_644, %mul3A_649 : vector<16xf32>
      %get3A_651 = arith.index_cast %scan3A_23 : i32 to index
      %get3A_652 = arith.constant 464 : index
      %get3A_653 = tpu.vector_load %arg11[%get3A_651, %get3A_652] {strides = array<i32>} : memref<32x768xf32, #tpu.memory_space<vmem>>, vector<1x16xf32>,
      %get3A_654 = vector.shape_cast %get3A_653 : vector<1x16xf32> to vector<16xf32>
      %add3A_655 = arith.addf %add3A_650, %get3A_654 : vector<16xf32>
      %swap3A_656 = arith.index_cast %scan3A_23 : i32 to index
      %swap3A_657 = arith.constant 464 : index
      %swap3A_658 = tpu.vector_load %arg12[%swap3A_656, %swap3A_657] {strides = array<i32>} : memref<32x768xf32, #tpu.memory_space<vmem>>, vector<1x16xf32>,
      %swap3A_659 = vector.shape_cast %swap3A_658 : vector<1x16xf32> to vector<16xf32>
      %swap3A_660 = vector.shape_cast %add3A_655 : vector<16xf32> to vector<1x16xf32>
      tpu.vector_store %arg12[%swap3A_656, %swap3A_657], %swap3A_660 {strides = array<i32>} : memref<32x768xf32, #tpu.memory_space<vmem>>, vector<1x16xf32>,
      %get3A_661 = arith.index_cast %scan3A_23 : i32 to index
      %get3A_662 = arith.constant 480 : index
      %get3A_663 = tpu.vector_load %arg9[%get3A_661, %get3A_662] {strides = array<i32>} : memref<32x768xf32, #tpu.memory_space<vmem>>, vector<1x16xf32>,
      %get3A_664 = vector.shape_cast %get3A_663 : vector<1x16xf32> to vector<16xf32>
      %mul3A_665 = arith.mulf %get3A_27, %get3A_664 : vector<16xf32>
      %get3A_666 = arith.index_cast %scan3A_23 : i32 to index
      %get3A_667 = arith.constant 480 : index
      %get3A_668 = tpu.vector_load %arg10[%get3A_666, %get3A_667] {strides = array<i32>} : memref<32x768xf32, #tpu.memory_space<vmem>>, vector<1x16xf32>,
      %get3A_669 = vector.shape_cast %get3A_668 : vector<1x16xf32> to vector<16xf32>
      %mul3A_670 = arith.mulf %get3A_31, %get3A_669 : vector<16xf32>
      %add3A_671 = arith.addf %mul3A_665, %mul3A_670 : vector<16xf32>
      %get3A_672 = arith.index_cast %scan3A_23 : i32 to index
      %get3A_673 = arith.constant 480 : index
      %get3A_674 = tpu.vector_load %arg11[%get3A_672, %get3A_673] {strides = array<i32>} : memref<32x768xf32, #tpu.memory_space<vmem>>, vector<1x16xf32>,
      %get3A_675 = vector.shape_cast %get3A_674 : vector<1x16xf32> to vector<16xf32>
      %add3A_676 = arith.addf %add3A_671, %get3A_675 : vector<16xf32>
      %swap3A_677 = arith.index_cast %scan3A_23 : i32 to index
      %swap3A_678 = arith.constant 480 : index
      %swap3A_679 = tpu.vector_load %arg12[%swap3A_677, %swap3A_678] {strides = array<i32>} : memref<32x768xf32, #tpu.memory_space<vmem>>, vector<1x16xf32>,
      %swap3A_680 = vector.shape_cast %swap3A_679 : vector<1x16xf32> to vector<16xf32>
      %swap3A_681 = vector.shape_cast %add3A_676 : vector<16xf32> to vector<1x16xf32>
      tpu.vector_store %arg12[%swap3A_677, %swap3A_678], %swap3A_681 {strides = array<i32>} : memref<32x768xf32, #tpu.memory_space<vmem>>, vector<1x16xf32>,
      %get3A_682 = arith.index_cast %scan3A_23 : i32 to index
      %get3A_683 = arith.constant 496 : index
      %get3A_684 = tpu.vector_load %arg9[%get3A_682, %get3A_683] {strides = array<i32>} : memref<32x768xf32, #tpu.memory_space<vmem>>, vector<1x16xf32>,
      %get3A_685 = vector.shape_cast %get3A_684 : vector<1x16xf32> to vector<16xf32>
      %mul3A_686 = arith.mulf %get3A_27, %get3A_685 : vector<16xf32>
      %get3A_687 = arith.index_cast %scan3A_23 : i32 to index
      %get3A_688 = arith.constant 496 : index
      %get3A_689 = tpu.vector_load %arg10[%get3A_687, %get3A_688] {strides = array<i32>} : memref<32x768xf32, #tpu.memory_space<vmem>>, vector<1x16xf32>,
      %get3A_690 = vector.shape_cast %get3A_689 : vector<1x16xf32> to vector<16xf32>
      %mul3A_691 = arith.mulf %get3A_31, %get3A_690 : vector<16xf32>
      %add3A_692 = arith.addf %mul3A_686, %mul3A_691 : vector<16xf32>
      %get3A_693 = arith.index_cast %scan3A_23 : i32 to index
      %get3A_694 = arith.constant 496 : index
      %get3A_695 = tpu.vector_load %arg11[%get3A_693, %get3A_694] {strides = array<i32>} : memref<32x768xf32, #tpu.memory_space<vmem>>, vector<1x16xf32>,
      %get3A_696 = vector.shape_cast %get3A_695 : vector<1x16xf32> to vector<16xf32>
      %add3A_697 = arith.addf %add3A_692, %get3A_696 : vector<16xf32>
      %swap3A_698 = arith.index_cast %scan3A_23 : i32 to index
      %swap3A_699 = arith.constant 496 : index
      %swap3A_700 = tpu.vector_load %arg12[%swap3A_698, %swap3A_699] {strides = array<i32>} : memref<32x768xf32, #tpu.memory_space<vmem>>, vector<1x16xf32>,
      %swap3A_701 = vector.shape_cast %swap3A_700 : vector<1x16xf32> to vector<16xf32>
      %swap3A_702 = vector.shape_cast %add3A_697 : vector<16xf32> to vector<1x16xf32>
      tpu.vector_store %arg12[%swap3A_698, %swap3A_699], %swap3A_702 {strides = array<i32>} : memref<32x768xf32, #tpu.memory_space<vmem>>, vector<1x16xf32>,
      %get3A_703 = arith.index_cast %scan3A_23 : i32 to index
      %get3A_704 = arith.constant 512 : index
      %get3A_705 = tpu.vector_load %arg9[%get3A_703, %get3A_704] {strides = array<i32>} : memref<32x768xf32, #tpu.memory_space<vmem>>, vector<1x16xf32>,
      %get3A_706 = vector.shape_cast %get3A_705 : vector<1x16xf32> to vector<16xf32>
      %mul3A_707 = arith.mulf %get3A_27, %get3A_706 : vector<16xf32>
      %get3A_708 = arith.index_cast %scan3A_23 : i32 to index
      %get3A_709 = arith.constant 512 : index
      %get3A_710 = tpu.vector_load %arg10[%get3A_708, %get3A_709] {strides = array<i32>} : memref<32x768xf32, #tpu.memory_space<vmem>>, vector<1x16xf32>,
      %get3A_711 = vector.shape_cast %get3A_710 : vector<1x16xf32> to vector<16xf32>
      %mul3A_712 = arith.mulf %get3A_31, %get3A_711 : vector<16xf32>
      %add3A_713 = arith.addf %mul3A_707, %mul3A_712 : vector<16xf32>
      %get3A_714 = arith.index_cast %scan3A_23 : i32 to index
      %get3A_715 = arith.constant 512 : index
      %get3A_716 = tpu.vector_load %arg11[%get3A_714, %get3A_715] {strides = array<i32>} : memref<32x768xf32, #tpu.memory_space<vmem>>, vector<1x16xf32>,
      %get3A_717 = vector.shape_cast %get3A_716 : vector<1x16xf32> to vector<16xf32>
      %add3A_718 = arith.addf %add3A_713, %get3A_717 : vector<16xf32>
      %swap3A_719 = arith.index_cast %scan3A_23 : i32 to index
      %swap3A_720 = arith.constant 512 : index
      %swap3A_721 = tpu.vector_load %arg12[%swap3A_719, %swap3A_720] {strides = array<i32>} : memref<32x768xf32, #tpu.memory_space<vmem>>, vector<1x16xf32>,
      %swap3A_722 = vector.shape_cast %swap3A_721 : vector<1x16xf32> to vector<16xf32>
      %swap3A_723 = vector.shape_cast %add3A_718 : vector<16xf32> to vector<1x16xf32>
      tpu.vector_store %arg12[%swap3A_719, %swap3A_720], %swap3A_723 {strides = array<i32>} : memref<32x768xf32, #tpu.memory_space<vmem>>, vector<1x16xf32>,
      %get3A_724 = arith.index_cast %scan3A_23 : i32 to index
      %get3A_725 = arith.constant 528 : index
      %get3A_726 = tpu.vector_load %arg9[%get3A_724, %get3A_725] {strides = array<i32>} : memref<32x768xf32, #tpu.memory_space<vmem>>, vector<1x16xf32>,
      %get3A_727 = vector.shape_cast %get3A_726 : vector<1x16xf32> to vector<16xf32>
      %mul3A_728 = arith.mulf %get3A_27, %get3A_727 : vector<16xf32>
      %get3A_729 = arith.index_cast %scan3A_23 : i32 to index
      %get3A_730 = arith.constant 528 : index
      %get3A_731 = tpu.vector_load %arg10[%get3A_729, %get3A_730] {strides = array<i32>} : memref<32x768xf32, #tpu.memory_space<vmem>>, vector<1x16xf32>,
      %get3A_732 = vector.shape_cast %get3A_731 : vector<1x16xf32> to vector<16xf32>
      %mul3A_733 = arith.mulf %get3A_31, %get3A_732 : vector<16xf32>
      %add3A_734 = arith.addf %mul3A_728, %mul3A_733 : vector<16xf32>
      %get3A_735 = arith.index_cast %scan3A_23 : i32 to index
      %get3A_736 = arith.constant 528 : index
      %get3A_737 = tpu.vector_load %arg11[%get3A_735, %get3A_736] {strides = array<i32>} : memref<32x768xf32, #tpu.memory_space<vmem>>, vector<1x16xf32>,
      %get3A_738 = vector.shape_cast %get3A_737 : vector<1x16xf32> to vector<16xf32>
      %add3A_739 = arith.addf %add3A_734, %get3A_738 : vector<16xf32>
      %swap3A_740 = arith.index_cast %scan3A_23 : i32 to index
      %swap3A_741 = arith.constant 528 : index
      %swap3A_742 = tpu.vector_load %arg12[%swap3A_740, %swap3A_741] {strides = array<i32>} : memref<32x768xf32, #tpu.memory_space<vmem>>, vector<1x16xf32>,
      %swap3A_743 = vector.shape_cast %swap3A_742 : vector<1x16xf32> to vector<16xf32>
      %swap3A_744 = vector.shape_cast %add3A_739 : vector<16xf32> to vector<1x16xf32>
      tpu.vector_store %arg12[%swap3A_740, %swap3A_741], %swap3A_744 {strides = array<i32>} : memref<32x768xf32, #tpu.memory_space<vmem>>, vector<1x16xf32>,
      %get3A_745 = arith.index_cast %scan3A_23 : i32 to index
      %get3A_746 = arith.constant 544 : index
      %get3A_747 = tpu.vector_load %arg9[%get3A_745, %get3A_746] {strides = array<i32>} : memref<32x768xf32, #tpu.memory_space<vmem>>, vector<1x16xf32>,
      %get3A_748 = vector.shape_cast %get3A_747 : vector<1x16xf32> to vector<16xf32>
      %mul3A_749 = arith.mulf %get3A_27, %get3A_748 : vector<16xf32>
      %get3A_750 = arith.index_cast %scan3A_23 : i32 to index
      %get3A_751 = arith.constant 544 : index
      %get3A_752 = tpu.vector_load %arg10[%get3A_750, %get3A_751] {strides = array<i32>} : memref<32x768xf32, #tpu.memory_space<vmem>>, vector<1x16xf32>,
      %get3A_753 = vector.shape_cast %get3A_752 : vector<1x16xf32> to vector<16xf32>
      %mul3A_754 = arith.mulf %get3A_31, %get3A_753 : vector<16xf32>
      %add3A_755 = arith.addf %mul3A_749, %mul3A_754 : vector<16xf32>
      %get3A_756 = arith.index_cast %scan3A_23 : i32 to index
      %get3A_757 = arith.constant 544 : index
      %get3A_758 = tpu.vector_load %arg11[%get3A_756, %get3A_757] {strides = array<i32>} : memref<32x768xf32, #tpu.memory_space<vmem>>, vector<1x16xf32>,
      %get3A_759 = vector.shape_cast %get3A_758 : vector<1x16xf32> to vector<16xf32>
      %add3A_760 = arith.addf %add3A_755, %get3A_759 : vector<16xf32>
      %swap3A_761 = arith.index_cast %scan3A_23 : i32 to index
      %swap3A_762 = arith.constant 544 : index
      %swap3A_763 = tpu.vector_load %arg12[%swap3A_761, %swap3A_762] {strides = array<i32>} : memref<32x768xf32, #tpu.memory_space<vmem>>, vector<1x16xf32>,
      %swap3A_764 = vector.shape_cast %swap3A_763 : vector<1x16xf32> to vector<16xf32>
      %swap3A_765 = vector.shape_cast %add3A_760 : vector<16xf32> to vector<1x16xf32>
      tpu.vector_store %arg12[%swap3A_761, %swap3A_762], %swap3A_765 {strides = array<i32>} : memref<32x768xf32, #tpu.memory_space<vmem>>, vector<1x16xf32>,
      %get3A_766 = arith.index_cast %scan3A_23 : i32 to index
      %get3A_767 = arith.constant 560 : index
      %get3A_768 = tpu.vector_load %arg9[%get3A_766, %get3A_767] {strides = array<i32>} : memref<32x768xf32, #tpu.memory_space<vmem>>, vector<1x16xf32>,
      %get3A_769 = vector.shape_cast %get3A_768 : vector<1x16xf32> to vector<16xf32>
      %mul3A_770 = arith.mulf %get3A_27, %get3A_769 : vector<16xf32>
      %get3A_771 = arith.index_cast %scan3A_23 : i32 to index
      %get3A_772 = arith.constant 560 : index
      %get3A_773 = tpu.vector_load %arg10[%get3A_771, %get3A_772] {strides = array<i32>} : memref<32x768xf32, #tpu.memory_space<vmem>>, vector<1x16xf32>,
      %get3A_774 = vector.shape_cast %get3A_773 : vector<1x16xf32> to vector<16xf32>
      %mul3A_775 = arith.mulf %get3A_31, %get3A_774 : vector<16xf32>
      %add3A_776 = arith.addf %mul3A_770, %mul3A_775 : vector<16xf32>
      %get3A_777 = arith.index_cast %scan3A_23 : i32 to index
      %get3A_778 = arith.constant 560 : index
      %get3A_779 = tpu.vector_load %arg11[%get3A_777, %get3A_778] {strides = array<i32>} : memref<32x768xf32, #tpu.memory_space<vmem>>, vector<1x16xf32>,
      %get3A_780 = vector.shape_cast %get3A_779 : vector<1x16xf32> to vector<16xf32>
      %add3A_781 = arith.addf %add3A_776, %get3A_780 : vector<16xf32>
      %swap3A_782 = arith.index_cast %scan3A_23 : i32 to index
      %swap3A_783 = arith.constant 560 : index
      %swap3A_784 = tpu.vector_load %arg12[%swap3A_782, %swap3A_783] {strides = array<i32>} : memref<32x768xf32, #tpu.memory_space<vmem>>, vector<1x16xf32>,
      %swap3A_785 = vector.shape_cast %swap3A_784 : vector<1x16xf32> to vector<16xf32>
      %swap3A_786 = vector.shape_cast %add3A_781 : vector<16xf32> to vector<1x16xf32>
      tpu.vector_store %arg12[%swap3A_782, %swap3A_783], %swap3A_786 {strides = array<i32>} : memref<32x768xf32, #tpu.memory_space<vmem>>, vector<1x16xf32>,
      %get3A_787 = arith.index_cast %scan3A_23 : i32 to index
      %get3A_788 = arith.constant 576 : index
      %get3A_789 = tpu.vector_load %arg9[%get3A_787, %get3A_788] {strides = array<i32>} : memref<32x768xf32, #tpu.memory_space<vmem>>, vector<1x16xf32>,
      %get3A_790 = vector.shape_cast %get3A_789 : vector<1x16xf32> to vector<16xf32>
      %mul3A_791 = arith.mulf %get3A_27, %get3A_790 : vector<16xf32>
      %get3A_792 = arith.index_cast %scan3A_23 : i32 to index
      %get3A_793 = arith.constant 576 : index
      %get3A_794 = tpu.vector_load %arg10[%get3A_792, %get3A_793] {strides = array<i32>} : memref<32x768xf32, #tpu.memory_space<vmem>>, vector<1x16xf32>,
      %get3A_795 = vector.shape_cast %get3A_794 : vector<1x16xf32> to vector<16xf32>
      %mul3A_796 = arith.mulf %get3A_31, %get3A_795 : vector<16xf32>
      %add3A_797 = arith.addf %mul3A_791, %mul3A_796 : vector<16xf32>
      %get3A_798 = arith.index_cast %scan3A_23 : i32 to index
      %get3A_799 = arith.constant 576 : index
      %get3A_800 = tpu.vector_load %arg11[%get3A_798, %get3A_799] {strides = array<i32>} : memref<32x768xf32, #tpu.memory_space<vmem>>, vector<1x16xf32>,
      %get3A_801 = vector.shape_cast %get3A_800 : vector<1x16xf32> to vector<16xf32>
      %add3A_802 = arith.addf %add3A_797, %get3A_801 : vector<16xf32>
      %swap3A_803 = arith.index_cast %scan3A_23 : i32 to index
      %swap3A_804 = arith.constant 576 : index
      %swap3A_805 = tpu.vector_load %arg12[%swap3A_803, %swap3A_804] {strides = array<i32>} : memref<32x768xf32, #tpu.memory_space<vmem>>, vector<1x16xf32>,
      %swap3A_806 = vector.shape_cast %swap3A_805 : vector<1x16xf32> to vector<16xf32>
      %swap3A_807 = vector.shape_cast %add3A_802 : vector<16xf32> to vector<1x16xf32>
      tpu.vector_store %arg12[%swap3A_803, %swap3A_804], %swap3A_807 {strides = array<i32>} : memref<32x768xf32, #tpu.memory_space<vmem>>, vector<1x16xf32>,
      %get3A_808 = arith.index_cast %scan3A_23 : i32 to index
      %get3A_809 = arith.constant 592 : index
      %get3A_810 = tpu.vector_load %arg9[%get3A_808, %get3A_809] {strides = array<i32>} : memref<32x768xf32, #tpu.memory_space<vmem>>, vector<1x16xf32>,
      %get3A_811 = vector.shape_cast %get3A_810 : vector<1x16xf32> to vector<16xf32>
      %mul3A_812 = arith.mulf %get3A_27, %get3A_811 : vector<16xf32>
      %get3A_813 = arith.index_cast %scan3A_23 : i32 to index
      %get3A_814 = arith.constant 592 : index
      %get3A_815 = tpu.vector_load %arg10[%get3A_813, %get3A_814] {strides = array<i32>} : memref<32x768xf32, #tpu.memory_space<vmem>>, vector<1x16xf32>,
      %get3A_816 = vector.shape_cast %get3A_815 : vector<1x16xf32> to vector<16xf32>
      %mul3A_817 = arith.mulf %get3A_31, %get3A_816 : vector<16xf32>
      %add3A_818 = arith.addf %mul3A_812, %mul3A_817 : vector<16xf32>
      %get3A_819 = arith.index_cast %scan3A_23 : i32 to index
      %get3A_820 = arith.constant 592 : index
      %get3A_821 = tpu.vector_load %arg11[%get3A_819, %get3A_820] {strides = array<i32>} : memref<32x768xf32, #tpu.memory_space<vmem>>, vector<1x16xf32>,
      %get3A_822 = vector.shape_cast %get3A_821 : vector<1x16xf32> to vector<16xf32>
      %add3A_823 = arith.addf %add3A_818, %get3A_822 : vector<16xf32>
      %swap3A_824 = arith.index_cast %scan3A_23 : i32 to index
      %swap3A_825 = arith.constant 592 : index
      %swap3A_826 = tpu.vector_load %arg12[%swap3A_824, %swap3A_825] {strides = array<i32>} : memref<32x768xf32, #tpu.memory_space<vmem>>, vector<1x16xf32>,
      %swap3A_827 = vector.shape_cast %swap3A_826 : vector<1x16xf32> to vector<16xf32>
      %swap3A_828 = vector.shape_cast %add3A_823 : vector<16xf32> to vector<1x16xf32>
      tpu.vector_store %arg12[%swap3A_824, %swap3A_825], %swap3A_828 {strides = array<i32>} : memref<32x768xf32, #tpu.memory_space<vmem>>, vector<1x16xf32>,
      %get3A_829 = arith.index_cast %scan3A_23 : i32 to index
      %get3A_830 = arith.constant 608 : index
      %get3A_831 = tpu.vector_load %arg9[%get3A_829, %get3A_830] {strides = array<i32>} : memref<32x768xf32, #tpu.memory_space<vmem>>, vector<1x16xf32>,
      %get3A_832 = vector.shape_cast %get3A_831 : vector<1x16xf32> to vector<16xf32>
      %mul3A_833 = arith.mulf %get3A_27, %get3A_832 : vector<16xf32>
      %get3A_834 = arith.index_cast %scan3A_23 : i32 to index
      %get3A_835 = arith.constant 608 : index
      %get3A_836 = tpu.vector_load %arg10[%get3A_834, %get3A_835] {strides = array<i32>} : memref<32x768xf32, #tpu.memory_space<vmem>>, vector<1x16xf32>,
      %get3A_837 = vector.shape_cast %get3A_836 : vector<1x16xf32> to vector<16xf32>
      %mul3A_838 = arith.mulf %get3A_31, %get3A_837 : vector<16xf32>
      %add3A_839 = arith.addf %mul3A_833, %mul3A_838 : vector<16xf32>
      %get3A_840 = arith.index_cast %scan3A_23 : i32 to index
      %get3A_841 = arith.constant 608 : index
      %get3A_842 = tpu.vector_load %arg11[%get3A_840, %get3A_841] {strides = array<i32>} : memref<32x768xf32, #tpu.memory_space<vmem>>, vector<1x16xf32>,
      %get3A_843 = vector.shape_cast %get3A_842 : vector<1x16xf32> to vector<16xf32>
      %add3A_844 = arith.addf %add3A_839, %get3A_843 : vector<16xf32>
      %swap3A_845 = arith.index_cast %scan3A_23 : i32 to index
      %swap3A_846 = arith.constant 608 : index
      %swap3A_847 = tpu.vector_load %arg12[%swap3A_845, %swap3A_846] {strides = array<i32>} : memref<32x768xf32, #tpu.memory_space<vmem>>, vector<1x16xf32>,
      %swap3A_848 = vector.shape_cast %swap3A_847 : vector<1x16xf32> to vector<16xf32>
      %swap3A_849 = vector.shape_cast %add3A_844 : vector<16xf32> to vector<1x16xf32>
      tpu.vector_store %arg12[%swap3A_845, %swap3A_846], %swap3A_849 {strides = array<i32>} : memref<32x768xf32, #tpu.memory_space<vmem>>, vector<1x16xf32>,
      %get3A_850 = arith.index_cast %scan3A_23 : i32 to index
      %get3A_851 = arith.constant 624 : index
      %get3A_852 = tpu.vector_load %arg9[%get3A_850, %get3A_851] {strides = array<i32>} : memref<32x768xf32, #tpu.memory_space<vmem>>, vector<1x16xf32>,
      %get3A_853 = vector.shape_cast %get3A_852 : vector<1x16xf32> to vector<16xf32>
      %mul3A_854 = arith.mulf %get3A_27, %get3A_853 : vector<16xf32>
      %get3A_855 = arith.index_cast %scan3A_23 : i32 to index
      %get3A_856 = arith.constant 624 : index
      %get3A_857 = tpu.vector_load %arg10[%get3A_855, %get3A_856] {strides = array<i32>} : memref<32x768xf32, #tpu.memory_space<vmem>>, vector<1x16xf32>,
      %get3A_858 = vector.shape_cast %get3A_857 : vector<1x16xf32> to vector<16xf32>
      %mul3A_859 = arith.mulf %get3A_31, %get3A_858 : vector<16xf32>
      %add3A_860 = arith.addf %mul3A_854, %mul3A_859 : vector<16xf32>
      %get3A_861 = arith.index_cast %scan3A_23 : i32 to index
      %get3A_862 = arith.constant 624 : index
      %get3A_863 = tpu.vector_load %arg11[%get3A_861, %get3A_862] {strides = array<i32>} : memref<32x768xf32, #tpu.memory_space<vmem>>, vector<1x16xf32>,
      %get3A_864 = vector.shape_cast %get3A_863 : vector<1x16xf32> to vector<16xf32>
      %add3A_865 = arith.addf %add3A_860, %get3A_864 : vector<16xf32>
      %swap3A_866 = arith.index_cast %scan3A_23 : i32 to index
      %swap3A_867 = arith.constant 624 : index
      %swap3A_868 = tpu.vector_load %arg12[%swap3A_866, %swap3A_867] {strides = array<i32>} : memref<32x768xf32, #tpu.memory_space<vmem>>, vector<1x16xf32>,
      %swap3A_869 = vector.shape_cast %swap3A_868 : vector<1x16xf32> to vector<16xf32>
      %swap3A_870 = vector.shape_cast %add3A_865 : vector<16xf32> to vector<1x16xf32>
      tpu.vector_store %arg12[%swap3A_866, %swap3A_867], %swap3A_870 {strides = array<i32>} : memref<32x768xf32, #tpu.memory_space<vmem>>, vector<1x16xf32>,
      %get3A_871 = arith.index_cast %scan3A_23 : i32 to index
      %get3A_872 = arith.constant 640 : index
      %get3A_873 = tpu.vector_load %arg9[%get3A_871, %get3A_872] {strides = array<i32>} : memref<32x768xf32, #tpu.memory_space<vmem>>, vector<1x16xf32>,
      %get3A_874 = vector.shape_cast %get3A_873 : vector<1x16xf32> to vector<16xf32>
      %mul3A_875 = arith.mulf %get3A_27, %get3A_874 : vector<16xf32>
      %get3A_876 = arith.index_cast %scan3A_23 : i32 to index
      %get3A_877 = arith.constant 640 : index
      %get3A_878 = tpu.vector_load %arg10[%get3A_876, %get3A_877] {strides = array<i32>} : memref<32x768xf32, #tpu.memory_space<vmem>>, vector<1x16xf32>,
      %get3A_879 = vector.shape_cast %get3A_878 : vector<1x16xf32> to vector<16xf32>
      %mul3A_880 = arith.mulf %get3A_31, %get3A_879 : vector<16xf32>
      %add3A_881 = arith.addf %mul3A_875, %mul3A_880 : vector<16xf32>
      %get3A_882 = arith.index_cast %scan3A_23 : i32 to index
      %get3A_883 = arith.constant 640 : index
      %get3A_884 = tpu.vector_load %arg11[%get3A_882, %get3A_883] {strides = array<i32>} : memref<32x768xf32, #tpu.memory_space<vmem>>, vector<1x16xf32>,
      %get3A_885 = vector.shape_cast %get3A_884 : vector<1x16xf32> to vector<16xf32>
      %add3A_886 = arith.addf %add3A_881, %get3A_885 : vector<16xf32>
      %swap3A_887 = arith.index_cast %scan3A_23 : i32 to index
      %swap3A_888 = arith.constant 640 : index
      %swap3A_889 = tpu.vector_load %arg12[%swap3A_887, %swap3A_888] {strides = array<i32>} : memref<32x768xf32, #tpu.memory_space<vmem>>, vector<1x16xf32>,
      %swap3A_890 = vector.shape_cast %swap3A_889 : vector<1x16xf32> to vector<16xf32>
      %swap3A_891 = vector.shape_cast %add3A_886 : vector<16xf32> to vector<1x16xf32>
      tpu.vector_store %arg12[%swap3A_887, %swap3A_888], %swap3A_891 {strides = array<i32>} : memref<32x768xf32, #tpu.memory_space<vmem>>, vector<1x16xf32>,
      %get3A_892 = arith.index_cast %scan3A_23 : i32 to index
      %get3A_893 = arith.constant 656 : index
      %get3A_894 = tpu.vector_load %arg9[%get3A_892, %get3A_893] {strides = array<i32>} : memref<32x768xf32, #tpu.memory_space<vmem>>, vector<1x16xf32>,
      %get3A_895 = vector.shape_cast %get3A_894 : vector<1x16xf32> to vector<16xf32>
      %mul3A_896 = arith.mulf %get3A_27, %get3A_895 : vector<16xf32>
      %get3A_897 = arith.index_cast %scan3A_23 : i32 to index
      %get3A_898 = arith.constant 656 : index
      %get3A_899 = tpu.vector_load %arg10[%get3A_897, %get3A_898] {strides = array<i32>} : memref<32x768xf32, #tpu.memory_space<vmem>>, vector<1x16xf32>,
      %get3A_900 = vector.shape_cast %get3A_899 : vector<1x16xf32> to vector<16xf32>
      %mul3A_901 = arith.mulf %get3A_31, %get3A_900 : vector<16xf32>
      %add3A_902 = arith.addf %mul3A_896, %mul3A_901 : vector<16xf32>
      %get3A_903 = arith.index_cast %scan3A_23 : i32 to index
      %get3A_904 = arith.constant 656 : index
      %get3A_905 = tpu.vector_load %arg11[%get3A_903, %get3A_904] {strides = array<i32>} : memref<32x768xf32, #tpu.memory_space<vmem>>, vector<1x16xf32>,
      %get3A_906 = vector.shape_cast %get3A_905 : vector<1x16xf32> to vector<16xf32>
      %add3A_907 = arith.addf %add3A_902, %get3A_906 : vector<16xf32>
      %swap3A_908 = arith.index_cast %scan3A_23 : i32 to index
      %swap3A_909 = arith.constant 656 : index
      %swap3A_910 = tpu.vector_load %arg12[%swap3A_908, %swap3A_909] {strides = array<i32>} : memref<32x768xf32, #tpu.memory_space<vmem>>, vector<1x16xf32>,
      %swap3A_911 = vector.shape_cast %swap3A_910 : vector<1x16xf32> to vector<16xf32>
      %swap3A_912 = vector.shape_cast %add3A_907 : vector<16xf32> to vector<1x16xf32>
      tpu.vector_store %arg12[%swap3A_908, %swap3A_909], %swap3A_912 {strides = array<i32>} : memref<32x768xf32, #tpu.memory_space<vmem>>, vector<1x16xf32>,
      %get3A_913 = arith.index_cast %scan3A_23 : i32 to index
      %get3A_914 = arith.constant 672 : index
      %get3A_915 = tpu.vector_load %arg9[%get3A_913, %get3A_914] {strides = array<i32>} : memref<32x768xf32, #tpu.memory_space<vmem>>, vector<1x16xf32>,
      %get3A_916 = vector.shape_cast %get3A_915 : vector<1x16xf32> to vector<16xf32>
      %mul3A_917 = arith.mulf %get3A_27, %get3A_916 : vector<16xf32>
      %get3A_918 = arith.index_cast %scan3A_23 : i32 to index
      %get3A_919 = arith.constant 672 : index
      %get3A_920 = tpu.vector_load %arg10[%get3A_918, %get3A_919] {strides = array<i32>} : memref<32x768xf32, #tpu.memory_space<vmem>>, vector<1x16xf32>,
      %get3A_921 = vector.shape_cast %get3A_920 : vector<1x16xf32> to vector<16xf32>
      %mul3A_922 = arith.mulf %get3A_31, %get3A_921 : vector<16xf32>
      %add3A_923 = arith.addf %mul3A_917, %mul3A_922 : vector<16xf32>
      %get3A_924 = arith.index_cast %scan3A_23 : i32 to index
      %get3A_925 = arith.constant 672 : index
      %get3A_926 = tpu.vector_load %arg11[%get3A_924, %get3A_925] {strides = array<i32>} : memref<32x768xf32, #tpu.memory_space<vmem>>, vector<1x16xf32>,
      %get3A_927 = vector.shape_cast %get3A_926 : vector<1x16xf32> to vector<16xf32>
      %add3A_928 = arith.addf %add3A_923, %get3A_927 : vector<16xf32>
      %swap3A_929 = arith.index_cast %scan3A_23 : i32 to index
      %swap3A_930 = arith.constant 672 : index
      %swap3A_931 = tpu.vector_load %arg12[%swap3A_929, %swap3A_930] {strides = array<i32>} : memref<32x768xf32, #tpu.memory_space<vmem>>, vector<1x16xf32>,
      %swap3A_932 = vector.shape_cast %swap3A_931 : vector<1x16xf32> to vector<16xf32>
      %swap3A_933 = vector.shape_cast %add3A_928 : vector<16xf32> to vector<1x16xf32>
      tpu.vector_store %arg12[%swap3A_929, %swap3A_930], %swap3A_933 {strides = array<i32>} : memref<32x768xf32, #tpu.memory_space<vmem>>, vector<1x16xf32>,
      %get3A_934 = arith.index_cast %scan3A_23 : i32 to index
      %get3A_935 = arith.constant 688 : index
      %get3A_936 = tpu.vector_load %arg9[%get3A_934, %get3A_935] {strides = array<i32>} : memref<32x768xf32, #tpu.memory_space<vmem>>, vector<1x16xf32>,
      %get3A_937 = vector.shape_cast %get3A_936 : vector<1x16xf32> to vector<16xf32>
      %mul3A_938 = arith.mulf %get3A_27, %get3A_937 : vector<16xf32>
      %get3A_939 = arith.index_cast %scan3A_23 : i32 to index
      %get3A_940 = arith.constant 688 : index
      %get3A_941 = tpu.vector_load %arg10[%get3A_939, %get3A_940] {strides = array<i32>} : memref<32x768xf32, #tpu.memory_space<vmem>>, vector<1x16xf32>,
      %get3A_942 = vector.shape_cast %get3A_941 : vector<1x16xf32> to vector<16xf32>
      %mul3A_943 = arith.mulf %get3A_31, %get3A_942 : vector<16xf32>
      %add3A_944 = arith.addf %mul3A_938, %mul3A_943 : vector<16xf32>
      %get3A_945 = arith.index_cast %scan3A_23 : i32 to index
      %get3A_946 = arith.constant 688 : index
      %get3A_947 = tpu.vector_load %arg11[%get3A_945, %get3A_946] {strides = array<i32>} : memref<32x768xf32, #tpu.memory_space<vmem>>, vector<1x16xf32>,
      %get3A_948 = vector.shape_cast %get3A_947 : vector<1x16xf32> to vector<16xf32>
      %add3A_949 = arith.addf %add3A_944, %get3A_948 : vector<16xf32>
      %swap3A_950 = arith.index_cast %scan3A_23 : i32 to index
      %swap3A_951 = arith.constant 688 : index
      %swap3A_952 = tpu.vector_load %arg12[%swap3A_950, %swap3A_951] {strides = array<i32>} : memref<32x768xf32, #tpu.memory_space<vmem>>, vector<1x16xf32>,
      %swap3A_953 = vector.shape_cast %swap3A_952 : vector<1x16xf32> to vector<16xf32>
      %swap3A_954 = vector.shape_cast %add3A_949 : vector<16xf32> to vector<1x16xf32>
      tpu.vector_store %arg12[%swap3A_950, %swap3A_951], %swap3A_954 {strides = array<i32>} : memref<32x768xf32, #tpu.memory_space<vmem>>, vector<1x16xf32>,
      %get3A_955 = arith.index_cast %scan3A_23 : i32 to index
      %get3A_956 = arith.constant 704 : index
      %get3A_957 = tpu.vector_load %arg9[%get3A_955, %get3A_956] {strides = array<i32>} : memref<32x768xf32, #tpu.memory_space<vmem>>, vector<1x16xf32>,
      %get3A_958 = vector.shape_cast %get3A_957 : vector<1x16xf32> to vector<16xf32>
      %mul3A_959 = arith.mulf %get3A_27, %get3A_958 : vector<16xf32>
      %get3A_960 = arith.index_cast %scan3A_23 : i32 to index
      %get3A_961 = arith.constant 704 : index
      %get3A_962 = tpu.vector_load %arg10[%get3A_960, %get3A_961] {strides = array<i32>} : memref<32x768xf32, #tpu.memory_space<vmem>>, vector<1x16xf32>,
      %get3A_963 = vector.shape_cast %get3A_962 : vector<1x16xf32> to vector<16xf32>
      %mul3A_964 = arith.mulf %get3A_31, %get3A_963 : vector<16xf32>
      %add3A_965 = arith.addf %mul3A_959, %mul3A_964 : vector<16xf32>
      %get3A_966 = arith.index_cast %scan3A_23 : i32 to index
      %get3A_967 = arith.constant 704 : index
      %get3A_968 = tpu.vector_load %arg11[%get3A_966, %get3A_967] {strides = array<i32>} : memref<32x768xf32, #tpu.memory_space<vmem>>, vector<1x16xf32>,
      %get3A_969 = vector.shape_cast %get3A_968 : vector<1x16xf32> to vector<16xf32>
      %add3A_970 = arith.addf %add3A_965, %get3A_969 : vector<16xf32>
      %swap3A_971 = arith.index_cast %scan3A_23 : i32 to index
      %swap3A_972 = arith.constant 704 : index
      %swap3A_973 = tpu.vector_load %arg12[%swap3A_971, %swap3A_972] {strides = array<i32>} : memref<32x768xf32, #tpu.memory_space<vmem>>, vector<1x16xf32>,
      %swap3A_974 = vector.shape_cast %swap3A_973 : vector<1x16xf32> to vector<16xf32>
      %swap3A_975 = vector.shape_cast %add3A_970 : vector<16xf32> to vector<1x16xf32>
      tpu.vector_store %arg12[%swap3A_971, %swap3A_972], %swap3A_975 {strides = array<i32>} : memref<32x768xf32, #tpu.memory_space<vmem>>, vector<1x16xf32>,
      %get3A_976 = arith.index_cast %scan3A_23 : i32 to index
      %get3A_977 = arith.constant 720 : index
      %get3A_978 = tpu.vector_load %arg9[%get3A_976, %get3A_977] {strides = array<i32>} : memref<32x768xf32, #tpu.memory_space<vmem>>, vector<1x16xf32>,
      %get3A_979 = vector.shape_cast %get3A_978 : vector<1x16xf32> to vector<16xf32>
      %mul3A_980 = arith.mulf %get3A_27, %get3A_979 : vector<16xf32>
      %get3A_981 = arith.index_cast %scan3A_23 : i32 to index
      %get3A_982 = arith.constant 720 : index
      %get3A_983 = tpu.vector_load %arg10[%get3A_981, %get3A_982] {strides = array<i32>} : memref<32x768xf32, #tpu.memory_space<vmem>>, vector<1x16xf32>,
      %get3A_984 = vector.shape_cast %get3A_983 : vector<1x16xf32> to vector<16xf32>
      %mul3A_985 = arith.mulf %get3A_31, %get3A_984 : vector<16xf32>
      %add3A_986 = arith.addf %mul3A_980, %mul3A_985 : vector<16xf32>
      %get3A_987 = arith.index_cast %scan3A_23 : i32 to index
      %get3A_988 = arith.constant 720 : index
      %get3A_989 = tpu.vector_load %arg11[%get3A_987, %get3A_988] {strides = array<i32>} : memref<32x768xf32, #tpu.memory_space<vmem>>, vector<1x16xf32>,
      %get3A_990 = vector.shape_cast %get3A_989 : vector<1x16xf32> to vector<16xf32>
      %add3A_991 = arith.addf %add3A_986, %get3A_990 : vector<16xf32>
      %swap3A_992 = arith.index_cast %scan3A_23 : i32 to index
      %swap3A_993 = arith.constant 720 : index
      %swap3A_994 = tpu.vector_load %arg12[%swap3A_992, %swap3A_993] {strides = array<i32>} : memref<32x768xf32, #tpu.memory_space<vmem>>, vector<1x16xf32>,
      %swap3A_995 = vector.shape_cast %swap3A_994 : vector<1x16xf32> to vector<16xf32>
      %swap3A_996 = vector.shape_cast %add3A_991 : vector<16xf32> to vector<1x16xf32>
      tpu.vector_store %arg12[%swap3A_992, %swap3A_993], %swap3A_996 {strides = array<i32>} : memref<32x768xf32, #tpu.memory_space<vmem>>, vector<1x16xf32>,
      %get3A_997 = arith.index_cast %scan3A_23 : i32 to index
      %get3A_998 = arith.constant 736 : index
      %get3A_999 = tpu.vector_load %arg9[%get3A_997, %get3A_998] {strides = array<i32>} : memref<32x768xf32, #tpu.memory_space<vmem>>, vector<1x16xf32>,
      %get3A_1000 = vector.shape_cast %get3A_999 : vector<1x16xf32> to vector<16xf32>
      %mul3A_1001 = arith.mulf %get3A_27, %get3A_1000 : vector<16xf32>
      %get3A_1002 = arith.index_cast %scan3A_23 : i32 to index
      %get3A_1003 = arith.constant 736 : index
      %get3A_1004 = tpu.vector_load %arg10[%get3A_1002, %get3A_1003] {strides = array<i32>} : memref<32x768xf32, #tpu.memory_space<vmem>>, vector<1x16xf32>,
      %get3A_1005 = vector.shape_cast %get3A_1004 : vector<1x16xf32> to vector<16xf32>
      %mul3A_1006 = arith.mulf %get3A_31, %get3A_1005 : vector<16xf32>
      %add3A_1007 = arith.addf %mul3A_1001, %mul3A_1006 : vector<16xf32>
      %get3A_1008 = arith.index_cast %scan3A_23 : i32 to index
      %get3A_1009 = arith.constant 736 : index
      %get3A_1010 = tpu.vector_load %arg11[%get3A_1008, %get3A_1009] {strides = array<i32>} : memref<32x768xf32, #tpu.memory_space<vmem>>, vector<1x16xf32>,
      %get3A_1011 = vector.shape_cast %get3A_1010 : vector<1x16xf32> to vector<16xf32>
      %add3A_1012 = arith.addf %add3A_1007, %get3A_1011 : vector<16xf32>
      %swap3A_1013 = arith.index_cast %scan3A_23 : i32 to index
      %swap3A_1014 = arith.constant 736 : index
      %swap3A_1015 = tpu.vector_load %arg12[%swap3A_1013, %swap3A_1014] {strides = array<i32>} : memref<32x768xf32, #tpu.memory_space<vmem>>, vector<1x16xf32>,
      %swap3A_1016 = vector.shape_cast %swap3A_1015 : vector<1x16xf32> to vector<16xf32>
      %swap3A_1017 = vector.shape_cast %add3A_1012 : vector<16xf32> to vector<1x16xf32>
      tpu.vector_store %arg12[%swap3A_1013, %swap3A_1014], %swap3A_1017 {strides = array<i32>} : memref<32x768xf32, #tpu.memory_space<vmem>>, vector<1x16xf32>,
      %get3A_1018 = arith.index_cast %scan3A_23 : i32 to index
      %get3A_1019 = arith.constant 752 : index
      %get3A_1020 = tpu.vector_load %arg9[%get3A_1018, %get3A_1019] {strides = array<i32>} : memref<32x768xf32, #tpu.memory_space<vmem>>, vector<1x16xf32>,
      %get3A_1021 = vector.shape_cast %get3A_1020 : vector<1x16xf32> to vector<16xf32>
      %mul3A_1022 = arith.mulf %get3A_27, %get3A_1021 : vector<16xf32>
      %get3A_1023 = arith.index_cast %scan3A_23 : i32 to index
      %get3A_1024 = arith.constant 752 : index
      %get3A_1025 = tpu.vector_load %arg10[%get3A_1023, %get3A_1024] {strides = array<i32>} : memref<32x768xf32, #tpu.memory_space<vmem>>, vector<1x16xf32>,
      %get3A_1026 = vector.shape_cast %get3A_1025 : vector<1x16xf32> to vector<16xf32>
      %mul3A_1027 = arith.mulf %get3A_31, %get3A_1026 : vector<16xf32>
      %add3A_1028 = arith.addf %mul3A_1022, %mul3A_1027 : vector<16xf32>
      %get3A_1029 = arith.index_cast %scan3A_23 : i32 to index
      %get3A_1030 = arith.constant 752 : index
      %get3A_1031 = tpu.vector_load %arg11[%get3A_1029, %get3A_1030] {strides = array<i32>} : memref<32x768xf32, #tpu.memory_space<vmem>>, vector<1x16xf32>,
      %get3A_1032 = vector.shape_cast %get3A_1031 : vector<1x16xf32> to vector<16xf32>
      %add3A_1033 = arith.addf %add3A_1028, %get3A_1032 : vector<16xf32>
      %swap3A_1034 = arith.index_cast %scan3A_23 : i32 to index
      %swap3A_1035 = arith.constant 752 : index
      %swap3A_1036 = tpu.vector_load %arg12[%swap3A_1034, %swap3A_1035] {strides = array<i32>} : memref<32x768xf32, #tpu.memory_space<vmem>>, vector<1x16xf32>,
      %swap3A_1037 = vector.shape_cast %swap3A_1036 : vector<1x16xf32> to vector<16xf32>
      %swap3A_1038 = vector.shape_cast %add3A_1033 : vector<16xf32> to vector<1x16xf32>
      tpu.vector_store %arg12[%swap3A_1034, %swap3A_1035], %swap3A_1038 {strides = array<i32>} : memref<32x768xf32, #tpu.memory_space<vmem>>, vector<1x16xf32>,
      %scan3A_1039 = arith.constant 0 : i32
      scf.yield %scan3A_1039 : i32
    }
    %scan3A_22 = arith.constant 32 : i32
    "tpu.region"() ({
      %run_scoped3A = tpu.sem_alloc : memref<!tpu.dma_semaphore, #tpu.memory_space<semaphore_mem>>
      %dma_start3A = arith.constant 0 : i32
      %dma_start3A_23 = tpu.memref_slice %arg8[%multiple_of3A_15, %dma_start3A] : memref<2048x768xf32, #tpu.memory_space<hbm>> -> memref<32x768xf32, #tpu.memory_space<hbm>>
      %dma_start3A_24 = arith.constant 0 : i32
      %dma_start3A_25 = tpu.memref_slice %arg8[%multiple_of3A_15, %dma_start3A_24] : memref<2048x768xf32, #tpu.memory_space<hbm>> -> memref<32x768xf32, #tpu.memory_space<hbm>>
      tpu.enqueue_dma source(%arg12 : memref<32x768xf32, #tpu.memory_space<vmem>>) target(%dma_start3A_25 : memref<32x768xf32, #tpu.memory_space<hbm>>) target_semaphore(%run_scoped3A : memref<!tpu.dma_semaphore, #tpu.memory_space<semaphore_mem>>)
      %dma_wait3A = arith.constant 0 : i32
      %dma_wait3A_26 = tpu.memref_slice %arg8[%multiple_of3A_15, %dma_wait3A] : memref<2048x768xf32, #tpu.memory_space<hbm>> -> memref<32x768xf32, #tpu.memory_space<hbm>>
      %dma_wait3A_27 = arith.constant 0 : i32
      %dma_wait3A_28 = tpu.memref_slice %arg8[%multiple_of3A_15, %dma_wait3A_27] : memref<2048x768xf32, #tpu.memory_space<hbm>> -> memref<32x768xf32, #tpu.memory_space<hbm>>
      tpu.wait_dma2 semaphore(%run_scoped3A : memref<!tpu.dma_semaphore, #tpu.memory_space<semaphore_mem>>) src(%arg12 : memref<32x768xf32, #tpu.memory_space<vmem>>) dst(%dma_wait3A_28 : memref<32x768xf32, #tpu.memory_space<hbm>>)
      tpu.yield
    }) : () -> ()
    return
  }
}

#map = affine_map<(d0, d1) -> (0, 0)>
#map1 = affine_map<(d0, d1) -> (0)>
module attributes {stable_mosaic.version = 14 : i64} {
  func.func @dispatch_kernel(%arg0: i32, %arg1: i32, %arg2: memref<2048x768xf32, #tpu.memory_space<hbm>>, %arg3: memref<2048xi32, #tpu.memory_space<hbm>>, %arg4: memref<2048xi32, #tpu.memory_space<hbm>>, %arg5: memref<4096x768xf32, #tpu.memory_space<hbm>>, %arg6: memref<64x768xf32, #tpu.memory_space<vmem>>, %arg7: memref<64xi32, #tpu.memory_space<vmem>>, %arg8: memref<64xi32, #tpu.memory_space<vmem>>) attributes {dimension_semantics = [#tpu.dimension_semantics<core_parallel>, #tpu.dimension_semantics<subcore_parallel>], iteration_bounds = array<i64: 2, 16>, scalar_prefetch = 0 : i64, scratch_operands = 3 : i64, tpu.core_type = #tpu.core_type<sc_vector_subcore>, window_params = [{transform_indices = #map}, {transform_indices = #map1}, {transform_indices = #map1}, {transform_indices = #map}]} {
    %mul3A = arith.constant 2 : i32
    %mul3A_0 = arith.muli %arg1, %mul3A : i32
    %add3A = arith.addi %mul3A_0, %arg0 : i32
    %mul3A_1 = arith.constant 64 : i32
    %mul3A_2 = arith.muli %add3A, %mul3A_1 : i32
    %multiple_of3A = tpu.assume_multiple %mul3A_2, 64 : i32
    "tpu.region"() ({
      %run_scoped3A = tpu.sem_alloc : memref<!tpu.dma_semaphore, #tpu.memory_space<semaphore_mem>>
      %dma_start3A = arith.constant 0 : i32
      %dma_start3A_3 = tpu.memref_slice %arg2[%multiple_of3A, %dma_start3A] : memref<2048x768xf32, #tpu.memory_space<hbm>> -> memref<64x768xf32, #tpu.memory_space<hbm>>
      %dma_start3A_4 = arith.constant 0 : i32
      %dma_start3A_5 = tpu.memref_slice %arg2[%multiple_of3A, %dma_start3A_4] : memref<2048x768xf32, #tpu.memory_space<hbm>> -> memref<64x768xf32, #tpu.memory_space<hbm>>
      tpu.enqueue_dma source(%dma_start3A_5 : memref<64x768xf32, #tpu.memory_space<hbm>>) target(%arg6 : memref<64x768xf32, #tpu.memory_space<vmem>>) target_semaphore(%run_scoped3A : memref<!tpu.dma_semaphore, #tpu.memory_space<semaphore_mem>>)
      %dma_wait3A = arith.constant 0 : i32
      %dma_wait3A_6 = tpu.memref_slice %arg2[%multiple_of3A, %dma_wait3A] : memref<2048x768xf32, #tpu.memory_space<hbm>> -> memref<64x768xf32, #tpu.memory_space<hbm>>
      %dma_wait3A_7 = arith.constant 0 : i32
      %dma_wait3A_8 = tpu.memref_slice %arg2[%multiple_of3A, %dma_wait3A_7] : memref<2048x768xf32, #tpu.memory_space<hbm>> -> memref<64x768xf32, #tpu.memory_space<hbm>>
      tpu.wait_dma2 semaphore(%run_scoped3A : memref<!tpu.dma_semaphore, #tpu.memory_space<semaphore_mem>>) src(%dma_wait3A_8 : memref<64x768xf32, #tpu.memory_space<hbm>>) dst(%arg6 : memref<64x768xf32, #tpu.memory_space<vmem>>)
      tpu.yield
    }) : () -> ()
    "tpu.region"() ({
      %run_scoped3A = tpu.sem_alloc : memref<!tpu.dma_semaphore, #tpu.memory_space<semaphore_mem>>
      %dma_start3A = tpu.memref_slice %arg3[%multiple_of3A] : memref<2048xi32, #tpu.memory_space<hbm>> -> memref<64xi32, #tpu.memory_space<hbm>>
      %dma_start3A_3 = tpu.memref_slice %arg3[%multiple_of3A] : memref<2048xi32, #tpu.memory_space<hbm>> -> memref<64xi32, #tpu.memory_space<hbm>>
      tpu.enqueue_dma source(%dma_start3A_3 : memref<64xi32, #tpu.memory_space<hbm>>) target(%arg7 : memref<64xi32, #tpu.memory_space<vmem>>) target_semaphore(%run_scoped3A : memref<!tpu.dma_semaphore, #tpu.memory_space<semaphore_mem>>)
      %dma_wait3A = tpu.memref_slice %arg3[%multiple_of3A] : memref<2048xi32, #tpu.memory_space<hbm>> -> memref<64xi32, #tpu.memory_space<hbm>>
      %dma_wait3A_4 = tpu.memref_slice %arg3[%multiple_of3A] : memref<2048xi32, #tpu.memory_space<hbm>> -> memref<64xi32, #tpu.memory_space<hbm>>
      tpu.wait_dma2 semaphore(%run_scoped3A : memref<!tpu.dma_semaphore, #tpu.memory_space<semaphore_mem>>) src(%dma_wait3A_4 : memref<64xi32, #tpu.memory_space<hbm>>) dst(%arg7 : memref<64xi32, #tpu.memory_space<vmem>>)
      tpu.yield
    }) : () -> ()
    "tpu.region"() ({
      %run_scoped3A = tpu.sem_alloc : memref<!tpu.dma_semaphore, #tpu.memory_space<semaphore_mem>>
      %dma_start3A = tpu.memref_slice %arg4[%multiple_of3A] : memref<2048xi32, #tpu.memory_space<hbm>> -> memref<64xi32, #tpu.memory_space<hbm>>
      %dma_start3A_3 = tpu.memref_slice %arg4[%multiple_of3A] : memref<2048xi32, #tpu.memory_space<hbm>> -> memref<64xi32, #tpu.memory_space<hbm>>
      tpu.enqueue_dma source(%dma_start3A_3 : memref<64xi32, #tpu.memory_space<hbm>>) target(%arg8 : memref<64xi32, #tpu.memory_space<vmem>>) target_semaphore(%run_scoped3A : memref<!tpu.dma_semaphore, #tpu.memory_space<semaphore_mem>>)
      %dma_wait3A = tpu.memref_slice %arg4[%multiple_of3A] : memref<2048xi32, #tpu.memory_space<hbm>> -> memref<64xi32, #tpu.memory_space<hbm>>
      %dma_wait3A_4 = tpu.memref_slice %arg4[%multiple_of3A] : memref<2048xi32, #tpu.memory_space<hbm>> -> memref<64xi32, #tpu.memory_space<hbm>>
      tpu.wait_dma2 semaphore(%run_scoped3A : memref<!tpu.dma_semaphore, #tpu.memory_space<semaphore_mem>>) src(%dma_wait3A_4 : memref<64xi32, #tpu.memory_space<hbm>>) dst(%arg8 : memref<64xi32, #tpu.memory_space<vmem>>)
      tpu.yield
    }) : () -> ()
    "tpu.region"() ({
      %run_scoped3A = tpu.sem_alloc : memref<!tpu.dma_semaphore, #tpu.memory_space<semaphore_mem>>
      %dma_start3A = arith.constant 0 : i32
      %dma_start3A_3 = arith.constant 0 : i32
      %dma_start3A_4 = tpu.memref_slice %arg5[%dma_start3A, %dma_start3A_3] : memref<4096x768xf32, #tpu.memory_space<hbm>> -> memref<4096x768xf32, #tpu.memory_space<hbm>>
      tpu.enqueue_indirect_dma source(%arg6 : memref<64x768xf32, #tpu.memory_space<vmem>>) target(%dma_start3A_4 : memref<4096x768xf32, #tpu.memory_space<hbm>>) offsets(%arg7 : memref<64xi32, #tpu.memory_space<vmem>>) semaphore(%run_scoped3A : memref<!tpu.dma_semaphore, #tpu.memory_space<semaphore_mem>>)
      %dma_wait3A = arith.constant 0 : i32
      %dma_wait3A_5 = arith.constant 0 : i32
      %dma_wait3A_6 = tpu.memref_slice %arg5[%dma_wait3A, %dma_wait3A_5] : memref<4096x768xf32, #tpu.memory_space<hbm>> -> memref<4096x768xf32, #tpu.memory_space<hbm>>
      tpu.wait_indirect_dma semaphore(%run_scoped3A : memref<!tpu.dma_semaphore, #tpu.memory_space<semaphore_mem>>) src(%arg6 : memref<64x768xf32, #tpu.memory_space<vmem>>) dst(%dma_wait3A_6 : memref<4096x768xf32, #tpu.memory_space<hbm>>)
      tpu.yield
    }) : () -> ()
    "tpu.region"() ({
      %run_scoped3A = tpu.sem_alloc : memref<!tpu.dma_semaphore, #tpu.memory_space<semaphore_mem>>
      %dma_start3A = arith.constant 0 : i32
      %dma_start3A_3 = arith.constant 0 : i32
      %dma_start3A_4 = tpu.memref_slice %arg5[%dma_start3A, %dma_start3A_3] : memref<4096x768xf32, #tpu.memory_space<hbm>> -> memref<4096x768xf32, #tpu.memory_space<hbm>>
      tpu.enqueue_indirect_dma source(%arg6 : memref<64x768xf32, #tpu.memory_space<vmem>>) target(%dma_start3A_4 : memref<4096x768xf32, #tpu.memory_space<hbm>>) offsets(%arg8 : memref<64xi32, #tpu.memory_space<vmem>>) semaphore(%run_scoped3A : memref<!tpu.dma_semaphore, #tpu.memory_space<semaphore_mem>>)
      %dma_wait3A = arith.constant 0 : i32
      %dma_wait3A_5 = arith.constant 0 : i32
      %dma_wait3A_6 = tpu.memref_slice %arg5[%dma_wait3A, %dma_wait3A_5] : memref<4096x768xf32, #tpu.memory_space<hbm>> -> memref<4096x768xf32, #tpu.memory_space<hbm>>
      tpu.wait_indirect_dma semaphore(%run_scoped3A : memref<!tpu.dma_semaphore, #tpu.memory_space<semaphore_mem>>) src(%arg6 : memref<64x768xf32, #tpu.memory_space<vmem>>) dst(%dma_wait3A_6 : memref<4096x768xf32, #tpu.memory_space<hbm>>)
      tpu.yield
    }) : () -> ()
    return
  }
}

module attributes {stable_mosaic.version = 14 : i64} {
  func.func @_route_kernel(%arg0: memref<2048x768xf32, #tpu.memory_space<vmem>>, %arg1: memref<8x768xf32, #tpu.memory_space<vmem>>, %arg2: memref<2048x1xi32, #tpu.memory_space<vmem>>, %arg3: memref<2048x1xi32, #tpu.memory_space<vmem>>, %arg4: memref<2048x16xf32, #tpu.memory_space<vmem>>, %arg5: memref<2048x16xf32, #tpu.memory_space<vmem>>, %arg6: memref<8x40xi32, #tpu.memory_space<vmem>>) attributes {dimension_semantics = [], scalar_prefetch = 0 : i64, scratch_operands = 0 : i64, tpu.core_type = #tpu.core_type<tc>} {
    %get3A = arith.constant 0 : index
    %get3A_0 = arith.constant 0 : index
    %get3A_1 = vector.load %arg0[%get3A, %get3A_0] : memref<2048x768xf32, #tpu.memory_space<vmem>>, vector<2048x768xf32>
    %get3A_2 = arith.constant 0 : index
    %get3A_3 = arith.constant 0 : index
    %get3A_4 = vector.load %arg1[%get3A_2, %get3A_3] : memref<8x768xf32, #tpu.memory_space<vmem>>, vector<8x768xf32>
    %dot_general3A = arith.constant dense<0.000000e+00> : vector<2048x8xf32>
    %dot_general3A_5 = tpu.matmul %get3A_1, %get3A_4, %dot_general3A {dimension_numbers = #tpu.dot_dimension_numbers<[1], [1], [0], [0], [0, 0, 1, 0], [], []>, transpose_lhs_hint = false} : vector<2048x768xf32>, vector<8x768xf32>, vector<2048x8xf32> -> vector<2048x8xf32>
    %logistic3A = arith.negf %dot_general3A_5 : vector<2048x8xf32>
    %logistic3A_6 = math.exp %logistic3A : vector<2048x8xf32>
    %logistic3A_7 = arith.constant 1.000000e+00 : f32
    %logistic3A_8 = vector.broadcast %logistic3A_7 : f32 to vector<2048x8xf32>
    %logistic3A_9 = arith.addf %logistic3A_8, %logistic3A_6 : vector<2048x8xf32>
    %logistic3A_10 = arith.divf %logistic3A_8, %logistic3A_9 : vector<2048x8xf32>
    %iota3A = tpu.iota {dimensions = array<i32: 1>} : vector<2048x8xi32>
    %reduce_max3A = arith.constant dense<0xFF800000> : vector<2048xf32>
    %reduce_max3A_11 = vector.multi_reduction <maximumf>, %logistic3A_10, %reduce_max3A [1] : vector<2048x8xf32> to vector<2048xf32>
    %broadcast_in_dim3A = vector.shape_cast %reduce_max3A_11 : vector<2048xf32> to vector<2048x1xf32>
    %argmax3A = tpu.reduce_index %logistic3A_10 {axis = 1 : i32, kind = #tpu.reduction_kind<arg_max>} : vector<2048x8xf32> -> vector<2048xi32>
    %broadcast_in_dim3A_12 = vector.shape_cast %argmax3A : vector<2048xi32> to vector<2048x1xi32>
    %eq3A = vector.broadcast %broadcast_in_dim3A_12 : vector<2048x1xi32> to vector<2048x8xi32>
    %eq3A_13 = arith.cmpi eq, %iota3A, %eq3A : vector<2048x8xi32>
    %jit3A = arith.constant 0xFF800000 : f32
    %broadcast_in_dim3A_14 = vector.broadcast %jit3A : f32 to vector<2048x8xf32>
    %select_n3A = arith.select %eq3A_13, %broadcast_in_dim3A_14, %logistic3A_10 : vector<2048x8xi1>, vector<2048x8xf32>
    %reduce_max3A_15 = arith.constant dense<0xFF800000> : vector<2048xf32>
    %reduce_max3A_16 = vector.multi_reduction <maximumf>, %select_n3A, %reduce_max3A_15 [1] : vector<2048x8xf32> to vector<2048xf32>
    %broadcast_in_dim3A_17 = vector.shape_cast %reduce_max3A_16 : vector<2048xf32> to vector<2048x1xf32>
    %argmax3A_18 = tpu.reduce_index %select_n3A {axis = 1 : i32, kind = #tpu.reduction_kind<arg_max>} : vector<2048x8xf32> -> vector<2048xi32>
    %broadcast_in_dim3A_19 = vector.shape_cast %argmax3A_18 : vector<2048xi32> to vector<2048x1xi32>
    %add3A = arith.addf %broadcast_in_dim3A, %broadcast_in_dim3A_17 : vector<2048x1xf32>
    %broadcast_in_dim3A_20 = arith.constant 1.000000e+00 : f32
    %broadcast_in_dim3A_21 = vector.broadcast %broadcast_in_dim3A_20 : f32 to vector<1x16xf32>
    %div3A = arith.divf %broadcast_in_dim3A, %add3A : vector<2048x1xf32>
    %mul3A = vector.broadcast %div3A : vector<2048x1xf32> to vector<2048x16xf32>
    %mul3A_22 = vector.broadcast %broadcast_in_dim3A_21 : vector<1x16xf32> to vector<2048x16xf32>
    %mul3A_23 = arith.mulf %mul3A, %mul3A_22 : vector<2048x16xf32>
    %swap3A = arith.constant 0 : index
    %swap3A_24 = arith.constant 0 : index
    %swap3A_25 = vector.load %arg4[%swap3A, %swap3A_24] : memref<2048x16xf32, #tpu.memory_space<vmem>>, vector<2048x16xf32>
    tpu.vector_store %arg4[%swap3A, %swap3A_24], %mul3A_23 {strides = array<i32>} : memref<2048x16xf32, #tpu.memory_space<vmem>>, vector<2048x16xf32>,
    %div3A_26 = arith.divf %broadcast_in_dim3A_17, %add3A : vector<2048x1xf32>
    %mul3A_27 = vector.broadcast %div3A_26 : vector<2048x1xf32> to vector<2048x16xf32>
    %mul3A_28 = vector.broadcast %broadcast_in_dim3A_21 : vector<1x16xf32> to vector<2048x16xf32>
    %mul3A_29 = arith.mulf %mul3A_27, %mul3A_28 : vector<2048x16xf32>
    %swap3A_30 = arith.constant 0 : index
    %swap3A_31 = arith.constant 0 : index
    %swap3A_32 = vector.load %arg5[%swap3A_30, %swap3A_31] : memref<2048x16xf32, #tpu.memory_space<vmem>>, vector<2048x16xf32>
    tpu.vector_store %arg5[%swap3A_30, %swap3A_31], %mul3A_29 {strides = array<i32>} : memref<2048x16xf32, #tpu.memory_space<vmem>>, vector<2048x16xf32>,
    %eq3A_33 = vector.broadcast %broadcast_in_dim3A_12 : vector<2048x1xi32> to vector<2048x8xi32>
    %eq3A_34 = arith.cmpi eq, %iota3A, %eq3A_33 : vector<2048x8xi32>
    %convert_element_type3A = arith.extui %eq3A_34 : vector<2048x8xi1> to vector<2048x8xi32>
    %convert_element_type3A_35 = arith.sitofp %convert_element_type3A : vector<2048x8xi32> to vector<2048x8xf32>
    %eq3A_36 = vector.broadcast %broadcast_in_dim3A_19 : vector<2048x1xi32> to vector<2048x8xi32>
    %eq3A_37 = arith.cmpi eq, %iota3A, %eq3A_36 : vector<2048x8xi32>
    %convert_element_type3A_38 = arith.extui %eq3A_37 : vector<2048x8xi1> to vector<2048x8xi32>
    %convert_element_type3A_39 = arith.sitofp %convert_element_type3A_38 : vector<2048x8xi32> to vector<2048x8xf32>
    %concatenate3A = tpu.concatenate %convert_element_type3A_35, %convert_element_type3A_39 in 1 : vector<2048x8xf32>, vector<2048x8xf32> -> vector<2048x16xf32>
    %iota3A_40 = tpu.iota {dimensions = array<i32: 0>} : vector<128x128xi32>
    %iota3A_41 = tpu.iota {dimensions = array<i32: 1>} : vector<128x128xi32>
    %ge3A = arith.cmpi sge, %iota3A_40, %iota3A_41 : vector<128x128xi32>
    %convert_element_type3A_42 = arith.extui %ge3A : vector<128x128xi1> to vector<128x128xi32>
    %convert_element_type3A_43 = arith.sitofp %convert_element_type3A_42 : vector<128x128xi32> to vector<128x128xf32>
    %broadcast_in_dim3A_44 = arith.constant 0.000000e+00 : f32
    %broadcast_in_dim3A_45 = vector.broadcast %broadcast_in_dim3A_44 : f32 to vector<1x16xf32>
    %slice3A = vector.extract_strided_slice %concatenate3A {offsets = [0, 0], sizes = [128, 16], strides = [1, 1]} : vector<2048x16xf32> to vector<128x16xf32>
    %dot_general3A_46 = arith.constant dense<0.000000e+00> : vector<128x16xf32>
    %dot_general3A_47 = tpu.matmul %convert_element_type3A_43, %slice3A, %dot_general3A_46 {dimension_numbers = #tpu.dot_dimension_numbers<[1], [0], [0], [1], [0, 0, 1, 1], [], []>, precision = #tpu.contract_precision<fp32>, transpose_lhs_hint = false} : vector<128x128xf32>, vector<128x16xf32>, vector<128x16xf32> -> vector<128x16xf32>
    %sub3A = arith.subf %dot_general3A_47, %slice3A : vector<128x16xf32>
    %add3A_48 = vector.broadcast %broadcast_in_dim3A_45 : vector<1x16xf32> to vector<128x16xf32>
    %add3A_49 = arith.addf %sub3A, %add3A_48 : vector<128x16xf32>
    %slice3A_50 = vector.extract_strided_slice %dot_general3A_47 {offsets = [127, 0], sizes = [1, 16], strides = [1, 1]} : vector<128x16xf32> to vector<1x16xf32>
    %add3A_51 = arith.addf %broadcast_in_dim3A_45, %slice3A_50 : vector<1x16xf32>
    %slice3A_52 = vector.extract_strided_slice %concatenate3A {offsets = [128, 0], sizes = [128, 16], strides = [1, 1]} : vector<2048x16xf32> to vector<128x16xf32>
    %dot_general3A_53 = arith.constant dense<0.000000e+00> : vector<128x16xf32>
    %dot_general3A_54 = tpu.matmul %convert_element_type3A_43, %slice3A_52, %dot_general3A_53 {dimension_numbers = #tpu.dot_dimension_numbers<[1], [0], [0], [1], [0, 0, 1, 1], [], []>, precision = #tpu.contract_precision<fp32>, transpose_lhs_hint = false} : vector<128x128xf32>, vector<128x16xf32>, vector<128x16xf32> -> vector<128x16xf32>
    %sub3A_55 = arith.subf %dot_general3A_54, %slice3A_52 : vector<128x16xf32>
    %add3A_56 = vector.broadcast %add3A_51 : vector<1x16xf32> to vector<128x16xf32>
    %add3A_57 = arith.addf %sub3A_55, %add3A_56 : vector<128x16xf32>
    %slice3A_58 = vector.extract_strided_slice %dot_general3A_54 {offsets = [127, 0], sizes = [1, 16], strides = [1, 1]} : vector<128x16xf32> to vector<1x16xf32>
    %add3A_59 = arith.addf %add3A_51, %slice3A_58 : vector<1x16xf32>
    %slice3A_60 = vector.extract_strided_slice %concatenate3A {offsets = [256, 0], sizes = [128, 16], strides = [1, 1]} : vector<2048x16xf32> to vector<128x16xf32>
    %dot_general3A_61 = arith.constant dense<0.000000e+00> : vector<128x16xf32>
    %dot_general3A_62 = tpu.matmul %convert_element_type3A_43, %slice3A_60, %dot_general3A_61 {dimension_numbers = #tpu.dot_dimension_numbers<[1], [0], [0], [1], [0, 0, 1, 1], [], []>, precision = #tpu.contract_precision<fp32>, transpose_lhs_hint = false} : vector<128x128xf32>, vector<128x16xf32>, vector<128x16xf32> -> vector<128x16xf32>
    %sub3A_63 = arith.subf %dot_general3A_62, %slice3A_60 : vector<128x16xf32>
    %add3A_64 = vector.broadcast %add3A_59 : vector<1x16xf32> to vector<128x16xf32>
    %add3A_65 = arith.addf %sub3A_63, %add3A_64 : vector<128x16xf32>
    %slice3A_66 = vector.extract_strided_slice %dot_general3A_62 {offsets = [127, 0], sizes = [1, 16], strides = [1, 1]} : vector<128x16xf32> to vector<1x16xf32>
    %add3A_67 = arith.addf %add3A_59, %slice3A_66 : vector<1x16xf32>
    %slice3A_68 = vector.extract_strided_slice %concatenate3A {offsets = [384, 0], sizes = [128, 16], strides = [1, 1]} : vector<2048x16xf32> to vector<128x16xf32>
    %dot_general3A_69 = arith.constant dense<0.000000e+00> : vector<128x16xf32>
    %dot_general3A_70 = tpu.matmul %convert_element_type3A_43, %slice3A_68, %dot_general3A_69 {dimension_numbers = #tpu.dot_dimension_numbers<[1], [0], [0], [1], [0, 0, 1, 1], [], []>, precision = #tpu.contract_precision<fp32>, transpose_lhs_hint = false} : vector<128x128xf32>, vector<128x16xf32>, vector<128x16xf32> -> vector<128x16xf32>
    %sub3A_71 = arith.subf %dot_general3A_70, %slice3A_68 : vector<128x16xf32>
    %add3A_72 = vector.broadcast %add3A_67 : vector<1x16xf32> to vector<128x16xf32>
    %add3A_73 = arith.addf %sub3A_71, %add3A_72 : vector<128x16xf32>
    %slice3A_74 = vector.extract_strided_slice %dot_general3A_70 {offsets = [127, 0], sizes = [1, 16], strides = [1, 1]} : vector<128x16xf32> to vector<1x16xf32>
    %add3A_75 = arith.addf %add3A_67, %slice3A_74 : vector<1x16xf32>
    %slice3A_76 = vector.extract_strided_slice %concatenate3A {offsets = [512, 0], sizes = [128, 16], strides = [1, 1]} : vector<2048x16xf32> to vector<128x16xf32>
    %dot_general3A_77 = arith.constant dense<0.000000e+00> : vector<128x16xf32>
    %dot_general3A_78 = tpu.matmul %convert_element_type3A_43, %slice3A_76, %dot_general3A_77 {dimension_numbers = #tpu.dot_dimension_numbers<[1], [0], [0], [1], [0, 0, 1, 1], [], []>, precision = #tpu.contract_precision<fp32>, transpose_lhs_hint = false} : vector<128x128xf32>, vector<128x16xf32>, vector<128x16xf32> -> vector<128x16xf32>
    %sub3A_79 = arith.subf %dot_general3A_78, %slice3A_76 : vector<128x16xf32>
    %add3A_80 = vector.broadcast %add3A_75 : vector<1x16xf32> to vector<128x16xf32>
    %add3A_81 = arith.addf %sub3A_79, %add3A_80 : vector<128x16xf32>
    %slice3A_82 = vector.extract_strided_slice %dot_general3A_78 {offsets = [127, 0], sizes = [1, 16], strides = [1, 1]} : vector<128x16xf32> to vector<1x16xf32>
    %add3A_83 = arith.addf %add3A_75, %slice3A_82 : vector<1x16xf32>
    %slice3A_84 = vector.extract_strided_slice %concatenate3A {offsets = [640, 0], sizes = [128, 16], strides = [1, 1]} : vector<2048x16xf32> to vector<128x16xf32>
    %dot_general3A_85 = arith.constant dense<0.000000e+00> : vector<128x16xf32>
    %dot_general3A_86 = tpu.matmul %convert_element_type3A_43, %slice3A_84, %dot_general3A_85 {dimension_numbers = #tpu.dot_dimension_numbers<[1], [0], [0], [1], [0, 0, 1, 1], [], []>, precision = #tpu.contract_precision<fp32>, transpose_lhs_hint = false} : vector<128x128xf32>, vector<128x16xf32>, vector<128x16xf32> -> vector<128x16xf32>
    %sub3A_87 = arith.subf %dot_general3A_86, %slice3A_84 : vector<128x16xf32>
    %add3A_88 = vector.broadcast %add3A_83 : vector<1x16xf32> to vector<128x16xf32>
    %add3A_89 = arith.addf %sub3A_87, %add3A_88 : vector<128x16xf32>
    %slice3A_90 = vector.extract_strided_slice %dot_general3A_86 {offsets = [127, 0], sizes = [1, 16], strides = [1, 1]} : vector<128x16xf32> to vector<1x16xf32>
    %add3A_91 = arith.addf %add3A_83, %slice3A_90 : vector<1x16xf32>
    %slice3A_92 = vector.extract_strided_slice %concatenate3A {offsets = [768, 0], sizes = [128, 16], strides = [1, 1]} : vector<2048x16xf32> to vector<128x16xf32>
    %dot_general3A_93 = arith.constant dense<0.000000e+00> : vector<128x16xf32>
    %dot_general3A_94 = tpu.matmul %convert_element_type3A_43, %slice3A_92, %dot_general3A_93 {dimension_numbers = #tpu.dot_dimension_numbers<[1], [0], [0], [1], [0, 0, 1, 1], [], []>, precision = #tpu.contract_precision<fp32>, transpose_lhs_hint = false} : vector<128x128xf32>, vector<128x16xf32>, vector<128x16xf32> -> vector<128x16xf32>
    %sub3A_95 = arith.subf %dot_general3A_94, %slice3A_92 : vector<128x16xf32>
    %add3A_96 = vector.broadcast %add3A_91 : vector<1x16xf32> to vector<128x16xf32>
    %add3A_97 = arith.addf %sub3A_95, %add3A_96 : vector<128x16xf32>
    %slice3A_98 = vector.extract_strided_slice %dot_general3A_94 {offsets = [127, 0], sizes = [1, 16], strides = [1, 1]} : vector<128x16xf32> to vector<1x16xf32>
    %add3A_99 = arith.addf %add3A_91, %slice3A_98 : vector<1x16xf32>
    %slice3A_100 = vector.extract_strided_slice %concatenate3A {offsets = [896, 0], sizes = [128, 16], strides = [1, 1]} : vector<2048x16xf32> to vector<128x16xf32>
    %dot_general3A_101 = arith.constant dense<0.000000e+00> : vector<128x16xf32>
    %dot_general3A_102 = tpu.matmul %convert_element_type3A_43, %slice3A_100, %dot_general3A_101 {dimension_numbers = #tpu.dot_dimension_numbers<[1], [0], [0], [1], [0, 0, 1, 1], [], []>, precision = #tpu.contract_precision<fp32>, transpose_lhs_hint = false} : vector<128x128xf32>, vector<128x16xf32>, vector<128x16xf32> -> vector<128x16xf32>
    %sub3A_103 = arith.subf %dot_general3A_102, %slice3A_100 : vector<128x16xf32>
    %add3A_104 = vector.broadcast %add3A_99 : vector<1x16xf32> to vector<128x16xf32>
    %add3A_105 = arith.addf %sub3A_103, %add3A_104 : vector<128x16xf32>
    %slice3A_106 = vector.extract_strided_slice %dot_general3A_102 {offsets = [127, 0], sizes = [1, 16], strides = [1, 1]} : vector<128x16xf32> to vector<1x16xf32>
    %add3A_107 = arith.addf %add3A_99, %slice3A_106 : vector<1x16xf32>
    %slice3A_108 = vector.extract_strided_slice %concatenate3A {offsets = [1024, 0], sizes = [128, 16], strides = [1, 1]} : vector<2048x16xf32> to vector<128x16xf32>
    %dot_general3A_109 = arith.constant dense<0.000000e+00> : vector<128x16xf32>
    %dot_general3A_110 = tpu.matmul %convert_element_type3A_43, %slice3A_108, %dot_general3A_109 {dimension_numbers = #tpu.dot_dimension_numbers<[1], [0], [0], [1], [0, 0, 1, 1], [], []>, precision = #tpu.contract_precision<fp32>, transpose_lhs_hint = false} : vector<128x128xf32>, vector<128x16xf32>, vector<128x16xf32> -> vector<128x16xf32>
    %sub3A_111 = arith.subf %dot_general3A_110, %slice3A_108 : vector<128x16xf32>
    %add3A_112 = vector.broadcast %add3A_107 : vector<1x16xf32> to vector<128x16xf32>
    %add3A_113 = arith.addf %sub3A_111, %add3A_112 : vector<128x16xf32>
    %slice3A_114 = vector.extract_strided_slice %dot_general3A_110 {offsets = [127, 0], sizes = [1, 16], strides = [1, 1]} : vector<128x16xf32> to vector<1x16xf32>
    %add3A_115 = arith.addf %add3A_107, %slice3A_114 : vector<1x16xf32>
    %slice3A_116 = vector.extract_strided_slice %concatenate3A {offsets = [1152, 0], sizes = [128, 16], strides = [1, 1]} : vector<2048x16xf32> to vector<128x16xf32>
    %dot_general3A_117 = arith.constant dense<0.000000e+00> : vector<128x16xf32>
    %dot_general3A_118 = tpu.matmul %convert_element_type3A_43, %slice3A_116, %dot_general3A_117 {dimension_numbers = #tpu.dot_dimension_numbers<[1], [0], [0], [1], [0, 0, 1, 1], [], []>, precision = #tpu.contract_precision<fp32>, transpose_lhs_hint = false} : vector<128x128xf32>, vector<128x16xf32>, vector<128x16xf32> -> vector<128x16xf32>
    %sub3A_119 = arith.subf %dot_general3A_118, %slice3A_116 : vector<128x16xf32>
    %add3A_120 = vector.broadcast %add3A_115 : vector<1x16xf32> to vector<128x16xf32>
    %add3A_121 = arith.addf %sub3A_119, %add3A_120 : vector<128x16xf32>
    %slice3A_122 = vector.extract_strided_slice %dot_general3A_118 {offsets = [127, 0], sizes = [1, 16], strides = [1, 1]} : vector<128x16xf32> to vector<1x16xf32>
    %add3A_123 = arith.addf %add3A_115, %slice3A_122 : vector<1x16xf32>
    %slice3A_124 = vector.extract_strided_slice %concatenate3A {offsets = [1280, 0], sizes = [128, 16], strides = [1, 1]} : vector<2048x16xf32> to vector<128x16xf32>
    %dot_general3A_125 = arith.constant dense<0.000000e+00> : vector<128x16xf32>
    %dot_general3A_126 = tpu.matmul %convert_element_type3A_43, %slice3A_124, %dot_general3A_125 {dimension_numbers = #tpu.dot_dimension_numbers<[1], [0], [0], [1], [0, 0, 1, 1], [], []>, precision = #tpu.contract_precision<fp32>, transpose_lhs_hint = false} : vector<128x128xf32>, vector<128x16xf32>, vector<128x16xf32> -> vector<128x16xf32>
    %sub3A_127 = arith.subf %dot_general3A_126, %slice3A_124 : vector<128x16xf32>
    %add3A_128 = vector.broadcast %add3A_123 : vector<1x16xf32> to vector<128x16xf32>
    %add3A_129 = arith.addf %sub3A_127, %add3A_128 : vector<128x16xf32>
    %slice3A_130 = vector.extract_strided_slice %dot_general3A_126 {offsets = [127, 0], sizes = [1, 16], strides = [1, 1]} : vector<128x16xf32> to vector<1x16xf32>
    %add3A_131 = arith.addf %add3A_123, %slice3A_130 : vector<1x16xf32>
    %slice3A_132 = vector.extract_strided_slice %concatenate3A {offsets = [1408, 0], sizes = [128, 16], strides = [1, 1]} : vector<2048x16xf32> to vector<128x16xf32>
    %dot_general3A_133 = arith.constant dense<0.000000e+00> : vector<128x16xf32>
    %dot_general3A_134 = tpu.matmul %convert_element_type3A_43, %slice3A_132, %dot_general3A_133 {dimension_numbers = #tpu.dot_dimension_numbers<[1], [0], [0], [1], [0, 0, 1, 1], [], []>, precision = #tpu.contract_precision<fp32>, transpose_lhs_hint = false} : vector<128x128xf32>, vector<128x16xf32>, vector<128x16xf32> -> vector<128x16xf32>
    %sub3A_135 = arith.subf %dot_general3A_134, %slice3A_132 : vector<128x16xf32>
    %add3A_136 = vector.broadcast %add3A_131 : vector<1x16xf32> to vector<128x16xf32>
    %add3A_137 = arith.addf %sub3A_135, %add3A_136 : vector<128x16xf32>
    %slice3A_138 = vector.extract_strided_slice %dot_general3A_134 {offsets = [127, 0], sizes = [1, 16], strides = [1, 1]} : vector<128x16xf32> to vector<1x16xf32>
    %add3A_139 = arith.addf %add3A_131, %slice3A_138 : vector<1x16xf32>
    %slice3A_140 = vector.extract_strided_slice %concatenate3A {offsets = [1536, 0], sizes = [128, 16], strides = [1, 1]} : vector<2048x16xf32> to vector<128x16xf32>
    %dot_general3A_141 = arith.constant dense<0.000000e+00> : vector<128x16xf32>
    %dot_general3A_142 = tpu.matmul %convert_element_type3A_43, %slice3A_140, %dot_general3A_141 {dimension_numbers = #tpu.dot_dimension_numbers<[1], [0], [0], [1], [0, 0, 1, 1], [], []>, precision = #tpu.contract_precision<fp32>, transpose_lhs_hint = false} : vector<128x128xf32>, vector<128x16xf32>, vector<128x16xf32> -> vector<128x16xf32>
    %sub3A_143 = arith.subf %dot_general3A_142, %slice3A_140 : vector<128x16xf32>
    %add3A_144 = vector.broadcast %add3A_139 : vector<1x16xf32> to vector<128x16xf32>
    %add3A_145 = arith.addf %sub3A_143, %add3A_144 : vector<128x16xf32>
    %slice3A_146 = vector.extract_strided_slice %dot_general3A_142 {offsets = [127, 0], sizes = [1, 16], strides = [1, 1]} : vector<128x16xf32> to vector<1x16xf32>
    %add3A_147 = arith.addf %add3A_139, %slice3A_146 : vector<1x16xf32>
    %slice3A_148 = vector.extract_strided_slice %concatenate3A {offsets = [1664, 0], sizes = [128, 16], strides = [1, 1]} : vector<2048x16xf32> to vector<128x16xf32>
    %dot_general3A_149 = arith.constant dense<0.000000e+00> : vector<128x16xf32>
    %dot_general3A_150 = tpu.matmul %convert_element_type3A_43, %slice3A_148, %dot_general3A_149 {dimension_numbers = #tpu.dot_dimension_numbers<[1], [0], [0], [1], [0, 0, 1, 1], [], []>, precision = #tpu.contract_precision<fp32>, transpose_lhs_hint = false} : vector<128x128xf32>, vector<128x16xf32>, vector<128x16xf32> -> vector<128x16xf32>
    %sub3A_151 = arith.subf %dot_general3A_150, %slice3A_148 : vector<128x16xf32>
    %add3A_152 = vector.broadcast %add3A_147 : vector<1x16xf32> to vector<128x16xf32>
    %add3A_153 = arith.addf %sub3A_151, %add3A_152 : vector<128x16xf32>
    %slice3A_154 = vector.extract_strided_slice %dot_general3A_150 {offsets = [127, 0], sizes = [1, 16], strides = [1, 1]} : vector<128x16xf32> to vector<1x16xf32>
    %add3A_155 = arith.addf %add3A_147, %slice3A_154 : vector<1x16xf32>
    %slice3A_156 = vector.extract_strided_slice %concatenate3A {offsets = [1792, 0], sizes = [128, 16], strides = [1, 1]} : vector<2048x16xf32> to vector<128x16xf32>
    %dot_general3A_157 = arith.constant dense<0.000000e+00> : vector<128x16xf32>
    %dot_general3A_158 = tpu.matmul %convert_element_type3A_43, %slice3A_156, %dot_general3A_157 {dimension_numbers = #tpu.dot_dimension_numbers<[1], [0], [0], [1], [0, 0, 1, 1], [], []>, precision = #tpu.contract_precision<fp32>, transpose_lhs_hint = false} : vector<128x128xf32>, vector<128x16xf32>, vector<128x16xf32> -> vector<128x16xf32>
    %sub3A_159 = arith.subf %dot_general3A_158, %slice3A_156 : vector<128x16xf32>
    %add3A_160 = vector.broadcast %add3A_155 : vector<1x16xf32> to vector<128x16xf32>
    %add3A_161 = arith.addf %sub3A_159, %add3A_160 : vector<128x16xf32>
    %slice3A_162 = vector.extract_strided_slice %dot_general3A_158 {offsets = [127, 0], sizes = [1, 16], strides = [1, 1]} : vector<128x16xf32> to vector<1x16xf32>
    %add3A_163 = arith.addf %add3A_155, %slice3A_162 : vector<1x16xf32>
    %slice3A_164 = vector.extract_strided_slice %concatenate3A {offsets = [1920, 0], sizes = [128, 16], strides = [1, 1]} : vector<2048x16xf32> to vector<128x16xf32>
    %dot_general3A_165 = arith.constant dense<0.000000e+00> : vector<128x16xf32>
    %dot_general3A_166 = tpu.matmul %convert_element_type3A_43, %slice3A_164, %dot_general3A_165 {dimension_numbers = #tpu.dot_dimension_numbers<[1], [0], [0], [1], [0, 0, 1, 1], [], []>, precision = #tpu.contract_precision<fp32>, transpose_lhs_hint = false} : vector<128x128xf32>, vector<128x16xf32>, vector<128x16xf32> -> vector<128x16xf32>
    %sub3A_167 = arith.subf %dot_general3A_166, %slice3A_164 : vector<128x16xf32>
    %add3A_168 = vector.broadcast %add3A_163 : vector<1x16xf32> to vector<128x16xf32>
    %add3A_169 = arith.addf %sub3A_167, %add3A_168 : vector<128x16xf32>
    %concatenate3A_170 = tpu.concatenate %add3A_49, %add3A_57, %add3A_65, %add3A_73, %add3A_81, %add3A_89, %add3A_97, %add3A_105, %add3A_113, %add3A_121, %add3A_129, %add3A_137, %add3A_145, %add3A_153, %add3A_161, %add3A_169 in 0 : vector<128x16xf32>, vector<128x16xf32>, vector<128x16xf32>, vector<128x16xf32>, vector<128x16xf32>, vector<128x16xf32>, vector<128x16xf32>, vector<128x16xf32>, vector<128x16xf32>, vector<128x16xf32>, vector<128x16xf32>, vector<128x16xf32>, vector<128x16xf32>, vector<128x16xf32>, vector<128x16xf32>, vector<128x16xf32> -> vector<2048x16xf32>
    %slice3A_171 = vector.extract_strided_slice %concatenate3A_170 {offsets = [0, 0], sizes = [2048, 8], strides = [1, 1]} : vector<2048x16xf32> to vector<2048x8xf32>
    %slice3A_172 = vector.extract_strided_slice %concatenate3A_170 {offsets = [0, 8], sizes = [2048, 8], strides = [1, 1]} : vector<2048x16xf32> to vector<2048x8xf32>
    %reduce_sum3A = arith.constant dense<0.000000e+00> : vector<8xf32>
    %reduce_sum3A_173 = vector.multi_reduction <add>, %convert_element_type3A_35, %reduce_sum3A [0] : vector<2048x8xf32> to vector<8xf32>
    %broadcast_in_dim3A_174 = vector.shape_cast %reduce_sum3A_173 : vector<8xf32> to vector<1x8xf32>
    %reduce_sum3A_175 = arith.constant dense<0.000000e+00> : vector<8xf32>
    %reduce_sum3A_176 = vector.multi_reduction <add>, %convert_element_type3A_39, %reduce_sum3A_175 [0] : vector<2048x8xf32> to vector<8xf32>
    %broadcast_in_dim3A_177 = vector.shape_cast %reduce_sum3A_176 : vector<8xf32> to vector<1x8xf32>
    %add3A_178 = arith.addf %broadcast_in_dim3A_174, %broadcast_in_dim3A_177 : vector<1x8xf32>
    %iota3A_179 = tpu.iota {dimensions = array<i32: 0>} : vector<8x8xi32>
    %iota3A_180 = tpu.iota {dimensions = array<i32: 1>} : vector<8x8xi32>
    %le3A = arith.cmpi sle, %iota3A_179, %iota3A_180 : vector<8x8xi32>
    %convert_element_type3A_181 = arith.extui %le3A : vector<8x8xi1> to vector<8x8xi32>
    %convert_element_type3A_182 = arith.sitofp %convert_element_type3A_181 : vector<8x8xi32> to vector<8x8xf32>
    %dot_general3A_183 = arith.constant dense<0.000000e+00> : vector<1x8xf32>
    %dot_general3A_184 = tpu.matmul %add3A_178, %convert_element_type3A_182, %dot_general3A_183 {dimension_numbers = #tpu.dot_dimension_numbers<[1], [0], [0], [1], [0, 0, 1, 1], [], []>, precision = #tpu.contract_precision<fp32>, transpose_lhs_hint = false} : vector<1x8xf32>, vector<8x8xf32>, vector<1x8xf32> -> vector<1x8xf32>
    %sub3A_185 = arith.subf %dot_general3A_184, %add3A_178 : vector<1x8xf32>
    %add3A_186 = vector.broadcast %sub3A_185 : vector<1x8xf32> to vector<2048x8xf32>
    %add3A_187 = arith.addf %add3A_186, %slice3A_171 : vector<2048x8xf32>
    %mul3A_188 = arith.mulf %convert_element_type3A_35, %add3A_187 : vector<2048x8xf32>
    %reduce_sum3A_189 = arith.constant dense<0.000000e+00> : vector<2048xf32>
    %reduce_sum3A_190 = vector.multi_reduction <add>, %mul3A_188, %reduce_sum3A_189 [1] : vector<2048x8xf32> to vector<2048xf32>
    %broadcast_in_dim3A_191 = vector.shape_cast %reduce_sum3A_190 : vector<2048xf32> to vector<2048x1xf32>
    %convert_element_type3A_192 = arith.fptosi %broadcast_in_dim3A_191 : vector<2048x1xf32> to vector<2048x1xi32>
    %swap3A_193 = arith.constant 0 : index
    %swap3A_194 = arith.constant 0 : index
    %swap3A_195 = vector.load %arg2[%swap3A_193, %swap3A_194] : memref<2048x1xi32, #tpu.memory_space<vmem>>, vector<2048x1xi32>
    tpu.vector_store %arg2[%swap3A_193, %swap3A_194], %convert_element_type3A_192 {strides = array<i32>} : memref<2048x1xi32, #tpu.memory_space<vmem>>, vector<2048x1xi32>,
    %add3A_196 = arith.addf %sub3A_185, %broadcast_in_dim3A_174 : vector<1x8xf32>
    %add3A_197 = vector.broadcast %add3A_196 : vector<1x8xf32> to vector<2048x8xf32>
    %add3A_198 = arith.addf %add3A_197, %slice3A_172 : vector<2048x8xf32>
    %mul3A_199 = arith.mulf %convert_element_type3A_39, %add3A_198 : vector<2048x8xf32>
    %reduce_sum3A_200 = arith.constant dense<0.000000e+00> : vector<2048xf32>
    %reduce_sum3A_201 = vector.multi_reduction <add>, %mul3A_199, %reduce_sum3A_200 [1] : vector<2048x8xf32> to vector<2048xf32>
    %broadcast_in_dim3A_202 = vector.shape_cast %reduce_sum3A_201 : vector<2048xf32> to vector<2048x1xf32>
    %convert_element_type3A_203 = arith.fptosi %broadcast_in_dim3A_202 : vector<2048x1xf32> to vector<2048x1xi32>
    %swap3A_204 = arith.constant 0 : index
    %swap3A_205 = arith.constant 0 : index
    %swap3A_206 = vector.load %arg3[%swap3A_204, %swap3A_205] : memref<2048x1xi32, #tpu.memory_space<vmem>>, vector<2048x1xi32>
    tpu.vector_store %arg3[%swap3A_204, %swap3A_205], %convert_element_type3A_203 {strides = array<i32>} : memref<2048x1xi32, #tpu.memory_space<vmem>>, vector<2048x1xi32>,
    %eq3A_207 = arith.cmpi eq, %iota3A_179, %iota3A_180 : vector<8x8xi32>
    %convert_element_type3A_208 = arith.extui %eq3A_207 : vector<8x8xi1> to vector<8x8xi32>
    %convert_element_type3A_209 = arith.sitofp %convert_element_type3A_208 : vector<8x8xi32> to vector<8x8xf32>
    %mul3A_210 = vector.broadcast %sub3A_185 : vector<1x8xf32> to vector<8x8xf32>
    %mul3A_211 = arith.mulf %convert_element_type3A_209, %mul3A_210 : vector<8x8xf32>
    %reduce_sum3A_212 = arith.constant dense<0.000000e+00> : vector<8xf32>
    %reduce_sum3A_213 = vector.multi_reduction <add>, %mul3A_211, %reduce_sum3A_212 [1] : vector<8x8xf32> to vector<8xf32>
    %broadcast_in_dim3A_214 = vector.shape_cast %reduce_sum3A_213 : vector<8xf32> to vector<8x1xf32>
    %mul3A_215 = vector.broadcast %dot_general3A_184 : vector<1x8xf32> to vector<8x8xf32>
    %mul3A_216 = arith.mulf %convert_element_type3A_209, %mul3A_215 : vector<8x8xf32>
    %reduce_sum3A_217 = arith.constant dense<0.000000e+00> : vector<8xf32>
    %reduce_sum3A_218 = vector.multi_reduction <add>, %mul3A_216, %reduce_sum3A_217 [1] : vector<8x8xf32> to vector<8xf32>
    %broadcast_in_dim3A_219 = vector.shape_cast %reduce_sum3A_218 : vector<8xf32> to vector<8x1xf32>
    %iota3A_220 = tpu.iota {dimensions = array<i32: 1>} : vector<1x32xi32>
    %convert_element_type3A_221 = arith.sitofp %iota3A_220 : vector<1x32xi32> to vector<1x32xf32>
    %mul3A_222 = arith.constant 1.280000e+02 : f32
    %mul3A_223 = vector.broadcast %mul3A_222 : f32 to vector<1x32xf32>
    %mul3A_224 = arith.mulf %convert_element_type3A_221, %mul3A_223 : vector<1x32xf32>
    %add3A_225 = arith.constant 1.280000e+02 : f32
    %add3A_226 = vector.broadcast %add3A_225 : f32 to vector<1x32xf32>
    %add3A_227 = arith.addf %mul3A_224, %add3A_226 : vector<1x32xf32>
    %lt3A = vector.broadcast %broadcast_in_dim3A_214 : vector<8x1xf32> to vector<8x32xf32>
    %lt3A_228 = vector.broadcast %add3A_227 : vector<1x32xf32> to vector<8x32xf32>
    %lt3A_229 = arith.cmpf olt, %lt3A, %lt3A_228 : vector<8x32xf32>
    %gt3A = vector.broadcast %broadcast_in_dim3A_219 : vector<8x1xf32> to vector<8x32xf32>
    %gt3A_230 = vector.broadcast %mul3A_224 : vector<1x32xf32> to vector<8x32xf32>
    %gt3A_231 = arith.cmpf ogt, %gt3A, %gt3A_230 : vector<8x32xf32>
    %and3A = arith.andi %lt3A_229, %gt3A_231 : vector<8x32xi1>
    %convert_element_type3A_232 = arith.extui %and3A : vector<8x32xi1> to vector<8x32xi32>
    %convert_element_type3A_233 = arith.sitofp %convert_element_type3A_232 : vector<8x32xi32> to vector<8x32xf32>
    %reduce_sum3A_234 = arith.constant dense<0.000000e+00> : vector<32xf32>
    %reduce_sum3A_235 = vector.multi_reduction <add>, %convert_element_type3A_233, %reduce_sum3A_234 [0] : vector<8x32xf32> to vector<32xf32>
    %broadcast_in_dim3A_236 = vector.shape_cast %reduce_sum3A_235 : vector<32xf32> to vector<1x32xf32>
    %iota3A_237 = tpu.iota {dimensions = array<i32: 0>} : vector<32x32xi32>
    %iota3A_238 = tpu.iota {dimensions = array<i32: 1>} : vector<32x32xi32>
    %lt3A_239 = arith.cmpi slt, %iota3A_237, %iota3A_238 : vector<32x32xi32>
    %convert_element_type3A_240 = arith.extui %lt3A_239 : vector<32x32xi1> to vector<32x32xi32>
    %convert_element_type3A_241 = arith.sitofp %convert_element_type3A_240 : vector<32x32xi32> to vector<32x32xf32>
    %dot_general3A_242 = arith.constant dense<0.000000e+00> : vector<1x32xf32>
    %dot_general3A_243 = tpu.matmul %broadcast_in_dim3A_236, %convert_element_type3A_241, %dot_general3A_242 {dimension_numbers = #tpu.dot_dimension_numbers<[1], [0], [0], [1], [0, 0, 1, 1], [], []>, precision = #tpu.contract_precision<fp32>, transpose_lhs_hint = false} : vector<1x32xf32>, vector<32x32xf32>, vector<1x32xf32> -> vector<1x32xf32>
    %reduce_sum3A_244 = vector.shape_cast %broadcast_in_dim3A_236 : vector<1x32xf32> to vector<1x1x32xf32>
    %reduce_sum3A_245 = arith.constant dense<0.000000e+00> : vector<1xf32>
    %reduce_sum3A_246 = vector.multi_reduction <add>, %reduce_sum3A_244, %reduce_sum3A_245 [1, 2] : vector<1x1x32xf32> to vector<1xf32>
    %reduce_sum3A_247 = vector.shape_cast %reduce_sum3A_246 : vector<1xf32> to vector<1x1x1xf32>
    %reduce_sum3A_248 = vector.extract %reduce_sum3A_247[0, 0, 0] : f32 from vector<1x1x1xf32>
    %eq3A_249 = arith.cmpi eq, %iota3A_237, %iota3A_238 : vector<32x32xi32>
    %convert_element_type3A_250 = arith.extui %eq3A_249 : vector<32x32xi1> to vector<32x32xi32>
    %convert_element_type3A_251 = arith.sitofp %convert_element_type3A_250 : vector<32x32xi32> to vector<32x32xf32>
    %mul3A_252 = vector.broadcast %dot_general3A_243 : vector<1x32xf32> to vector<32x32xf32>
    %mul3A_253 = arith.mulf %convert_element_type3A_251, %mul3A_252 : vector<32x32xf32>
    %reduce_sum3A_254 = arith.constant dense<0.000000e+00> : vector<32xf32>
    %reduce_sum3A_255 = vector.multi_reduction <add>, %mul3A_253, %reduce_sum3A_254 [1] : vector<32x32xf32> to vector<32xf32>
    %broadcast_in_dim3A_256 = vector.shape_cast %reduce_sum3A_255 : vector<32xf32> to vector<32x1xf32>
    %iota3A_257 = tpu.iota {dimensions = array<i32: 1>} : vector<1x40xi32>
    %convert_element_type3A_258 = arith.sitofp %iota3A_257 : vector<1x40xi32> to vector<1x40xf32>
    %le3A_259 = vector.broadcast %broadcast_in_dim3A_256 : vector<32x1xf32> to vector<32x40xf32>
    %le3A_260 = vector.broadcast %convert_element_type3A_258 : vector<1x40xf32> to vector<32x40xf32>
    %le3A_261 = arith.cmpf ole, %le3A_259, %le3A_260 : vector<32x40xf32>
    %convert_element_type3A_262 = arith.extui %le3A_261 : vector<32x40xi1> to vector<32x40xi32>
    %convert_element_type3A_263 = arith.sitofp %convert_element_type3A_262 : vector<32x40xi32> to vector<32x40xf32>
    %reduce_sum3A_264 = arith.constant dense<0.000000e+00> : vector<40xf32>
    %reduce_sum3A_265 = vector.multi_reduction <add>, %convert_element_type3A_263, %reduce_sum3A_264 [0] : vector<32x40xf32> to vector<40xf32>
    %broadcast_in_dim3A_266 = vector.shape_cast %reduce_sum3A_265 : vector<40xf32> to vector<1x40xf32>
    %sub3A_267 = arith.constant 1.000000e+00 : f32
    %sub3A_268 = vector.broadcast %sub3A_267 : f32 to vector<1x40xf32>
    %sub3A_269 = arith.subf %broadcast_in_dim3A_266, %sub3A_268 : vector<1x40xf32>
    %iota3A_270 = tpu.iota {dimensions = array<i32: 0>} : vector<32x40xi32>
    %convert_element_type3A_271 = arith.sitofp %iota3A_270 : vector<32x40xi32> to vector<32x40xf32>
    %eq3A_272 = vector.broadcast %sub3A_269 : vector<1x40xf32> to vector<32x40xf32>
    %eq3A_273 = arith.cmpf oeq, %convert_element_type3A_271, %eq3A_272 : vector<32x40xf32>
    %convert_element_type3A_274 = arith.extui %eq3A_273 : vector<32x40xi1> to vector<32x40xi32>
    %convert_element_type3A_275 = arith.sitofp %convert_element_type3A_274 : vector<32x40xi32> to vector<32x40xf32>
    %mul3A_276 = vector.broadcast %broadcast_in_dim3A_256 : vector<32x1xf32> to vector<32x40xf32>
    %mul3A_277 = arith.mulf %convert_element_type3A_275, %mul3A_276 : vector<32x40xf32>
    %reduce_sum3A_278 = arith.constant dense<0.000000e+00> : vector<40xf32>
    %reduce_sum3A_279 = vector.multi_reduction <add>, %mul3A_277, %reduce_sum3A_278 [0] : vector<32x40xf32> to vector<40xf32>
    %broadcast_in_dim3A_280 = vector.shape_cast %reduce_sum3A_279 : vector<40xf32> to vector<1x40xf32>
    %sub3A_281 = arith.subf %convert_element_type3A_258, %broadcast_in_dim3A_280 : vector<1x40xf32>
    %dot_general3A_282 = arith.constant dense<0.000000e+00> : vector<8x40xf32>
    %dot_general3A_283 = tpu.matmul %convert_element_type3A_233, %convert_element_type3A_275, %dot_general3A_282 {dimension_numbers = #tpu.dot_dimension_numbers<[1], [0], [0], [1], [0, 0, 1, 1], [], []>, precision = #tpu.contract_precision<fp32>, transpose_lhs_hint = false} : vector<8x32xf32>, vector<32x40xf32>, vector<8x40xf32> -> vector<8x40xf32>
    %gt3A_284 = arith.cmpi sgt, %iota3A_179, %iota3A_180 : vector<8x8xi32>
    %convert_element_type3A_285 = arith.extui %gt3A_284 : vector<8x8xi1> to vector<8x8xi32>
    %convert_element_type3A_286 = arith.sitofp %convert_element_type3A_285 : vector<8x8xi32> to vector<8x8xf32>
    %dot_general3A_287 = arith.constant dense<0.000000e+00> : vector<8x40xf32>
    %dot_general3A_288 = tpu.matmul %convert_element_type3A_286, %dot_general3A_283, %dot_general3A_287 {dimension_numbers = #tpu.dot_dimension_numbers<[1], [0], [0], [1], [0, 0, 1, 1], [], []>, precision = #tpu.contract_precision<fp32>, transpose_lhs_hint = false} : vector<8x8xf32>, vector<8x40xf32>, vector<8x40xf32> -> vector<8x40xf32>
    %gt3A_289 = arith.constant 5.000000e-01 : f32
    %gt3A_290 = vector.broadcast %gt3A_289 : f32 to vector<8x40xf32>
    %gt3A_291 = arith.cmpf ogt, %dot_general3A_283, %gt3A_290 : vector<8x40xf32>
    %eq3A_292 = vector.broadcast %sub3A_281 : vector<1x40xf32> to vector<8x40xf32>
    %eq3A_293 = arith.cmpf oeq, %dot_general3A_288, %eq3A_292 : vector<8x40xf32>
    %and3A_294 = arith.andi %gt3A_291, %eq3A_293 : vector<8x40xi1>
    %convert_element_type3A_295 = arith.extui %and3A_294 : vector<8x40xi1> to vector<8x40xi32>
    %convert_element_type3A_296 = arith.sitofp %convert_element_type3A_295 : vector<8x40xi32> to vector<8x40xf32>
    %iota3A_297 = tpu.iota {dimensions = array<i32: 0>} : vector<8x40xi32>
    %convert_element_type3A_298 = arith.sitofp %iota3A_297 : vector<8x40xi32> to vector<8x40xf32>
    %mul3A_299 = arith.mulf %convert_element_type3A_296, %convert_element_type3A_298 : vector<8x40xf32>
    %reduce_sum3A_300 = arith.constant dense<0.000000e+00> : vector<40xf32>
    %reduce_sum3A_301 = vector.multi_reduction <add>, %mul3A_299, %reduce_sum3A_300 [0] : vector<8x40xf32> to vector<40xf32>
    %broadcast_in_dim3A_302 = vector.shape_cast %reduce_sum3A_301 : vector<40xf32> to vector<1x40xf32>
    %mul3A_303 = vector.broadcast %broadcast_in_dim3A_214 : vector<8x1xf32> to vector<8x40xf32>
    %mul3A_304 = arith.mulf %convert_element_type3A_296, %mul3A_303 : vector<8x40xf32>
    %reduce_sum3A_305 = arith.constant dense<0.000000e+00> : vector<40xf32>
    %reduce_sum3A_306 = vector.multi_reduction <add>, %mul3A_304, %reduce_sum3A_305 [0] : vector<8x40xf32> to vector<40xf32>
    %broadcast_in_dim3A_307 = vector.shape_cast %reduce_sum3A_306 : vector<40xf32> to vector<1x40xf32>
    %mul3A_308 = vector.broadcast %broadcast_in_dim3A_219 : vector<8x1xf32> to vector<8x40xf32>
    %mul3A_309 = arith.mulf %convert_element_type3A_296, %mul3A_308 : vector<8x40xf32>
    %reduce_sum3A_310 = arith.constant dense<0.000000e+00> : vector<40xf32>
    %reduce_sum3A_311 = vector.multi_reduction <add>, %mul3A_309, %reduce_sum3A_310 [0] : vector<8x40xf32> to vector<40xf32>
    %broadcast_in_dim3A_312 = vector.shape_cast %reduce_sum3A_311 : vector<40xf32> to vector<1x40xf32>
    %lt3A_313 = vector.broadcast %reduce_sum3A_248 : f32 to vector<1x40xf32>
    %lt3A_314 = arith.cmpf olt, %convert_element_type3A_258, %lt3A_313 : vector<1x40xf32>
    %sub3A_315 = arith.constant 1.000000e+00 : f32
    %sub3A_316 = arith.subf %reduce_sum3A_248, %sub3A_315 : f32
    %eq3A_317 = vector.broadcast %sub3A_316 : f32 to vector<1x40xf32>
    %eq3A_318 = arith.cmpf oeq, %convert_element_type3A_258, %eq3A_317 : vector<1x40xf32>
    %jit3A_319 = arith.constant 0.000000e+00 : f32
    %broadcast_in_dim3A_320 = vector.broadcast %jit3A_319 : f32 to vector<1x40xf32>
    %select_n3A_321 = arith.select %eq3A_318, %broadcast_in_dim3A_302, %broadcast_in_dim3A_320 : vector<1x40xi1>, vector<1x40xf32>
    %reduce_sum3A_322 = vector.shape_cast %select_n3A_321 : vector<1x40xf32> to vector<1x1x40xf32>
    %reduce_sum3A_323 = arith.constant dense<0.000000e+00> : vector<1xf32>
    %reduce_sum3A_324 = vector.multi_reduction <add>, %reduce_sum3A_322, %reduce_sum3A_323 [1, 2] : vector<1x1x40xf32> to vector<1xf32>
    %reduce_sum3A_325 = vector.shape_cast %reduce_sum3A_324 : vector<1xf32> to vector<1x1x1xf32>
    %reduce_sum3A_326 = vector.extract %reduce_sum3A_325[0, 0, 0] : f32 from vector<1x1x1xf32>
    %broadcast_in_dim3A_327 = vector.broadcast %reduce_sum3A_326 : f32 to vector<1x40xf32>
    %select_n3A_328 = arith.select %lt3A_314, %broadcast_in_dim3A_302, %broadcast_in_dim3A_327 : vector<1x40xi1>, vector<1x40xf32>
    %mul3A_329 = arith.constant 1.280000e+02 : f32
    %mul3A_330 = vector.broadcast %mul3A_329 : f32 to vector<1x40xf32>
    %mul3A_331 = arith.mulf %sub3A_269, %mul3A_330 : vector<1x40xf32>
    %sub3A_332 = arith.subf %broadcast_in_dim3A_307, %mul3A_331 : vector<1x40xf32>
    %max3A = arith.constant 0.000000e+00 : f32
    %max3A_333 = vector.broadcast %max3A : f32 to vector<1x40xf32>
    %max3A_334 = arith.maximumf %sub3A_332, %max3A_333 : vector<1x40xf32>
    %mul3A_335 = arith.constant 1.280000e+02 : f32
    %mul3A_336 = vector.broadcast %mul3A_335 : f32 to vector<1x40xf32>
    %mul3A_337 = arith.mulf %sub3A_269, %mul3A_336 : vector<1x40xf32>
    %sub3A_338 = arith.subf %broadcast_in_dim3A_312, %mul3A_337 : vector<1x40xf32>
    %jit3A_339 = arith.constant 0.000000e+00 : f32
    %jit3A_340 = arith.constant 1.280000e+02 : f32
    %max3A_341 = vector.broadcast %jit3A_339 : f32 to vector<1x40xf32>
    %max3A_342 = arith.maximumf %max3A_341, %sub3A_338 : vector<1x40xf32>
    %min3A = vector.broadcast %jit3A_340 : f32 to vector<1x40xf32>
    %min3A_343 = arith.minimumf %min3A, %max3A_342 : vector<1x40xf32>
    %jit3A_344 = arith.constant 0.000000e+00 : f32
    %broadcast_in_dim3A_345 = vector.broadcast %jit3A_344 : f32 to vector<1x40xf32>
    %select_n3A_346 = arith.select %lt3A_314, %max3A_334, %broadcast_in_dim3A_345 : vector<1x40xi1>, vector<1x40xf32>
    %jit3A_347 = arith.constant 0.000000e+00 : f32
    %broadcast_in_dim3A_348 = vector.broadcast %jit3A_347 : f32 to vector<1x40xf32>
    %select_n3A_349 = arith.select %lt3A_314, %min3A_343, %broadcast_in_dim3A_348 : vector<1x40xi1>, vector<1x40xf32>
    %broadcast_in_dim3A_350 = arith.constant 0.000000e+00 : f32
    %broadcast_in_dim3A_351 = vector.broadcast %broadcast_in_dim3A_350 : f32 to vector<4x40xf32>
    %concatenate3A_352 = tpu.concatenate %sub3A_269, %select_n3A_328, %select_n3A_346, %select_n3A_349, %broadcast_in_dim3A_351 in 0 : vector<1x40xf32>, vector<1x40xf32>, vector<1x40xf32>, vector<1x40xf32>, vector<4x40xf32> -> vector<8x40xf32>
    %convert_element_type3A_353 = arith.fptosi %concatenate3A_352 : vector<8x40xf32> to vector<8x40xi32>
    %swap3A_354 = arith.constant 0 : index
    %swap3A_355 = arith.constant 0 : index
    %swap3A_356 = vector.load %arg6[%swap3A_354, %swap3A_355] : memref<8x40xi32, #tpu.memory_space<vmem>>, vector<8x40xi32>
    tpu.vector_store %arg6[%swap3A_354, %swap3A_355], %convert_element_type3A_353 {strides = array<i32>} : memref<8x40xi32, #tpu.memory_space<vmem>>, vector<8x40xi32>,
    return
  }
}

module attributes {stable_mosaic.version = 14 : i64} {
  func.func @_shared_kernel(%arg0: memref<2048x768xf32, #tpu.memory_space<vmem>>, %arg1: memref<768x1024xbf16, #tpu.memory_space<vmem>>, %arg2: memref<512x768xbf16, #tpu.memory_space<vmem>>, %arg3: memref<2048x768xf32, #tpu.memory_space<vmem>>) attributes {dimension_semantics = [], scalar_prefetch = 0 : i64, scratch_operands = 0 : i64, tpu.core_type = #tpu.core_type<tc>} {
    %get3A = arith.constant 0 : index
    %get3A_0 = arith.constant 0 : index
    %get3A_1 = vector.load %arg0[%get3A, %get3A_0] : memref<2048x768xf32, #tpu.memory_space<vmem>>, vector<2048x768xf32>
    %convert_element_type3A = arith.truncf %get3A_1 : vector<2048x768xf32> to vector<2048x768xbf16>
    %get3A_2 = arith.constant 0 : index
    %get3A_3 = arith.constant 0 : index
    %get3A_4 = vector.load %arg1[%get3A_2, %get3A_3] : memref<768x1024xbf16, #tpu.memory_space<vmem>>, vector<768x1024xbf16>
    %dot_general3A = arith.constant dense<0.000000e+00> : vector<2048x1024xf32>
    %dot_general3A_5 = tpu.matmul %convert_element_type3A, %get3A_4, %dot_general3A {dimension_numbers = #tpu.dot_dimension_numbers<[1], [0], [0], [1], [0, 0, 1, 1], [], []>, transpose_lhs_hint = false} : vector<2048x768xbf16>, vector<768x1024xbf16>, vector<2048x1024xf32> -> vector<2048x1024xf32>
    %slice3A = vector.extract_strided_slice %dot_general3A_5 {offsets = [0, 0], sizes = [2048, 512], strides = [1, 1]} : vector<2048x1024xf32> to vector<2048x512xf32>
    %logistic3A = arith.negf %slice3A : vector<2048x512xf32>
    %logistic3A_6 = math.exp %logistic3A : vector<2048x512xf32>
    %logistic3A_7 = arith.constant 1.000000e+00 : f32
    %logistic3A_8 = vector.broadcast %logistic3A_7 : f32 to vector<2048x512xf32>
    %logistic3A_9 = arith.addf %logistic3A_8, %logistic3A_6 : vector<2048x512xf32>
    %logistic3A_10 = arith.divf %logistic3A_8, %logistic3A_9 : vector<2048x512xf32>
    %mul3A = arith.mulf %slice3A, %logistic3A_10 : vector<2048x512xf32>
    %slice3A_11 = vector.extract_strided_slice %dot_general3A_5 {offsets = [0, 512], sizes = [2048, 512], strides = [1, 1]} : vector<2048x1024xf32> to vector<2048x512xf32>
    %mul3A_12 = arith.mulf %mul3A, %slice3A_11 : vector<2048x512xf32>
    %convert_element_type3A_13 = arith.truncf %mul3A_12 : vector<2048x512xf32> to vector<2048x512xbf16>
    %get3A_14 = arith.constant 0 : index
    %get3A_15 = arith.constant 0 : index
    %get3A_16 = vector.load %arg2[%get3A_14, %get3A_15] : memref<512x768xbf16, #tpu.memory_space<vmem>>, vector<512x768xbf16>
    %dot_general3A_17 = arith.constant dense<0.000000e+00> : vector<2048x768xf32>
    %dot_general3A_18 = tpu.matmul %convert_element_type3A_13, %get3A_16, %dot_general3A_17 {dimension_numbers = #tpu.dot_dimension_numbers<[1], [0], [0], [1], [0, 0, 1, 1], [], []>, transpose_lhs_hint = false} : vector<2048x512xbf16>, vector<512x768xbf16>, vector<2048x768xf32> -> vector<2048x768xf32>
    %swap3A = arith.constant 0 : index
    %swap3A_19 = arith.constant 0 : index
    %swap3A_20 = vector.load %arg3[%swap3A, %swap3A_19] : memref<2048x768xf32, #tpu.memory_space<vmem>>, vector<2048x768xf32>
    tpu.vector_store %arg3[%swap3A, %swap3A_19], %dot_general3A_18 {strides = array<i32>} : memref<2048x768xf32, #tpu.memory_space<vmem>>, vector<2048x768xf32>,
    return
  }
}

module attributes {stable_mosaic.version = 14 : i64} {
  func.func @_gmm_kernel(%arg0: i32, %arg1: memref<8x40xi32, #tpu.memory_space<smem>>, %arg2: memref<128x768xf32, #tpu.memory_space<vmem>>, %arg3: memref<1x768x512xbf16, #tpu.memory_space<vmem>>, %arg4: memref<1x256x768xbf16, #tpu.memory_space<vmem>>, %arg5: memref<128x768xf32, #tpu.memory_space<vmem>>) attributes {dimension_semantics = [#tpu.dimension_semantics<arbitrary>], iteration_bounds = array<i64: 40>, scalar_prefetch = 1 : i64, scratch_operands = 0 : i64, tpu.core_type = #tpu.core_type<tc>, window_params = [{transform_indices = @transform_0, window_bounds = array<i64: 128, 768>}, {transform_indices = @transform_1, window_bounds = array<i64: 1, 768, 512>}, {transform_indices = @transform_2, window_bounds = array<i64: 1, 256, 768>}, {transform_indices = @transform_3, window_bounds = array<i64: 128, 768>}]} {
    %get3A = arith.constant 2 : index
    %get3A_0 = arith.index_cast %arg0 : i32 to index
    %get3A_1 = memref.load %arg1[%get3A, %get3A_0] : memref<8x40xi32, #tpu.memory_space<smem>>
    %get3A_2 = arith.constant 3 : index
    %get3A_3 = arith.index_cast %arg0 : i32 to index
    %get3A_4 = memref.load %arg1[%get3A_2, %get3A_3] : memref<8x40xi32, #tpu.memory_space<smem>>
    %gt3A = arith.constant 0 : i32
    %gt3A_5 = arith.cmpi sgt, %get3A_4, %gt3A : i32
    %convert_element_type3A = arith.extui %gt3A_5 : i1 to i32
    %cond3A = arith.constant 0 : i32
    %cond3A_6 = arith.cmpi ne, %convert_element_type3A, %cond3A : i32
    scf.if %cond3A_6 {
      %iota3A = tpu.iota {dimensions = array<i32: 0>} : vector<128x1xi32>
      %ge3A = vector.broadcast %get3A_1 : i32 to vector<128x1xi32>
      %ge3A_7 = arith.cmpi sge, %iota3A, %ge3A : vector<128x1xi32>
      %lt3A = vector.broadcast %get3A_4 : i32 to vector<128x1xi32>
      %lt3A_8 = arith.cmpi slt, %iota3A, %lt3A : vector<128x1xi32>
      %and3A = arith.andi %ge3A_7, %lt3A_8 : vector<128x1xi1>
      %convert_element_type3A_9 = arith.extui %and3A : vector<128x1xi1> to vector<128x1xi32>
      %convert_element_type3A_10 = arith.sitofp %convert_element_type3A_9 : vector<128x1xi32> to vector<128x1xf32>
      %get3A_11 = arith.constant 0 : index
      %get3A_12 = arith.constant 0 : index
      %get3A_13 = vector.load %arg2[%get3A_11, %get3A_12] : memref<128x768xf32, #tpu.memory_space<vmem>>, vector<128x768xf32>
      %mul3A = vector.broadcast %convert_element_type3A_10 : vector<128x1xf32> to vector<128x768xf32>
      %mul3A_14 = arith.mulf %get3A_13, %mul3A : vector<128x768xf32>
      %convert_element_type3A_15 = arith.truncf %mul3A_14 : vector<128x768xf32> to vector<128x768xbf16>
      %get3A_16 = arith.constant 0 : index
      %get3A_17 = arith.constant 0 : index
      %get3A_18 = arith.constant 0 : index
      %get3A_19 = vector.load %arg3[%get3A_16, %get3A_17, %get3A_18] : memref<1x768x512xbf16, #tpu.memory_space<vmem>>, vector<1x768x512xbf16>
      %get3A_20 = vector.shape_cast %get3A_19 : vector<1x768x512xbf16> to vector<768x512xbf16>
      %dot_general3A = arith.constant dense<0.000000e+00> : vector<128x512xf32>
      %dot_general3A_21 = tpu.matmul %convert_element_type3A_15, %get3A_20, %dot_general3A {dimension_numbers = #tpu.dot_dimension_numbers<[1], [0], [0], [1], [0, 0, 1, 1], [], []>, transpose_lhs_hint = false} : vector<128x768xbf16>, vector<768x512xbf16>, vector<128x512xf32> -> vector<128x512xf32>
      %slice3A = vector.extract_strided_slice %dot_general3A_21 {offsets = [0, 0], sizes = [128, 256], strides = [1, 1]} : vector<128x512xf32> to vector<128x256xf32>
      %logistic3A = arith.negf %slice3A : vector<128x256xf32>
      %logistic3A_22 = math.exp %logistic3A : vector<128x256xf32>
      %logistic3A_23 = arith.constant 1.000000e+00 : f32
      %logistic3A_24 = vector.broadcast %logistic3A_23 : f32 to vector<128x256xf32>
      %logistic3A_25 = arith.addf %logistic3A_24, %logistic3A_22 : vector<128x256xf32>
      %logistic3A_26 = arith.divf %logistic3A_24, %logistic3A_25 : vector<128x256xf32>
      %mul3A_27 = arith.mulf %slice3A, %logistic3A_26 : vector<128x256xf32>
      %slice3A_28 = vector.extract_strided_slice %dot_general3A_21 {offsets = [0, 256], sizes = [128, 256], strides = [1, 1]} : vector<128x512xf32> to vector<128x256xf32>
      %mul3A_29 = arith.mulf %mul3A_27, %slice3A_28 : vector<128x256xf32>
      %convert_element_type3A_30 = arith.truncf %mul3A_29 : vector<128x256xf32> to vector<128x256xbf16>
      %get3A_31 = arith.constant 0 : index
      %get3A_32 = arith.constant 0 : index
      %get3A_33 = arith.constant 0 : index
      %get3A_34 = vector.load %arg4[%get3A_31, %get3A_32, %get3A_33] : memref<1x256x768xbf16, #tpu.memory_space<vmem>>, vector<1x256x768xbf16>
      %get3A_35 = vector.shape_cast %get3A_34 : vector<1x256x768xbf16> to vector<256x768xbf16>
      %dot_general3A_36 = arith.constant dense<0.000000e+00> : vector<128x768xf32>
      %dot_general3A_37 = tpu.matmul %convert_element_type3A_30, %get3A_35, %dot_general3A_36 {dimension_numbers = #tpu.dot_dimension_numbers<[1], [0], [0], [1], [0, 0, 1, 1], [], []>, transpose_lhs_hint = false} : vector<128x256xbf16>, vector<256x768xbf16>, vector<128x768xf32> -> vector<128x768xf32>
      %eq3A = arith.constant 0 : i32
      %eq3A_38 = arith.cmpi eq, %get3A_1, %eq3A : i32
      %convert_element_type3A_39 = arith.extui %eq3A_38 : i1 to i32
      %cond3A_40 = arith.constant 0 : i32
      %cond3A_41 = arith.cmpi ne, %convert_element_type3A_39, %cond3A_40 : i32
      scf.if %cond3A_41 {
        %swap3A = arith.constant 0 : index
        %swap3A_47 = arith.constant 0 : index
        %swap3A_48 = vector.load %arg5[%swap3A, %swap3A_47] : memref<128x768xf32, #tpu.memory_space<vmem>>, vector<128x768xf32>
        tpu.vector_store %arg5[%swap3A, %swap3A_47], %dot_general3A_37 {strides = array<i32>} : memref<128x768xf32, #tpu.memory_space<vmem>>, vector<128x768xf32>,
      } else {
      }
      %gt3A_42 = arith.constant 0 : i32
      %gt3A_43 = arith.cmpi sgt, %get3A_1, %gt3A_42 : i32
      %convert_element_type3A_44 = arith.extui %gt3A_43 : i1 to i32
      %cond3A_45 = arith.constant 0 : i32
      %cond3A_46 = arith.cmpi ne, %convert_element_type3A_44, %cond3A_45 : i32
      scf.if %cond3A_46 {
        %get3A_47 = arith.constant 0 : index
        %get3A_48 = arith.constant 0 : index
        %get3A_49 = vector.load %arg5[%get3A_47, %get3A_48] : memref<128x768xf32, #tpu.memory_space<vmem>>, vector<128x768xf32>
        %add3A = arith.addf %get3A_49, %dot_general3A_37 : vector<128x768xf32>
        %swap3A = arith.constant 0 : index
        %swap3A_50 = arith.constant 0 : index
        %swap3A_51 = vector.load %arg5[%swap3A, %swap3A_50] : memref<128x768xf32, #tpu.memory_space<vmem>>, vector<128x768xf32>
        tpu.vector_store %arg5[%swap3A, %swap3A_50], %add3A {strides = array<i32>} : memref<128x768xf32, #tpu.memory_space<vmem>>, vector<128x768xf32>,
      } else {
      }
    } else {
    }
    return
  }
  func.func @transform_0(%arg0: i32, %arg1: memref<8x40xi32, #tpu.memory_space<smem>>) -> (i32, i32) {
    %get3A = arith.constant 0 : index
    %get3A_0 = arith.index_cast %arg0 : i32 to index
    %get3A_1 = memref.load %arg1[%get3A, %get3A_0] : memref<8x40xi32, #tpu.memory_space<smem>>
    %c0_i32 = arith.constant 0 : i32
    %c0_i32_2 = arith.constant 0 : i32
    return %get3A_1, %c0_i32 : i32, i32
  }
  func.func @transform_1(%arg0: i32, %arg1: memref<8x40xi32, #tpu.memory_space<smem>>) -> (i32, i32, i32) {
    %get3A = arith.constant 1 : index
    %get3A_0 = arith.index_cast %arg0 : i32 to index
    %get3A_1 = memref.load %arg1[%get3A, %get3A_0] : memref<8x40xi32, #tpu.memory_space<smem>>
    %c0_i32 = arith.constant 0 : i32
    %c0_i32_2 = arith.constant 0 : i32
    %c0_i32_3 = arith.constant 0 : i32
    return %get3A_1, %c0_i32, %c0_i32_2 : i32, i32, i32
  }
  func.func @transform_2(%arg0: i32, %arg1: memref<8x40xi32, #tpu.memory_space<smem>>) -> (i32, i32, i32) {
    %get3A = arith.constant 1 : index
    %get3A_0 = arith.index_cast %arg0 : i32 to index
    %get3A_1 = memref.load %arg1[%get3A, %get3A_0] : memref<8x40xi32, #tpu.memory_space<smem>>
    %c0_i32 = arith.constant 0 : i32
    %c0_i32_2 = arith.constant 0 : i32
    %c0_i32_3 = arith.constant 0 : i32
    return %get3A_1, %c0_i32, %c0_i32_2 : i32, i32, i32
  }
  func.func @transform_3(%arg0: i32, %arg1: memref<8x40xi32, #tpu.memory_space<smem>>) -> (i32, i32) {
    %get3A = arith.constant 0 : index
    %get3A_0 = arith.index_cast %arg0 : i32 to index
    %get3A_1 = memref.load %arg1[%get3A, %get3A_0] : memref<8x40xi32, #tpu.memory_space<smem>>
    %c0_i32 = arith.constant 0 : i32
    %c0_i32_2 = arith.constant 0 : i32
    return %get3A_1, %c0_i32 : i32, i32
  }
}

</mosaic_0001>

<sc_bundles>
// kernel: kernel.10.cloned.1.call-start
scs
__scs_entry_jumppad:
0x0: {  	(pc) =	sbr.rel $0x88, $3  }
0x1: {  	(tag) =	ssettag $0x0;
	lr =	simm.s32 $0x1  }
0x2: {  	[smem:$0x3F99] =	sst lr;
	_ =	strace $0xD0000000  }
0x3: {  	_ = 	snop  }
0x4: {  	_ = 	snop  }
0x5: {  	_ = 	snop  }
0x6: {  	_ = 	snop  }
0x7: {  	_ = 	snop  }
__scs_overlays_trampoline_lowered:
0x8: {  	[smem:$0x3FA8] =	sst s0  }
0x9: {  	[smem:$0x3FA9] =	sst s1  }
0xa: {  	[smem:$0x3FAA] =	sst s2  }
0xb: {  	[smem:$0x3FAB] =	sst s3  }
0xc: {  	[smem:$0x3FAC] =	sst s4  }
0xd: {  	[smem:$0x3FAD] =	sst s5  }
0xe: {  	[smem:$0x3FAE] =	sst s6  }
0xf: {  	[smem:$0x3FAF] =	sst s7  }
0x10: {  	[smem:$0x3FB0] =	sst s8  }
0x11: {  	[smem:$0x3FB1] =	sst s9;
	s0 =	simm.s32 @!p0 $0x0  }
0x12: {  	s1 =	sld [smem:$0x3F97];
	s0 =	simm.s32 @p0 $0x1  }
0x13: {  	[smem:$0x3FB2] =	sst s0;
	s0 =	simm.s32 @!p1 $0x0  }
0x14: {  	s2 =	sld [smem:$0x3F96];
	s0 =	simm.s32 @p1 $0x1  }
0x15: {  	[smem:$0x3FB3] =	sst s0;
	s0 =	simm.s32 @!p2 $0x0  }
0x16: {  	s3 =	sld [smem:$0x3FDB];
	s0 =	simm.s32 @p2 $0x1  }
0x17: {  	s4 =	simm.s32 $0x1BF5;
	[smem:$0x3FB5] =	sst s0  }
0x18: {  	s0 =	sld [smem:$0x3F98];
	_ =	swait.ge [sflag:s4], $0x0  }
0x19: {  	s7 =	sld [smem:$0x3F99]  }
0x1a: {  	s8 =	sadd.s32 $0xFFFFE003, lr  }
0x1b: {  	s9 =	sadd.s32 $0xFFFFFEF7, lr;
	s5 =	simm.s32 $0xFFFFFFFF;
	p2 =	slt.u32 s8, $0xFFFFF086  }
0x1c: {  	p1 =	slt.u32 s9, $0xF7A;
	s5 =	simm.s32 @!p2 $0x0  }
0x1d: {  	s5 =	simm.s32 @p1 $0x1;
	p0 =	seq.s32 s7, s2  }
0x1e: {  	s7 =	smul.u32 @!p0 $0xF7A, s2;
	p2 =	seq.s32 @!p0 s5, $0x0  }
0x1f: {  	s9 =	smul.u32 $0xF7A, s1;
	s8 =	simm.s32 @!p0 $0x1BF5;
	p2 =	por !p2, p0  }
0x20: {  	[sflag:s8] =	ssyncset.s32 @!p0 $0xFFFFF086;
	s6 =	sadd.s32 @!p0 s3, s7;
	s7 =	simm.s32 @!p0 $0x108  }
0x21: {  	s3 =	sadd.s32 s3, s9;
	s6 =	sadd.s32 @!p0 $0x88, s6;
	s7 =	simm.s32 @p2 $0x1082  }
0x22: {  	[simem:s7], [sflag:s8] =	dma.local @!p0 [hbm:s6], $0xF7A  }
0x23: {  	s9 =	sor.u32 $0xD0000000, s2;
	s6 =	simm.s32 $0x108;
	_ =	swait.ge @!p0 [sflag:s8], $0x0  }
0x24: {  	s3 =	sadd.s32 $0x88, s3;
	s6 =	simm.s32 @!p1 $0x1082;
	[sflag:s4] =	ssyncset.s32 $0xFFFFF086  }
0x25: {  	[simem:s6], [sflag:s4] =	dma.local [hbm:s3], $0xF7A  }
0x26: {  	[smem:$0x3F99] =	sst s1;
	(tag) =	ssettag s2;
	_ =	strace s9  }
0x27: {  	s1 =	sld [smem:$0x3FA9]  }
0x28: {  	s2 =	sld [smem:$0x3FAA]  }
0x29: {  	s4 =	sld [smem:$0x3FAC]  }
0x2a: {  	p0 =	seq.s32 s5, $0x0;
	s5 =	sld [smem:$0x3FAD]  }
0x2b: {  	s6 =	sld [smem:$0x3FAE]  }
0x2c: {  	s7 =	sld [smem:$0x3FAF]  }
0x2d: {  	s3 =	simm.s32 $0x108;
	s8 =	sld [smem:$0x3FB0]  }
0x2e: {  	s3 =	simm.s32 @!p0 $0x1082;
	s9 =	sld [smem:$0x3FB1]  }
0x2f: {  	lr =	sadd.s32 s0, s3;
	s0 =	sld [smem:$0x3FA8]  }
0x30: {  	s3 =	sld [smem:$0x3FAB]  }
0x31: {  	[smem:$0x3FB4] =	sst s10  }
0x32: {  	s10 =	sld [smem:$0x3FB2];
	_ =	sdelay $0x3  }
0x33: {  	p0 =	seq.s32 s10, $0x1;
	s10 =	sld [smem:$0x3FB4];
	_ =	sdelay $0x3  }
0x34: {  	[smem:$0x3FB4] =	sst s10  }
0x35: {  	s10 =	sld [smem:$0x3FB3];
	_ =	sdelay $0x3  }
0x36: {  	p1 =	seq.s32 s10, $0x1;
	s10 =	sld [smem:$0x3FB4];
	_ =	sdelay $0x3  }
0x37: {  	[smem:$0x3FB4] =	sst s10  }
0x38: {  	s10 =	sld [smem:$0x3FB5]  }
0x39: {  	_ = 	snop;
	(pc) =	sbr.ind lr, $3  }
0x3a: {  	_ = 	snop  }
0x3b: {  	_ = 	snop  }
0x3c: {  	p2 =	seq.s32 s10, $0x1;
	s10 =	sld [smem:$0x3FB4]  }
0x3d: {  	_ =	shalt  }
0x3e: {  	_ =	shalt  }
0x3f: {  	_ =	shalt  }
0x40: {  	_ =	shalt  }
0x41: {  	_ =	shalt  }
0x42: {  	_ =	shalt  }
0x43: {  	_ =	shalt  }
0x44: {  	_ =	shalt  }
0x45: {  	_ =	shalt  }
0x46: {  	_ =	shalt  }
0x47: {  	_ =	shalt  }
0x48: {  	_ =	shalt  }
0x49: {  	_ =	shalt  }
0x4a: {  	_ =	shalt  }
0x4b: {  	_ =	shalt  }
0x4c: {  	_ =	shalt  }
0x4d: {  	_ =	shalt  }
0x4e: {  	_ =	shalt  }
0x4f: {  	_ =	shalt  }
0x50: {  	_ =	shalt  }
0x51: {  	_ =	shalt  }
0x52: {  	_ =	shalt  }
0x53: {  	_ =	shalt  }
0x54: {  	_ =	shalt  }
0x55: {  	_ =	shalt  }
0x56: {  	_ =	shalt  }
0x57: {  	_ =	shalt  }
0x58: {  	_ =	shalt  }
0x59: {  	_ =	shalt  }
0x5a: {  	_ =	shalt  }
0x5b: {  	_ =	shalt  }
0x5c: {  	_ =	shalt  }
0x5d: {  	_ =	shalt  }
0x5e: {  	_ =	shalt  }
0x5f: {  	_ =	shalt  }
0x60: {  	_ =	shalt  }
0x61: {  	_ =	shalt  }
0x62: {  	_ =	shalt  }
0x63: {  	_ =	shalt  }
0x64: {  	_ =	shalt  }
0x65: {  	_ =	shalt  }
0x66: {  	_ =	shalt  }
0x67: {  	_ =	shalt  }
0x68: {  	_ =	shalt  }
0x69: {  	_ =	shalt  }
0x6a: {  	_ =	shalt  }
0x6b: {  	_ =	shalt  }
0x6c: {  	_ =	shalt  }
0x6d: {  	_ =	shalt  }
0x6e: {  	_ =	shalt  }
0x6f: {  	_ =	shalt  }
0x70: {  	_ =	shalt  }
0x71: {  	_ =	shalt  }
0x72: {  	_ =	shalt  }
0x73: {  	_ =	shalt  }
0x74: {  	_ =	shalt  }
0x75: {  	_ =	shalt  }
0x76: {  	_ =	shalt  }
0x77: {  	_ =	shalt  }
0x78: {  	_ =	shalt  }
0x79: {  	_ =	shalt  }
0x7a: {  	_ =	shalt  }
0x7b: {  	_ =	shalt  }
0x7c: {  	_ =	shalt  }
0x7d: {  	_ =	shalt  }
0x7e: {  	_ =	shalt  }
0x7f: {  	_ =	shalt  }
0x80: {  	_ =	shalt  }
0x81: {  	_ =	shalt  }
0x82: {  	_ =	shalt  }
0x83: {  	_ =	shalt  }
0x84: {  	_ =	shalt  }
0x85: {  	_ =	shalt  }
0x86: {  	_ =	shalt  }
0x87: {  	_ =	shalt  }
.Lfunc_end0:
.L_simem_size_0:
called_computation.1_lowered:
.L_overlay_start_0:
0x88: {  	s2 =	sld [smem:$0x3FD9]  }
0x89: {  	s3 =	sld [smem:$0x3FFE];
	_ =	sdelay $0x1  }
0x8a: {  	s1 =	srdreg.scid  }
0x8b: {  	s0 =	sand.u32 $0x1, s1  }
0x8c: {  	s17 =	sshll.u32 s0, $0xA;
	s2 =	sadd.s32 s3, s2  }
0x8d: {  	s2 =	sadd.s32 s2, s17  }
0x8e: {  	[smem:$0x3FC0] =	sst s2  }
0x8f: {  	_ = 	snop  }
0x90: {  	s2 =	sld [smem:$0x3FD0];
	(tm) =	ssettm $0x1  }
0x91: {  	s18 =	sld [smem:$0x3FFB];
	_ =	sdelay $0x3  }
0x92: {  	_ =	strace s18  }
0x93: {  	s3 =	sld [smem:$0x3FFC];
	_ =	sdelay $0x3  }
0x94: {  	_ =	strace s3  }
0x95: {  	s3 =	sld [smem:$0x3FFD];
	_ =	sdelay $0x3  }
0x96: {  	_ =	strace s3  }
0x97: {  	_ =	strace $0x8FFFFFFF  }
0x98: {  	s19 =	sld [smem:$0x3FDB];
	_ =	sdelay $0x1  }
0x99: {  	s4 =	simm.s32 $_scs_section_size  }
0x9a: {  	s5 =	simm.s32 $_size__tile_overlayer_lowered;
	s6 =	simm.s32 $_tile_overlayer_lowered  }
0x9b: {  	s22 =	simm.s32 $0x1BFF;
	s21 =	sshll.u32 s6, $0x1;
	s3 =	sadd.s32 s4, s19  }
0x9c: {  	s7 =	simm.s32 $0x0;
	s20 =	sshll.u32 s5, $0x1;
	s5 =	sadd.s32 s21, s3  }
0x9d: {  	[timem:s7], [sflag:s22] =	dma.local [hbm:s5], s20  }
0x9e: {  	_ =	swait.ge [sflag:s22], s20  }
0x9f: {  	s4 =	ssub.s32 $0x0, s20;
	[sflag:s22] =	ssyncset.done $0x0  }
0xa0: {  	[sflag:s22] =	ssyncadd.s32 s4;
	_ =	sdelay $0x1  }
0xa1: {  	s23 =	simm.s32 $0x1B8B  }
0xa2: {  	_ =	swait.ge [sflag:s23], $0x1  }
0xa3: {  	[sflag:s23] =	ssyncset.done $0x0  }
0xa4: {  	s25 =	simm.s32 $0x1B8E;
	s24 =	sld [smem:$0x3FFE];
	[sflag:s23] =	ssyncadd.s32 $0xFFFFFFFF  }
0xa5: {  	s26 =	simm.s32 $execute0_lowered;
	[smem:$0x3FD2] =	sst s25  }
0xa6: {  	s5 =	sshll.u32 s26, $0x1;
	_ =	strace $0x80000049;
	[dreg:$0x1] =	wrdreg $0xFFFFFFFF  }
0xa7: {  	s28 =	simm.s32 $_size_execute0_lowered;
	s3 =	sadd.s32 s3, s5;
	[dreg:$0x0] =	wrdreg $0x0  }
0xa8: {  	s5 =	sshll.u32 s28, $0x1;
	[dreg:$0x2] =	wrdreg s3  }
0xa9: {  	[dreg:$0x3] =	wrdreg s5  }
0xaa: {  	[dreg:$0x4] =	wrdreg $0xC0  }
0xab: {  	_ =	task [dreg:s7], $0x5FFFF  }
0xac: {  	[dreg:$0x1] =	wrdreg $0xFFFFFFFF  }
0xad: {  	[dreg:$0x0] =	wrdreg $0x60  }
0xae: {  	[dreg:$0x2] =	wrdreg s24  }
0xaf: {  	[dreg:$0x3] =	wrdreg s2  }
0xb0: {  	[dreg:$0x4] =	wrdreg $0x9  }
0xb1: {  	_ =	task.clear_ibuf [dreg:s7], $0x5FFFF;
	_ =	strace $0x90000049  }
0xb2: {  	s29 =	simm.s32 $0x9;
	_ =	strace $0x8000004B  }
0xb3: {  	_ =	swait.ge [sflag:s29], $0x1  }
0xb4: {  	[sflag:s29] =	ssyncadd.s32 $0xFFFFFFFF  }
0xb5: {  	_ =	strace $0x9000004B  }
0xb6: {  	_ =	sfence  }
0xb7: {  	s30 =	sld [smem:$0x0];
	_ =	sdelay $0x2  }
0xb8: {  	s31 =	sshll.u32 s1, $0xD;
	s1 =	sshrl.u32 s1, $0x2  }
0xb9: {  	s3 =	sand.u32 $0x4000, s31;
	s1 =	sadd.s32 s1, s30  }
0xba: {  	s0 =	sor.u32 s3, s0;
	s1 =	sshll.u32 s1, $0x11  }
0xbb: {  	s0 =	sor.u32 s1, s0  }
0xbc: {  	s0 =	sadd.s32 $0x8F2B, s0  }
0xbd: {  	[sflag:s0] =	ssyncadd.remote.s32 $0x1  }
0xbe: {  	_ =	sfence.sel $0xFFFF  }
0xbf: {  	[dreg:$0x0] =	wrdreg $0xFFFFFFFF;
	(pc) =	sbr.abs _section_cstart, $3  }
0xc0: {  	[dreg:$0x1] =	wrdreg $0xFFFFFFFF  }
0xc1: {  	_ =	task.clear_ibuf [dreg:s7], $0x2FFFF;
	_ =	strace $0x9FFFFFFF  }
0xc2: {  	(tm) =	ssettm $0x7FFFFFFF  }
0xc3: {  	_ =	shalt  }
tec
execute0_lowered:
.L_overlay_start_1:
0x0: {  	(tag) =	ssettag $0x1  }
0x1: {  	s0 =	rddreg [dreg:$0x0]  }
0x2: {  	s2 =	rddreg [dreg:$0x1];
	s1 =	simm.s32 $0x0;
	s4 =	srdreg.scid  }
0x3: {  	s5 =	stileid.u32;
	s20 =	simm.s32 $0x1;
	s30 =	simm.s32 $0xA000  }
0x4: {  	s31 =	simm.s32 $0xA800;
	s21 =	simm.s32 $0x0;
	[smem:$0x7FF] =	sst s1  }
0x5: {  	s3 =	sadd.s32 $0x13600, s0;
	s16 =	sadd.s32 $0x73600, s0;
	s12 =	sadd.s32 $0x13200, s0  }
0x6: {  	s4 =	sand.u32 $0x1, s4;
	s13 =	sadd.s32 $0x13400, s0;
	s5 =	sshll.u32 s5, $0x7  }
0x7: {  	s14 =	sadd.s32 $0x3200, s0;
	s15 =	sadd.s32 $0xB200, s0;
	s6 =	sshll.u32 s4, $0x6  }
0x8: {  	s10 =	sadd.s32 $0x13800, s0;
	s4 =	ssub.s32 $0x2, s4;
	s9 =	sor.u32 s6, s5  }
0x9: {  	_ =	strace $0x8000004A;
	s28 =	sshrl.u32 s4, $0x1;
	s6 =	sshrl.u32 s9, $0x3  }
0xa: {  	s18 =	ssub.s32 s4, s28;
	s7 =	sshll.u32 s9, $0x4;
	s17 =	sor.u32 $0x20, s9  }
0xb: {  	s9 =	sadd.s32 $0x13700, s0;
	s0 =	simm.s32 $0xB000;
	s11 =	smul.u32 $0x300, s6  }
0xc: {  	s4 =	sadd.s32 s12, s6;
	s5 =	sadd.s32 s13, s6;
	s6 =	sadd.s32 s14, s7  }
0xd: {  	v0 =	vlaneseq.u32;
	s7 =	sadd.s32 s15, s7;
	s29 =	sshrl.u32 s17, $0x3;
	s17 =	sshll.u32 s17, $0x4  }
0xe: {  	v1 =	vand.u32 $0x7, v0;
	v63 =	vshrl.u32 v0, $0x3;
	s18 =	smax.u32 s18, $0x1;
	s19 =	smul.u32 $0x300, s29;
	s12 =	sadd.s32 s12, s29  }
0xf: {  	v0 =	vor.u32 $0x8, v0;
	[tilespmem:$0x1FFD0] =	vst v1;
	v1 =	vmul.u32 $0x8, v63;
	s13 =	sadd.s32 s13, s29;
	s14 =	sadd.s32 s14, s17;
	s15 =	sadd.s32 s15, s17  }
0x10: {  	[tilespmem:$0x1FFF0] =	vst v0;
	s8 =	sadd.s32 s16, s11;
	s11 =	sadd.s32 s2, s11;
	s16 =	sadd.s32 s16, s19  }
0x11: {  	vm0 =	vmmov $0xffff;
	[tilespmem:$0x1FFE0] =	vst v1;
	s17 =	sadd.s32 s2, s19;
	s2 =	simm.s32 $0xB800;
	s19 =	simm.s32 $0x12000  }
.LBB2_1:
0x12: {  	s22 =	simm.s32 $0x18000  }
0x13: {  	[tilespmem:s22], [sflag:$0x1] =	stream.linear.gather [hbm4b:s4+s1], $0x20, $0x38;
	[tilespmem:$0x1A100] =	vst v63  }
0x14: {  	_ =	swait.ge [sflag:s20], $0x20  }
0x15: {  	[sflag:s20] =	ssyncset.done $0x0  }
0x16: {  	s28 =	simm.s32 $0x18080;
	[sflag:s20] =	ssyncadd.s32 $0xFFFFFFE0  }
0x17: {  	[tilespmem:s28], [sflag:$0x1] =	stream.linear.gather [hbm4b:s5+s1], $0x20, $0x38;
	[tilespmem:$0x1A100] =	vst v63  }
0x18: {  	_ =	swait.ge [sflag:s20], $0x20  }
0x19: {  	[sflag:s20] =	ssyncset.done $0x0  }
0x1a: {  	s22 =	simm.s32 $0x18100;
	[sflag:s20] =	ssyncadd.s32 $0xFFFFFFE0  }
0x1b: {  	[tilespmem:s22], [sflag:$0x1] =	stream.linear.gather [hbm4b:s6+s1], $0x1000, $0x38;
	[tilespmem:$0x1A100] =	vst v63  }
0x1c: {  	_ =	swait.ge [sflag:s20], $0x1000  }
0x1d: {  	[sflag:s20] =	ssyncset.done $0x0  }
0x1e: {  	s23 =	simm.s32 $0x19100;
	[sflag:s20] =	ssyncadd.s32 $0xFFFFF000  }
0x1f: {  	[tilespmem:s23], [sflag:$0x1] =	stream.linear.gather [hbm4b:s7+s1], $0x1000, $0x38;
	[tilespmem:$0x1A100] =	vst v63  }
0x20: {  	_ =	swait.ge [sflag:s20], $0x1000  }
0x21: {  	[sflag:s20] =	ssyncset.done $0x0  }
0x22: {  	s24 =	simm.s32 $0xC000;
	[sflag:s20] =	ssyncadd.s32 $0xFFFFF000  }
0x23: {  	[tilespmem:s24], [sflag:$0x1] =	stream.linear.gather [hbm4b:s8+s1], $0x6000, $0x38;
	[tilespmem:$0x1A100] =	vst v63  }
0x24: {  	_ =	swait.ge [sflag:s20], $0x6000  }
0x25: {  	[sflag:s20] =	ssyncset.done $0x0  }
0x26: {  	[sflag:s20] =	ssyncadd.s32 $0xFFFFA000  }
0x27: {  	v0 =	vld [tilespmem:$0x18000];
	_ =	sdelay $0x3  }
0x28: {  	v2 =	vld [tilespmem:$0x1FFD0]  }
0x29: {  	v1 =	vshrl.u32 v0, $0x3  }
0x2a: {  	v3 =	vld [tilespmem:$0x1FFE0];
	v1 =	vmul.u32 $0x30, v1  }
0x2b: {  	v0 =	vand.u32 $0x7, v0  }
0x2c: {  	v0 =	vor.u32 v0, v1  }
0x2d: {  	v1 =	vperm.xlane v0, v2  }
0x2e: {  	v4 =	vld [tilespmem:$0x1FFF0]  }
0x2f: {  	v1 =	vadd.s32 v3, v1;
	_ =	sdelay $0x3  }
0x30: {  	v0 =	vperm.xlane v0, v4  }
0x31: {  	[tilespmem:s1], [sflag:$0x1] =	stream.indirect_vreg.gather [hbm4b:s3+s1], $0x80, v1, vm0, $0xb8;
	[tilespmem:$0x1A100] =	vst v63  }
0x32: {  	s29 =	simm.s32 $0x800;
	v0 =	vadd.s32 v3, v0  }
0x33: {  	[tilespmem:s29], [sflag:$0x1] =	stream.indirect_vreg.gather [hbm4b:s9+s1], $0x80, v1, vm0, $0xb8;
	[tilespmem:$0x1A100] =	vst v63  }
0x34: {  	s25 =	simm.s32 $0x1000  }
0x35: {  	[tilespmem:s25], [sflag:$0x1] =	stream.indirect_vreg.gather [hbm4b:s10+s1], $0x80, v1, vm0, $0xb8;
	[tilespmem:$0x1A100] =	vst v63  }
0x36: {  	s26 =	simm.s32 $0x1800  }
0x37: {  	[tilespmem:s26], [sflag:$0x1] =	stream.indirect_vreg.gather [hbm4b:s3+s1], $0x80, v0, vm0, $0xb8;
	[tilespmem:$0x1A100] =	vst v63  }
0x38: {  	s28 =	simm.s32 $0x2000  }
0x39: {  	[tilespmem:s28], [sflag:$0x1] =	stream.indirect_vreg.gather [hbm4b:s9+s1], $0x80, v0, vm0, $0xb8;
	[tilespmem:$0x1A100] =	vst v63  }
0x3a: {  	s29 =	simm.s32 $0x2800  }
0x3b: {  	[tilespmem:s29], [sflag:$0x1] =	stream.indirect_vreg.gather [hbm4b:s10+s1], $0x80, v0, vm0, $0xb8;
	[tilespmem:$0x1A100] =	vst v63  }
0x3c: {  	v0 =	vld [tilespmem:$0x18010];
	_ =	sdelay $0x4  }
0x3d: {  	v1 =	vshrl.u32 v0, $0x3  }
0x3e: {  	v1 =	vmul.u32 $0x30, v1  }
0x3f: {  	v0 =	vand.u32 $0x7, v0  }
0x40: {  	v0 =	vor.u32 v0, v1  }
0x41: {  	v1 =	vperm.xlane v0, v2;
	_ =	sdelay $0x1  }
0x42: {  	v1 =	vadd.s32 v3, v1;
	_ =	sdelay $0x3  }
0x43: {  	s25 =	simm.s32 $0x3000;
	v0 =	vperm.xlane v0, v4  }
0x44: {  	[tilespmem:s25], [sflag:$0x1] =	stream.indirect_vreg.gather [hbm4b:s3+s1], $0x80, v1, vm0, $0xb8;
	[tilespmem:$0x1A100] =	vst v63  }
0x45: {  	s26 =	simm.s32 $0x3800;
	v0 =	vadd.s32 v3, v0  }
0x46: {  	[tilespmem:s26], [sflag:$0x1] =	stream.indirect_vreg.gather [hbm4b:s9+s1], $0x80, v1, vm0, $0xb8;
	[tilespmem:$0x1A100] =	vst v63  }
0x47: {  	s28 =	simm.s32 $0x4000  }
0x48: {  	[tilespmem:s28], [sflag:$0x1] =	stream.indirect_vreg.gather [hbm4b:s10+s1], $0x80, v1, vm0, $0xb8;
	[tilespmem:$0x1A100] =	vst v63  }
0x49: {  	s29 =	simm.s32 $0x4800  }
0x4a: {  	[tilespmem:s29], [sflag:$0x1] =	stream.indirect_vreg.gather [hbm4b:s3+s1], $0x80, v0, vm0, $0xb8;
	[tilespmem:$0x1A100] =	vst v63  }
0x4b: {  	s25 =	simm.s32 $0x5000  }
0x4c: {  	[tilespmem:s25], [sflag:$0x1] =	stream.indirect_vreg.gather [hbm4b:s9+s1], $0x80, v0, vm0, $0xb8;
	[tilespmem:$0x1A100] =	vst v63  }
0x4d: {  	s26 =	simm.s32 $0x5800  }
0x4e: {  	[tilespmem:s26], [sflag:$0x1] =	stream.indirect_vreg.gather [hbm4b:s10+s1], $0x80, v0, vm0, $0xb8;
	[tilespmem:$0x1A100] =	vst v63  }
0x4f: {  	_ =	swait.ge [sflag:s20], $0x6000  }
0x50: {  	[sflag:s20] =	ssyncset.done $0x0  }
0x51: {  	[sflag:s20] =	ssyncadd.s32 $0xFFFFA000  }
0x52: {  	v0 =	vld [tilespmem:$0x18080];
	_ =	sdelay $0x4  }
0x53: {  	v1 =	vshrl.u32 v0, $0x3  }
0x54: {  	v1 =	vmul.u32 $0x30, v1  }
0x55: {  	v0 =	vand.u32 $0x7, v0  }
0x56: {  	v0 =	vor.u32 v0, v1  }
0x57: {  	v1 =	vperm.xlane v0, v2;
	_ =	sdelay $0x1  }
0x58: {  	v1 =	vadd.s32 v3, v1;
	_ =	sdelay $0x3  }
0x59: {  	s28 =	simm.s32 $0x6000;
	v0 =	vperm.xlane v0, v4  }
0x5a: {  	[tilespmem:s28], [sflag:$0x1] =	stream.indirect_vreg.gather [hbm4b:s3+s1], $0x80, v1, vm0, $0xb8;
	[tilespmem:$0x1A100] =	vst v63  }
0x5b: {  	s29 =	simm.s32 $0x6800;
	v0 =	vadd.s32 v3, v0  }
0x5c: {  	[tilespmem:s29], [sflag:$0x1] =	stream.indirect_vreg.gather [hbm4b:s9+s1], $0x80, v1, vm0, $0xb8;
	[tilespmem:$0x1A100] =	vst v63  }
0x5d: {  	s25 =	simm.s32 $0x7000  }
0x5e: {  	[tilespmem:s25], [sflag:$0x1] =	stream.indirect_vreg.gather [hbm4b:s10+s1], $0x80, v1, vm0, $0xb8;
	[tilespmem:$0x1A100] =	vst v63  }
0x5f: {  	s26 =	simm.s32 $0x7800  }
0x60: {  	[tilespmem:s26], [sflag:$0x1] =	stream.indirect_vreg.gather [hbm4b:s3+s1], $0x80, v0, vm0, $0xb8;
	[tilespmem:$0x1A100] =	vst v63  }
0x61: {  	s28 =	simm.s32 $0x8000  }
0x62: {  	[tilespmem:s28], [sflag:$0x1] =	stream.indirect_vreg.gather [hbm4b:s9+s1], $0x80, v0, vm0, $0xb8;
	[tilespmem:$0x1A100] =	vst v63  }
0x63: {  	s29 =	simm.s32 $0x8800  }
0x64: {  	[tilespmem:s29], [sflag:$0x1] =	stream.indirect_vreg.gather [hbm4b:s10+s1], $0x80, v0, vm0, $0xb8;
	[tilespmem:$0x1A100] =	vst v63  }
0x65: {  	v0 =	vld [tilespmem:$0x18090];
	_ =	sdelay $0x4  }
0x66: {  	v1 =	vshrl.u32 v0, $0x3  }
0x67: {  	v1 =	vmul.u32 $0x30, v1  }
0x68: {  	v0 =	vand.u32 $0x7, v0  }
0x69: {  	v0 =	vor.u32 v0, v1  }
0x6a: {  	v1 =	vperm.xlane v0, v2;
	_ =	sdelay $0x1  }
0x6b: {  	v1 =	vadd.s32 v3, v1;
	_ =	sdelay $0x3  }
0x6c: {  	s25 =	simm.s32 $0x9000;
	v0 =	vperm.xlane v0, v4  }
0x6d: {  	[tilespmem:s25], [sflag:$0x1] =	stream.indirect_vreg.gather [hbm4b:s3+s1], $0x80, v1, vm0, $0xb8;
	[tilespmem:$0x1A100] =	vst v63  }
0x6e: {  	s26 =	simm.s32 $0x9800;
	v0 =	vadd.s32 v3, v0  }
0x6f: {  	[tilespmem:s26], [sflag:$0x1] =	stream.indirect_vreg.gather [hbm4b:s9+s1], $0x80, v1, vm0, $0xb8;
	[tilespmem:$0x1A100] =	vst v63  }
0x70: {  	_ = 	snop  }
0x71: {  	[tilespmem:s30], [sflag:$0x1] =	stream.indirect_vreg.gather [hbm4b:s10+s1], $0x80, v1, vm0, $0xb8;
	[tilespmem:$0x1A100] =	vst v63  }
0x72: {  	_ = 	snop  }
0x73: {  	[tilespmem:s31], [sflag:$0x1] =	stream.indirect_vreg.gather [hbm4b:s3+s1], $0x80, v0, vm0, $0xb8;
	[tilespmem:$0x1A100] =	vst v63  }
0x74: {  	_ = 	snop  }
0x75: {  	[tilespmem:s0], [sflag:$0x1] =	stream.indirect_vreg.gather [hbm4b:s9+s1], $0x80, v0, vm0, $0xb8;
	[tilespmem:$0x1A100] =	vst v63  }
0x76: {  	s28 =	simm.s32 $0x0  }
0x77: {  	[tilespmem:s2], [sflag:$0x1] =	stream.indirect_vreg.gather [hbm4b:s10+s1], $0x80, v0, vm0, $0xb8;
	[tilespmem:$0x1A100] =	vst v63  }
0x78: {  	s24 =	smul.u32 $0x1800, s28;
	_ =	swait.ge [sflag:s20], $0x6000  }
0x79: {  	s25 =	sand.u32 $0x380, s1;
	[sflag:s20] =	ssyncset.done $0x0  }
0x7a: {  	s26 =	sor.u32 s25, s24;
	[sflag:s20] =	ssyncadd.s32 $0xFFFFA000  }
0x7b: {  	v0 =	vld [tilespmem:s26+$0xC010];
	_ =	sdelay $0x4  }
0x7c: {  	[tilespmem:$0x1FE20] =	vst v0;
	v0 =	vld [tilespmem:s26+$0xC020];
	_ =	sdelay $0x4  }
0x7d: {  	[tilespmem:$0x1FE10] =	vst v0;
	v0 =	vld [tilespmem:s26+$0xC030];
	_ =	sdelay $0x4  }
0x7e: {  	[tilespmem:$0x1FE00] =	vst v0;
	v0 =	vld [tilespmem:s26+$0xC040];
	_ =	sdelay $0x3  }
0x7f: {  	v23 =	vld [tilespmem:s26+$0xC460]  }
0x80: {  	[tilespmem:$0x1FDF0] =	vst v0;
	v0 =	vld [tilespmem:s26+$0xC050]  }
0x81: {  	v22 =	vld [tilespmem:s26+$0xC470]  }
0x82: {  	v25 =	vld [tilespmem:s26+$0xC800]  }
0x83: {  	v26 =	vld [tilespmem:s26+$0xC810]  }
0x84: {  	v27 =	vld [tilespmem:s26+$0xC820]  }
0x85: {  	[tilespmem:$0x1FDC0] =	vst v0;
	v0 =	vld [tilespmem:s26+$0xC060]  }
0x86: {  	v29 =	vld [tilespmem:s26+$0xC830]  }
0x87: {  	v31 =	vld [tilespmem:s26+$0xC840]  }
0x88: {  	v33 =	vld [tilespmem:s26+$0xC850]  }
0x89: {  	v35 =	vld [tilespmem:s26+$0xC860]  }
0x8a: {  	[tilespmem:$0x1FDB0] =	vst v0;
	v0 =	vld [tilespmem:s26+$0xC070]  }
0x8b: {  	v36 =	vld [tilespmem:s26+$0xC870]  }
0x8c: {  	v37 =	vld [tilespmem:s26+$0xCC00]  }
0x8d: {  	v39 =	vld [tilespmem:s26+$0xCC10]  }
0x8e: {  	v42 =	vld [tilespmem:s26+$0xCC20]  }
0x8f: {  	[tilespmem:$0x1FD90] =	vst v0;
	v0 =	vld [tilespmem:s26+$0xC400]  }
0x90: {  	v44 =	vld [tilespmem:s26+$0xCC30]  }
0x91: {  	v45 =	vld [tilespmem:s26+$0xCC40]  }
0x92: {  	v46 =	vld [tilespmem:s26+$0xCC50]  }
0x93: {  	v48 =	vld [tilespmem:s26+$0xCC60]  }
0x94: {  	[tilespmem:$0x1FD80] =	vst v0;
	v0 =	vld [tilespmem:s26+$0xC410]  }
0x95: {  	v50 =	vld [tilespmem:s26+$0xCC70]  }
0x96: {  	v51 =	vld [tilespmem:s26+$0xD000]  }
0x97: {  	v52 =	vld [tilespmem:s26+$0xD010]  }
0x98: {  	v53 =	vld [tilespmem:s26+$0xD020]  }
0x99: {  	[tilespmem:$0x1FD60] =	vst v0;
	v0 =	vld [tilespmem:s26+$0xC420]  }
0x9a: {  	v54 =	vld [tilespmem:s26+$0xD030]  }
0x9b: {  	v55 =	vld [tilespmem:s26+$0xD040]  }
0x9c: {  	v56 =	vld [tilespmem:s26+$0xD050]  }
0x9d: {  	v57 =	vld [tilespmem:s26+$0xD060]  }
0x9e: {  	[tilespmem:$0x1FD50] =	vst v0;
	v0 =	vld [tilespmem:s26+$0xC430]  }
0x9f: {  	v58 =	vld [tilespmem:s26+$0xD070]  }
0xa0: {  	v59 =	vld [tilespmem:s26+$0xD400]  }
0xa1: {  	v60 =	vld [tilespmem:s26+$0xD410]  }
0xa2: {  	v61 =	vld [tilespmem:s26+$0xD420]  }
0xa3: {  	[tilespmem:$0x1FD40] =	vst v0;
	v0 =	vld [tilespmem:s26+$0xC440]  }
0xa4: {  	v62 =	vld [tilespmem:s26+$0xD430]  }
0xa5: {  	v24 =	vld [tilespmem:s26+$0x50]  }
0xa6: {  	v21 =	vld [tilespmem:s26+$0x70]  }
0xa7: {  	v28 =	vld [tilespmem:s26+$0x410]  }
0xa8: {  	[tilespmem:$0x1FD30] =	vst v0;
	v0 =	vld [tilespmem:s26+$0xC450]  }
0xa9: {  	v30 =	vld [tilespmem:s26+$0x420]  }
0xaa: {  	v32 =	vld [tilespmem:s26+$0x430]  }
0xab: {  	v34 =	vld [tilespmem:s26+$0x450]  }
0xac: {  	v38 =	vld [tilespmem:s26+$0x470]  }
0xad: {  	[tilespmem:$0x1FD20] =	vst v0;
	v0 =	vld [tilespmem:s26+$0xD440]  }
0xae: {  	v40 =	vld [tilespmem:s26+$0x800]  }
0xaf: {  	v41 =	vld [tilespmem:s26+$0x810]  }
0xb0: {  	v43 =	vld [tilespmem:s26+$0x830]  }
0xb1: {  	v47 =	vld [tilespmem:s26+$0x850]  }
0xb2: {  	[tilespmem:$0x1FE40] =	vst v0;
	v0 =	vld [tilespmem:s26+$0xD450]  }
0xb3: {  	v49 =	vld [tilespmem:s26+$0x860]  }
0xb4: {  	v63 =	vld [tilespmem:s26+$0x870]  }
0xb5: {  	v20 =	vld [tilespmem:s26+$0xC10]  }
0xb6: {  	v19 =	vld [tilespmem:s26+$0xC30]  }
0xb7: {  	[tilespmem:$0x1FE70] =	vst v0;
	v0 =	vld [tilespmem:s26+$0x10]  }
0xb8: {  	v18 =	vld [tilespmem:s26+$0xC40]  }
0xb9: {  	v17 =	vld [tilespmem:s26+$0xC70]  }
0xba: {  	v16 =	vld [tilespmem:s26+$0x1010]  }
0xbb: {  	v12 =	vld [tilespmem:s26+$0x1050]  }
0xbc: {  	[tilespmem:$0x1FDD0] =	vst v0;
	v0 =	vld [tilespmem:s26+$0x6010]  }
0xbd: {  	v11 =	vld [tilespmem:s26+$0x1400]  }
0xbe: {  	v1 =	vld [tilespmem:s26+$0x1410]  }
0xbf: {  	v6 =	vld [tilespmem:s26+$0x7410]  }
0xc0: {  	v2 =	vld [tilespmem:s26+$0x1430]  }
0xc1: {  	[tilespmem:$0x1FDE0] =	vst v0;
	v0 =	vld [tilespmem:s26+$0x20]  }
0xc2: {  	v3 =	vld [tilespmem:s26+$0x7430]  }
0xc3: {  	v13 =	vld [tilespmem:s22+$0x0]  }
0xc4: {  	v14 =	vld [tilespmem:s23+$0x0]  }
0xc5: {  	v4 =	vld [tilespmem:s26+$0x7420]  }
0xc6: {  	[tilespmem:$0x1FDA0] =	vst v0;
	v0 =	vld [tilespmem:s26+$0x40]  }
0xc7: {  	v5 =	vld [tilespmem:s26+$0x7400]  }
0xc8: {  	v8 =	vld [tilespmem:s26+$0x1060]  }
0xc9: {  	v7 =	vld [tilespmem:s26+$0x7060]  }
0xca: {  	v10 =	vld [tilespmem:s26+$0x1070]  }
0xcb: {  	v1 =	vmul.f32 v1, v13;
	v2 =	vmul.f32 v2, v13;
	[tilespmem:$0x1FD70] =	vst v0;
	v0 =	vld [tilespmem:s26+$0x1420]  }
0xcc: {  	v15 =	vld [tilespmem:s26+$0x1020];
	v3 =	vmul.f32 v3, v14;
	v6 =	vmul.f32 v6, v14  }
0xcd: {  	v9 =	vld [tilespmem:s26+$0x7070];
	v4 =	vmul.f32 v4, v14;
	v8 =	vmul.f32 v8, v13  }
0xce: {  	v7 =	vmul.f32 v7, v14;
	v2 =	vadd.f32 v3, v2;
	v3 =	vmul.f32 v11, v13;
	v11 =	vld [tilespmem:s26+$0x7050]  }
0xcf: {  	v5 =	vmul.f32 v5, v14;
	v1 =	vadd.f32 v6, v1;
	v6 =	vmul.f32 v10, v13;
	v10 =	vld [tilespmem:s26+$0x1030]  }
0xd0: {  	v7 =	vadd.f32 v7, v8;
	v8 =	vmul.f32 v12, v13;
	v12 =	vld [tilespmem:s26+$0x7010];
	v0 =	vmul.f32 v0, v13  }
0xd1: {  	v3 =	vadd.f32 v5, v3;
	v5 =	vld [tilespmem:s26+$0x7040]  }
0xd2: {  	v9 =	vmul.f32 v9, v14;
	v0 =	vadd.f32 v4, v0;
	v4 =	vld [tilespmem:s26+$0x1040]  }
0xd3: {  	v1 =	vadd.f32 v1, v60;
	v60 =	vld [tilespmem:s26+$0x7030]  }
0xd4: {  	v6 =	vadd.f32 v9, v6;
	v9 =	vld [tilespmem:s26+$0x7020]  }
0xd5: {  	v2 =	vadd.f32 v2, v62;
	v62 =	vld [tilespmem:s26+$0x1000]  }
0xd6: {  	v7 =	vadd.f32 v7, v57;
	v57 =	vld [tilespmem:s26+$0x6C10];
	v11 =	vmul.f32 v11, v14  }
0xd7: {  	v6 =	vadd.f32 v6, v58;
	v58 =	vld [tilespmem:s26+$0xC00];
	v5 =	vmul.f32 v5, v14;
	v4 =	vmul.f32 v4, v13  }
0xd8: {  	v8 =	vadd.f32 v11, v8;
	v11 =	vld [tilespmem:s26+$0x7000];
	v0 =	vadd.f32 v0, v61  }
0xd9: {  	v61 =	vld [tilespmem:s26+$0xC60];
	v4 =	vadd.f32 v5, v4;
	v5 =	vmul.f32 v10, v13;
	v10 =	vmul.f32 v60, v14  }
0xda: {  	v15 =	vmul.f32 v15, v13;
	v9 =	vmul.f32 v9, v14;
	v60 =	vld [tilespmem:s26+$0x6C70]  }
0xdb: {  	v12 =	vmul.f32 v12, v14;
	v5 =	vadd.f32 v10, v5;
	v10 =	vmul.f32 v16, v13;
	v16 =	vld [tilespmem:s26+$0x6C60]  }
0xdc: {  	v9 =	vadd.f32 v9, v15;
	v15 =	vld [tilespmem:s26+$0xC50]  }
0xdd: {  	v11 =	vmul.f32 v11, v14;
	v10 =	vadd.f32 v12, v10;
	v12 =	vmul.f32 v62, v13;
	v62 =	vld [tilespmem:s26+$0x6C50]  }
0xde: {  	v9 =	vadd.f32 v9, v53;
	v53 =	vld [tilespmem:s26+$0x6C40];
	v5 =	vadd.f32 v5, v54  }
0xdf: {  	v54 =	vld [tilespmem:s26+$0x6C30];
	v11 =	vadd.f32 v11, v12;
	v12 =	vmul.f32 v17, v13;
	v17 =	vmul.f32 v60, v14  }
0xe0: {  	v3 =	vadd.f32 v3, v59;
	[tilespmem:s26+$0x13430] =	vst v2;
	v60 =	vmul.f32 v61, v13;
	v61 =	vld [tilespmem:s26+$0xC20];
	v16 =	vmul.f32 v16, v14  }
0xe1: {  	[tilespmem:s26+$0x13410] =	vst v1;
	v8 =	vadd.f32 v8, v56;
	v15 =	vmul.f32 v15, v13;
	v12 =	vadd.f32 v17, v12;
	v17 =	vld [tilespmem:s26+$0x6C20]  }
0xe2: {  	[tilespmem:s26+$0x13070] =	vst v6;
	v6 =	vld [tilespmem:s26+$0x6850];
	v10 =	vadd.f32 v10, v52;
	v16 =	vadd.f32 v16, v60;
	v62 =	vmul.f32 v62, v14  }
0xe3: {  	v59 =	vld [tilespmem:s26+$0x6C00];
	[tilespmem:s26+$0x13420] =	vst v0;
	v2 =	vadd.f32 v12, v50;
	v12 =	vmul.f32 v18, v13;
	v18 =	vmul.f32 v53, v14  }
0xe4: {  	[tilespmem:s26+$0x13010] =	vst v10;
	v10 =	vld [tilespmem:s26+$0x6810];
	v0 =	vadd.f32 v62, v15;
	v15 =	vmul.f32 v19, v13;
	v19 =	vmul.f32 v54, v14  }
0xe5: {  	[tilespmem:s26+$0x13050] =	vst v8;
	v8 =	vmul.f32 v58, v13;
	v62 =	vld [tilespmem:s26+$0x6830];
	v1 =	vadd.f32 v18, v12;
	v12 =	vadd.f32 v16, v48  }
0xe6: {  	[tilespmem:s26+$0x13400] =	vst v3;
	v16 =	vld [tilespmem:s26+$0x6870];
	v3 =	vadd.f32 v19, v15;
	v15 =	vmul.f32 v61, v13;
	v17 =	vmul.f32 v17, v14  }
0xe7: {  	[tilespmem:s26+$0x13060] =	vst v7;
	v6 =	vmul.f32 v6, v14;
	v4 =	vadd.f32 v4, v55;
	v11 =	vadd.f32 v11, v51;
	v18 =	vld [tilespmem:s26+$0x6860]  }
0xe8: {  	[tilespmem:s26+$0x13020] =	vst v9;
	v19 =	vld [tilespmem:s26+$0x840];
	v7 =	vadd.f32 v17, v15;
	v15 =	vmul.f32 v20, v13;
	v17 =	vmul.f32 v57, v14  }
0xe9: {  	[tilespmem:s26+$0x13040] =	vst v4;
	v60 =	vmul.f32 v63, v13;
	v0 =	vadd.f32 v0, v46;
	v61 =	vld [tilespmem:s26+$0x6840];
	v3 =	vadd.f32 v3, v44  }
0xea: {  	v9 =	vld [tilespmem:s26+$0x6820];
	[tilespmem:s26+$0x12C60] =	vst v12;
	v12 =	vmul.f32 v62, v14;
	v4 =	vadd.f32 v17, v15;
	v15 =	vmul.f32 v59, v14  }
0xeb: {  	[tilespmem:s26+$0x13030] =	vst v5;
	v63 =	vld [tilespmem:s26+$0x460];
	v17 =	vmul.f32 v49, v13;
	v5 =	vadd.f32 v7, v42;
	v7 =	vmul.f32 v16, v14  }
0xec: {  	v1 =	vadd.f32 v1, v45;
	v16 =	vmul.f32 v18, v14;
	v18 =	vld [tilespmem:s26+$0x820];
	[tilespmem:s26+$0x12C30] =	vst v3;
	v3 =	vmul.f32 v10, v14  }
0xed: {  	[tilespmem:s26+$0x13000] =	vst v11;
	v10 =	vld [tilespmem:s26+$0x440];
	v8 =	vadd.f32 v15, v8;
	v15 =	vmul.f32 v47, v13;
	v7 =	vadd.f32 v7, v60  }
0xee: {  	[tilespmem:s26+$0x12C70] =	vst v2;
	v19 =	vmul.f32 v19, v13;
	v11 =	vadd.f32 v16, v17;
	v16 =	vld [tilespmem:s26+$0x6800];
	v17 =	vmul.f32 v61, v14  }
0xef: {  	[tilespmem:s26+$0x12C50] =	vst v0;
	v2 =	vadd.f32 v6, v15;
	v6 =	vadd.f32 v7, v36;
	v7 =	vld [tilespmem:s26+$0x6470];
	v15 =	vmul.f32 v43, v13  }
0xf0: {  	[tilespmem:s26+$0x12C40] =	vst v1;
	v1 =	vmul.f32 v9, v14;
	v4 =	vadd.f32 v4, v39;
	v0 =	vadd.f32 v17, v19;
	v17 =	vld [tilespmem:s26+$0x6460]  }
0xf1: {  	v8 =	vadd.f32 v8, v37;
	v18 =	vmul.f32 v18, v13;
	v9 =	vadd.f32 v12, v15;
	v12 =	vld [tilespmem:s26+$0x6450]  }
0xf2: {  	v11 =	vadd.f32 v11, v35;
	v19 =	vmul.f32 v41, v13;
	v15 =	vmul.f32 v40, v13;
	[tilespmem:s26+$0x12870] =	vst v6;
	v6 =	vld [tilespmem:s26+$0x6410]  }
0xf3: {  	[tilespmem:s26+$0x12C20] =	vst v5;
	v16 =	vmul.f32 v16, v14;
	v1 =	vadd.f32 v1, v18;
	v5 =	vadd.f32 v9, v29;
	v9 =	vld [tilespmem:s26+$0x6440]  }
0xf4: {  	[tilespmem:s26+$0x12C10] =	vst v4;
	v3 =	vadd.f32 v3, v19;
	v19 =	vmul.f32 v63, v13;
	v4 =	vmul.f32 v7, v14;
	v7 =	vld [tilespmem:s26+$0x6430]  }
0xf5: {  	[tilespmem:s26+$0x12C00] =	vst v8;
	v18 =	vmul.f32 v38, v13;
	v8 =	vadd.f32 v16, v15;
	v1 =	vadd.f32 v1, v27;
	v15 =	vld [tilespmem:s26+$0x6420]  }
0xf6: {  	v2 =	vadd.f32 v2, v33;
	[tilespmem:s26+$0x12860] =	vst v11;
	v16 =	vmul.f32 v17, v14;
	v11 =	vmul.f32 v12, v14;
	v12 =	vld [tilespmem:s26+$0x400]  }
0xf7: {  	v0 =	vadd.f32 v0, v31;
	v17 =	vmul.f32 v34, v13;
	v4 =	vadd.f32 v4, v18;
	[tilespmem:s26+$0x12820] =	vst v1;
	v1 =	vld [tilespmem:$0x1FD20]  }
0xf8: {  	[tilespmem:s26+$0x12850] =	vst v2;
	v2 =	vadd.f32 v16, v19;
	v16 =	vld [tilespmem:s26+$0x6400]  }
0xf9: {  	[tilespmem:s26+$0x12840] =	vst v0;
	v4 =	vadd.f32 v4, v22;
	v0 =	vmul.f32 v9, v14;
	v9 =	vadd.f32 v11, v17;
	v11 =	vld [tilespmem:s26+$0x6070]  }
0xfa: {  	[tilespmem:s26+$0x12830] =	vst v5;
	v5 =	vmul.f32 v7, v14;
	v7 =	vld [tilespmem:s26+$0x60]  }
0xfb: {  	v8 =	vadd.f32 v8, v25;
	v17 =	vmul.f32 v30, v13;
	v15 =	vmul.f32 v15, v14;
	[tilespmem:s26+$0x12470] =	vst v4;
	v4 =	vld [tilespmem:$0x1FD40]  }
0xfc: {  	v10 =	vmul.f32 v10, v13;
	v3 =	vadd.f32 v3, v26;
	v1 =	vadd.f32 v9, v1;
	v9 =	vld [tilespmem:s26+$0x6060]  }
0xfd: {  	v18 =	vmul.f32 v32, v13;
	[tilespmem:s26+$0x12800] =	vst v8;
	v8 =	vadd.f32 v15, v17;
	v15 =	vld [tilespmem:$0x1FD30]  }
0xfe: {  	[tilespmem:s26+$0x12810] =	vst v3;
	v3 =	vmul.f32 v6, v14;
	v6 =	vld [tilespmem:s26+$0x6050];
	v0 =	vadd.f32 v0, v10;
	v10 =	vmul.f32 v28, v13  }
0xff: {  	v5 =	vadd.f32 v5, v18;
	v12 =	vmul.f32 v12, v13;
	v16 =	vmul.f32 v16, v14;
	v17 =	vld [tilespmem:s26+$0x30]  }
0x100: {  	v3 =	vadd.f32 v3, v10;
	v10 =	vmul.f32 v11, v14;
	v11 =	vld [tilespmem:$0x1FD50]  }
0x101: {  	[tilespmem:s26+$0x12450] =	vst v1;
	v1 =	vadd.f32 v16, v12;
	v12 =	vld [tilespmem:$0x1FD60];
	v4 =	vadd.f32 v5, v4;
	v5 =	vmul.f32 v21, v13  }
0x102: {  	v7 =	vmul.f32 v7, v13;
	v0 =	vadd.f32 v0, v15;
	v15 =	vld [tilespmem:s26+$0x6040];
	v9 =	vmul.f32 v9, v14  }
0x103: {  	v2 =	vadd.f32 v2, v23;
	v5 =	vadd.f32 v10, v5;
	v10 =	vld [tilespmem:$0x1FD70]  }
0x104: {  	v7 =	vadd.f32 v9, v7;
	v9 =	vld [tilespmem:$0x1FD90]  }
0x105: {  	[tilespmem:s26+$0x12460] =	vst v2;
	v2 =	vld [tilespmem:s26+$0x6030]  }
0x106: {  	v6 =	vmul.f32 v6, v14;
	v16 =	vld [tilespmem:$0x1FD80];
	v3 =	vadd.f32 v3, v12;
	v12 =	vmul.f32 v24, v13  }
0x107: {  	v8 =	vadd.f32 v8, v11;
	v11 =	vld [tilespmem:s26+$0x6020]  }
0x108: {  	v6 =	vadd.f32 v6, v12;
	v12 =	vld [tilespmem:$0x1FDA0];
	v15 =	vmul.f32 v15, v14;
	v10 =	vmul.f32 v10, v13  }
0x109: {  	v5 =	vadd.f32 v5, v9;
	v9 =	vmul.f32 v17, v13;
	v17 =	vld [tilespmem:$0x1FDF0]  }
0x10a: {  	v10 =	vadd.f32 v15, v10;
	v15 =	vld [tilespmem:$0x1FDB0]  }
0x10b: {  	v2 =	vmul.f32 v2, v14;
	[tilespmem:s26+$0x12430] =	vst v4;
	v4 =	vld [tilespmem:s26+$0x7440]  }
0x10c: {  	v1 =	vadd.f32 v1, v16;
	v16 =	vld [tilespmem:$0x1FDE0]  }
0x10d: {  	v2 =	vadd.f32 v2, v9;
	v9 =	vld [tilespmem:$0x1FDC0]  }
0x10e: {  	[tilespmem:s26+$0x12420] =	vst v8;
	v8 =	vld [tilespmem:s26+$0x1450];
	v10 =	vadd.f32 v10, v17  }
0x10f: {  	[tilespmem:s26+$0x12410] =	vst v3;
	v3 =	vld [tilespmem:s26+$0x7450];
	v11 =	vmul.f32 v11, v14;
	v12 =	vmul.f32 v12, v13;
	v7 =	vadd.f32 v7, v15  }
0x110: {  	[tilespmem:s26+$0x12040] =	vst v10;
	v10 =	vld [tilespmem:$0x1FE10]  }
0x111: {  	[tilespmem:s26+$0x12060] =	vst v7;
	v7 =	vadd.f32 v11, v12;
	v12 =	vld [tilespmem:$0x1FE00]  }
0x112: {  	v6 =	vadd.f32 v6, v9;
	v9 =	vld [tilespmem:$0x1FDD0]  }
0x113: {  	[tilespmem:s26+$0x12440] =	vst v0;
	v0 =	vld [tilespmem:s26+$0x1440]  }
0x114: {  	[tilespmem:s26+$0x12400] =	vst v1;
	v1 =	vld [tilespmem:s26+$0x1460]  }
0x115: {  	[tilespmem:s26+$0x12070] =	vst v5;
	v5 =	vld [tilespmem:s26+$0x7460];
	v7 =	vadd.f32 v7, v10  }
0x116: {  	v16 =	vmul.f32 v16, v14;
	v3 =	vmul.f32 v3, v14;
	v2 =	vadd.f32 v2, v12;
	v12 =	vld [tilespmem:$0x1FE20]  }
0x117: {  	v9 =	vmul.f32 v9, v13;
	[tilespmem:s26+$0x12020] =	vst v7;
	v7 =	vmul.f32 v8, v13  }
0x118: {  	v4 =	vmul.f32 v4, v14;
	v15 =	vld [tilespmem:s26+$0x1470]  }
0x119: {  	s29 =	simm.s32 $0x0;
	v0 =	vmul.f32 v0, v13;
	v9 =	vadd.f32 v16, v9;
	v3 =	vadd.f32 v3, v7;
	v7 =	vld [tilespmem:$0x1FE40]  }
0x11a: {  	s24 =	smul.u32 $0x1800, s29;
	s25 =	simm.s32 $0x80;
	v1 =	vmul.f32 v1, v13;
	v5 =	vmul.f32 v5, v14;
	v11 =	vld [tilespmem:s26+$0x7470]  }
0x11b: {  	s28 =	sand.u32 $0x380, s25;
	[tilespmem:s26+$0x12050] =	vst v6;
	v6 =	vld [tilespmem:s26+$0x0];
	v9 =	vadd.f32 v9, v12  }
0x11c: {  	s24 =	sor.u32 s28, s24;
	v0 =	vadd.f32 v4, v0;
	v1 =	vadd.f32 v5, v1;
	v5 =	vld [tilespmem:$0x1FE70];
	[tilespmem:s26+$0x12030] =	vst v2  }
0x11d: {  	v4 =	vld [tilespmem:s24+$0xC010];
	[tilespmem:s26+$0x12010] =	vst v9  }
0x11e: {  	v0 =	vadd.f32 v0, v7;
	v7 =	vld [tilespmem:s24+$0xC020]  }
0x11f: {  	v8 =	vld [tilespmem:s24+$0xC030]  }
0x120: {  	v10 =	vld [tilespmem:s26+$0x6000];
	[tilespmem:s26+$0x13440] =	vst v0  }
0x121: {  	v0 =	vld [tilespmem:s24+$0xC040]  }
0x122: {  	v2 =	vld [tilespmem:s26+$0xD460];
	[tilespmem:$0x1FE30] =	vst v4  }
0x123: {  	v4 =	vld [tilespmem:s26+$0xD470];
	[tilespmem:$0x1FE50] =	vst v7  }
0x124: {  	v7 =	vmul.f32 v15, v13;
	[tilespmem:$0x1FE60] =	vst v8;
	v8 =	vmul.f32 v11, v14  }
0x125: {  	v3 =	vadd.f32 v3, v5  }
0x126: {  	v5 =	vadd.f32 v8, v7;
	[tilespmem:$0x1FE80] =	vst v0;
	v0 =	vld [tilespmem:s26+$0xC000]  }
0x127: {  	v1 =	vadd.f32 v1, v2;
	v2 =	vmul.f32 v6, v13;
	[tilespmem:s26+$0x13450] =	vst v3;
	v3 =	vmul.f32 v10, v14  }
0x128: {  	v4 =	vadd.f32 v5, v4  }
0x129: {  	v6 =	vld [tilespmem:s24+$0xC050];
	[tilespmem:s26+$0x13460] =	vst v1;
	v1 =	vadd.f32 v3, v2  }
0x12a: {  	v2 =	vld [tilespmem:s24+$0xC060];
	[tilespmem:s26+$0x13470] =	vst v4  }
0x12b: {  	v0 =	vadd.f32 v1, v0;
	v1 =	vld [tilespmem:s24+$0xC070];
	_ =	sdelay $0x4  }
0x12c: {  	[tilespmem:$0x1FEB0] =	vst v1  }
0x12d: {  	v1 =	vld [tilespmem:s24+$0xC400];
	[tilespmem:s26+$0x12000] =	vst v0  }
0x12e: {  	v0 =	vld [tilespmem:s24+$0xC410]  }
0x12f: {  	v27 =	vld [tilespmem:s24+$0xC800]  }
0x130: {  	v28 =	vld [tilespmem:s24+$0xC810]  }
0x131: {  	v30 =	vld [tilespmem:s24+$0xC820]  }
0x132: {  	v31 =	vld [tilespmem:s24+$0xC830]  }
0x133: {  	v33 =	vld [tilespmem:s24+$0xC840]  }
0x134: {  	v35 =	vld [tilespmem:s24+$0xC850]  }
0x135: {  	v37 =	vld [tilespmem:s24+$0xC860]  }
0x136: {  	v38 =	vld [tilespmem:s24+$0xC870]  }
0x137: {  	v40 =	vld [tilespmem:s24+$0xCC00]  }
0x138: {  	v41 =	vld [tilespmem:s24+$0xCC10]  }
0x139: {  	v43 =	vld [tilespmem:s24+$0xCC20]  }
0x13a: {  	v46 =	vld [tilespmem:s24+$0xCC30]  }
0x13b: {  	v47 =	vld [tilespmem:s24+$0xCC40]  }
0x13c: {  	v49 =	vld [tilespmem:s24+$0xCC50]  }
0x13d: {  	v50 =	vld [tilespmem:s24+$0xCC60]  }
0x13e: {  	v52 =	vld [tilespmem:s24+$0xCC70]  }
0x13f: {  	v55 =	vld [tilespmem:s24+$0xD000]  }
0x140: {  	v58 =	vld [tilespmem:s24+$0xD010]  }
0x141: {  	v59 =	vld [tilespmem:s24+$0xD020]  }
0x142: {  	v61 =	vld [tilespmem:s24+$0xD030]  }
0x143: {  	v62 =	vld [tilespmem:s24+$0xD040]  }
0x144: {  	v4 =	vld [tilespmem:s24+$0xD070]  }
0x145: {  	[tilespmem:$0x1FEA0] =	vst v2;
	v2 =	vld [tilespmem:s24+$0xD440]  }
0x146: {  	[tilespmem:$0x1FE90] =	vst v6;
	v6 =	vld [tilespmem:s24+$0xD400]  }
0x147: {  	v7 =	vld [tilespmem:s24+$0xD410]  }
0x148: {  	v8 =	vld [tilespmem:s24+$0xD420]  }
0x149: {  	v10 =	vld [tilespmem:s24+$0xD430]  }
0x14a: {  	[tilespmem:$0x1FF40] =	vst v2;
	v2 =	vld [tilespmem:s24+$0xD450]  }
0x14b: {  	v29 =	vld [tilespmem:s24+$0x70]  }
0x14c: {  	v32 =	vld [tilespmem:s24+$0x410]  }
0x14d: {  	v34 =	vld [tilespmem:s24+$0x420]  }
0x14e: {  	v36 =	vld [tilespmem:s24+$0x430]  }
0x14f: {  	[tilespmem:$0x1FF50] =	vst v2;
	v2 =	vld [tilespmem:s24+$0x10]  }
0x150: {  	v39 =	vld [tilespmem:s24+$0x450]  }
0x151: {  	v42 =	vld [tilespmem:s24+$0x470]  }
0x152: {  	v44 =	vld [tilespmem:s24+$0x800]  }
0x153: {  	[tilespmem:$0x1FED0] =	vst v0;
	v0 =	vld [tilespmem:s24+$0xC420]  }
0x154: {  	[tilespmem:$0x1FF60] =	vst v2;
	v2 =	vld [tilespmem:s24+$0x6010]  }
0x155: {  	v45 =	vld [tilespmem:s24+$0x810]  }
0x156: {  	v48 =	vld [tilespmem:s24+$0x830]  }
0x157: {  	v51 =	vld [tilespmem:s24+$0x850]  }
0x158: {  	[tilespmem:$0x1FEE0] =	vst v0;
	v0 =	vld [tilespmem:s24+$0xC430]  }
0x159: {  	[tilespmem:$0x1FF70] =	vst v2;
	v2 =	vld [tilespmem:s24+$0x20]  }
0x15a: {  	v56 =	vld [tilespmem:s24+$0x860]  }
0x15b: {  	v57 =	vld [tilespmem:s24+$0x870]  }
0x15c: {  	v60 =	vld [tilespmem:s24+$0xC10]  }
0x15d: {  	[tilespmem:$0x1FEF0] =	vst v0;
	v0 =	vld [tilespmem:s24+$0xC440]  }
0x15e: {  	[tilespmem:$0x1FF80] =	vst v2;
	v2 =	vld [tilespmem:s24+$0x6020]  }
0x15f: {  	v63 =	vld [tilespmem:s24+$0xC30]  }
0x160: {  	v3 =	vld [tilespmem:s24+$0xC50]  }
0x161: {  	v5 =	vld [tilespmem:s24+$0xC70]  }
0x162: {  	[tilespmem:$0x1FF00] =	vst v0;
	v0 =	vld [tilespmem:s24+$0xC450]  }
0x163: {  	[tilespmem:$0x1FF90] =	vst v2;
	v2 =	vld [tilespmem:s24+$0x30]  }
0x164: {  	v9 =	vld [tilespmem:s24+$0x1010]  }
0x165: {  	v11 =	vld [tilespmem:s24+$0x1020]  }
0x166: {  	v12 =	vld [tilespmem:s24+$0x1030]  }
0x167: {  	[tilespmem:$0x1FF10] =	vst v0;
	v0 =	vld [tilespmem:s24+$0xC460]  }
0x168: {  	[tilespmem:$0x1FFA0] =	vst v2;
	v2 =	vld [tilespmem:s24+$0x40]  }
0x169: {  	v13 =	vld [tilespmem:s24+$0x1050]  }
0x16a: {  	v14 =	vld [tilespmem:s24+$0x1400]  }
0x16b: {  	v16 =	vld [tilespmem:s24+$0x1410]  }
0x16c: {  	[tilespmem:$0x1FF20] =	vst v0;
	v0 =	vld [tilespmem:s24+$0xC470]  }
0x16d: {  	[tilespmem:$0x1FFB0] =	vst v2;
	v2 =	vld [tilespmem:s24+$0x50]  }
0x16e: {  	v15 =	vld [tilespmem:s24+$0x7410]  }
0x16f: {  	v17 =	vld [tilespmem:s24+$0x1420]  }
0x170: {  	[tilespmem:$0x1FEC0] =	vst v1;
	v1 =	vld [tilespmem:s24+$0xD060]  }
0x171: {  	[tilespmem:$0x1FF30] =	vst v0;
	v0 =	vld [tilespmem:s24+$0xD050]  }
0x172: {  	s26 =	simm.s32 $0x2;
	[tilespmem:$0x1FFC0] =	vst v2;
	v2 =	vld [tilespmem:s24+$0xC40]  }
.LBB2_2:
0x173: {  	v18 =	vld [tilespmem:s24+$0x1430]  }
0x174: {  	v19 =	vld [tilespmem:s24+$0x7430];
	s22 =	sadd.s32 $0x80, s22  }
0x175: {  	v54 =	vld [tilespmem:s22+$0x0]  }
0x176: {  	s23 =	sadd.s32 $0x80, s23;
	v20 =	vld [tilespmem:s24+$0x7420]  }
0x177: {  	v53 =	vld [tilespmem:s23+$0x0]  }
0x178: {  	v21 =	vld [tilespmem:s24+$0x7400]  }
0x179: {  	v22 =	vld [tilespmem:s24+$0x1070]  }
0x17a: {  	v23 =	vld [tilespmem:s24+$0x7070];
	v16 =	vmul.f32 v16, v54  }
0x17b: {  	v24 =	vld [tilespmem:s24+$0x1060];
	v17 =	vmul.f32 v17, v54;
	v18 =	vmul.f32 v18, v54  }
0x17c: {  	v25 =	vld [tilespmem:s24+$0x7060];
	v19 =	vmul.f32 v19, v53;
	v15 =	vmul.f32 v15, v53  }
0x17d: {  	v26 =	vld [tilespmem:s24+$0x7050];
	v20 =	vmul.f32 v20, v53;
	v14 =	vmul.f32 v14, v54  }
0x17e: {  	v21 =	vmul.f32 v21, v53;
	v22 =	vmul.f32 v22, v54;
	v18 =	vadd.f32 v19, v18;
	v19 =	vld [tilespmem:s24+$0x1040]  }
0x17f: {  	v13 =	vmul.f32 v13, v54;
	v15 =	vadd.f32 v15, v16;
	v16 =	vadd.f32 v20, v17;
	v17 =	vld [tilespmem:s24+$0x7040]  }
0x180: {  	v20 =	vmul.f32 v23, v53;
	v14 =	vadd.f32 v21, v14;
	v10 =	vadd.f32 v18, v10;
	v18 =	vld [tilespmem:s24+$0x7030]  }
0x181: {  	v12 =	vmul.f32 v12, v54;
	v7 =	vadd.f32 v15, v7;
	v8 =	vadd.f32 v16, v8;
	v15 =	vld [tilespmem:s24+$0x7020]  }
0x182: {  	v21 =	vmul.f32 v24, v54;
	v16 =	vmul.f32 v25, v53;
	v20 =	vadd.f32 v20, v22;
	[tilespmem:s24+$0x13430] =	vst v10;
	v10 =	vld [tilespmem:s24+$0x7010]  }
0x183: {  	v11 =	vmul.f32 v11, v54;
	v6 =	vadd.f32 v14, v6;
	v14 =	vmul.f32 v26, v53;
	[tilespmem:s24+$0x13420] =	vst v8;
	v8 =	vld [tilespmem:s24+$0x1000]  }
0x184: {  	v9 =	vmul.f32 v9, v54;
	v16 =	vadd.f32 v16, v21;
	v4 =	vadd.f32 v20, v4;
	[tilespmem:s24+$0x13410] =	vst v7;
	v7 =	vld [tilespmem:s24+$0x7000]  }
0x185: {  	v13 =	vadd.f32 v14, v13;
	[tilespmem:s24+$0x13400] =	vst v6;
	v6 =	vld [tilespmem:s24+$0x6C70];
	v19 =	vmul.f32 v19, v54;
	v17 =	vmul.f32 v17, v53  }
0x186: {  	v5 =	vmul.f32 v5, v54;
	v1 =	vadd.f32 v16, v1;
	[tilespmem:s24+$0x13070] =	vst v4;
	v4 =	vld [tilespmem:s24+$0xC60];
	v14 =	vmul.f32 v18, v53  }
0x187: {  	v3 =	vmul.f32 v3, v54;
	v0 =	vadd.f32 v13, v0;
	v13 =	vld [tilespmem:s24+$0x6C60];
	v16 =	vadd.f32 v17, v19  }
0x188: {  	v15 =	vmul.f32 v15, v53;
	[tilespmem:s24+$0x13060] =	vst v1;
	v1 =	vld [tilespmem:s24+$0x6C50];
	v10 =	vmul.f32 v10, v53;
	v12 =	vadd.f32 v14, v12  }
0x189: {  	[tilespmem:s24+$0x13050] =	vst v0;
	v0 =	vld [tilespmem:s24+$0x6C40];
	v8 =	vmul.f32 v8, v54;
	v14 =	vadd.f32 v16, v62;
	v7 =	vmul.f32 v7, v53  }
0x18a: {  	v6 =	vmul.f32 v6, v53;
	v9 =	vadd.f32 v10, v9;
	v10 =	vadd.f32 v12, v61;
	v12 =	vld [tilespmem:s24+$0x6C30]  }
0x18b: {  	v2 =	vmul.f32 v2, v54;
	v11 =	vadd.f32 v15, v11;
	[tilespmem:s24+$0x13040] =	vst v14;
	v14 =	vld [tilespmem:s24+$0xC20];
	v7 =	vadd.f32 v7, v8  }
0x18c: {  	v4 =	vmul.f32 v4, v54;
	v5 =	vadd.f32 v6, v5;
	v6 =	vld [tilespmem:s24+$0x6C10];
	v8 =	vadd.f32 v9, v58  }
0x18d: {  	v11 =	vadd.f32 v11, v59;
	[tilespmem:s24+$0x13030] =	vst v10;
	v9 =	vld [tilespmem:s24+$0x6C20];
	v10 =	vmul.f32 v13, v53;
	v1 =	vmul.f32 v1, v53  }
0x18e: {  	v7 =	vadd.f32 v7, v55;
	v0 =	vmul.f32 v0, v53;
	v5 =	vadd.f32 v5, v52;
	[tilespmem:s24+$0x13010] =	vst v8;
	v8 =	vld [tilespmem:s24+$0xC00]  }
0x18f: {  	[tilespmem:s24+$0x13020] =	vst v11;
	v11 =	vmul.f32 v63, v54;
	v13 =	vmul.f32 v51, v54;
	v4 =	vadd.f32 v10, v4;
	v10 =	vld [tilespmem:s24+$0x6C00]  }
0x190: {  	v1 =	vadd.f32 v1, v3;
	v3 =	vld [tilespmem:s24+$0x6870];
	v0 =	vadd.f32 v0, v2;
	v12 =	vmul.f32 v12, v53  }
0x191: {  	[tilespmem:s24+$0x13000] =	vst v7;
	v7 =	vmul.f32 v14, v54;
	v6 =	vmul.f32 v6, v53;
	v2 =	vadd.f32 v4, v50;
	v4 =	vld [tilespmem:s24+$0x6860]  }
0x192: {  	[tilespmem:s24+$0x12C70] =	vst v5;
	v1 =	vadd.f32 v1, v49;
	v5 =	vmul.f32 v9, v53;
	v9 =	vadd.f32 v12, v11;
	v11 =	vld [tilespmem:s24+$0x6850]  }
0x193: {  	v12 =	vmul.f32 v60, v54;
	[tilespmem:s24+$0x12C60] =	vst v2;
	v2 =	vld [tilespmem:s24+$0x840];
	v8 =	vmul.f32 v8, v54  }
0x194: {  	[tilespmem:s24+$0x12C50] =	vst v1;
	v1 =	vld [tilespmem:s24+$0x6840];
	v5 =	vadd.f32 v5, v7;
	v7 =	vadd.f32 v9, v46;
	v10 =	vmul.f32 v10, v53  }
0x195: {  	v0 =	vadd.f32 v0, v47;
	v9 =	vmul.f32 v57, v54;
	v3 =	vmul.f32 v3, v53  }
0x196: {  	v6 =	vadd.f32 v6, v12;
	v12 =	vmul.f32 v56, v54;
	[tilespmem:s24+$0x12C30] =	vst v7;
	v7 =	vld [tilespmem:s24+$0x820];
	v8 =	vadd.f32 v10, v8  }
0x197: {  	v5 =	vadd.f32 v5, v43;
	v10 =	vld [tilespmem:s24+$0x6820];
	v3 =	vadd.f32 v3, v9;
	v11 =	vmul.f32 v11, v53  }
0x198: {  	[tilespmem:s24+$0x12C40] =	vst v0;
	v0 =	vld [tilespmem:s24+$0x6830];
	v4 =	vmul.f32 v4, v53;
	v2 =	vmul.f32 v2, v54;
	v8 =	vadd.f32 v8, v40  }
0x199: {  	[tilespmem:s24+$0x12C20] =	vst v5;
	v5 =	vld [tilespmem:s24+$0x6810];
	v1 =	vmul.f32 v1, v53;
	v3 =	vadd.f32 v3, v38;
	v9 =	vadd.f32 v11, v13  }
0x19a: {  	v4 =	vadd.f32 v4, v12;
	[tilespmem:s24+$0x12C00] =	vst v8;
	v8 =	vld [tilespmem:s24+$0x460]  }
0x19b: {  	v1 =	vadd.f32 v1, v2;
	[tilespmem:s24+$0x12870] =	vst v3;
	v3 =	vld [tilespmem:s24+$0x6460];
	v2 =	vadd.f32 v9, v35  }
0x19c: {  	v11 =	vld [tilespmem:s24+$0x6470];
	v7 =	vmul.f32 v7, v54;
	v10 =	vmul.f32 v10, v53  }
0x19d: {  	v6 =	vadd.f32 v6, v41;
	v4 =	vadd.f32 v4, v37;
	[tilespmem:s24+$0x12850] =	vst v2;
	v2 =	vld [tilespmem:s24+$0x440]  }
0x19e: {  	v9 =	vmul.f32 v45, v54;
	v5 =	vmul.f32 v5, v53;
	v7 =	vadd.f32 v10, v7;
	v10 =	vld [tilespmem:s24+$0x6440]  }
0x19f: {  	[tilespmem:s24+$0x12C10] =	vst v6;
	v6 =	vld [tilespmem:s24+$0x6800];
	v12 =	vmul.f32 v48, v54;
	v1 =	vadd.f32 v1, v33  }
0x1a0: {  	[tilespmem:s24+$0x12860] =	vst v4;
	v4 =	vld [tilespmem:s24+$0x6450];
	v5 =	vadd.f32 v5, v9;
	v8 =	vmul.f32 v8, v54;
	v3 =	vmul.f32 v3, v53  }
0x1a1: {  	v0 =	vmul.f32 v0, v53;
	v13 =	vmul.f32 v42, v54;
	[tilespmem:s24+$0x12840] =	vst v1;
	v1 =	vld [tilespmem:s24+$0x6430];
	v7 =	vadd.f32 v7, v30  }
0x1a2: {  	v11 =	vmul.f32 v11, v53;
	v5 =	vadd.f32 v5, v28;
	v3 =	vadd.f32 v3, v8;
	v8 =	vld [tilespmem:$0x1FF30]  }
0x1a3: {  	[tilespmem:s24+$0x12820] =	vst v7;
	v7 =	vld [tilespmem:s24+$0x400];
	v2 =	vmul.f32 v2, v54;
	v10 =	vmul.f32 v10, v53  }
0x1a4: {  	v0 =	vadd.f32 v0, v12;
	v12 =	vmul.f32 v44, v54;
	v6 =	vmul.f32 v6, v53;
	[tilespmem:s24+$0x12810] =	vst v5;
	v5 =	vld [tilespmem:s24+$0x6400]  }
0x1a5: {  	v9 =	vadd.f32 v11, v13;
	v2 =	vadd.f32 v10, v2;
	v10 =	vld [tilespmem:$0x1FF10]  }
0x1a6: {  	v6 =	vadd.f32 v6, v12;
	v12 =	vmul.f32 v39, v54;
	v11 =	vld [tilespmem:s24+$0x6410];
	v4 =	vmul.f32 v4, v53  }
0x1a7: {  	v13 =	vld [tilespmem:$0x1FF20];
	v1 =	vmul.f32 v1, v53;
	v8 =	vadd.f32 v9, v8;
	v9 =	vmul.f32 v36, v54  }
0x1a8: {  	v4 =	vadd.f32 v4, v12  }
0x1a9: {  	v7 =	vmul.f32 v7, v54;
	v1 =	vadd.f32 v1, v9;
	v9 =	vld [tilespmem:$0x1FF00];
	v5 =	vmul.f32 v5, v53  }
0x1aa: {  	v4 =	vadd.f32 v4, v10;
	v10 =	vld [tilespmem:s24+$0x6060]  }
0x1ab: {  	v0 =	vadd.f32 v0, v31;
	v5 =	vadd.f32 v5, v7;
	v7 =	vld [tilespmem:$0x1FED0]  }
0x1ac: {  	v3 =	vadd.f32 v3, v13;
	v13 =	vmul.f32 v32, v54;
	v11 =	vmul.f32 v11, v53  }
0x1ad: {  	[tilespmem:s24+$0x12830] =	vst v0;
	v0 =	vld [tilespmem:s24+$0x6420]  }
0x1ae: {  	[tilespmem:s24+$0x12470] =	vst v8;
	v8 =	vld [tilespmem:s24+$0x60];
	v2 =	vadd.f32 v2, v9;
	v9 =	vadd.f32 v11, v13  }
0x1af: {  	[tilespmem:s24+$0x12450] =	vst v4;
	v4 =	vld [tilespmem:s24+$0x6040]  }
0x1b0: {  	v6 =	vadd.f32 v6, v27;
	v7 =	vadd.f32 v9, v7;
	v9 =	vmul.f32 v10, v53;
	v10 =	vld [tilespmem:$0x1FFB0];
	_ =	sdelay $0x1  }
0x1b1: {  	[tilespmem:s24+$0x12800] =	vst v6;
	v6 =	vld [tilespmem:s24+$0x6070]  }
0x1b2: {  	v12 =	vmul.f32 v34, v54;
	[tilespmem:s24+$0x12460] =	vst v3;
	v3 =	vld [tilespmem:s24+$0x6050]  }
0x1b3: {  	v0 =	vmul.f32 v0, v53;
	[tilespmem:s24+$0x12440] =	vst v2;
	v2 =	vmul.f32 v8, v54;
	v8 =	vld [tilespmem:$0x1FFC0]  }
0x1b4: {  	v4 =	vmul.f32 v4, v53;
	v10 =	vmul.f32 v10, v54  }
0x1b5: {  	v15 =	vld [tilespmem:$0x1FE80];
	v0 =	vadd.f32 v0, v12  }
0x1b6: {  	v12 =	vmul.f32 v29, v54;
	v6 =	vmul.f32 v6, v53;
	v4 =	vadd.f32 v4, v10;
	v10 =	vld [tilespmem:$0x1FEA0]  }
0x1b7: {  	v14 =	vld [tilespmem:$0x1FF70]  }
0x1b8: {  	v6 =	vadd.f32 v6, v12;
	v12 =	vld [tilespmem:$0x1FEC0];
	v3 =	vmul.f32 v3, v53;
	v8 =	vmul.f32 v8, v54  }
0x1b9: {  	v11 =	vld [tilespmem:$0x1FEF0];
	v2 =	vadd.f32 v9, v2  }
0x1ba: {  	v3 =	vadd.f32 v3, v8;
	v8 =	vld [tilespmem:$0x1FF80]  }
0x1bb: {  	v2 =	vadd.f32 v2, v10;
	v10 =	vld [tilespmem:$0x1FF90]  }
0x1bc: {  	v13 =	vld [tilespmem:$0x1FEE0]  }
0x1bd: {  	v5 =	vadd.f32 v5, v12;
	v12 =	vld [tilespmem:$0x1FFA0]  }
0x1be: {  	v1 =	vadd.f32 v1, v11;
	v11 =	vld [tilespmem:s24+$0x6030]  }
0x1bf: {  	[tilespmem:s24+$0x12410] =	vst v7;
	v7 =	vld [tilespmem:s24+$0x1450]  }
0x1c0: {  	v9 =	vld [tilespmem:$0x1FEB0];
	v8 =	vmul.f32 v8, v54;
	v10 =	vmul.f32 v10, v53  }
0x1c1: {  	[tilespmem:s24+$0x12400] =	vst v5;
	v5 =	vld [tilespmem:s24+$0x1460]  }
0x1c2: {  	v8 =	vadd.f32 v10, v8;
	v10 =	vld [tilespmem:$0x1FE60]  }
0x1c3: {  	v0 =	vadd.f32 v0, v13;
	v13 =	vld [tilespmem:$0x1FF60];
	v12 =	vmul.f32 v12, v54;
	v11 =	vmul.f32 v11, v53  }
0x1c4: {  	[tilespmem:s24+$0x12430] =	vst v1;
	v1 =	vld [tilespmem:s24+$0x1440]  }
0x1c5: {  	[tilespmem:s24+$0x12420] =	vst v0;
	v0 =	vld [tilespmem:s24+$0x7440];
	v11 =	vadd.f32 v11, v12  }
0x1c6: {  	v6 =	vadd.f32 v6, v9;
	v9 =	vld [tilespmem:s24+$0x7450];
	v4 =	vadd.f32 v4, v15  }
0x1c7: {  	v12 =	vld [tilespmem:$0x1FE90];
	v10 =	vadd.f32 v11, v10  }
0x1c8: {  	[tilespmem:s24+$0x12040] =	vst v4;
	v4 =	vmul.f32 v7, v54;
	v7 =	vld [tilespmem:$0x1FE50]  }
0x1c9: {  	[tilespmem:s24+$0x12030] =	vst v10;
	v10 =	vld [tilespmem:$0x1FE30]  }
0x1ca: {  	v14 =	vmul.f32 v14, v53;
	v13 =	vmul.f32 v13, v54;
	[tilespmem:s24+$0x12070] =	vst v6;
	v6 =	vld [tilespmem:s24+$0x7460];
	_ =	sdelay $0x1  }
0x1cb: {  	s28 =	sshrl.u32 s26, $0x3;
	v3 =	vadd.f32 v3, v12;
	v11 =	vadd.f32 v14, v13  }
0x1cc: {  	s25 =	sadd.s32 $0x80, s25;
	s28 =	smul.u32 $0x1800, s28;
	v1 =	vmul.f32 v1, v54;
	v0 =	vmul.f32 v0, v53;
	[tilespmem:s24+$0x12060] =	vst v2;
	v7 =	vadd.f32 v8, v7  }
0x1cd: {  	s29 =	sand.u32 $0x380, s25;
	[tilespmem:s24+$0x12050] =	vst v3;
	v8 =	vmul.f32 v9, v53;
	v10 =	vadd.f32 v11, v10  }
0x1ce: {  	s28 =	sor.u32 s29, s28;
	v5 =	vmul.f32 v5, v54;
	v0 =	vadd.f32 v0, v1;
	v1 =	vmul.f32 v6, v53;
	[tilespmem:s24+$0x12020] =	vst v7  }
0x1cf: {  	v4 =	vadd.f32 v8, v4;
	v8 =	vld [tilespmem:s28+$0xC010];
	[tilespmem:s24+$0x12010] =	vst v10  }
0x1d0: {  	v1 =	vadd.f32 v1, v5;
	v5 =	vld [tilespmem:s28+$0xC020];
	_ =	sdelay $0x2  }
0x1d1: {  	v10 =	vld [tilespmem:$0x1FF40]  }
0x1d2: {  	v15 =	vld [tilespmem:s24+$0x0]  }
0x1d3: {  	[tilespmem:$0x1FE50] =	vst v5;
	v5 =	vld [tilespmem:$0x1FF50]  }
0x1d4: {  	v9 =	vld [tilespmem:s24+$0xD460]  }
0x1d5: {  	v2 =	vld [tilespmem:s24+$0x7470]  }
0x1d6: {  	v12 =	vld [tilespmem:s24+$0x1470];
	v0 =	vadd.f32 v0, v10  }
0x1d7: {  	v3 =	vld [tilespmem:s24+$0x6000]  }
0x1d8: {  	v4 =	vadd.f32 v4, v5;
	v5 =	vld [tilespmem:s28+$0xC030];
	[tilespmem:s24+$0x13440] =	vst v0  }
0x1d9: {  	v0 =	vadd.f32 v1, v9;
	v1 =	vld [tilespmem:s28+$0xC040];
	_ =	sdelay $0x2  }
0x1da: {  	[tilespmem:$0x1FE30] =	vst v8  }
0x1db: {  	v6 =	vld [tilespmem:s24+$0xD470];
	v3 =	vmul.f32 v3, v53;
	v8 =	vmul.f32 v15, v54;
	[tilespmem:s24+$0x13450] =	vst v4  }
0x1dc: {  	v2 =	vmul.f32 v2, v53;
	v7 =	vmul.f32 v12, v54;
	v11 =	vld [tilespmem:s24+$0xC000];
	[tilespmem:$0x1FE80] =	vst v1  }
0x1dd: {  	v1 =	vadd.f32 v3, v8;
	v3 =	vld [tilespmem:s28+$0xC050];
	[tilespmem:s24+$0x13460] =	vst v0  }
0x1de: {  	v2 =	vadd.f32 v2, v7;
	v0 =	vld [tilespmem:s28+$0xC060];
	_ =	sdelay $0x1  }
0x1df: {  	v2 =	vadd.f32 v2, v6;
	_ =	sdelay $0x1  }
0x1e0: {  	[tilespmem:s24+$0x13470] =	vst v2  }
0x1e1: {  	[tilespmem:$0x1FEA0] =	vst v0;
	v0 =	vadd.f32 v1, v11;
	v1 =	vld [tilespmem:s28+$0xC070];
	_ =	sdelay $0x4  }
0x1e2: {  	[tilespmem:$0x1FEB0] =	vst v1  }
0x1e3: {  	v1 =	vld [tilespmem:s28+$0xC400];
	[tilespmem:s24+$0x12000] =	vst v0;
	s24 =	smov.u32 s28  }
0x1e4: {  	v0 =	vld [tilespmem:s24+$0xC410]  }
0x1e5: {  	v27 =	vld [tilespmem:s24+$0xC800]  }
0x1e6: {  	v28 =	vld [tilespmem:s24+$0xC810]  }
0x1e7: {  	v30 =	vld [tilespmem:s24+$0xC820]  }
0x1e8: {  	v31 =	vld [tilespmem:s24+$0xC830]  }
0x1e9: {  	v33 =	vld [tilespmem:s24+$0xC840]  }
0x1ea: {  	v35 =	vld [tilespmem:s24+$0xC850]  }
0x1eb: {  	v37 =	vld [tilespmem:s24+$0xC860]  }
0x1ec: {  	v38 =	vld [tilespmem:s24+$0xC870]  }
0x1ed: {  	v40 =	vld [tilespmem:s24+$0xCC00]  }
0x1ee: {  	v41 =	vld [tilespmem:s24+$0xCC10]  }
0x1ef: {  	v43 =	vld [tilespmem:s24+$0xCC20]  }
0x1f0: {  	v46 =	vld [tilespmem:s24+$0xCC30]  }
0x1f1: {  	v47 =	vld [tilespmem:s24+$0xCC40]  }
0x1f2: {  	v49 =	vld [tilespmem:s24+$0xCC50]  }
0x1f3: {  	v50 =	vld [tilespmem:s24+$0xCC60]  }
0x1f4: {  	v52 =	vld [tilespmem:s24+$0xCC70]  }
0x1f5: {  	v55 =	vld [tilespmem:s24+$0xD000]  }
0x1f6: {  	v58 =	vld [tilespmem:s24+$0xD010]  }
0x1f7: {  	v59 =	vld [tilespmem:s24+$0xD020]  }
0x1f8: {  	v61 =	vld [tilespmem:s24+$0xD030]  }
0x1f9: {  	v62 =	vld [tilespmem:s24+$0xD040]  }
0x1fa: {  	v4 =	vld [tilespmem:s24+$0xD070]  }
0x1fb: {  	v2 =	vld [tilespmem:s24+$0xD440]  }
0x1fc: {  	v6 =	vld [tilespmem:s24+$0xD400]  }
0x1fd: {  	v7 =	vld [tilespmem:s24+$0xD410]  }
0x1fe: {  	v8 =	vld [tilespmem:s24+$0xD420]  }
0x1ff: {  	v10 =	vld [tilespmem:s24+$0xD430]  }
0x200: {  	[tilespmem:$0x1FF40] =	vst v2;
	v2 =	vld [tilespmem:s24+$0xD450]  }
0x201: {  	v29 =	vld [tilespmem:s24+$0x70]  }
0x202: {  	v32 =	vld [tilespmem:s24+$0x410]  }
0x203: {  	v34 =	vld [tilespmem:s24+$0x420]  }
0x204: {  	v36 =	vld [tilespmem:s24+$0x430]  }
0x205: {  	[tilespmem:$0x1FF50] =	vst v2;
	v2 =	vld [tilespmem:s24+$0x10]  }
0x206: {  	v39 =	vld [tilespmem:s24+$0x450]  }
0x207: {  	v42 =	vld [tilespmem:s24+$0x470]  }
0x208: {  	v44 =	vld [tilespmem:s24+$0x800]  }
0x209: {  	[tilespmem:$0x1FED0] =	vst v0;
	v0 =	vld [tilespmem:s24+$0xC420]  }
0x20a: {  	[tilespmem:$0x1FF60] =	vst v2;
	v2 =	vld [tilespmem:s24+$0x6010]  }
0x20b: {  	v45 =	vld [tilespmem:s24+$0x810]  }
0x20c: {  	v48 =	vld [tilespmem:s24+$0x830]  }
0x20d: {  	v51 =	vld [tilespmem:s24+$0x850]  }
0x20e: {  	[tilespmem:$0x1FEE0] =	vst v0;
	v0 =	vld [tilespmem:s24+$0xC430]  }
0x20f: {  	[tilespmem:$0x1FF70] =	vst v2;
	v2 =	vld [tilespmem:s24+$0x20]  }
0x210: {  	v56 =	vld [tilespmem:s24+$0x860]  }
0x211: {  	v57 =	vld [tilespmem:s24+$0x870]  }
0x212: {  	v60 =	vld [tilespmem:s24+$0xC10]  }
0x213: {  	[tilespmem:$0x1FEF0] =	vst v0;
	v0 =	vld [tilespmem:s24+$0xC440]  }
0x214: {  	[tilespmem:$0x1FF80] =	vst v2;
	v2 =	vld [tilespmem:s24+$0x6020]  }
0x215: {  	v63 =	vld [tilespmem:s24+$0xC30]  }
0x216: {  	[tilespmem:$0x1FE90] =	vst v3;
	v3 =	vld [tilespmem:s24+$0xC50]  }
0x217: {  	[tilespmem:$0x1FE60] =	vst v5;
	v5 =	vld [tilespmem:s24+$0xC70]  }
0x218: {  	[tilespmem:$0x1FF00] =	vst v0;
	v0 =	vld [tilespmem:s24+$0xC450]  }
0x219: {  	[tilespmem:$0x1FF90] =	vst v2;
	v2 =	vld [tilespmem:s24+$0x30]  }
0x21a: {  	v9 =	vld [tilespmem:s24+$0x1010]  }
0x21b: {  	v11 =	vld [tilespmem:s24+$0x1020]  }
0x21c: {  	v12 =	vld [tilespmem:s24+$0x1030]  }
0x21d: {  	[tilespmem:$0x1FF10] =	vst v0;
	v0 =	vld [tilespmem:s24+$0xC460]  }
0x21e: {  	[tilespmem:$0x1FFA0] =	vst v2;
	v2 =	vld [tilespmem:s24+$0x40]  }
0x21f: {  	v13 =	vld [tilespmem:s24+$0x1050]  }
0x220: {  	v14 =	vld [tilespmem:s24+$0x1400]  }
0x221: {  	v16 =	vld [tilespmem:s24+$0x1410]  }
0x222: {  	[tilespmem:$0x1FF20] =	vst v0;
	v0 =	vld [tilespmem:s24+$0xC470]  }
0x223: {  	p0 =	sne.s32 s26, $0x1F;
	[tilespmem:$0x1FFB0] =	vst v2;
	v2 =	vld [tilespmem:s24+$0x50]  }
.Ltmp0:
0x224: {  	v15 =	vld [tilespmem:s24+$0x7410];
	(pc) =	sbr.rel @p0 .LBB2_2-.Ltmp0, $4  }
0x225: {  	v17 =	vld [tilespmem:s24+$0x1420]  }
0x226: {  	[tilespmem:$0x1FEC0] =	vst v1;
	v1 =	vld [tilespmem:s24+$0xD060]  }
0x227: {  	[tilespmem:$0x1FF30] =	vst v0;
	v0 =	vld [tilespmem:s24+$0xD050]  }
0x228: {  	s26 =	sadd.s32 $0x1, s26;
	[tilespmem:$0x1FFC0] =	vst v2;
	v2 =	vld [tilespmem:s24+$0xC40]  }
0x229: {  	v18 =	vld [tilespmem:s24+$0x1430]  }
0x22a: {  	s22 =	sadd.s32 $0x80, s22;
	v20 =	vld [tilespmem:s24+$0x7420]  }
0x22b: {  	s23 =	sadd.s32 $0x80, s23;
	v54 =	vld [tilespmem:s22+$0x0]  }
0x22c: {  	v53 =	vld [tilespmem:s23+$0x0]  }
0x22d: {  	v19 =	vld [tilespmem:s24+$0x7430];
	_ =	sdelay $0x2  }
0x22e: {  	v21 =	vld [tilespmem:s24+$0x7400]  }
0x22f: {  	v22 =	vld [tilespmem:s24+$0x1070];
	v17 =	vmul.f32 v17, v54;
	v20 =	vmul.f32 v20, v53  }
0x230: {  	v23 =	vld [tilespmem:s24+$0x7070];
	v18 =	vmul.f32 v18, v54;
	v19 =	vmul.f32 v19, v53  }
0x231: {  	v16 =	vmul.f32 v16, v54;
	v15 =	vmul.f32 v15, v53;
	v17 =	vadd.f32 v20, v17  }
0x232: {  	v24 =	vld [tilespmem:s24+$0x1060];
	v18 =	vadd.f32 v19, v18  }
0x233: {  	v25 =	vld [tilespmem:s24+$0x7060];
	v15 =	vadd.f32 v15, v16;
	v8 =	vadd.f32 v17, v8  }
0x234: {  	v14 =	vmul.f32 v14, v54;
	v21 =	vmul.f32 v21, v53;
	v10 =	vadd.f32 v18, v10;
	v18 =	vld [tilespmem:s24+$0x7030]  }
0x235: {  	v26 =	vld [tilespmem:s24+$0x7050];
	v7 =	vadd.f32 v15, v7;
	v15 =	vmul.f32 v23, v53;
	[tilespmem:s24+$0x13420] =	vst v8;
	v8 =	vmul.f32 v22, v54  }
0x236: {  	v19 =	vld [tilespmem:s24+$0x1040];
	[tilespmem:s24+$0x13430] =	vst v10;
	v10 =	vadd.f32 v21, v14  }
0x237: {  	v20 =	vld [tilespmem:s24+$0x7040];
	v8 =	vadd.f32 v15, v8  }
0x238: {  	v16 =	vld [tilespmem:s24+$0x1000];
	[tilespmem:s24+$0x13410] =	vst v7;
	v7 =	vmul.f32 v24, v54;
	v6 =	vadd.f32 v10, v6;
	v10 =	vmul.f32 v25, v53  }
0x239: {  	[tilespmem:$0x1FA50] =	vst v18;
	v18 =	vld [tilespmem:s24+$0x7020];
	v4 =	vadd.f32 v8, v4  }
0x23a: {  	v14 =	vld [tilespmem:s24+$0x7010];
	[tilespmem:s24+$0x13400] =	vst v6;
	v6 =	vadd.f32 v10, v7;
	v7 =	vmul.f32 v13, v54;
	v8 =	vmul.f32 v26, v53  }
0x23b: {  	v15 =	vld [tilespmem:s24+$0x7000]  }
0x23c: {  	v10 =	vld [tilespmem:s24+$0x6C70];
	[tilespmem:s24+$0x13070] =	vst v4;
	v4 =	vadd.f32 v8, v7  }
0x23d: {  	v13 =	vld [tilespmem:s24+$0x6C60];
	v1 =	vadd.f32 v6, v1;
	v7 =	vmul.f32 v19, v54;
	v8 =	vmul.f32 v20, v53  }
0x23e: {  	v6 =	vld [tilespmem:s24+$0xC60];
	[tilespmem:$0x1FA60] =	vst v18;
	v0 =	vadd.f32 v4, v0  }
0x23f: {  	[tilespmem:s24+$0x13060] =	vst v1;
	v1 =	vadd.f32 v8, v7;
	v7 =	vld [tilespmem:$0x1FA50]  }
0x240: {  	v8 =	vld [tilespmem:s24+$0x6C50];
	[tilespmem:s24+$0x13050] =	vst v0  }
0x241: {  	v0 =	vmul.f32 v11, v54;
	v11 =	vld [tilespmem:$0x1FA60];
	_ =	sdelay $0x2  }
0x242: {  	v4 =	vmul.f32 v12, v54;
	v7 =	vmul.f32 v7, v53  }
0x243: {  	v1 =	vadd.f32 v1, v62  }
0x244: {  	v4 =	vadd.f32 v7, v4;
	v11 =	vmul.f32 v11, v53  }
0x245: {  	[tilespmem:s24+$0x13040] =	vst v1;
	v1 =	vmul.f32 v9, v54;
	v9 =	vmul.f32 v14, v53  }
0x246: {  	v4 =	vadd.f32 v4, v61;
	v0 =	vadd.f32 v11, v0  }
0x247: {  	v1 =	vadd.f32 v9, v1  }
0x248: {  	v9 =	vmul.f32 v15, v53;
	[tilespmem:s24+$0x13030] =	vst v4;
	v4 =	vmul.f32 v16, v54;
	v0 =	vadd.f32 v0, v59  }
0x249: {  	v1 =	vadd.f32 v1, v58  }
0x24a: {  	[tilespmem:s24+$0x13020] =	vst v0;
	v0 =	vadd.f32 v9, v4;
	v4 =	vmul.f32 v5, v54;
	v5 =	vmul.f32 v10, v53;
	_ =	sdelay $0x1  }
0x24b: {  	v7 =	vld [tilespmem:s24+$0x6C40];
	[tilespmem:s24+$0x13010] =	vst v1;
	v1 =	vadd.f32 v5, v4  }
0x24c: {  	v0 =	vadd.f32 v0, v55;
	v5 =	vmul.f32 v6, v54;
	v6 =	vmul.f32 v13, v53  }
0x24d: {  	v11 =	vld [tilespmem:s24+$0x6C30]  }
0x24e: {  	v1 =	vadd.f32 v1, v52;
	[tilespmem:s24+$0x13000] =	vst v0;
	v0 =	vadd.f32 v6, v5;
	_ =	sdelay $0x1  }
0x24f: {  	[tilespmem:s24+$0x12C70] =	vst v1;
	v1 =	vmul.f32 v2, v54;
	v2 =	vmul.f32 v7, v53;
	v0 =	vadd.f32 v0, v50  }
0x250: {  	v9 =	vld [tilespmem:s24+$0x6C10]  }
0x251: {  	v7 =	vmul.f32 v11, v53;
	v1 =	vadd.f32 v2, v1;
	[tilespmem:s24+$0x12C60] =	vst v0;
	v0 =	vmul.f32 v63, v54  }
0x252: {  	v3 =	vmul.f32 v3, v54;
	v12 =	vld [tilespmem:s24+$0xC20];
	v5 =	vmul.f32 v8, v53  }
0x253: {  	v14 =	vld [tilespmem:s24+$0x6C20];
	v0 =	vadd.f32 v7, v0;
	v1 =	vadd.f32 v1, v47  }
0x254: {  	v3 =	vadd.f32 v5, v3  }
0x255: {  	v9 =	vmul.f32 v9, v53;
	v0 =	vadd.f32 v0, v46;
	[tilespmem:s24+$0x12C40] =	vst v1;
	v1 =	vmul.f32 v60, v54  }
0x256: {  	v5 =	vld [tilespmem:s24+$0x6860];
	v3 =	vadd.f32 v3, v49  }
0x257: {  	[tilespmem:s24+$0x12C30] =	vst v0;
	v0 =	vadd.f32 v9, v1  }
0x258: {  	[tilespmem:s24+$0x12C50] =	vst v3;
	v3 =	vmul.f32 v12, v54;
	v7 =	vmul.f32 v14, v53  }
0x259: {  	v6 =	vld [tilespmem:s24+$0x6870];
	v0 =	vadd.f32 v0, v41  }
0x25a: {  	v10 =	vld [tilespmem:s24+$0x6C00];
	v3 =	vadd.f32 v7, v3  }
0x25b: {  	v4 =	vld [tilespmem:s24+$0xC00];
	v12 =	vmul.f32 v56, v54;
	[tilespmem:s24+$0x12C10] =	vst v0;
	v0 =	vmul.f32 v5, v53  }
0x25c: {  	v7 =	vld [tilespmem:s24+$0x6830];
	v1 =	vadd.f32 v3, v43  }
0x25d: {  	v2 =	vld [tilespmem:s24+$0x6850];
	v0 =	vadd.f32 v0, v12  }
0x25e: {  	v8 =	vld [tilespmem:s24+$0x840];
	v6 =	vmul.f32 v6, v53;
	[tilespmem:s24+$0x12C20] =	vst v1;
	v1 =	vmul.f32 v57, v54  }
0x25f: {  	v11 =	vld [tilespmem:s24+$0x6840];
	v0 =	vadd.f32 v0, v37  }
0x260: {  	v1 =	vadd.f32 v6, v1  }
0x261: {  	v7 =	vmul.f32 v7, v53;
	[tilespmem:s24+$0x12860] =	vst v0;
	v0 =	vmul.f32 v48, v54  }
0x262: {  	v2 =	vmul.f32 v2, v53;
	v5 =	vld [tilespmem:s24+$0x6800];
	v6 =	vmul.f32 v51, v54;
	v1 =	vadd.f32 v1, v38  }
0x263: {  	v4 =	vmul.f32 v4, v54;
	v3 =	vld [tilespmem:s24+$0x820];
	v9 =	vmul.f32 v10, v53;
	v0 =	vadd.f32 v7, v0  }
0x264: {  	v10 =	vld [tilespmem:s24+$0x6820];
	v2 =	vadd.f32 v2, v6;
	v6 =	vmul.f32 v11, v53;
	[tilespmem:s24+$0x12870] =	vst v1;
	v1 =	vmul.f32 v8, v54  }
0x265: {  	v4 =	vadd.f32 v9, v4;
	v9 =	vld [tilespmem:s24+$0x6810];
	v0 =	vadd.f32 v0, v31  }
0x266: {  	v13 =	vld [tilespmem:s24+$0x6470];
	v1 =	vadd.f32 v6, v1  }
0x267: {  	v4 =	vadd.f32 v4, v40;
	v11 =	vmul.f32 v44, v54;
	v6 =	vld [tilespmem:s24+$0x6450];
	[tilespmem:s24+$0x12830] =	vst v0;
	v0 =	vmul.f32 v5, v53  }
0x268: {  	v1 =	vadd.f32 v1, v33  }
0x269: {  	v3 =	vmul.f32 v3, v54;
	[tilespmem:s24+$0x12C00] =	vst v4;
	v4 =	vld [tilespmem:s24+$0x460];
	v7 =	vmul.f32 v10, v53;
	v0 =	vadd.f32 v0, v11  }
0x26a: {  	v9 =	vmul.f32 v9, v53;
	v8 =	vld [tilespmem:s24+$0x6460];
	v2 =	vadd.f32 v2, v35;
	[tilespmem:s24+$0x12840] =	vst v1;
	v1 =	vmul.f32 v45, v54  }
0x26b: {  	v3 =	vadd.f32 v7, v3;
	v7 =	vld [tilespmem:s24+$0x6430];
	v0 =	vadd.f32 v0, v27  }
0x26c: {  	v13 =	vmul.f32 v13, v53;
	[tilespmem:s24+$0x12850] =	vst v2;
	v6 =	vmul.f32 v6, v53;
	v1 =	vadd.f32 v9, v1;
	v11 =	vld [tilespmem:$0x1FF30]  }
0x26d: {  	v2 =	vld [tilespmem:s24+$0x440];
	v9 =	vmul.f32 v42, v54;
	[tilespmem:s24+$0x12800] =	vst v0;
	v0 =	vmul.f32 v39, v54  }
0x26e: {  	v10 =	vld [tilespmem:s24+$0x6440];
	v1 =	vadd.f32 v1, v28  }
0x26f: {  	v9 =	vadd.f32 v13, v9;
	v0 =	vadd.f32 v6, v0;
	v6 =	vld [tilespmem:$0x1FF20]  }
0x270: {  	[tilespmem:s24+$0x12810] =	vst v1;
	v1 =	vmul.f32 v4, v54;
	v4 =	vmul.f32 v8, v53  }
0x271: {  	v7 =	vmul.f32 v7, v53;
	v9 =	vadd.f32 v9, v11;
	v11 =	vmul.f32 v36, v54  }
0x272: {  	v1 =	vadd.f32 v4, v1  }
0x273: {  	v7 =	vadd.f32 v7, v11;
	v11 =	vld [tilespmem:$0x1FF00]  }
0x274: {  	v2 =	vmul.f32 v2, v54;
	[tilespmem:s24+$0x12470] =	vst v9;
	v9 =	vmul.f32 v10, v53;
	v1 =	vadd.f32 v1, v6;
	_ =	sdelay $0x1  }
0x275: {  	v5 =	vld [tilespmem:s24+$0x6420];
	[tilespmem:s24+$0x12460] =	vst v1;
	v1 =	vadd.f32 v9, v2;
	_ =	sdelay $0x1  }
0x276: {  	v13 =	vld [tilespmem:$0x1FF10];
	v1 =	vadd.f32 v1, v11  }
0x277: {  	v8 =	vld [tilespmem:s24+$0x6400]  }
0x278: {  	[tilespmem:s24+$0x12440] =	vst v1;
	v1 =	vld [tilespmem:$0x1FEE0]  }
0x279: {  	v12 =	vld [tilespmem:s24+$0x6410];
	v5 =	vmul.f32 v5, v53;
	v9 =	vmul.f32 v34, v54;
	_ =	sdelay $0x1  }
0x27a: {  	v5 =	vadd.f32 v5, v9  }
0x27b: {  	v4 =	vld [tilespmem:s24+$0x6070];
	v0 =	vadd.f32 v0, v13  }
0x27c: {  	v1 =	vadd.f32 v5, v1;
	v5 =	vmul.f32 v8, v53;
	v8 =	vld [tilespmem:$0x1FED0]  }
0x27d: {  	v12 =	vmul.f32 v12, v53;
	v10 =	vld [tilespmem:s24+$0x6060];
	[tilespmem:s24+$0x12450] =	vst v0;
	v0 =	vmul.f32 v32, v54  }
0x27e: {  	v6 =	vld [tilespmem:s24+$0x60]  }
0x27f: {  	v0 =	vadd.f32 v12, v0  }
0x280: {  	v3 =	vadd.f32 v3, v30  }
0x281: {  	v4 =	vmul.f32 v4, v53;
	[tilespmem:s24+$0x12420] =	vst v1;
	v1 =	vmul.f32 v29, v54;
	v0 =	vadd.f32 v0, v8  }
0x282: {  	[tilespmem:s24+$0x12820] =	vst v3;
	v3 =	vld [tilespmem:s24+$0x400]  }
0x283: {  	[tilespmem:s24+$0x12410] =	vst v0;
	v0 =	vadd.f32 v4, v1;
	v4 =	vmul.f32 v6, v54;
	v6 =	vmul.f32 v10, v53;
	v10 =	vld [tilespmem:$0x1FEB0]  }
0x284: {  	v15 =	vld [tilespmem:$0x1FF70]  }
0x285: {  	v16 =	vld [tilespmem:$0x1FE80]  }
0x286: {  	v1 =	vld [tilespmem:$0x1FEC0]  }
0x287: {  	v14 =	vld [tilespmem:$0x1FF60];
	v3 =	vmul.f32 v3, v54  }
0x288: {  	v11 =	vld [tilespmem:s24+$0x6040];
	v0 =	vadd.f32 v0, v10  }
0x289: {  	v3 =	vadd.f32 v5, v3;
	v10 =	vld [tilespmem:$0x1FFB0]  }
0x28a: {  	[tilespmem:s24+$0x12070] =	vst v0;
	v0 =	vld [tilespmem:$0x1FEA0]  }
0x28b: {  	v9 =	vld [tilespmem:$0x1FEF0];
	v1 =	vadd.f32 v3, v1  }
0x28c: {  	v13 =	vld [tilespmem:$0x1FF90]  }
0x28d: {  	v2 =	vld [tilespmem:s24+$0x6050];
	[tilespmem:s24+$0x12400] =	vst v1;
	v1 =	vadd.f32 v6, v4  }
0x28e: {  	v6 =	vld [tilespmem:$0x1FFC0]  }
0x28f: {  	v12 =	vld [tilespmem:$0x1FFA0];
	v11 =	vmul.f32 v11, v53;
	v10 =	vmul.f32 v10, v54;
	v0 =	vadd.f32 v1, v0  }
0x290: {  	v7 =	vadd.f32 v7, v9;
	v9 =	vld [tilespmem:s24+$0x6030]  }
0x291: {  	[tilespmem:s24+$0x12060] =	vst v0;
	v0 =	vadd.f32 v11, v10;
	v10 =	vld [tilespmem:$0x1FE90]  }
0x292: {  	v11 =	vld [tilespmem:$0x1FF80]  }
0x293: {  	v2 =	vmul.f32 v2, v53;
	v5 =	vld [tilespmem:s24+$0x7440];
	v6 =	vmul.f32 v6, v54  }
0x294: {  	[tilespmem:s24+$0x12430] =	vst v7;
	v7 =	vld [tilespmem:s24+$0x1440]  }
0x295: {  	v8 =	vld [tilespmem:s24+$0x7450];
	v2 =	vadd.f32 v2, v6  }
0x296: {  	v13 =	vmul.f32 v13, v53;
	v4 =	vld [tilespmem:s24+$0x1460];
	v0 =	vadd.f32 v0, v16  }
0x297: {  	v12 =	vmul.f32 v12, v54;
	v1 =	vld [tilespmem:s24+$0x7460];
	v2 =	vadd.f32 v2, v10;
	v11 =	vmul.f32 v11, v54  }
0x298: {  	v9 =	vmul.f32 v9, v53;
	[tilespmem:s24+$0x12040] =	vst v0;
	v0 =	vmul.f32 v5, v53;
	v5 =	vld [tilespmem:$0x1FE50]  }
0x299: {  	[tilespmem:s24+$0x12050] =	vst v2;
	v2 =	vadd.f32 v13, v11;
	v11 =	vld [tilespmem:$0x1FE60]  }
0x29a: {  	v9 =	vadd.f32 v9, v12;
	v12 =	vld [tilespmem:s24+$0x0]  }
0x29b: {  	v3 =	vld [tilespmem:s24+$0x1450]  }
0x29c: {  	v4 =	vmul.f32 v4, v54;
	v6 =	vld [tilespmem:s24+$0x1470];
	v1 =	vmul.f32 v1, v53  }
0x29d: {  	v10 =	vld [tilespmem:s24+$0x7470];
	v2 =	vadd.f32 v2, v5  }
0x29e: {  	v1 =	vadd.f32 v1, v4;
	v4 =	vld [tilespmem:$0x1FF50];
	v9 =	vadd.f32 v9, v11  }
0x29f: {  	[tilespmem:s24+$0x12020] =	vst v2;
	v2 =	vld [tilespmem:$0x1FF40]  }
0x2a0: {  	v15 =	vmul.f32 v15, v53;
	[tilespmem:s24+$0x12030] =	vst v9;
	v9 =	vld [tilespmem:$0x1FE30]  }
0x2a1: {  	v14 =	vmul.f32 v14, v54;
	v7 =	vmul.f32 v7, v54;
	v11 =	vld [tilespmem:s24+$0x6000]  }
0x2a2: {  	v3 =	vmul.f32 v3, v54;
	v5 =	vmul.f32 v8, v53;
	v8 =	vld [tilespmem:s24+$0xD460]  }
0x2a3: {  	v0 =	vadd.f32 v0, v7;
	v13 =	vadd.f32 v15, v14  }
0x2a4: {  	v6 =	vmul.f32 v6, v54;
	v7 =	vld [tilespmem:s24+$0xD470];
	v3 =	vadd.f32 v5, v3  }
0x2a5: {  	v5 =	vmul.f32 v10, v53;
	v0 =	vadd.f32 v0, v2;
	v9 =	vadd.f32 v13, v9;
	v13 =	vld [tilespmem:s24+$0xC000]  }
0x2a6: {  	v10 =	vmul.f32 v12, v54;
	v3 =	vadd.f32 v3, v4;
	v2 =	vmul.f32 v11, v53  }
0x2a7: {  	v4 =	vadd.f32 v5, v6;
	[tilespmem:s24+$0x13440] =	vst v0;
	v0 =	vadd.f32 v1, v8  }
0x2a8: {  	[tilespmem:s24+$0x13450] =	vst v3;
	v1 =	vadd.f32 v2, v10  }
0x2a9: {  	v2 =	vadd.f32 v4, v7;
	[tilespmem:s24+$0x13460] =	vst v0  }
0x2aa: {  	[tilespmem:s24+$0x12010] =	vst v9;
	v0 =	vadd.f32 v1, v13  }
0x2ab: {  	[tilespmem:s24+$0x13470] =	vst v2  }
0x2ac: {  	[tilespmem:s24+$0x12000] =	vst v0;
	s24 =	simm.s32 $0x0  }
0x2ad: {  	[hbm4b:s11+s24] =	stream.linear.scatter [tilespmem:s19], [sflag:$0x1], $0x6000, $0x38;
	[tilespmem:$0x1A100] =	vst v63  }
0x2ae: {  	_ =	swait.ge [sflag:s20], $0x6000  }
0x2af: {  	[sflag:s20] =	ssyncset.done $0x0  }
0x2b0: {  	s23 =	simm.s32 $0x18000;
	[sflag:s20] =	ssyncadd.s32 $0xFFFFA000  }
0x2b1: {  	[tilespmem:s23], [sflag:$0x1] =	stream.linear.gather [hbm4b:s12+s24], $0x20, $0x38;
	[tilespmem:$0x1A100] =	vst v63  }
0x2b2: {  	_ =	swait.ge [sflag:s20], $0x20  }
0x2b3: {  	[sflag:s20] =	ssyncset.done $0x0  }
0x2b4: {  	s25 =	simm.s32 $0x18080;
	[sflag:s20] =	ssyncadd.s32 $0xFFFFFFE0  }
0x2b5: {  	[tilespmem:s25], [sflag:$0x1] =	stream.linear.gather [hbm4b:s13+s24], $0x20, $0x38;
	[tilespmem:$0x1A100] =	vst v63  }
0x2b6: {  	_ =	swait.ge [sflag:s20], $0x20  }
0x2b7: {  	[sflag:s20] =	ssyncset.done $0x0  }
0x2b8: {  	s22 =	simm.s32 $0x18100;
	[sflag:s20] =	ssyncadd.s32 $0xFFFFFFE0  }
0x2b9: {  	[tilespmem:s22], [sflag:$0x1] =	stream.linear.gather [hbm4b:s14+s24], $0x1000, $0x38;
	[tilespmem:$0x1A100] =	vst v63  }
0x2ba: {  	_ =	swait.ge [sflag:s20], $0x1000  }
0x2bb: {  	[sflag:s20] =	ssyncset.done $0x0  }
0x2bc: {  	s23 =	simm.s32 $0x19100;
	[sflag:s20] =	ssyncadd.s32 $0xFFFFF000  }
0x2bd: {  	[tilespmem:s23], [sflag:$0x1] =	stream.linear.gather [hbm4b:s15+s24], $0x1000, $0x38;
	[tilespmem:$0x1A100] =	vst v63  }
0x2be: {  	_ =	swait.ge [sflag:s20], $0x1000  }
0x2bf: {  	[sflag:s20] =	ssyncset.done $0x0  }
0x2c0: {  	s25 =	simm.s32 $0xC000;
	[sflag:s20] =	ssyncadd.s32 $0xFFFFF000  }
0x2c1: {  	[tilespmem:s25], [sflag:$0x1] =	stream.linear.gather [hbm4b:s16+s24], $0x6000, $0x38;
	[tilespmem:$0x1A100] =	vst v63  }
0x2c2: {  	_ =	swait.ge [sflag:s20], $0x6000  }
0x2c3: {  	[sflag:s20] =	ssyncset.done $0x0  }
0x2c4: {  	[sflag:s20] =	ssyncadd.s32 $0xFFFFA000  }
0x2c5: {  	v0 =	vld [tilespmem:$0x18000];
	_ =	sdelay $0x3  }
0x2c6: {  	v2 =	vld [tilespmem:$0x1FFD0]  }
0x2c7: {  	v1 =	vshrl.u32 v0, $0x3  }
0x2c8: {  	v3 =	vld [tilespmem:$0x1FFE0];
	v1 =	vmul.u32 $0x30, v1  }
0x2c9: {  	v0 =	vand.u32 $0x7, v0  }
0x2ca: {  	v0 =	vor.u32 v0, v1  }
0x2cb: {  	v1 =	vperm.xlane v0, v2  }
0x2cc: {  	v4 =	vld [tilespmem:$0x1FFF0]  }
0x2cd: {  	v1 =	vadd.s32 v3, v1;
	_ =	sdelay $0x3  }
0x2ce: {  	v0 =	vperm.xlane v0, v4  }
0x2cf: {  	[tilespmem:s24], [sflag:$0x1] =	stream.indirect_vreg.gather [hbm4b:s3+s24], $0x80, v1, vm0, $0xb8;
	[tilespmem:$0x1A100] =	vst v63  }
0x2d0: {  	s26 =	simm.s32 $0x800;
	v0 =	vadd.s32 v3, v0  }
0x2d1: {  	[tilespmem:s26], [sflag:$0x1] =	stream.indirect_vreg.gather [hbm4b:s9+s24], $0x80, v1, vm0, $0xb8;
	[tilespmem:$0x1A100] =	vst v63  }
0x2d2: {  	s28 =	simm.s32 $0x1000  }
0x2d3: {  	[tilespmem:s28], [sflag:$0x1] =	stream.indirect_vreg.gather [hbm4b:s10+s24], $0x80, v1, vm0, $0xb8;
	[tilespmem:$0x1A100] =	vst v63  }
0x2d4: {  	s29 =	simm.s32 $0x1800  }
0x2d5: {  	[tilespmem:s29], [sflag:$0x1] =	stream.indirect_vreg.gather [hbm4b:s3+s24], $0x80, v0, vm0, $0xb8;
	[tilespmem:$0x1A100] =	vst v63  }
0x2d6: {  	s26 =	simm.s32 $0x2000  }
0x2d7: {  	[tilespmem:s26], [sflag:$0x1] =	stream.indirect_vreg.gather [hbm4b:s9+s24], $0x80, v0, vm0, $0xb8;
	[tilespmem:$0x1A100] =	vst v63  }
0x2d8: {  	s28 =	simm.s32 $0x2800  }
0x2d9: {  	[tilespmem:s28], [sflag:$0x1] =	stream.indirect_vreg.gather [hbm4b:s10+s24], $0x80, v0, vm0, $0xb8;
	[tilespmem:$0x1A100] =	vst v63  }
0x2da: {  	v0 =	vld [tilespmem:$0x18010];
	_ =	sdelay $0x4  }
0x2db: {  	v1 =	vshrl.u32 v0, $0x3  }
0x2dc: {  	v1 =	vmul.u32 $0x30, v1  }
0x2dd: {  	v0 =	vand.u32 $0x7, v0  }
0x2de: {  	v0 =	vor.u32 v0, v1  }
0x2df: {  	v1 =	vperm.xlane v0, v2;
	_ =	sdelay $0x1  }
0x2e0: {  	v1 =	vadd.s32 v3, v1;
	_ =	sdelay $0x3  }
0x2e1: {  	s29 =	simm.s32 $0x3000;
	v0 =	vperm.xlane v0, v4  }
0x2e2: {  	[tilespmem:s29], [sflag:$0x1] =	stream.indirect_vreg.gather [hbm4b:s3+s24], $0x80, v1, vm0, $0xb8;
	[tilespmem:$0x1A100] =	vst v63  }
0x2e3: {  	s26 =	simm.s32 $0x3800;
	v0 =	vadd.s32 v3, v0  }
0x2e4: {  	[tilespmem:s26], [sflag:$0x1] =	stream.indirect_vreg.gather [hbm4b:s9+s24], $0x80, v1, vm0, $0xb8;
	[tilespmem:$0x1A100] =	vst v63  }
0x2e5: {  	s28 =	simm.s32 $0x4000  }
0x2e6: {  	[tilespmem:s28], [sflag:$0x1] =	stream.indirect_vreg.gather [hbm4b:s10+s24], $0x80, v1, vm0, $0xb8;
	[tilespmem:$0x1A100] =	vst v63  }
0x2e7: {  	s29 =	simm.s32 $0x4800  }
0x2e8: {  	[tilespmem:s29], [sflag:$0x1] =	stream.indirect_vreg.gather [hbm4b:s3+s24], $0x80, v0, vm0, $0xb8;
	[tilespmem:$0x1A100] =	vst v63  }
0x2e9: {  	s26 =	simm.s32 $0x5000  }
0x2ea: {  	[tilespmem:s26], [sflag:$0x1] =	stream.indirect_vreg.gather [hbm4b:s9+s24], $0x80, v0, vm0, $0xb8;
	[tilespmem:$0x1A100] =	vst v63  }
0x2eb: {  	s28 =	simm.s32 $0x5800  }
0x2ec: {  	[tilespmem:s28], [sflag:$0x1] =	stream.indirect_vreg.gather [hbm4b:s10+s24], $0x80, v0, vm0, $0xb8;
	[tilespmem:$0x1A100] =	vst v63  }
0x2ed: {  	_ =	swait.ge [sflag:s20], $0x6000  }
0x2ee: {  	[sflag:s20] =	ssyncset.done $0x0  }
0x2ef: {  	[sflag:s20] =	ssyncadd.s32 $0xFFFFA000  }
0x2f0: {  	v0 =	vld [tilespmem:$0x18080];
	_ =	sdelay $0x4  }
0x2f1: {  	v1 =	vshrl.u32 v0, $0x3  }
0x2f2: {  	v1 =	vmul.u32 $0x30, v1  }
0x2f3: {  	v0 =	vand.u32 $0x7, v0  }
0x2f4: {  	v0 =	vor.u32 v0, v1  }
0x2f5: {  	v1 =	vperm.xlane v0, v2;
	_ =	sdelay $0x1  }
0x2f6: {  	v1 =	vadd.s32 v3, v1;
	_ =	sdelay $0x3  }
0x2f7: {  	s29 =	simm.s32 $0x6000;
	v0 =	vperm.xlane v0, v4  }
0x2f8: {  	[tilespmem:s29], [sflag:$0x1] =	stream.indirect_vreg.gather [hbm4b:s3+s24], $0x80, v1, vm0, $0xb8;
	[tilespmem:$0x1A100] =	vst v63  }
0x2f9: {  	s26 =	simm.s32 $0x6800;
	v0 =	vadd.s32 v3, v0  }
0x2fa: {  	[tilespmem:s26], [sflag:$0x1] =	stream.indirect_vreg.gather [hbm4b:s9+s24], $0x80, v1, vm0, $0xb8;
	[tilespmem:$0x1A100] =	vst v63  }
0x2fb: {  	s28 =	simm.s32 $0x7000  }
0x2fc: {  	[tilespmem:s28], [sflag:$0x1] =	stream.indirect_vreg.gather [hbm4b:s10+s24], $0x80, v1, vm0, $0xb8;
	[tilespmem:$0x1A100] =	vst v63  }
0x2fd: {  	s29 =	simm.s32 $0x7800  }
0x2fe: {  	[tilespmem:s29], [sflag:$0x1] =	stream.indirect_vreg.gather [hbm4b:s3+s24], $0x80, v0, vm0, $0xb8;
	[tilespmem:$0x1A100] =	vst v63  }
0x2ff: {  	s26 =	simm.s32 $0x8000  }
0x300: {  	[tilespmem:s26], [sflag:$0x1] =	stream.indirect_vreg.gather [hbm4b:s9+s24], $0x80, v0, vm0, $0xb8;
	[tilespmem:$0x1A100] =	vst v63  }
0x301: {  	s28 =	simm.s32 $0x8800  }
0x302: {  	[tilespmem:s28], [sflag:$0x1] =	stream.indirect_vreg.gather [hbm4b:s10+s24], $0x80, v0, vm0, $0xb8;
	[tilespmem:$0x1A100] =	vst v63  }
0x303: {  	v0 =	vld [tilespmem:$0x18090];
	_ =	sdelay $0x4  }
0x304: {  	v1 =	vshrl.u32 v0, $0x3  }
0x305: {  	v1 =	vmul.u32 $0x30, v1  }
0x306: {  	v0 =	vand.u32 $0x7, v0  }
0x307: {  	v0 =	vor.u32 v0, v1  }
0x308: {  	v1 =	vperm.xlane v0, v2;
	_ =	sdelay $0x1  }
0x309: {  	v1 =	vadd.s32 v3, v1;
	_ =	sdelay $0x3  }
0x30a: {  	s29 =	simm.s32 $0x9000;
	v0 =	vperm.xlane v0, v4  }
0x30b: {  	[tilespmem:s29], [sflag:$0x1] =	stream.indirect_vreg.gather [hbm4b:s3+s24], $0x80, v1, vm0, $0xb8;
	[tilespmem:$0x1A100] =	vst v63  }
0x30c: {  	s26 =	simm.s32 $0x9800;
	v0 =	vadd.s32 v3, v0  }
0x30d: {  	[tilespmem:s26], [sflag:$0x1] =	stream.indirect_vreg.gather [hbm4b:s9+s24], $0x80, v1, vm0, $0xb8;
	[tilespmem:$0x1A100] =	vst v63  }
0x30e: {  	_ = 	snop  }
0x30f: {  	[tilespmem:s30], [sflag:$0x1] =	stream.indirect_vreg.gather [hbm4b:s10+s24], $0x80, v1, vm0, $0xb8;
	[tilespmem:$0x1A100] =	vst v63  }
0x310: {  	_ = 	snop  }
0x311: {  	[tilespmem:s31], [sflag:$0x1] =	stream.indirect_vreg.gather [hbm4b:s3+s24], $0x80, v0, vm0, $0xb8;
	[tilespmem:$0x1A100] =	vst v63  }
0x312: {  	_ = 	snop  }
0x313: {  	[tilespmem:s0], [sflag:$0x1] =	stream.indirect_vreg.gather [hbm4b:s9+s24], $0x80, v0, vm0, $0xb8;
	[tilespmem:$0x1A100] =	vst v63  }
0x314: {  	s28 =	simm.s32 $0x0  }
0x315: {  	[tilespmem:s2], [sflag:$0x1] =	stream.indirect_vreg.gather [hbm4b:s10+s24], $0x80, v0, vm0, $0xb8;
	[tilespmem:$0x1A100] =	vst v63  }
0x316: {  	s25 =	smul.u32 $0x1800, s28;
	_ =	swait.ge [sflag:s20], $0x6000  }
0x317: {  	s24 =	sand.u32 $0x380, s24;
	[sflag:s20] =	ssyncset.done $0x0  }
0x318: {  	s26 =	sor.u32 s24, s25;
	[sflag:s20] =	ssyncadd.s32 $0xFFFFA000  }
0x319: {  	v0 =	vld [tilespmem:s26+$0xC010];
	_ =	sdelay $0x4  }
0x31a: {  	[tilespmem:$0x1FB70] =	vst v0;
	v0 =	vld [tilespmem:s26+$0xC020];
	_ =	sdelay $0x4  }
0x31b: {  	[tilespmem:$0x1FB60] =	vst v0;
	v0 =	vld [tilespmem:s26+$0xC030];
	_ =	sdelay $0x4  }
0x31c: {  	[tilespmem:$0x1FB50] =	vst v0;
	v0 =	vld [tilespmem:s26+$0xC040];
	_ =	sdelay $0x3  }
0x31d: {  	v23 =	vld [tilespmem:s26+$0xC460]  }
0x31e: {  	[tilespmem:$0x1FB40] =	vst v0;
	v0 =	vld [tilespmem:s26+$0xC050]  }
0x31f: {  	v22 =	vld [tilespmem:s26+$0xC470]  }
0x320: {  	v25 =	vld [tilespmem:s26+$0xC800]  }
0x321: {  	v26 =	vld [tilespmem:s26+$0xC810]  }
0x322: {  	v27 =	vld [tilespmem:s26+$0xC820]  }
0x323: {  	[tilespmem:$0x1FB10] =	vst v0;
	v0 =	vld [tilespmem:s26+$0xC060]  }
0x324: {  	v29 =	vld [tilespmem:s26+$0xC830]  }
0x325: {  	v31 =	vld [tilespmem:s26+$0xC840]  }
0x326: {  	v33 =	vld [tilespmem:s26+$0xC850]  }
0x327: {  	v35 =	vld [tilespmem:s26+$0xC860]  }
0x328: {  	[tilespmem:$0x1FB00] =	vst v0;
	v0 =	vld [tilespmem:s26+$0xC070]  }
0x329: {  	v36 =	vld [tilespmem:s26+$0xC870]  }
0x32a: {  	v37 =	vld [tilespmem:s26+$0xCC00]  }
0x32b: {  	v39 =	vld [tilespmem:s26+$0xCC10]  }
0x32c: {  	v42 =	vld [tilespmem:s26+$0xCC20]  }
0x32d: {  	[tilespmem:$0x1FAE0] =	vst v0;
	v0 =	vld [tilespmem:s26+$0xC400]  }
0x32e: {  	v44 =	vld [tilespmem:s26+$0xCC30]  }
0x32f: {  	v45 =	vld [tilespmem:s26+$0xCC40]  }
0x330: {  	v46 =	vld [tilespmem:s26+$0xCC50]  }
0x331: {  	v48 =	vld [tilespmem:s26+$0xCC60]  }
0x332: {  	[tilespmem:$0x1FAD0] =	vst v0;
	v0 =	vld [tilespmem:s26+$0xC410]  }
0x333: {  	v50 =	vld [tilespmem:s26+$0xCC70]  }
0x334: {  	v51 =	vld [tilespmem:s26+$0xD000]  }
0x335: {  	v52 =	vld [tilespmem:s26+$0xD010]  }
0x336: {  	v53 =	vld [tilespmem:s26+$0xD020]  }
0x337: {  	[tilespmem:$0x1FAB0] =	vst v0;
	v0 =	vld [tilespmem:s26+$0xC420]  }
0x338: {  	v54 =	vld [tilespmem:s26+$0xD030]  }
0x339: {  	v55 =	vld [tilespmem:s26+$0xD040]  }
0x33a: {  	v56 =	vld [tilespmem:s26+$0xD050]  }
0x33b: {  	v57 =	vld [tilespmem:s26+$0xD060]  }
0x33c: {  	[tilespmem:$0x1FAA0] =	vst v0;
	v0 =	vld [tilespmem:s26+$0xC430]  }
0x33d: {  	v58 =	vld [tilespmem:s26+$0xD070]  }
0x33e: {  	v59 =	vld [tilespmem:s26+$0xD400]  }
0x33f: {  	v60 =	vld [tilespmem:s26+$0xD410]  }
0x340: {  	v61 =	vld [tilespmem:s26+$0xD420]  }
0x341: {  	[tilespmem:$0x1FA90] =	vst v0;
	v0 =	vld [tilespmem:s26+$0xC440]  }
0x342: {  	v62 =	vld [tilespmem:s26+$0xD430]  }
0x343: {  	v24 =	vld [tilespmem:s26+$0x50]  }
0x344: {  	v21 =	vld [tilespmem:s26+$0x70]  }
0x345: {  	v28 =	vld [tilespmem:s26+$0x410]  }
0x346: {  	[tilespmem:$0x1FA80] =	vst v0;
	v0 =	vld [tilespmem:s26+$0xC450]  }
0x347: {  	v30 =	vld [tilespmem:s26+$0x420]  }
0x348: {  	v32 =	vld [tilespmem:s26+$0x430]  }
0x349: {  	v34 =	vld [tilespmem:s26+$0x450]  }
0x34a: {  	v38 =	vld [tilespmem:s26+$0x470]  }
0x34b: {  	[tilespmem:$0x1FA70] =	vst v0;
	v0 =	vld [tilespmem:s26+$0xD440]  }
0x34c: {  	v40 =	vld [tilespmem:s26+$0x800]  }
0x34d: {  	v41 =	vld [tilespmem:s26+$0x810]  }
0x34e: {  	v43 =	vld [tilespmem:s26+$0x830]  }
0x34f: {  	v47 =	vld [tilespmem:s26+$0x850]  }
0x350: {  	[tilespmem:$0x1FB90] =	vst v0;
	v0 =	vld [tilespmem:s26+$0xD450]  }
0x351: {  	v49 =	vld [tilespmem:s26+$0x860]  }
0x352: {  	v63 =	vld [tilespmem:s26+$0x870]  }
0x353: {  	v20 =	vld [tilespmem:s26+$0xC10]  }
0x354: {  	v19 =	vld [tilespmem:s26+$0xC30]  }
0x355: {  	[tilespmem:$0x1FBC0] =	vst v0;
	v0 =	vld [tilespmem:s26+$0x10]  }
0x356: {  	v18 =	vld [tilespmem:s26+$0xC40]  }
0x357: {  	v17 =	vld [tilespmem:s26+$0xC70]  }
0x358: {  	v16 =	vld [tilespmem:s26+$0x1010]  }
0x359: {  	v12 =	vld [tilespmem:s26+$0x1050]  }
0x35a: {  	[tilespmem:$0x1FB20] =	vst v0;
	v0 =	vld [tilespmem:s26+$0x6010]  }
0x35b: {  	v11 =	vld [tilespmem:s26+$0x1400]  }
0x35c: {  	v1 =	vld [tilespmem:s26+$0x1410]  }
0x35d: {  	v6 =	vld [tilespmem:s26+$0x7410]  }
0x35e: {  	v2 =	vld [tilespmem:s26+$0x1430]  }
0x35f: {  	[tilespmem:$0x1FB30] =	vst v0;
	v0 =	vld [tilespmem:s26+$0x20]  }
0x360: {  	v3 =	vld [tilespmem:s26+$0x7430]  }
0x361: {  	v13 =	vld [tilespmem:s22+$0x0]  }
0x362: {  	v14 =	vld [tilespmem:s23+$0x0]  }
0x363: {  	v4 =	vld [tilespmem:s26+$0x7420]  }
0x364: {  	[tilespmem:$0x1FAF0] =	vst v0;
	v0 =	vld [tilespmem:s26+$0x40]  }
0x365: {  	v5 =	vld [tilespmem:s26+$0x7400]  }
0x366: {  	v8 =	vld [tilespmem:s26+$0x1060]  }
0x367: {  	v7 =	vld [tilespmem:s26+$0x7060]  }
0x368: {  	v10 =	vld [tilespmem:s26+$0x1070]  }
0x369: {  	v1 =	vmul.f32 v1, v13;
	v2 =	vmul.f32 v2, v13;
	[tilespmem:$0x1FAC0] =	vst v0;
	v0 =	vld [tilespmem:s26+$0x1420]  }
0x36a: {  	v15 =	vld [tilespmem:s26+$0x1020];
	v3 =	vmul.f32 v3, v14;
	v6 =	vmul.f32 v6, v14  }
0x36b: {  	v9 =	vld [tilespmem:s26+$0x7070];
	v4 =	vmul.f32 v4, v14;
	v8 =	vmul.f32 v8, v13  }
0x36c: {  	v7 =	vmul.f32 v7, v14;
	v2 =	vadd.f32 v3, v2;
	v3 =	vmul.f32 v11, v13;
	v11 =	vld [tilespmem:s26+$0x7050]  }
0x36d: {  	v5 =	vmul.f32 v5, v14;
	v1 =	vadd.f32 v6, v1;
	v6 =	vmul.f32 v10, v13;
	v10 =	vld [tilespmem:s26+$0x1030]  }
0x36e: {  	v7 =	vadd.f32 v7, v8;
	v8 =	vmul.f32 v12, v13;
	v12 =	vld [tilespmem:s26+$0x7010];
	v0 =	vmul.f32 v0, v13  }
0x36f: {  	v3 =	vadd.f32 v5, v3;
	v5 =	vld [tilespmem:s26+$0x7040]  }
0x370: {  	v9 =	vmul.f32 v9, v14;
	v0 =	vadd.f32 v4, v0;
	v4 =	vld [tilespmem:s26+$0x1040]  }
0x371: {  	v1 =	vadd.f32 v1, v60;
	v60 =	vld [tilespmem:s26+$0x7030]  }
0x372: {  	v6 =	vadd.f32 v9, v6;
	v9 =	vld [tilespmem:s26+$0x7020]  }
0x373: {  	v2 =	vadd.f32 v2, v62;
	v62 =	vld [tilespmem:s26+$0x1000]  }
0x374: {  	v7 =	vadd.f32 v7, v57;
	v57 =	vld [tilespmem:s26+$0x6C10];
	v11 =	vmul.f32 v11, v14  }
0x375: {  	v6 =	vadd.f32 v6, v58;
	v58 =	vld [tilespmem:s26+$0xC00];
	v5 =	vmul.f32 v5, v14;
	v4 =	vmul.f32 v4, v13  }
0x376: {  	v8 =	vadd.f32 v11, v8;
	v11 =	vld [tilespmem:s26+$0x7000];
	v0 =	vadd.f32 v0, v61  }
0x377: {  	v61 =	vld [tilespmem:s26+$0xC60];
	v4 =	vadd.f32 v5, v4;
	v5 =	vmul.f32 v10, v13;
	v10 =	vmul.f32 v60, v14  }
0x378: {  	v15 =	vmul.f32 v15, v13;
	v9 =	vmul.f32 v9, v14;
	v60 =	vld [tilespmem:s26+$0x6C70]  }
0x379: {  	v12 =	vmul.f32 v12, v14;
	v5 =	vadd.f32 v10, v5;
	v10 =	vmul.f32 v16, v13;
	v16 =	vld [tilespmem:s26+$0x6C60]  }
0x37a: {  	v9 =	vadd.f32 v9, v15;
	v15 =	vld [tilespmem:s26+$0xC50]  }
0x37b: {  	v11 =	vmul.f32 v11, v14;
	v10 =	vadd.f32 v12, v10;
	v12 =	vmul.f32 v62, v13;
	v62 =	vld [tilespmem:s26+$0x6C50]  }
0x37c: {  	v9 =	vadd.f32 v9, v53;
	v53 =	vld [tilespmem:s26+$0x6C40];
	v5 =	vadd.f32 v5, v54  }
0x37d: {  	v54 =	vld [tilespmem:s26+$0x6C30];
	v11 =	vadd.f32 v11, v12;
	v12 =	vmul.f32 v17, v13;
	v17 =	vmul.f32 v60, v14  }
0x37e: {  	v3 =	vadd.f32 v3, v59;
	[tilespmem:s26+$0x13430] =	vst v2;
	v60 =	vmul.f32 v61, v13;
	v61 =	vld [tilespmem:s26+$0xC20];
	v16 =	vmul.f32 v16, v14  }
0x37f: {  	[tilespmem:s26+$0x13410] =	vst v1;
	v8 =	vadd.f32 v8, v56;
	v15 =	vmul.f32 v15, v13;
	v12 =	vadd.f32 v17, v12;
	v17 =	vld [tilespmem:s26+$0x6C20]  }
0x380: {  	[tilespmem:s26+$0x13070] =	vst v6;
	v6 =	vld [tilespmem:s26+$0x6850];
	v10 =	vadd.f32 v10, v52;
	v16 =	vadd.f32 v16, v60;
	v62 =	vmul.f32 v62, v14  }
0x381: {  	v59 =	vld [tilespmem:s26+$0x6C00];
	[tilespmem:s26+$0x13420] =	vst v0;
	v2 =	vadd.f32 v12, v50;
	v12 =	vmul.f32 v18, v13;
	v18 =	vmul.f32 v53, v14  }
0x382: {  	[tilespmem:s26+$0x13010] =	vst v10;
	v10 =	vld [tilespmem:s26+$0x6810];
	v0 =	vadd.f32 v62, v15;
	v15 =	vmul.f32 v19, v13;
	v19 =	vmul.f32 v54, v14  }
0x383: {  	[tilespmem:s26+$0x13050] =	vst v8;
	v8 =	vmul.f32 v58, v13;
	v62 =	vld [tilespmem:s26+$0x6830];
	v1 =	vadd.f32 v18, v12;
	v12 =	vadd.f32 v16, v48  }
0x384: {  	[tilespmem:s26+$0x13400] =	vst v3;
	v16 =	vld [tilespmem:s26+$0x6870];
	v3 =	vadd.f32 v19, v15;
	v15 =	vmul.f32 v61, v13;
	v17 =	vmul.f32 v17, v14  }
0x385: {  	[tilespmem:s26+$0x13060] =	vst v7;
	v6 =	vmul.f32 v6, v14;
	v4 =	vadd.f32 v4, v55;
	v11 =	vadd.f32 v11, v51;
	v18 =	vld [tilespmem:s26+$0x6860]  }
0x386: {  	[tilespmem:s26+$0x13020] =	vst v9;
	v19 =	vld [tilespmem:s26+$0x840];
	v7 =	vadd.f32 v17, v15;
	v15 =	vmul.f32 v20, v13;
	v17 =	vmul.f32 v57, v14  }
0x387: {  	[tilespmem:s26+$0x13040] =	vst v4;
	v60 =	vmul.f32 v63, v13;
	v0 =	vadd.f32 v0, v46;
	v61 =	vld [tilespmem:s26+$0x6840];
	v3 =	vadd.f32 v3, v44  }
0x388: {  	v9 =	vld [tilespmem:s26+$0x6820];
	[tilespmem:s26+$0x12C60] =	vst v12;
	v12 =	vmul.f32 v62, v14;
	v4 =	vadd.f32 v17, v15;
	v15 =	vmul.f32 v59, v14  }
0x389: {  	[tilespmem:s26+$0x13030] =	vst v5;
	v63 =	vld [tilespmem:s26+$0x460];
	v17 =	vmul.f32 v49, v13;
	v5 =	vadd.f32 v7, v42;
	v7 =	vmul.f32 v16, v14  }
0x38a: {  	v1 =	vadd.f32 v1, v45;
	v16 =	vmul.f32 v18, v14;
	v18 =	vld [tilespmem:s26+$0x820];
	[tilespmem:s26+$0x12C30] =	vst v3;
	v3 =	vmul.f32 v10, v14  }
0x38b: {  	[tilespmem:s26+$0x13000] =	vst v11;
	v10 =	vld [tilespmem:s26+$0x440];
	v8 =	vadd.f32 v15, v8;
	v15 =	vmul.f32 v47, v13;
	v7 =	vadd.f32 v7, v60  }
0x38c: {  	[tilespmem:s26+$0x12C70] =	vst v2;
	v19 =	vmul.f32 v19, v13;
	v11 =	vadd.f32 v16, v17;
	v16 =	vld [tilespmem:s26+$0x6800];
	v17 =	vmul.f32 v61, v14  }
0x38d: {  	[tilespmem:s26+$0x12C50] =	vst v0;
	v2 =	vadd.f32 v6, v15;
	v6 =	vadd.f32 v7, v36;
	v7 =	vld [tilespmem:s26+$0x6470];
	v15 =	vmul.f32 v43, v13  }
0x38e: {  	[tilespmem:s26+$0x12C40] =	vst v1;
	v1 =	vmul.f32 v9, v14;
	v4 =	vadd.f32 v4, v39;
	v0 =	vadd.f32 v17, v19;
	v17 =	vld [tilespmem:s26+$0x6460]  }
0x38f: {  	v8 =	vadd.f32 v8, v37;
	v18 =	vmul.f32 v18, v13;
	v9 =	vadd.f32 v12, v15;
	v12 =	vld [tilespmem:s26+$0x6450]  }
0x390: {  	v11 =	vadd.f32 v11, v35;
	v19 =	vmul.f32 v41, v13;
	v15 =	vmul.f32 v40, v13;
	[tilespmem:s26+$0x12870] =	vst v6;
	v6 =	vld [tilespmem:s26+$0x6410]  }
0x391: {  	[tilespmem:s26+$0x12C20] =	vst v5;
	v16 =	vmul.f32 v16, v14;
	v1 =	vadd.f32 v1, v18;
	v5 =	vadd.f32 v9, v29;
	v9 =	vld [tilespmem:s26+$0x6440]  }
0x392: {  	[tilespmem:s26+$0x12C10] =	vst v4;
	v3 =	vadd.f32 v3, v19;
	v19 =	vmul.f32 v63, v13;
	v4 =	vmul.f32 v7, v14;
	v7 =	vld [tilespmem:s26+$0x6430]  }
0x393: {  	[tilespmem:s26+$0x12C00] =	vst v8;
	v18 =	vmul.f32 v38, v13;
	v8 =	vadd.f32 v16, v15;
	v1 =	vadd.f32 v1, v27;
	v15 =	vld [tilespmem:s26+$0x6420]  }
0x394: {  	v2 =	vadd.f32 v2, v33;
	[tilespmem:s26+$0x12860] =	vst v11;
	v16 =	vmul.f32 v17, v14;
	v11 =	vmul.f32 v12, v14;
	v12 =	vld [tilespmem:s26+$0x400]  }
0x395: {  	v0 =	vadd.f32 v0, v31;
	v17 =	vmul.f32 v34, v13;
	v4 =	vadd.f32 v4, v18;
	[tilespmem:s26+$0x12820] =	vst v1;
	v1 =	vld [tilespmem:$0x1FA70]  }
0x396: {  	[tilespmem:s26+$0x12850] =	vst v2;
	v2 =	vadd.f32 v16, v19;
	v16 =	vld [tilespmem:s26+$0x6400]  }
0x397: {  	[tilespmem:s26+$0x12840] =	vst v0;
	v4 =	vadd.f32 v4, v22;
	v0 =	vmul.f32 v9, v14;
	v9 =	vadd.f32 v11, v17;
	v11 =	vld [tilespmem:s26+$0x6070]  }
0x398: {  	[tilespmem:s26+$0x12830] =	vst v5;
	v5 =	vmul.f32 v7, v14;
	v7 =	vld [tilespmem:s26+$0x60]  }
0x399: {  	v8 =	vadd.f32 v8, v25;
	v17 =	vmul.f32 v30, v13;
	v15 =	vmul.f32 v15, v14;
	[tilespmem:s26+$0x12470] =	vst v4;
	v4 =	vld [tilespmem:$0x1FA90]  }
0x39a: {  	v10 =	vmul.f32 v10, v13;
	v3 =	vadd.f32 v3, v26;
	v1 =	vadd.f32 v9, v1;
	v9 =	vld [tilespmem:s26+$0x6060]  }
0x39b: {  	v18 =	vmul.f32 v32, v13;
	[tilespmem:s26+$0x12800] =	vst v8;
	v8 =	vadd.f32 v15, v17;
	v15 =	vld [tilespmem:$0x1FA80]  }
0x39c: {  	[tilespmem:s26+$0x12810] =	vst v3;
	v3 =	vmul.f32 v6, v14;
	v6 =	vld [tilespmem:s26+$0x6050];
	v0 =	vadd.f32 v0, v10;
	v10 =	vmul.f32 v28, v13  }
0x39d: {  	v5 =	vadd.f32 v5, v18;
	v12 =	vmul.f32 v12, v13;
	v16 =	vmul.f32 v16, v14;
	v17 =	vld [tilespmem:s26+$0x30]  }
0x39e: {  	v3 =	vadd.f32 v3, v10;
	v10 =	vmul.f32 v11, v14;
	v11 =	vld [tilespmem:$0x1FAA0]  }
0x39f: {  	[tilespmem:s26+$0x12450] =	vst v1;
	v1 =	vadd.f32 v16, v12;
	v12 =	vld [tilespmem:$0x1FAB0];
	v4 =	vadd.f32 v5, v4;
	v5 =	vmul.f32 v21, v13  }
0x3a0: {  	v7 =	vmul.f32 v7, v13;
	v0 =	vadd.f32 v0, v15;
	v15 =	vld [tilespmem:s26+$0x6040];
	v9 =	vmul.f32 v9, v14  }
0x3a1: {  	v2 =	vadd.f32 v2, v23;
	v5 =	vadd.f32 v10, v5;
	v10 =	vld [tilespmem:$0x1FAC0]  }
0x3a2: {  	v7 =	vadd.f32 v9, v7;
	v9 =	vld [tilespmem:$0x1FAE0]  }
0x3a3: {  	[tilespmem:s26+$0x12460] =	vst v2;
	v2 =	vld [tilespmem:s26+$0x6030]  }
0x3a4: {  	v6 =	vmul.f32 v6, v14;
	v16 =	vld [tilespmem:$0x1FAD0];
	v3 =	vadd.f32 v3, v12;
	v12 =	vmul.f32 v24, v13  }
0x3a5: {  	v8 =	vadd.f32 v8, v11;
	v11 =	vld [tilespmem:s26+$0x6020]  }
0x3a6: {  	v6 =	vadd.f32 v6, v12;
	v12 =	vld [tilespmem:$0x1FAF0];
	v15 =	vmul.f32 v15, v14;
	v10 =	vmul.f32 v10, v13  }
0x3a7: {  	v5 =	vadd.f32 v5, v9;
	v9 =	vmul.f32 v17, v13;
	v17 =	vld [tilespmem:$0x1FB40]  }
0x3a8: {  	v10 =	vadd.f32 v15, v10;
	v15 =	vld [tilespmem:$0x1FB00]  }
0x3a9: {  	v2 =	vmul.f32 v2, v14;
	[tilespmem:s26+$0x12430] =	vst v4;
	v4 =	vld [tilespmem:s26+$0x7440]  }
0x3aa: {  	v1 =	vadd.f32 v1, v16;
	v16 =	vld [tilespmem:$0x1FB30]  }
0x3ab: {  	v2 =	vadd.f32 v2, v9;
	v9 =	vld [tilespmem:$0x1FB10]  }
0x3ac: {  	[tilespmem:s26+$0x12420] =	vst v8;
	v8 =	vld [tilespmem:s26+$0x1450];
	v10 =	vadd.f32 v10, v17  }
0x3ad: {  	[tilespmem:s26+$0x12410] =	vst v3;
	v3 =	vld [tilespmem:s26+$0x7450];
	v11 =	vmul.f32 v11, v14;
	v12 =	vmul.f32 v12, v13;
	v7 =	vadd.f32 v7, v15  }
0x3ae: {  	[tilespmem:s26+$0x12040] =	vst v10;
	v10 =	vld [tilespmem:$0x1FB60]  }
0x3af: {  	[tilespmem:s26+$0x12060] =	vst v7;
	v7 =	vadd.f32 v11, v12;
	v12 =	vld [tilespmem:$0x1FB50]  }
0x3b0: {  	v6 =	vadd.f32 v6, v9;
	v9 =	vld [tilespmem:$0x1FB20]  }
0x3b1: {  	[tilespmem:s26+$0x12440] =	vst v0;
	v0 =	vld [tilespmem:s26+$0x1440]  }
0x3b2: {  	[tilespmem:s26+$0x12400] =	vst v1;
	v1 =	vld [tilespmem:s26+$0x1460]  }
0x3b3: {  	[tilespmem:s26+$0x12070] =	vst v5;
	v5 =	vld [tilespmem:s26+$0x7460];
	v7 =	vadd.f32 v7, v10  }
0x3b4: {  	v16 =	vmul.f32 v16, v14;
	v3 =	vmul.f32 v3, v14;
	v2 =	vadd.f32 v2, v12;
	v12 =	vld [tilespmem:$0x1FB70]  }
0x3b5: {  	v9 =	vmul.f32 v9, v13;
	[tilespmem:s26+$0x12020] =	vst v7;
	v7 =	vmul.f32 v8, v13  }
0x3b6: {  	v4 =	vmul.f32 v4, v14;
	v15 =	vld [tilespmem:s26+$0x1470]  }
0x3b7: {  	s29 =	simm.s32 $0x0;
	v0 =	vmul.f32 v0, v13;
	v9 =	vadd.f32 v16, v9;
	v3 =	vadd.f32 v3, v7;
	v7 =	vld [tilespmem:$0x1FB90]  }
0x3b8: {  	s24 =	smul.u32 $0x1800, s29;
	s25 =	simm.s32 $0x80;
	v1 =	vmul.f32 v1, v13;
	v5 =	vmul.f32 v5, v14;
	v11 =	vld [tilespmem:s26+$0x7470]  }
0x3b9: {  	s28 =	sand.u32 $0x380, s25;
	[tilespmem:s26+$0x12050] =	vst v6;
	v6 =	vld [tilespmem:s26+$0x0];
	v9 =	vadd.f32 v9, v12  }
0x3ba: {  	s24 =	sor.u32 s28, s24;
	v0 =	vadd.f32 v4, v0;
	v1 =	vadd.f32 v5, v1;
	v5 =	vld [tilespmem:$0x1FBC0];
	[tilespmem:s26+$0x12030] =	vst v2  }
0x3bb: {  	v4 =	vld [tilespmem:s24+$0xC010];
	[tilespmem:s26+$0x12010] =	vst v9  }
0x3bc: {  	v0 =	vadd.f32 v0, v7;
	v7 =	vld [tilespmem:s24+$0xC020]  }
0x3bd: {  	v8 =	vld [tilespmem:s24+$0xC030]  }
0x3be: {  	v10 =	vld [tilespmem:s26+$0x6000];
	[tilespmem:s26+$0x13440] =	vst v0  }
0x3bf: {  	v0 =	vld [tilespmem:s24+$0xC040]  }
0x3c0: {  	v2 =	vld [tilespmem:s26+$0xD460];
	[tilespmem:$0x1FB80] =	vst v4  }
0x3c1: {  	v4 =	vld [tilespmem:s26+$0xD470];
	[tilespmem:$0x1FBA0] =	vst v7  }
0x3c2: {  	v7 =	vmul.f32 v15, v13;
	[tilespmem:$0x1FBB0] =	vst v8;
	v8 =	vmul.f32 v11, v14  }
0x3c3: {  	v3 =	vadd.f32 v3, v5  }
0x3c4: {  	v5 =	vadd.f32 v8, v7;
	[tilespmem:$0x1FBD0] =	vst v0;
	v0 =	vld [tilespmem:s26+$0xC000]  }
0x3c5: {  	v1 =	vadd.f32 v1, v2;
	v2 =	vmul.f32 v6, v13;
	[tilespmem:s26+$0x13450] =	vst v3;
	v3 =	vmul.f32 v10, v14  }
0x3c6: {  	v4 =	vadd.f32 v5, v4  }
0x3c7: {  	v6 =	vld [tilespmem:s24+$0xC050];
	[tilespmem:s26+$0x13460] =	vst v1;
	v1 =	vadd.f32 v3, v2  }
0x3c8: {  	v2 =	vld [tilespmem:s24+$0xC060];
	[tilespmem:s26+$0x13470] =	vst v4  }
0x3c9: {  	v0 =	vadd.f32 v1, v0;
	v1 =	vld [tilespmem:s24+$0xC070];
	_ =	sdelay $0x4  }
0x3ca: {  	[tilespmem:$0x1FC00] =	vst v1  }
0x3cb: {  	v1 =	vld [tilespmem:s24+$0xC400];
	[tilespmem:s26+$0x12000] =	vst v0  }
0x3cc: {  	v0 =	vld [tilespmem:s24+$0xC410]  }
0x3cd: {  	v27 =	vld [tilespmem:s24+$0xC800]  }
0x3ce: {  	v28 =	vld [tilespmem:s24+$0xC810]  }
0x3cf: {  	v30 =	vld [tilespmem:s24+$0xC820]  }
0x3d0: {  	v31 =	vld [tilespmem:s24+$0xC830]  }
0x3d1: {  	v33 =	vld [tilespmem:s24+$0xC840]  }
0x3d2: {  	v35 =	vld [tilespmem:s24+$0xC850]  }
0x3d3: {  	v37 =	vld [tilespmem:s24+$0xC860]  }
0x3d4: {  	v38 =	vld [tilespmem:s24+$0xC870]  }
0x3d5: {  	v40 =	vld [tilespmem:s24+$0xCC00]  }
0x3d6: {  	v42 =	vld [tilespmem:s24+$0xCC10]  }
0x3d7: {  	v43 =	vld [tilespmem:s24+$0xCC20]  }
0x3d8: {  	v46 =	vld [tilespmem:s24+$0xCC30]  }
0x3d9: {  	v47 =	vld [tilespmem:s24+$0xCC40]  }
0x3da: {  	v49 =	vld [tilespmem:s24+$0xCC50]  }
0x3db: {  	v50 =	vld [tilespmem:s24+$0xCC60]  }
0x3dc: {  	v52 =	vld [tilespmem:s24+$0xCC70]  }
0x3dd: {  	v56 =	vld [tilespmem:s24+$0xD000]  }
0x3de: {  	v58 =	vld [tilespmem:s24+$0xD010]  }
0x3df: {  	v59 =	vld [tilespmem:s24+$0xD020]  }
0x3e0: {  	v61 =	vld [tilespmem:s24+$0xD030]  }
0x3e1: {  	v62 =	vld [tilespmem:s24+$0xD040]  }
0x3e2: {  	v4 =	vld [tilespmem:s24+$0xD070]  }
0x3e3: {  	[tilespmem:$0x1FBF0] =	vst v2;
	v2 =	vld [tilespmem:s24+$0xD440]  }
0x3e4: {  	[tilespmem:$0x1FBE0] =	vst v6;
	v6 =	vld [tilespmem:s24+$0xD400]  }
0x3e5: {  	v7 =	vld [tilespmem:s24+$0xD410]  }
0x3e6: {  	v8 =	vld [tilespmem:s24+$0xD420]  }
0x3e7: {  	v10 =	vld [tilespmem:s24+$0xD430]  }
0x3e8: {  	[tilespmem:$0x1FC90] =	vst v2;
	v2 =	vld [tilespmem:s24+$0xD450]  }
0x3e9: {  	v29 =	vld [tilespmem:s24+$0x70]  }
0x3ea: {  	v32 =	vld [tilespmem:s24+$0x410]  }
0x3eb: {  	v34 =	vld [tilespmem:s24+$0x420]  }
0x3ec: {  	v36 =	vld [tilespmem:s24+$0x430]  }
0x3ed: {  	[tilespmem:$0x1FCA0] =	vst v2;
	v2 =	vld [tilespmem:s24+$0x10]  }
0x3ee: {  	v39 =	vld [tilespmem:s24+$0x450]  }
0x3ef: {  	v41 =	vld [tilespmem:s24+$0x470]  }
0x3f0: {  	v44 =	vld [tilespmem:s24+$0x800]  }
0x3f1: {  	[tilespmem:$0x1FC20] =	vst v0;
	v0 =	vld [tilespmem:s24+$0xC420]  }
0x3f2: {  	[tilespmem:$0x1FCB0] =	vst v2;
	v2 =	vld [tilespmem:s24+$0x6010]  }
0x3f3: {  	v45 =	vld [tilespmem:s24+$0x810]  }
0x3f4: {  	v48 =	vld [tilespmem:s24+$0x830]  }
0x3f5: {  	v51 =	vld [tilespmem:s24+$0x850]  }
0x3f6: {  	[tilespmem:$0x1FC30] =	vst v0;
	v0 =	vld [tilespmem:s24+$0xC430]  }
0x3f7: {  	[tilespmem:$0x1FCC0] =	vst v2;
	v2 =	vld [tilespmem:s24+$0x20]  }
0x3f8: {  	v55 =	vld [tilespmem:s24+$0x860]  }
0x3f9: {  	v57 =	vld [tilespmem:s24+$0x870]  }
0x3fa: {  	v60 =	vld [tilespmem:s24+$0xC10]  }
0x3fb: {  	[tilespmem:$0x1FC40] =	vst v0;
	v0 =	vld [tilespmem:s24+$0xC440]  }
0x3fc: {  	[tilespmem:$0x1FCD0] =	vst v2;
	v2 =	vld [tilespmem:s24+$0x6020]  }
0x3fd: {  	v63 =	vld [tilespmem:s24+$0xC30]  }
0x3fe: {  	v3 =	vld [tilespmem:s24+$0xC50]  }
0x3ff: {  	v5 =	vld [tilespmem:s24+$0xC70]  }
0x400: {  	[tilespmem:$0x1FC50] =	vst v0;
	v0 =	vld [tilespmem:s24+$0xC450]  }
0x401: {  	[tilespmem:$0x1FCE0] =	vst v2;
	v2 =	vld [tilespmem:s24+$0x30]  }
0x402: {  	v9 =	vld [tilespmem:s24+$0x1010]  }
0x403: {  	v11 =	vld [tilespmem:s24+$0x1020]  }
0x404: {  	v12 =	vld [tilespmem:s24+$0x1030]  }
0x405: {  	[tilespmem:$0x1FC60] =	vst v0;
	v0 =	vld [tilespmem:s24+$0xC460]  }
0x406: {  	[tilespmem:$0x1FCF0] =	vst v2;
	v2 =	vld [tilespmem:s24+$0x40]  }
0x407: {  	v13 =	vld [tilespmem:s24+$0x1050]  }
0x408: {  	v14 =	vld [tilespmem:s24+$0x1400]  }
0x409: {  	v16 =	vld [tilespmem:s24+$0x1410]  }
0x40a: {  	[tilespmem:$0x1FC70] =	vst v0;
	v0 =	vld [tilespmem:s24+$0xC470]  }
0x40b: {  	[tilespmem:$0x1FD00] =	vst v2;
	v2 =	vld [tilespmem:s24+$0x50]  }
0x40c: {  	v15 =	vld [tilespmem:s24+$0x7410]  }
0x40d: {  	v17 =	vld [tilespmem:s24+$0x1420]  }
0x40e: {  	[tilespmem:$0x1FC10] =	vst v1;
	v1 =	vld [tilespmem:s24+$0xD060]  }
0x40f: {  	[tilespmem:$0x1FC80] =	vst v0;
	v0 =	vld [tilespmem:s24+$0xD050]  }
0x410: {  	s26 =	simm.s32 $0x2;
	[tilespmem:$0x1FD10] =	vst v2;
	v2 =	vld [tilespmem:s24+$0xC40]  }
.LBB2_4:
0x411: {  	v18 =	vld [tilespmem:s24+$0x1430]  }
0x412: {  	v19 =	vld [tilespmem:s24+$0x7430];
	s22 =	sadd.s32 $0x80, s22  }
0x413: {  	v54 =	vld [tilespmem:s22+$0x0]  }
0x414: {  	s23 =	sadd.s32 $0x80, s23;
	v20 =	vld [tilespmem:s24+$0x7420]  }
0x415: {  	v53 =	vld [tilespmem:s23+$0x0]  }
0x416: {  	v21 =	vld [tilespmem:s24+$0x7400]  }
0x417: {  	v22 =	vld [tilespmem:s24+$0x1070]  }
0x418: {  	v23 =	vld [tilespmem:s24+$0x7070];
	v16 =	vmul.f32 v16, v54  }
0x419: {  	v24 =	vld [tilespmem:s24+$0x1060];
	v17 =	vmul.f32 v17, v54;
	v18 =	vmul.f32 v18, v54  }
0x41a: {  	v25 =	vld [tilespmem:s24+$0x7060];
	v19 =	vmul.f32 v19, v53;
	v15 =	vmul.f32 v15, v53  }
0x41b: {  	v26 =	vld [tilespmem:s24+$0x7050];
	v20 =	vmul.f32 v20, v53;
	v14 =	vmul.f32 v14, v54  }
0x41c: {  	v21 =	vmul.f32 v21, v53;
	v22 =	vmul.f32 v22, v54;
	v18 =	vadd.f32 v19, v18;
	v19 =	vld [tilespmem:s24+$0x1040]  }
0x41d: {  	v13 =	vmul.f32 v13, v54;
	v15 =	vadd.f32 v15, v16;
	v16 =	vadd.f32 v20, v17;
	v17 =	vld [tilespmem:s24+$0x7040]  }
0x41e: {  	v20 =	vmul.f32 v23, v53;
	v14 =	vadd.f32 v21, v14;
	v10 =	vadd.f32 v18, v10;
	v18 =	vld [tilespmem:s24+$0x7030]  }
0x41f: {  	v12 =	vmul.f32 v12, v54;
	v7 =	vadd.f32 v15, v7;
	v8 =	vadd.f32 v16, v8;
	v15 =	vld [tilespmem:s24+$0x7020]  }
0x420: {  	v21 =	vmul.f32 v24, v54;
	v16 =	vmul.f32 v25, v53;
	v20 =	vadd.f32 v20, v22;
	[tilespmem:s24+$0x13430] =	vst v10;
	v10 =	vld [tilespmem:s24+$0x7010]  }
0x421: {  	v11 =	vmul.f32 v11, v54;
	v6 =	vadd.f32 v14, v6;
	v14 =	vmul.f32 v26, v53;
	[tilespmem:s24+$0x13420] =	vst v8;
	v8 =	vld [tilespmem:s24+$0x1000]  }
0x422: {  	v9 =	vmul.f32 v9, v54;
	v16 =	vadd.f32 v16, v21;
	v4 =	vadd.f32 v20, v4;
	[tilespmem:s24+$0x13410] =	vst v7;
	v7 =	vld [tilespmem:s24+$0x7000]  }
0x423: {  	v13 =	vadd.f32 v14, v13;
	[tilespmem:s24+$0x13400] =	vst v6;
	v6 =	vld [tilespmem:s24+$0x6C70];
	v19 =	vmul.f32 v19, v54;
	v17 =	vmul.f32 v17, v53  }
0x424: {  	v5 =	vmul.f32 v5, v54;
	v1 =	vadd.f32 v16, v1;
	[tilespmem:s24+$0x13070] =	vst v4;
	v4 =	vld [tilespmem:s24+$0xC60];
	v14 =	vmul.f32 v18, v53  }
0x425: {  	v3 =	vmul.f32 v3, v54;
	v0 =	vadd.f32 v13, v0;
	v13 =	vld [tilespmem:s24+$0x6C60];
	v16 =	vadd.f32 v17, v19  }
0x426: {  	v15 =	vmul.f32 v15, v53;
	[tilespmem:s24+$0x13060] =	vst v1;
	v1 =	vld [tilespmem:s24+$0x6C50];
	v10 =	vmul.f32 v10, v53;
	v12 =	vadd.f32 v14, v12  }
0x427: {  	[tilespmem:s24+$0x13050] =	vst v0;
	v0 =	vld [tilespmem:s24+$0x6C40];
	v8 =	vmul.f32 v8, v54;
	v14 =	vadd.f32 v16, v62;
	v7 =	vmul.f32 v7, v53  }
0x428: {  	v6 =	vmul.f32 v6, v53;
	v9 =	vadd.f32 v10, v9;
	v10 =	vadd.f32 v12, v61;
	v12 =	vld [tilespmem:s24+$0x6C30]  }
0x429: {  	v2 =	vmul.f32 v2, v54;
	v11 =	vadd.f32 v15, v11;
	[tilespmem:s24+$0x13040] =	vst v14;
	v14 =	vld [tilespmem:s24+$0xC20];
	v7 =	vadd.f32 v7, v8  }
0x42a: {  	v4 =	vmul.f32 v4, v54;
	v5 =	vadd.f32 v6, v5;
	v6 =	vld [tilespmem:s24+$0x6C10];
	v8 =	vadd.f32 v9, v58  }
0x42b: {  	v11 =	vadd.f32 v11, v59;
	[tilespmem:s24+$0x13030] =	vst v10;
	v9 =	vld [tilespmem:s24+$0x6C20];
	v10 =	vmul.f32 v13, v53;
	v1 =	vmul.f32 v1, v53  }
0x42c: {  	v7 =	vadd.f32 v7, v56;
	v0 =	vmul.f32 v0, v53;
	v5 =	vadd.f32 v5, v52;
	[tilespmem:s24+$0x13010] =	vst v8;
	v8 =	vld [tilespmem:s24+$0xC00]  }
0x42d: {  	[tilespmem:s24+$0x13020] =	vst v11;
	v11 =	vmul.f32 v63, v54;
	v13 =	vmul.f32 v51, v54;
	v4 =	vadd.f32 v10, v4;
	v10 =	vld [tilespmem:s24+$0x6C00]  }
0x42e: {  	v1 =	vadd.f32 v1, v3;
	v3 =	vld [tilespmem:s24+$0x6870];
	v0 =	vadd.f32 v0, v2;
	v12 =	vmul.f32 v12, v53  }
0x42f: {  	[tilespmem:s24+$0x13000] =	vst v7;
	v7 =	vmul.f32 v14, v54;
	v6 =	vmul.f32 v6, v53;
	v2 =	vadd.f32 v4, v50;
	v4 =	vld [tilespmem:s24+$0x6860]  }
0x430: {  	[tilespmem:s24+$0x12C70] =	vst v5;
	v1 =	vadd.f32 v1, v49;
	v5 =	vmul.f32 v9, v53;
	v9 =	vadd.f32 v12, v11;
	v11 =	vld [tilespmem:s24+$0x6850]  }
0x431: {  	v12 =	vmul.f32 v60, v54;
	[tilespmem:s24+$0x12C60] =	vst v2;
	v2 =	vld [tilespmem:s24+$0x840];
	v8 =	vmul.f32 v8, v54  }
0x432: {  	[tilespmem:s24+$0x12C50] =	vst v1;
	v1 =	vld [tilespmem:s24+$0x6840];
	v5 =	vadd.f32 v5, v7;
	v7 =	vadd.f32 v9, v46;
	v10 =	vmul.f32 v10, v53  }
0x433: {  	v0 =	vadd.f32 v0, v47;
	v9 =	vmul.f32 v57, v54;
	v3 =	vmul.f32 v3, v53  }
0x434: {  	v6 =	vadd.f32 v6, v12;
	v12 =	vmul.f32 v55, v54;
	[tilespmem:s24+$0x12C30] =	vst v7;
	v7 =	vld [tilespmem:s24+$0x820];
	v8 =	vadd.f32 v10, v8  }
0x435: {  	v5 =	vadd.f32 v5, v43;
	v10 =	vld [tilespmem:s24+$0x6820];
	v3 =	vadd.f32 v3, v9;
	v11 =	vmul.f32 v11, v53  }
0x436: {  	[tilespmem:s24+$0x12C40] =	vst v0;
	v0 =	vld [tilespmem:s24+$0x6830];
	v4 =	vmul.f32 v4, v53;
	v2 =	vmul.f32 v2, v54;
	v8 =	vadd.f32 v8, v40  }
0x437: {  	[tilespmem:s24+$0x12C20] =	vst v5;
	v5 =	vld [tilespmem:s24+$0x6810];
	v1 =	vmul.f32 v1, v53;
	v3 =	vadd.f32 v3, v38;
	v9 =	vadd.f32 v11, v13  }
0x438: {  	v4 =	vadd.f32 v4, v12;
	[tilespmem:s24+$0x12C00] =	vst v8;
	v8 =	vld [tilespmem:s24+$0x460]  }
0x439: {  	v1 =	vadd.f32 v1, v2;
	[tilespmem:s24+$0x12870] =	vst v3;
	v3 =	vld [tilespmem:s24+$0x6460];
	v2 =	vadd.f32 v9, v35  }
0x43a: {  	v11 =	vld [tilespmem:s24+$0x6470];
	v7 =	vmul.f32 v7, v54;
	v10 =	vmul.f32 v10, v53  }
0x43b: {  	v6 =	vadd.f32 v6, v42;
	v4 =	vadd.f32 v4, v37;
	[tilespmem:s24+$0x12850] =	vst v2;
	v2 =	vld [tilespmem:s24+$0x440]  }
0x43c: {  	v9 =	vmul.f32 v45, v54;
	v5 =	vmul.f32 v5, v53;
	v7 =	vadd.f32 v10, v7;
	v10 =	vld [tilespmem:s24+$0x6440]  }
0x43d: {  	[tilespmem:s24+$0x12C10] =	vst v6;
	v6 =	vld [tilespmem:s24+$0x6800];
	v12 =	vmul.f32 v48, v54;
	v1 =	vadd.f32 v1, v33  }
0x43e: {  	[tilespmem:s24+$0x12860] =	vst v4;
	v4 =	vld [tilespmem:s24+$0x6450];
	v5 =	vadd.f32 v5, v9;
	v8 =	vmul.f32 v8, v54;
	v3 =	vmul.f32 v3, v53  }
0x43f: {  	v0 =	vmul.f32 v0, v53;
	v13 =	vmul.f32 v41, v54;
	[tilespmem:s24+$0x12840] =	vst v1;
	v1 =	vld [tilespmem:s24+$0x6430];
	v7 =	vadd.f32 v7, v30  }
0x440: {  	v11 =	vmul.f32 v11, v53;
	v5 =	vadd.f32 v5, v28;
	v3 =	vadd.f32 v3, v8;
	v8 =	vld [tilespmem:$0x1FC80]  }
0x441: {  	[tilespmem:s24+$0x12820] =	vst v7;
	v7 =	vld [tilespmem:s24+$0x400];
	v2 =	vmul.f32 v2, v54;
	v10 =	vmul.f32 v10, v53  }
0x442: {  	v0 =	vadd.f32 v0, v12;
	v12 =	vmul.f32 v44, v54;
	v6 =	vmul.f32 v6, v53;
	[tilespmem:s24+$0x12810] =	vst v5;
	v5 =	vld [tilespmem:s24+$0x6400]  }
0x443: {  	v9 =	vadd.f32 v11, v13;
	v2 =	vadd.f32 v10, v2;
	v10 =	vld [tilespmem:$0x1FC60]  }
0x444: {  	v6 =	vadd.f32 v6, v12;
	v12 =	vmul.f32 v39, v54;
	v11 =	vld [tilespmem:s24+$0x6410];
	v4 =	vmul.f32 v4, v53  }
0x445: {  	v13 =	vld [tilespmem:$0x1FC70];
	v1 =	vmul.f32 v1, v53;
	v8 =	vadd.f32 v9, v8;
	v9 =	vmul.f32 v36, v54  }
0x446: {  	v4 =	vadd.f32 v4, v12  }
0x447: {  	v7 =	vmul.f32 v7, v54;
	v1 =	vadd.f32 v1, v9;
	v9 =	vld [tilespmem:$0x1FC50];
	v5 =	vmul.f32 v5, v53  }
0x448: {  	v4 =	vadd.f32 v4, v10;
	v10 =	vld [tilespmem:s24+$0x6060]  }
0x449: {  	v0 =	vadd.f32 v0, v31;
	v5 =	vadd.f32 v5, v7;
	v7 =	vld [tilespmem:$0x1FC20]  }
0x44a: {  	v3 =	vadd.f32 v3, v13;
	v13 =	vmul.f32 v32, v54;
	v11 =	vmul.f32 v11, v53  }
0x44b: {  	[tilespmem:s24+$0x12830] =	vst v0;
	v0 =	vld [tilespmem:s24+$0x6420]  }
0x44c: {  	[tilespmem:s24+$0x12470] =	vst v8;
	v8 =	vld [tilespmem:s24+$0x60];
	v2 =	vadd.f32 v2, v9;
	v9 =	vadd.f32 v11, v13  }
0x44d: {  	[tilespmem:s24+$0x12450] =	vst v4;
	v4 =	vld [tilespmem:s24+$0x6040]  }
0x44e: {  	v6 =	vadd.f32 v6, v27;
	v7 =	vadd.f32 v9, v7;
	v9 =	vmul.f32 v10, v53;
	v10 =	vld [tilespmem:$0x1FD00];
	_ =	sdelay $0x1  }
0x44f: {  	[tilespmem:s24+$0x12800] =	vst v6;
	v6 =	vld [tilespmem:s24+$0x6070]  }
0x450: {  	v12 =	vmul.f32 v34, v54;
	[tilespmem:s24+$0x12460] =	vst v3;
	v3 =	vld [tilespmem:s24+$0x6050]  }
0x451: {  	v0 =	vmul.f32 v0, v53;
	[tilespmem:s24+$0x12440] =	vst v2;
	v2 =	vmul.f32 v8, v54;
	v8 =	vld [tilespmem:$0x1FD10]  }
0x452: {  	v4 =	vmul.f32 v4, v53;
	v10 =	vmul.f32 v10, v54  }
0x453: {  	v15 =	vld [tilespmem:$0x1FBD0];
	v0 =	vadd.f32 v0, v12  }
0x454: {  	v12 =	vmul.f32 v29, v54;
	v6 =	vmul.f32 v6, v53;
	v4 =	vadd.f32 v4, v10;
	v10 =	vld [tilespmem:$0x1FBF0]  }
0x455: {  	v14 =	vld [tilespmem:$0x1FCC0]  }
0x456: {  	v6 =	vadd.f32 v6, v12;
	v12 =	vld [tilespmem:$0x1FC10];
	v3 =	vmul.f32 v3, v53;
	v8 =	vmul.f32 v8, v54  }
0x457: {  	v11 =	vld [tilespmem:$0x1FC40];
	v2 =	vadd.f32 v9, v2  }
0x458: {  	v3 =	vadd.f32 v3, v8;
	v8 =	vld [tilespmem:$0x1FCD0]  }
0x459: {  	v2 =	vadd.f32 v2, v10;
	v10 =	vld [tilespmem:$0x1FCE0]  }
0x45a: {  	v13 =	vld [tilespmem:$0x1FC30]  }
0x45b: {  	v5 =	vadd.f32 v5, v12;
	v12 =	vld [tilespmem:$0x1FCF0]  }
0x45c: {  	v1 =	vadd.f32 v1, v11;
	v11 =	vld [tilespmem:s24+$0x6030]  }
0x45d: {  	[tilespmem:s24+$0x12410] =	vst v7;
	v7 =	vld [tilespmem:s24+$0x1450]  }
0x45e: {  	v9 =	vld [tilespmem:$0x1FC00];
	v8 =	vmul.f32 v8, v54;
	v10 =	vmul.f32 v10, v53  }
0x45f: {  	[tilespmem:s24+$0x12400] =	vst v5;
	v5 =	vld [tilespmem:s24+$0x1460]  }
0x460: {  	v8 =	vadd.f32 v10, v8;
	v10 =	vld [tilespmem:$0x1FBB0]  }
0x461: {  	v0 =	vadd.f32 v0, v13;
	v13 =	vld [tilespmem:$0x1FCB0];
	v12 =	vmul.f32 v12, v54;
	v11 =	vmul.f32 v11, v53  }
0x462: {  	[tilespmem:s24+$0x12430] =	vst v1;
	v1 =	vld [tilespmem:s24+$0x1440]  }
0x463: {  	[tilespmem:s24+$0x12420] =	vst v0;
	v0 =	vld [tilespmem:s24+$0x7440];
	v11 =	vadd.f32 v11, v12  }
0x464: {  	v6 =	vadd.f32 v6, v9;
	v9 =	vld [tilespmem:s24+$0x7450];
	v4 =	vadd.f32 v4, v15  }
0x465: {  	v12 =	vld [tilespmem:$0x1FBE0];
	v10 =	vadd.f32 v11, v10  }
0x466: {  	[tilespmem:s24+$0x12040] =	vst v4;
	v4 =	vmul.f32 v7, v54;
	v7 =	vld [tilespmem:$0x1FBA0]  }
0x467: {  	[tilespmem:s24+$0x12030] =	vst v10;
	v10 =	vld [tilespmem:$0x1FB80]  }
0x468: {  	v14 =	vmul.f32 v14, v53;
	v13 =	vmul.f32 v13, v54;
	[tilespmem:s24+$0x12070] =	vst v6;
	v6 =	vld [tilespmem:s24+$0x7460];
	_ =	sdelay $0x1  }
0x469: {  	s28 =	sshrl.u32 s26, $0x3;
	v3 =	vadd.f32 v3, v12;
	v11 =	vadd.f32 v14, v13  }
0x46a: {  	s25 =	sadd.s32 $0x80, s25;
	s28 =	smul.u32 $0x1800, s28;
	v1 =	vmul.f32 v1, v54;
	v0 =	vmul.f32 v0, v53;
	[tilespmem:s24+$0x12060] =	vst v2;
	v7 =	vadd.f32 v8, v7  }
0x46b: {  	s29 =	sand.u32 $0x380, s25;
	[tilespmem:s24+$0x12050] =	vst v3;
	v8 =	vmul.f32 v9, v53;
	v10 =	vadd.f32 v11, v10  }
0x46c: {  	s28 =	sor.u32 s29, s28;
	v5 =	vmul.f32 v5, v54;
	v0 =	vadd.f32 v0, v1;
	v1 =	vmul.f32 v6, v53;
	[tilespmem:s24+$0x12020] =	vst v7  }
0x46d: {  	v4 =	vadd.f32 v8, v4;
	v8 =	vld [tilespmem:s28+$0xC010];
	[tilespmem:s24+$0x12010] =	vst v10  }
0x46e: {  	v1 =	vadd.f32 v1, v5;
	v5 =	vld [tilespmem:s28+$0xC020];
	_ =	sdelay $0x2  }
0x46f: {  	v10 =	vld [tilespmem:$0x1FC90]  }
0x470: {  	v15 =	vld [tilespmem:s24+$0x0]  }
0x471: {  	[tilespmem:$0x1FBA0] =	vst v5;
	v5 =	vld [tilespmem:$0x1FCA0]  }
0x472: {  	v9 =	vld [tilespmem:s24+$0xD460]  }
0x473: {  	v2 =	vld [tilespmem:s24+$0x7470]  }
0x474: {  	v12 =	vld [tilespmem:s24+$0x1470];
	v0 =	vadd.f32 v0, v10  }
0x475: {  	v3 =	vld [tilespmem:s24+$0x6000]  }
0x476: {  	v4 =	vadd.f32 v4, v5;
	v5 =	vld [tilespmem:s28+$0xC030];
	[tilespmem:s24+$0x13440] =	vst v0  }
0x477: {  	v0 =	vadd.f32 v1, v9;
	v1 =	vld [tilespmem:s28+$0xC040];
	_ =	sdelay $0x2  }
0x478: {  	[tilespmem:$0x1FB80] =	vst v8  }
0x479: {  	v6 =	vld [tilespmem:s24+$0xD470];
	v3 =	vmul.f32 v3, v53;
	v8 =	vmul.f32 v15, v54;
	[tilespmem:s24+$0x13450] =	vst v4  }
0x47a: {  	v2 =	vmul.f32 v2, v53;
	v7 =	vmul.f32 v12, v54;
	v11 =	vld [tilespmem:s24+$0xC000];
	[tilespmem:$0x1FBD0] =	vst v1  }
0x47b: {  	v1 =	vadd.f32 v3, v8;
	v3 =	vld [tilespmem:s28+$0xC050];
	[tilespmem:s24+$0x13460] =	vst v0  }
0x47c: {  	v2 =	vadd.f32 v2, v7;
	v0 =	vld [tilespmem:s28+$0xC060];
	_ =	sdelay $0x1  }
0x47d: {  	v2 =	vadd.f32 v2, v6;
	_ =	sdelay $0x1  }
0x47e: {  	[tilespmem:s24+$0x13470] =	vst v2  }
0x47f: {  	[tilespmem:$0x1FBF0] =	vst v0;
	v0 =	vadd.f32 v1, v11;
	v1 =	vld [tilespmem:s28+$0xC070];
	_ =	sdelay $0x4  }
0x480: {  	[tilespmem:$0x1FC00] =	vst v1  }
0x481: {  	v1 =	vld [tilespmem:s28+$0xC400];
	[tilespmem:s24+$0x12000] =	vst v0;
	s24 =	smov.u32 s28  }
0x482: {  	v0 =	vld [tilespmem:s24+$0xC410]  }
0x483: {  	v27 =	vld [tilespmem:s24+$0xC800]  }
0x484: {  	v28 =	vld [tilespmem:s24+$0xC810]  }
0x485: {  	v30 =	vld [tilespmem:s24+$0xC820]  }
0x486: {  	v31 =	vld [tilespmem:s24+$0xC830]  }
0x487: {  	v33 =	vld [tilespmem:s24+$0xC840]  }
0x488: {  	v35 =	vld [tilespmem:s24+$0xC850]  }
0x489: {  	v37 =	vld [tilespmem:s24+$0xC860]  }
0x48a: {  	v38 =	vld [tilespmem:s24+$0xC870]  }
0x48b: {  	v40 =	vld [tilespmem:s24+$0xCC00]  }
0x48c: {  	v42 =	vld [tilespmem:s24+$0xCC10]  }
0x48d: {  	v43 =	vld [tilespmem:s24+$0xCC20]  }
0x48e: {  	v46 =	vld [tilespmem:s24+$0xCC30]  }
0x48f: {  	v47 =	vld [tilespmem:s24+$0xCC40]  }
0x490: {  	v49 =	vld [tilespmem:s24+$0xCC50]  }
0x491: {  	v50 =	vld [tilespmem:s24+$0xCC60]  }
0x492: {  	v52 =	vld [tilespmem:s24+$0xCC70]  }
0x493: {  	v56 =	vld [tilespmem:s24+$0xD000]  }
0x494: {  	v58 =	vld [tilespmem:s24+$0xD010]  }
0x495: {  	v59 =	vld [tilespmem:s24+$0xD020]  }
0x496: {  	v61 =	vld [tilespmem:s24+$0xD030]  }
0x497: {  	v62 =	vld [tilespmem:s24+$0xD040]  }
0x498: {  	v4 =	vld [tilespmem:s24+$0xD070]  }
0x499: {  	v2 =	vld [tilespmem:s24+$0xD440]  }
0x49a: {  	v6 =	vld [tilespmem:s24+$0xD400]  }
0x49b: {  	v7 =	vld [tilespmem:s24+$0xD410]  }
0x49c: {  	v8 =	vld [tilespmem:s24+$0xD420]  }
0x49d: {  	v10 =	vld [tilespmem:s24+$0xD430]  }
0x49e: {  	[tilespmem:$0x1FC90] =	vst v2;
	v2 =	vld [tilespmem:s24+$0xD450]  }
0x49f: {  	v29 =	vld [tilespmem:s24+$0x70]  }
0x4a0: {  	v32 =	vld [tilespmem:s24+$0x410]  }
0x4a1: {  	v34 =	vld [tilespmem:s24+$0x420]  }
0x4a2: {  	v36 =	vld [tilespmem:s24+$0x430]  }
0x4a3: {  	[tilespmem:$0x1FCA0] =	vst v2;
	v2 =	vld [tilespmem:s24+$0x10]  }
0x4a4: {  	v39 =	vld [tilespmem:s24+$0x450]  }
0x4a5: {  	v41 =	vld [tilespmem:s24+$0x470]  }
0x4a6: {  	v44 =	vld [tilespmem:s24+$0x800]  }
0x4a7: {  	[tilespmem:$0x1FC20] =	vst v0;
	v0 =	vld [tilespmem:s24+$0xC420]  }
0x4a8: {  	[tilespmem:$0x1FCB0] =	vst v2;
	v2 =	vld [tilespmem:s24+$0x6010]  }
0x4a9: {  	v45 =	vld [tilespmem:s24+$0x810]  }
0x4aa: {  	v48 =	vld [tilespmem:s24+$0x830]  }
0x4ab: {  	v51 =	vld [tilespmem:s24+$0x850]  }
0x4ac: {  	[tilespmem:$0x1FC30] =	vst v0;
	v0 =	vld [tilespmem:s24+$0xC430]  }
0x4ad: {  	[tilespmem:$0x1FCC0] =	vst v2;
	v2 =	vld [tilespmem:s24+$0x20]  }
0x4ae: {  	v55 =	vld [tilespmem:s24+$0x860]  }
0x4af: {  	v57 =	vld [tilespmem:s24+$0x870]  }
0x4b0: {  	v60 =	vld [tilespmem:s24+$0xC10]  }
0x4b1: {  	[tilespmem:$0x1FC40] =	vst v0;
	v0 =	vld [tilespmem:s24+$0xC440]  }
0x4b2: {  	[tilespmem:$0x1FCD0] =	vst v2;
	v2 =	vld [tilespmem:s24+$0x6020]  }
0x4b3: {  	v63 =	vld [tilespmem:s24+$0xC30]  }
0x4b4: {  	[tilespmem:$0x1FBE0] =	vst v3;
	v3 =	vld [tilespmem:s24+$0xC50]  }
0x4b5: {  	[tilespmem:$0x1FBB0] =	vst v5;
	v5 =	vld [tilespmem:s24+$0xC70]  }
0x4b6: {  	[tilespmem:$0x1FC50] =	vst v0;
	v0 =	vld [tilespmem:s24+$0xC450]  }
0x4b7: {  	[tilespmem:$0x1FCE0] =	vst v2;
	v2 =	vld [tilespmem:s24+$0x30]  }
0x4b8: {  	v9 =	vld [tilespmem:s24+$0x1010]  }
0x4b9: {  	v11 =	vld [tilespmem:s24+$0x1020]  }
0x4ba: {  	v12 =	vld [tilespmem:s24+$0x1030]  }
0x4bb: {  	[tilespmem:$0x1FC60] =	vst v0;
	v0 =	vld [tilespmem:s24+$0xC460]  }
0x4bc: {  	[tilespmem:$0x1FCF0] =	vst v2;
	v2 =	vld [tilespmem:s24+$0x40]  }
0x4bd: {  	v13 =	vld [tilespmem:s24+$0x1050]  }
0x4be: {  	v14 =	vld [tilespmem:s24+$0x1400]  }
0x4bf: {  	v16 =	vld [tilespmem:s24+$0x1410]  }
0x4c0: {  	[tilespmem:$0x1FC70] =	vst v0;
	v0 =	vld [tilespmem:s24+$0xC470]  }
0x4c1: {  	p0 =	sne.s32 s26, $0x1F;
	[tilespmem:$0x1FD00] =	vst v2;
	v2 =	vld [tilespmem:s24+$0x50]  }
.Ltmp1:
0x4c2: {  	v15 =	vld [tilespmem:s24+$0x7410];
	(pc) =	sbr.rel @p0 .LBB2_4-.Ltmp1, $4  }
0x4c3: {  	v17 =	vld [tilespmem:s24+$0x1420]  }
0x4c4: {  	[tilespmem:$0x1FC10] =	vst v1;
	v1 =	vld [tilespmem:s24+$0xD060]  }
0x4c5: {  	[tilespmem:$0x1FC80] =	vst v0;
	v0 =	vld [tilespmem:s24+$0xD050]  }
0x4c6: {  	s26 =	sadd.s32 $0x1, s26;
	[tilespmem:$0x1FD10] =	vst v2;
	v2 =	vld [tilespmem:s24+$0xC40]  }
0x4c7: {  	v18 =	vld [tilespmem:s24+$0x1430]  }
0x4c8: {  	v19 =	vld [tilespmem:s24+$0x7430]  }
0x4c9: {  	s22 =	sadd.s32 $0x80, s22;
	v20 =	vld [tilespmem:s24+$0x7420]  }
0x4ca: {  	s23 =	sadd.s32 $0x80, s23;
	v54 =	vld [tilespmem:s22+$0x0]  }
0x4cb: {  	v53 =	vld [tilespmem:s23+$0x0]  }
0x4cc: {  	v21 =	vld [tilespmem:s24+$0x7400]  }
0x4cd: {  	v22 =	vld [tilespmem:s24+$0x1070]  }
0x4ce: {  	v23 =	vld [tilespmem:s24+$0x7070]  }
0x4cf: {  	v24 =	vld [tilespmem:s24+$0x1060]  }
0x4d0: {  	v25 =	vld [tilespmem:s24+$0x7060];
	v18 =	vmul.f32 v18, v54;
	v19 =	vmul.f32 v19, v53  }
0x4d1: {  	v26 =	vld [tilespmem:s24+$0x7050];
	v17 =	vmul.f32 v17, v54;
	v20 =	vmul.f32 v20, v53  }
0x4d2: {  	v16 =	vmul.f32 v16, v54;
	v15 =	vmul.f32 v15, v53;
	v18 =	vadd.f32 v19, v18;
	v19 =	vld [tilespmem:s24+$0x1040]  }
0x4d3: {  	v17 =	vadd.f32 v20, v17;
	v20 =	vld [tilespmem:s24+$0x7040]  }
0x4d4: {  	v15 =	vadd.f32 v15, v16;
	v16 =	vld [tilespmem:s24+$0x1000]  }
0x4d5: {  	v14 =	vmul.f32 v14, v54;
	v21 =	vmul.f32 v21, v53;
	v10 =	vadd.f32 v18, v10;
	v18 =	vld [tilespmem:s24+$0x7030]  }
0x4d6: {  	v7 =	vadd.f32 v15, v7;
	v15 =	vld [tilespmem:s24+$0x7000]  }
0x4d7: {  	v8 =	vadd.f32 v17, v8;
	v17 =	vmul.f32 v13, v54;
	v13 =	vld [tilespmem:s24+$0x6C60];
	[tilespmem:s24+$0x13430] =	vst v10;
	v10 =	vadd.f32 v21, v14  }
0x4d8: {  	v14 =	vld [tilespmem:s24+$0x7010];
	v21 =	vmul.f32 v22, v54;
	v22 =	vmul.f32 v23, v53  }
0x4d9: {  	v23 =	vmul.f32 v24, v54;
	v24 =	vmul.f32 v25, v53;
	v6 =	vadd.f32 v10, v6;
	v10 =	vld [tilespmem:s24+$0x6C70]  }
0x4da: {  	[tilespmem:s24+$0x13420] =	vst v8;
	v8 =	vadd.f32 v22, v21;
	v22 =	vmul.f32 v19, v54;
	v19 =	vmul.f32 v9, v54;
	v9 =	vld [tilespmem:s24+$0x6C10]  }
0x4db: {  	v25 =	vadd.f32 v24, v23;
	v23 =	vmul.f32 v20, v53;
	[tilespmem:$0x1FA30] =	vst v18;
	v18 =	vld [tilespmem:s24+$0x7020]  }
0x4dc: {  	v4 =	vadd.f32 v8, v4;
	[tilespmem:s24+$0x13400] =	vst v6;
	v6 =	vld [tilespmem:s24+$0xC60]  }
0x4dd: {  	v1 =	vadd.f32 v25, v1;
	v24 =	vadd.f32 v23, v22;
	v8 =	vld [tilespmem:s24+$0x6C50]  }
0x4de: {  	v20 =	vmul.f32 v14, v53;
	v14 =	vld [tilespmem:s24+$0x6C20]  }
0x4df: {  	[tilespmem:s24+$0x13060] =	vst v1;
	v1 =	vadd.f32 v24, v62;
	v62 =	vld [tilespmem:s24+$0x6C00]  }
0x4e0: {  	[tilespmem:$0x1FA40] =	vst v18;
	v18 =	vmul.f32 v26, v53;
	v26 =	vld [tilespmem:$0x1FA30]  }
0x4e1: {  	[tilespmem:s24+$0x13040] =	vst v1;
	v1 =	vadd.f32 v20, v19;
	v19 =	vld [tilespmem:s24+$0x6860]  }
0x4e2: {  	v21 =	vadd.f32 v18, v17;
	v17 =	vld [tilespmem:$0x1FA40]  }
0x4e3: {  	v25 =	vmul.f32 v12, v54;
	v20 =	vld [tilespmem:s24+$0x6850]  }
0x4e4: {  	v22 =	vmul.f32 v15, v53;
	v18 =	vld [tilespmem:s24+$0x6C40];
	v0 =	vadd.f32 v21, v0;
	v21 =	vmul.f32 v16, v54  }
0x4e5: {  	[tilespmem:s24+$0x13410] =	vst v7;
	v12 =	vmul.f32 v11, v54;
	v1 =	vadd.f32 v1, v58;
	v58 =	vld [tilespmem:s24+$0xC00];
	v7 =	vmul.f32 v26, v53  }
0x4e6: {  	v24 =	vmul.f32 v5, v54;
	v16 =	vld [tilespmem:s24+$0x6870];
	v23 =	vadd.f32 v22, v21;
	v21 =	vmul.f32 v63, v54  }
0x4e7: {  	[tilespmem:s24+$0x13070] =	vst v4;
	v63 =	vld [tilespmem:s24+$0x6470];
	v11 =	vmul.f32 v17, v53;
	v4 =	vadd.f32 v7, v25;
	v25 =	vmul.f32 v10, v53  }
0x4e8: {  	v17 =	vmul.f32 v2, v54;
	v2 =	vmul.f32 v20, v53;
	v20 =	vld [tilespmem:s24+$0x6460]  }
0x4e9: {  	[tilespmem:s24+$0x13050] =	vst v0;
	v0 =	vadd.f32 v11, v12;
	v11 =	vld [tilespmem:s24+$0x6C30];
	v26 =	vadd.f32 v25, v24  }
0x4ea: {  	v12 =	vld [tilespmem:s24+$0xC20]  }
0x4eb: {  	[tilespmem:s24+$0x13010] =	vst v1;
	v4 =	vadd.f32 v4, v61;
	v1 =	vadd.f32 v26, v52;
	v26 =	vld [tilespmem:s24+$0x6840]  }
0x4ec: {  	v52 =	vld [tilespmem:s24+$0x820]  }
0x4ed: {  	v0 =	vadd.f32 v0, v59;
	[tilespmem:s24+$0x13030] =	vst v4;
	v59 =	vmul.f32 v6, v54;
	v4 =	vmul.f32 v58, v54;
	v58 =	vld [tilespmem:s24+$0x6820]  }
0x4ee: {  	v6 =	vmul.f32 v16, v53;
	v16 =	vmul.f32 v51, v54;
	v51 =	vld [tilespmem:$0x1FC60]  }
0x4ef: {  	v3 =	vmul.f32 v3, v54;
	v18 =	vmul.f32 v18, v53;
	[tilespmem:s24+$0x13020] =	vst v0;
	v0 =	vadd.f32 v23, v56;
	v23 =	vld [tilespmem:s24+$0x840]  }
0x4f0: {  	v15 =	vmul.f32 v8, v53;
	v56 =	vmul.f32 v62, v53;
	v62 =	vld [tilespmem:s24+$0x6800]  }
0x4f1: {  	v61 =	vmul.f32 v13, v53;
	[tilespmem:s24+$0x12C70] =	vst v1;
	v1 =	vadd.f32 v18, v17;
	v17 =	vld [tilespmem:s24+$0x460]  }
0x4f2: {  	v3 =	vadd.f32 v15, v3;
	v2 =	vadd.f32 v2, v16;
	v16 =	vld [tilespmem:s24+$0x1440]  }
0x4f3: {  	v13 =	vadd.f32 v61, v59;
	v61 =	vmul.f32 v55, v54;
	v55 =	vmul.f32 v34, v54;
	v34 =	vld [tilespmem:$0x1FCF0]  }
0x4f4: {  	v1 =	vadd.f32 v1, v47;
	v47 =	vld [tilespmem:s24+$0x6830]  }
0x4f5: {  	v3 =	vadd.f32 v3, v49;
	v2 =	vadd.f32 v2, v35;
	v35 =	vld [tilespmem:s24+$0x6420]  }
0x4f6: {  	v25 =	vmul.f32 v14, v53;
	v24 =	vmul.f32 v12, v54;
	v4 =	vadd.f32 v56, v4;
	v56 =	vld [tilespmem:s24+$0x6050]  }
0x4f7: {  	[tilespmem:s24+$0x13000] =	vst v0;
	v0 =	vadd.f32 v13, v50;
	v13 =	vld [tilespmem:$0x1FC30]  }
0x4f8: {  	v5 =	vmul.f32 v19, v53;
	[tilespmem:s24+$0x12C50] =	vst v3;
	v22 =	vmul.f32 v11, v53;
	v3 =	vadd.f32 v25, v24;
	v25 =	vld [tilespmem:s24+$0x6440]  }
0x4f9: {  	v19 =	vmul.f32 v26, v53;
	v24 =	vmul.f32 v58, v53;
	v58 =	vld [tilespmem:$0x1FC50]  }
0x4fa: {  	v26 =	vmul.f32 v45, v54;
	v45 =	vmul.f32 v39, v54;
	v39 =	vld [tilespmem:$0x1FCE0]  }
0x4fb: {  	[tilespmem:s24+$0x12C60] =	vst v0;
	v0 =	vadd.f32 v22, v21;
	v22 =	vld [tilespmem:s24+$0x6450]  }
0x4fc: {  	v59 =	vmul.f32 v57, v54;
	v4 =	vadd.f32 v4, v40;
	v40 =	vld [tilespmem:s24+$0x400]  }
0x4fd: {  	v21 =	vmul.f32 v48, v54;
	v48 =	vld [tilespmem:s24+$0x60]  }
0x4fe: {  	[tilespmem:s24+$0x12C40] =	vst v1;
	v1 =	vadd.f32 v6, v59;
	v59 =	vld [tilespmem:s24+$0x6040]  }
0x4ff: {  	v18 =	vmul.f32 v23, v54;
	v23 =	vld [tilespmem:s24+$0x440]  }
0x500: {  	v9 =	vmul.f32 v9, v53;
	v50 =	vadd.f32 v3, v43;
	v43 =	vld [tilespmem:s24+$0x6400]  }
0x501: {  	v3 =	vmul.f32 v52, v54;
	v6 =	vmul.f32 v62, v53;
	v62 =	vld [tilespmem:s24+$0x6030]  }
0x502: {  	v52 =	vmul.f32 v36, v54;
	v36 =	vld [tilespmem:$0x1FBE0];
	v0 =	vadd.f32 v0, v46;
	v46 =	vmul.f32 v60, v54  }
0x503: {  	v60 =	vld [tilespmem:s24+$0x6810];
	v1 =	vadd.f32 v1, v38  }
0x504: {  	v38 =	vmul.f32 v41, v54;
	v41 =	vmul.f32 v17, v54;
	v17 =	vld [tilespmem:$0x1FC20];
	v49 =	vadd.f32 v9, v46  }
0x505: {  	[tilespmem:s24+$0x12C20] =	vst v50;
	v7 =	vmul.f32 v47, v53;
	v47 =	vld [tilespmem:$0x1FC70]  }
0x506: {  	v50 =	vld [tilespmem:s24+$0x6060];
	[tilespmem:s24+$0x12C30] =	vst v0;
	v0 =	vadd.f32 v49, v42  }
0x507: {  	v3 =	vadd.f32 v24, v3;
	v24 =	vld [tilespmem:s24+$0x7450]  }
0x508: {  	v46 =	vld [tilespmem:s24+$0x6070];
	[tilespmem:s24+$0x12C10] =	vst v0;
	v0 =	vadd.f32 v5, v61  }
0x509: {  	[tilespmem:s24+$0x12870] =	vst v1;
	v1 =	vadd.f32 v19, v18;
	v19 =	vld [tilespmem:s24+$0x7440]  }
0x50a: {  	v18 =	vmul.f32 v29, v54;
	v29 =	vmul.f32 v56, v53;
	v56 =	vld [tilespmem:s24+$0xC000];
	v0 =	vadd.f32 v0, v37  }
0x50b: {  	v3 =	vadd.f32 v3, v30;
	v30 =	vld [tilespmem:$0x1FBF0]  }
0x50c: {  	v14 =	vmul.f32 v40, v54;
	v40 =	vld [tilespmem:s24+$0x0];
	[tilespmem:s24+$0x12860] =	vst v0;
	v0 =	vadd.f32 v7, v21  }
0x50d: {  	v1 =	vadd.f32 v1, v33;
	v33 =	vmul.f32 v44, v54;
	v44 =	vld [tilespmem:$0x1FC80];
	v9 =	vmul.f32 v60, v53  }
0x50e: {  	v42 =	vmul.f32 v20, v53;
	v20 =	vld [tilespmem:$0x1FC10];
	v0 =	vadd.f32 v0, v31  }
0x50f: {  	v49 =	vmul.f32 v25, v53;
	v25 =	vld [tilespmem:$0x1FC00];
	[tilespmem:s24+$0x12840] =	vst v1;
	v1 =	vadd.f32 v9, v26  }
0x510: {  	v31 =	vld [tilespmem:s24+$0x6430];
	[tilespmem:s24+$0x12830] =	vst v0;
	v0 =	vadd.f32 v6, v33  }
0x511: {  	[tilespmem:s24+$0x12850] =	vst v2;
	v2 =	vmul.f32 v23, v54;
	v15 =	vmul.f32 v43, v53;
	v43 =	vld [tilespmem:$0x1FCC0];
	v1 =	vadd.f32 v1, v28  }
0x512: {  	[tilespmem:s24+$0x12C00] =	vst v4;
	v8 =	vmul.f32 v22, v53;
	v60 =	vmul.f32 v32, v54;
	v32 =	vld [tilespmem:$0x1FD00];
	v0 =	vadd.f32 v0, v27  }
0x513: {  	v5 =	vmul.f32 v63, v53;
	v2 =	vadd.f32 v49, v2;
	v61 =	vld [tilespmem:$0x1FC40];
	[tilespmem:s24+$0x12810] =	vst v1;
	v1 =	vadd.f32 v42, v41  }
0x514: {  	v9 =	vmul.f32 v35, v53;
	v4 =	vmul.f32 v46, v53;
	v37 =	vld [tilespmem:s24+$0x6410];
	[tilespmem:s24+$0x12800] =	vst v0;
	v0 =	vadd.f32 v8, v45  }
0x515: {  	v46 =	vld [tilespmem:$0x1FBA0];
	v5 =	vadd.f32 v5, v38;
	v1 =	vadd.f32 v1, v47;
	v7 =	vmul.f32 v31, v53  }
0x516: {  	v22 =	vmul.f32 v48, v54;
	v38 =	vld [tilespmem:$0x1FCD0];
	v57 =	vadd.f32 v9, v55;
	v0 =	vadd.f32 v0, v51  }
0x517: {  	v23 =	vmul.f32 v50, v53;
	v48 =	vmul.f32 v24, v53;
	v28 =	vld [tilespmem:$0x1FD10];
	[tilespmem:s24+$0x12460] =	vst v1;
	v1 =	vadd.f32 v7, v52  }
0x518: {  	v35 =	vmul.f32 v62, v53;
	v2 =	vadd.f32 v2, v58;
	v41 =	vld [tilespmem:$0x1FBD0];
	[tilespmem:s24+$0x12450] =	vst v0;
	v0 =	vadd.f32 v57, v13  }
0x519: {  	v26 =	vadd.f32 v23, v22;
	v6 =	vmul.f32 v37, v53;
	v33 =	vld [tilespmem:s24+$0x1470];
	v1 =	vadd.f32 v1, v61  }
0x51a: {  	v55 =	vmul.f32 v40, v54;
	v5 =	vadd.f32 v5, v44;
	v37 =	vld [tilespmem:s24+$0x7470];
	[tilespmem:s24+$0x12420] =	vst v0;
	v0 =	vadd.f32 v4, v18  }
0x51b: {  	v10 =	vmul.f32 v32, v54;
	v63 =	vadd.f32 v6, v60;
	v31 =	vld [tilespmem:s24+$0x7460];
	[tilespmem:s24+$0x12430] =	vst v1;
	v1 =	vadd.f32 v15, v14  }
0x51c: {  	[tilespmem:s24+$0x12440] =	vst v2;
	v12 =	vmul.f32 v38, v54;
	v27 =	vld [tilespmem:s24+$0x1460];
	v7 =	vmul.f32 v59, v53;
	v0 =	vadd.f32 v0, v25  }
0x51d: {  	[tilespmem:s24+$0x12470] =	vst v5;
	v47 =	vmul.f32 v19, v53;
	v2 =	vadd.f32 v63, v17;
	v45 =	vld [tilespmem:s24+$0x6000];
	v1 =	vadd.f32 v1, v20  }
0x51e: {  	v52 =	vld [tilespmem:s24+$0xD470];
	v5 =	vmul.f32 v33, v54;
	v7 =	vadd.f32 v7, v10;
	[tilespmem:s24+$0x12070] =	vst v0;
	v0 =	vmul.f32 v28, v54  }
0x51f: {  	v42 =	vld [tilespmem:$0x1FCB0];
	v10 =	vmul.f32 v37, v53;
	v13 =	vmul.f32 v39, v53;
	[tilespmem:s24+$0x12400] =	vst v1;
	v1 =	vadd.f32 v26, v30  }
0x520: {  	[tilespmem:s24+$0x12820] =	vst v3;
	v44 =	vld [tilespmem:$0x1FBB0];
	v51 =	vmul.f32 v31, v53;
	v7 =	vadd.f32 v7, v41;
	v0 =	vadd.f32 v29, v0  }
0x521: {  	v21 =	vld [tilespmem:s24+$0x1450];
	v14 =	vmul.f32 v43, v53;
	v60 =	vadd.f32 v10, v5;
	[tilespmem:s24+$0x12060] =	vst v1;
	v1 =	vmul.f32 v34, v54  }
0x522: {  	v50 =	vld [tilespmem:s24+$0xD460];
	[tilespmem:s24+$0x12410] =	vst v2;
	v58 =	vmul.f32 v45, v53;
	v12 =	vadd.f32 v13, v12;
	v0 =	vadd.f32 v0, v36  }
0x523: {  	v49 =	vld [tilespmem:$0x1FB80];
	v4 =	vmul.f32 v27, v54;
	[tilespmem:s24+$0x12040] =	vst v7;
	v62 =	vadd.f32 v60, v52;
	v1 =	vadd.f32 v35, v1  }
0x524: {  	v57 =	vld [tilespmem:$0x1FC90];
	v3 =	vadd.f32 v58, v55;
	v7 =	vadd.f32 v12, v46;
	[tilespmem:s24+$0x12050] =	vst v0;
	v0 =	vmul.f32 v42, v54  }
0x525: {  	v6 =	vmul.f32 v16, v54;
	v59 =	vld [tilespmem:$0x1FCA0];
	v4 =	vadd.f32 v51, v4;
	[tilespmem:s24+$0x13470] =	vst v62;
	v1 =	vadd.f32 v1, v44  }
0x526: {  	v2 =	vmul.f32 v21, v54;
	v63 =	vadd.f32 v3, v56;
	[tilespmem:s24+$0x12020] =	vst v7;
	v0 =	vadd.f32 v14, v0  }
0x527: {  	v61 =	vadd.f32 v4, v50;
	[tilespmem:s24+$0x12030] =	vst v1;
	v1 =	vadd.f32 v47, v6  }
0x528: {  	v2 =	vadd.f32 v48, v2;
	[tilespmem:s24+$0x12000] =	vst v63;
	v0 =	vadd.f32 v0, v49  }
0x529: {  	[tilespmem:s24+$0x13460] =	vst v61;
	v1 =	vadd.f32 v1, v57  }
0x52a: {  	s21 =	sadd.s32 $0x1, s21;
	[tilespmem:s24+$0x12010] =	vst v0;
	v0 =	vadd.f32 v2, v59  }
0x52b: {  	p0 =	sne.s32 s21, s18;
	[tilespmem:s24+$0x13440] =	vst v1  }
.Ltmp2:
0x52c: {  	[tilespmem:s24+$0x13450] =	vst v0;
	(pc) =	sbr.rel @p0 .LBB2_1-.Ltmp2, $4  }
0x52d: {  	[hbm4b:s17+s1] =	stream.linear.scatter [tilespmem:s19], [sflag:$0x1], $0x6000, $0x38;
	[tilespmem:$0x1A100] =	vst v63  }
0x52e: {  	_ =	swait.ge [sflag:s20], $0x6000  }
0x52f: {  	[sflag:s20] =	ssyncset.done $0x0  }
0x530: {  	[sflag:s20] =	ssyncadd.s32 $0xFFFFA000  }
0x531: {  	_ =	sfence.sel $0x180000  }
0x532: {  	[bflag:$0x0] =	sbarrier.arrive $0xFFFF  }
0x533: {  	_ =	strace $0x9000004A  }
0x534: {  	s0 =	stileid.u32;
	[bflag:$0x2] =	sbarrier.arrive $0xFFFF  }
0x535: {  	p0 =	sne.s32 s0, $0x0;
	s0 =	rddreg [dreg:$0x2]  }
0x536: {  	s0 =	sadd.s32 @!p0 $0x100000, s0  }
0x537: {  	[sflag:s0] =	ssyncadd.tile.s32 @!p0 $0x1;
	_ =	shalt  }
.Lfunc_end2:
_tile_overlayer_lowered:
.L_overlay_start_2:
0x538: {  	(tag) =	ssettag $0x2  }
0x539: {  	s0 =	rddreg [dreg:$0x0];
	s2 =	stileid.u32  }
0x53a: {  	s1 =	rddreg [dreg:$0x1];
	p0 =	sne.s32 s2, $0x0  }
0x53b: {  	s3 =	rddreg [dreg:$0x2];
	[bflag:$0x3] =	sbarrier.arrive $0xFFFF;
	s2 =	simm.s32 @!p0 $0x1C01  }
0x53c: {  	[timem:s3], [sflag:s2] =	dma.local @!p0 [hbm:s0], s1  }
0x53d: {  	s0 =	simm.s32 @!p0 $0x1  }
0x53e: {  	_ =	swait.ge @!p0 [sflag:s0], s1  }
0x53f: {  	s1 =	ssub.s32 @!p0 $0x0, s1;
	[sflag:s0] =	ssyncset.done @!p0 $0x0  }
0x540: {  	[sflag:s0] =	ssyncadd.s32 @!p0 s1  }
0x541: {  	[bflag:$0x3] =	sbarrier.arrive $0xFFFF  }
0x542: {  	_ =	shalt  }

// kernel: kernel.7.cloned.1.call-start
scs
__scs_entry_jumppad:
0x0: {  	(pc) =	sbr.rel $0x88, $3  }
0x1: {  	(tag) =	ssettag $0x0;
	lr =	simm.s32 $0x1  }
0x2: {  	[smem:$0x3F99] =	sst lr;
	_ =	strace $0xD0000000  }
0x3: {  	_ = 	snop  }
0x4: {  	_ = 	snop  }
0x5: {  	_ = 	snop  }
0x6: {  	_ = 	snop  }
0x7: {  	_ = 	snop  }
__scs_overlays_trampoline_lowered:
0x8: {  	[smem:$0x3FA8] =	sst s0  }
0x9: {  	[smem:$0x3FA9] =	sst s1  }
0xa: {  	[smem:$0x3FAA] =	sst s2  }
0xb: {  	[smem:$0x3FAB] =	sst s3  }
0xc: {  	[smem:$0x3FAC] =	sst s4  }
0xd: {  	[smem:$0x3FAD] =	sst s5  }
0xe: {  	[smem:$0x3FAE] =	sst s6  }
0xf: {  	[smem:$0x3FAF] =	sst s7  }
0x10: {  	[smem:$0x3FB0] =	sst s8  }
0x11: {  	[smem:$0x3FB1] =	sst s9;
	s0 =	simm.s32 @!p0 $0x0  }
0x12: {  	s1 =	sld [smem:$0x3F97];
	s0 =	simm.s32 @p0 $0x1  }
0x13: {  	[smem:$0x3FB2] =	sst s0;
	s0 =	simm.s32 @!p1 $0x0  }
0x14: {  	s2 =	sld [smem:$0x3F96];
	s0 =	simm.s32 @p1 $0x1  }
0x15: {  	[smem:$0x3FB3] =	sst s0;
	s0 =	simm.s32 @!p2 $0x0  }
0x16: {  	s3 =	sld [smem:$0x3FDB];
	s0 =	simm.s32 @p2 $0x1  }
0x17: {  	s4 =	simm.s32 $0x1BF5;
	[smem:$0x3FB5] =	sst s0  }
0x18: {  	s0 =	sld [smem:$0x3F98];
	_ =	swait.ge [sflag:s4], $0x0  }
0x19: {  	s7 =	sld [smem:$0x3F99]  }
0x1a: {  	s8 =	sadd.s32 $0xFFFFE003, lr  }
0x1b: {  	s9 =	sadd.s32 $0xFFFFFEF7, lr;
	s5 =	simm.s32 $0xFFFFFFFF;
	p2 =	slt.u32 s8, $0xFFFFF086  }
0x1c: {  	p1 =	slt.u32 s9, $0xF7A;
	s5 =	simm.s32 @!p2 $0x0  }
0x1d: {  	s5 =	simm.s32 @p1 $0x1;
	p0 =	seq.s32 s7, s2  }
0x1e: {  	s7 =	smul.u32 @!p0 $0xF7A, s2;
	p2 =	seq.s32 @!p0 s5, $0x0  }
0x1f: {  	s9 =	smul.u32 $0xF7A, s1;
	s8 =	simm.s32 @!p0 $0x1BF5;
	p2 =	por !p2, p0  }
0x20: {  	[sflag:s8] =	ssyncset.s32 @!p0 $0xFFFFF086;
	s6 =	sadd.s32 @!p0 s3, s7;
	s7 =	simm.s32 @!p0 $0x108  }
0x21: {  	s3 =	sadd.s32 s3, s9;
	s6 =	sadd.s32 @!p0 $0x88, s6;
	s7 =	simm.s32 @p2 $0x1082  }
0x22: {  	[simem:s7], [sflag:s8] =	dma.local @!p0 [hbm:s6], $0xF7A  }
0x23: {  	s9 =	sor.u32 $0xD0000000, s2;
	s6 =	simm.s32 $0x108;
	_ =	swait.ge @!p0 [sflag:s8], $0x0  }
0x24: {  	s3 =	sadd.s32 $0x88, s3;
	s6 =	simm.s32 @!p1 $0x1082;
	[sflag:s4] =	ssyncset.s32 $0xFFFFF086  }
0x25: {  	[simem:s6], [sflag:s4] =	dma.local [hbm:s3], $0xF7A  }
0x26: {  	[smem:$0x3F99] =	sst s1;
	(tag) =	ssettag s2;
	_ =	strace s9  }
0x27: {  	s1 =	sld [smem:$0x3FA9]  }
0x28: {  	s2 =	sld [smem:$0x3FAA]  }
0x29: {  	s4 =	sld [smem:$0x3FAC]  }
0x2a: {  	p0 =	seq.s32 s5, $0x0;
	s5 =	sld [smem:$0x3FAD]  }
0x2b: {  	s6 =	sld [smem:$0x3FAE]  }
0x2c: {  	s7 =	sld [smem:$0x3FAF]  }
0x2d: {  	s3 =	simm.s32 $0x108;
	s8 =	sld [smem:$0x3FB0]  }
0x2e: {  	s3 =	simm.s32 @!p0 $0x1082;
	s9 =	sld [smem:$0x3FB1]  }
0x2f: {  	lr =	sadd.s32 s0, s3;
	s0 =	sld [smem:$0x3FA8]  }
0x30: {  	s3 =	sld [smem:$0x3FAB]  }
0x31: {  	[smem:$0x3FB4] =	sst s10  }
0x32: {  	s10 =	sld [smem:$0x3FB2];
	_ =	sdelay $0x3  }
0x33: {  	p0 =	seq.s32 s10, $0x1;
	s10 =	sld [smem:$0x3FB4];
	_ =	sdelay $0x3  }
0x34: {  	[smem:$0x3FB4] =	sst s10  }
0x35: {  	s10 =	sld [smem:$0x3FB3];
	_ =	sdelay $0x3  }
0x36: {  	p1 =	seq.s32 s10, $0x1;
	s10 =	sld [smem:$0x3FB4];
	_ =	sdelay $0x3  }
0x37: {  	[smem:$0x3FB4] =	sst s10  }
0x38: {  	s10 =	sld [smem:$0x3FB5]  }
0x39: {  	_ = 	snop;
	(pc) =	sbr.ind lr, $3  }
0x3a: {  	_ = 	snop  }
0x3b: {  	_ = 	snop  }
0x3c: {  	p2 =	seq.s32 s10, $0x1;
	s10 =	sld [smem:$0x3FB4]  }
0x3d: {  	_ =	shalt  }
0x3e: {  	_ =	shalt  }
0x3f: {  	_ =	shalt  }
0x40: {  	_ =	shalt  }
0x41: {  	_ =	shalt  }
0x42: {  	_ =	shalt  }
0x43: {  	_ =	shalt  }
0x44: {  	_ =	shalt  }
0x45: {  	_ =	shalt  }
0x46: {  	_ =	shalt  }
0x47: {  	_ =	shalt  }
0x48: {  	_ =	shalt  }
0x49: {  	_ =	shalt  }
0x4a: {  	_ =	shalt  }
0x4b: {  	_ =	shalt  }
0x4c: {  	_ =	shalt  }
0x4d: {  	_ =	shalt  }
0x4e: {  	_ =	shalt  }
0x4f: {  	_ =	shalt  }
0x50: {  	_ =	shalt  }
0x51: {  	_ =	shalt  }
0x52: {  	_ =	shalt  }
0x53: {  	_ =	shalt  }
0x54: {  	_ =	shalt  }
0x55: {  	_ =	shalt  }
0x56: {  	_ =	shalt  }
0x57: {  	_ =	shalt  }
0x58: {  	_ =	shalt  }
0x59: {  	_ =	shalt  }
0x5a: {  	_ =	shalt  }
0x5b: {  	_ =	shalt  }
0x5c: {  	_ =	shalt  }
0x5d: {  	_ =	shalt  }
0x5e: {  	_ =	shalt  }
0x5f: {  	_ =	shalt  }
0x60: {  	_ =	shalt  }
0x61: {  	_ =	shalt  }
0x62: {  	_ =	shalt  }
0x63: {  	_ =	shalt  }
0x64: {  	_ =	shalt  }
0x65: {  	_ =	shalt  }
0x66: {  	_ =	shalt  }
0x67: {  	_ =	shalt  }
0x68: {  	_ =	shalt  }
0x69: {  	_ =	shalt  }
0x6a: {  	_ =	shalt  }
0x6b: {  	_ =	shalt  }
0x6c: {  	_ =	shalt  }
0x6d: {  	_ =	shalt  }
0x6e: {  	_ =	shalt  }
0x6f: {  	_ =	shalt  }
0x70: {  	_ =	shalt  }
0x71: {  	_ =	shalt  }
0x72: {  	_ =	shalt  }
0x73: {  	_ =	shalt  }
0x74: {  	_ =	shalt  }
0x75: {  	_ =	shalt  }
0x76: {  	_ =	shalt  }
0x77: {  	_ =	shalt  }
0x78: {  	_ =	shalt  }
0x79: {  	_ =	shalt  }
0x7a: {  	_ =	shalt  }
0x7b: {  	_ =	shalt  }
0x7c: {  	_ =	shalt  }
0x7d: {  	_ =	shalt  }
0x7e: {  	_ =	shalt  }
0x7f: {  	_ =	shalt  }
0x80: {  	_ =	shalt  }
0x81: {  	_ =	shalt  }
0x82: {  	_ =	shalt  }
0x83: {  	_ =	shalt  }
0x84: {  	_ =	shalt  }
0x85: {  	_ =	shalt  }
0x86: {  	_ =	shalt  }
0x87: {  	_ =	shalt  }
.Lfunc_end0:
.L_simem_size_0:
called_computation_lowered:
.L_overlay_start_0:
0x88: {  	s2 =	sld [smem:$0x3FD9]  }
0x89: {  	s3 =	sld [smem:$0x3FFE];
	_ =	sdelay $0x1  }
0x8a: {  	s1 =	srdreg.scid  }
0x8b: {  	s0 =	sand.u32 $0x1, s1  }
0x8c: {  	s17 =	sshll.u32 s0, $0xA;
	s2 =	sadd.s32 s3, s2  }
0x8d: {  	s2 =	sadd.s32 s2, s17  }
0x8e: {  	[smem:$0x3FC0] =	sst s2  }
0x8f: {  	_ = 	snop  }
0x90: {  	s2 =	sld [smem:$0x3FC9];
	(tm) =	ssettm $0x1  }
0x91: {  	s18 =	sld [smem:$0x3FFB];
	_ =	sdelay $0x3  }
0x92: {  	_ =	strace s18  }
0x93: {  	s3 =	sld [smem:$0x3FFC];
	_ =	sdelay $0x3  }
0x94: {  	_ =	strace s3  }
0x95: {  	s3 =	sld [smem:$0x3FFD];
	_ =	sdelay $0x3  }
0x96: {  	_ =	strace s3  }
0x97: {  	_ =	strace $0x8FFFFFFF  }
0x98: {  	s19 =	sld [smem:$0x3FDB];
	_ =	sdelay $0x1  }
0x99: {  	s4 =	simm.s32 $_scs_section_size  }
0x9a: {  	s5 =	simm.s32 $_size__tile_overlayer_lowered;
	s6 =	simm.s32 $_tile_overlayer_lowered  }
0x9b: {  	s22 =	simm.s32 $0x1BFF;
	s21 =	sshll.u32 s6, $0x1;
	s3 =	sadd.s32 s4, s19  }
0x9c: {  	s7 =	simm.s32 $0x0;
	s20 =	sshll.u32 s5, $0x1;
	s5 =	sadd.s32 s21, s3  }
0x9d: {  	[timem:s7], [sflag:s22] =	dma.local [hbm:s5], s20  }
0x9e: {  	_ =	swait.ge [sflag:s22], s20  }
0x9f: {  	s4 =	ssub.s32 $0x0, s20;
	[sflag:s22] =	ssyncset.done $0x0  }
0xa0: {  	[sflag:s22] =	ssyncadd.s32 s4;
	_ =	sdelay $0x1  }
0xa1: {  	s23 =	simm.s32 $0x1B8B  }
0xa2: {  	_ =	swait.ge [sflag:s23], $0x1  }
0xa3: {  	[sflag:s23] =	ssyncset.done $0x0  }
0xa4: {  	s25 =	simm.s32 $0x1B8E;
	s24 =	sld [smem:$0x3FFE];
	[sflag:s23] =	ssyncadd.s32 $0xFFFFFFFF  }
0xa5: {  	s26 =	simm.s32 $execute0_lowered;
	[smem:$0x3FD2] =	sst s25  }
0xa6: {  	s5 =	sshll.u32 s26, $0x1;
	_ =	strace $0x80000046;
	[dreg:$0x1] =	wrdreg $0xFFFFFFFF  }
0xa7: {  	s28 =	simm.s32 $_size_execute0_lowered;
	s3 =	sadd.s32 s3, s5;
	[dreg:$0x0] =	wrdreg $0x0  }
0xa8: {  	s5 =	sshll.u32 s28, $0x1;
	[dreg:$0x2] =	wrdreg s3  }
0xa9: {  	[dreg:$0x3] =	wrdreg s5  }
0xaa: {  	[dreg:$0x4] =	wrdreg $0xC0  }
0xab: {  	_ =	task [dreg:s7], $0x5FFFF  }
0xac: {  	[dreg:$0x1] =	wrdreg $0xFFFFFFFF  }
0xad: {  	[dreg:$0x0] =	wrdreg $0x60  }
0xae: {  	[dreg:$0x2] =	wrdreg s2  }
0xaf: {  	[dreg:$0x3] =	wrdreg s24  }
0xb0: {  	[dreg:$0x4] =	wrdreg $0x9  }
0xb1: {  	_ =	task.clear_ibuf [dreg:s7], $0x5FFFF;
	_ =	strace $0x90000046  }
0xb2: {  	s29 =	simm.s32 $0x9;
	_ =	strace $0x80000048  }
0xb3: {  	_ =	swait.ge [sflag:s29], $0x1  }
0xb4: {  	[sflag:s29] =	ssyncadd.s32 $0xFFFFFFFF  }
0xb5: {  	_ =	strace $0x90000048  }
0xb6: {  	_ =	sfence  }
0xb7: {  	s30 =	sld [smem:$0x0];
	_ =	sdelay $0x2  }
0xb8: {  	s31 =	sshll.u32 s1, $0xD;
	s1 =	sshrl.u32 s1, $0x2  }
0xb9: {  	s3 =	sand.u32 $0x4000, s31;
	s1 =	sadd.s32 s1, s30  }
0xba: {  	s0 =	sor.u32 s3, s0;
	s1 =	sshll.u32 s1, $0x11  }
0xbb: {  	s0 =	sor.u32 s1, s0  }
0xbc: {  	s0 =	sadd.s32 $0x8F2B, s0  }
0xbd: {  	[sflag:s0] =	ssyncadd.remote.s32 $0x1  }
0xbe: {  	_ =	sfence.sel $0xFFFF  }
0xbf: {  	[dreg:$0x0] =	wrdreg $0xFFFFFFFF;
	(pc) =	sbr.abs _section_cstart, $3  }
0xc0: {  	[dreg:$0x1] =	wrdreg $0xFFFFFFFF  }
0xc1: {  	_ =	task.clear_ibuf [dreg:s7], $0x2FFFF;
	_ =	strace $0x9FFFFFFF  }
0xc2: {  	(tm) =	ssettm $0x7FFFFFFF  }
0xc3: {  	_ =	shalt  }
tec
execute0_lowered:
.L_overlay_start_1:
0x0: {  	(tag) =	ssettag $0x1  }
0x1: {  	s1 =	srdreg.scid;
	s3 =	rddreg [dreg:$0x0]  }
0x2: {  	s0 =	stileid.u32;
	s5 =	rddreg [dreg:$0x1]  }
0x3: {  	s8 =	simm.s32 $0xC000;
	s7 =	simm.s32 $0x1;
	s9 =	simm.s32 $0x800  }
0x4: {  	s10 =	simm.s32 $0x1000;
	s11 =	simm.s32 $0x1800;
	s12 =	simm.s32 $0x2000  }
0x5: {  	s13 =	simm.s32 $0x2800;
	s14 =	simm.s32 $0x3000;
	s15 =	simm.s32 $0x3800  }
0x6: {  	s16 =	simm.s32 $0x4000;
	s17 =	simm.s32 $0x4800;
	s18 =	simm.s32 $0x5000  }
0x7: {  	s19 =	simm.s32 $0x5800;
	s20 =	simm.s32 $0x6000;
	s21 =	simm.s32 $0x6800  }
0x8: {  	s22 =	simm.s32 $0x7000;
	s23 =	simm.s32 $0x7800;
	s24 =	simm.s32 $0x8000  }
0x9: {  	s28 =	simm.s32 $0x9800;
	s29 =	simm.s32 $0xA000;
	s1 =	sand.u32 $0x1, s1  }
0xa: {  	s30 =	simm.s32 $0xA800;
	s2 =	sshll.u32 s0, $0x4;
	s4 =	sshll.u32 s1, $0x3  }
0xb: {  	s31 =	simm.s32 $0xB000;
	s1 =	ssub.s32 $0x2, s1;
	s4 =	sor.u32 s4, s2  }
0xc: {  	s2 =	simm.s32 $0x0;
	s26 =	sshrl.u32 s1, $0x1;
	s6 =	smul.u32 $0x300, s4  }
0xd: {  	[smem:$0x7FF] =	sst s2;
	s4 =	sadd.s32 s4, s5;
	s1 =	ssub.s32 s1, s26  }
0xe: {  	_ =	strace $0x80000047;
	s25 =	sadd.s32 $0x13200, s4;
	[dreg:$0x6] =	wrdreg s8  }
0xf: {  	s26 =	simm.s32 $0x9000;
	s4 =	sadd.s32 $0x13400, s4;
	[dreg:$0x4] =	wrdreg s25  }
0x10: {  	v2 =	vlaneseq.u32;
	s3 =	sadd.s32 s3, s6;
	[dreg:$0x5] =	wrdreg s4;
	s4 =	sadd.s32 $0x13700, s5  }
0x11: {  	vm0 =	vmmov $0xffff;
	v1 =	vshrl.u32 v2, $0x3;
	s6 =	smax.u32 s1, $0x1;
	s25 =	simm.s32 $0x8800;
	s1 =	simm.s32 $0xB800  }
0x12: {  	v0 =	vand.u32 $0x7, v2;
	v2 =	vor.u32 $0x8, v2;
	v1 =	vmul.u32 $0x8, v1;
	[dreg:$0x3] =	wrdreg s3;
	s3 =	sadd.s32 $0x13600, s5;
	s5 =	sadd.s32 $0x13800, s5  }
.LBB2_1:
0x13: {  	s0 =	rddreg [dreg:$0x3]  }
0x14: {  	[tilespmem:s2], [sflag:$0x1] =	stream.linear.gather [hbm4b:s0+s2], $0xC000, $0x38;
	[tilespmem:$0xC100] =	vst v63  }
0x15: {  	_ =	swait.ge [sflag:s7], $0xC000  }
0x16: {  	s0 =	rddreg [dreg:$0x4];
	[sflag:s7] =	ssyncset.done $0x0  }
0x17: {  	s8 =	rddreg [dreg:$0x6];
	[sflag:s7] =	ssyncadd.s32 $0xFFFF4000  }
0x18: {  	[tilespmem:s8], [sflag:$0x1] =	stream.linear.gather [hbm4b:s0+s2], $0x40, $0x38;
	[tilespmem:$0xC100] =	vst v63  }
0x19: {  	_ =	swait.ge [sflag:s7], $0x40  }
0x1a: {  	[sflag:s7] =	ssyncset.done $0x0  }
0x1b: {  	s8 =	simm.s32 $0xC080;
	s0 =	rddreg [dreg:$0x5];
	[sflag:s7] =	ssyncadd.s32 $0xFFFFFFC0  }
0x1c: {  	[tilespmem:s8], [sflag:$0x1] =	stream.linear.gather [hbm4b:s0+s2], $0x40, $0x38;
	[tilespmem:$0xC100] =	vst v63  }
0x1d: {  	_ =	swait.ge [sflag:s7], $0x40  }
0x1e: {  	[sflag:s7] =	ssyncset.done $0x0  }
0x1f: {  	[sflag:s7] =	ssyncadd.s32 $0xFFFFFFC0  }
0x20: {  	v3 =	vld [tilespmem:$0xC000];
	_ =	sdelay $0x4  }
0x21: {  	v4 =	vshrl.u32 v3, $0x3  }
0x22: {  	v4 =	vmul.u32 $0x30, v4  }
0x23: {  	v3 =	vand.u32 $0x7, v3  }
0x24: {  	v3 =	vor.u32 v3, v4  }
0x25: {  	v4 =	vperm.xlane v3, v0;
	_ =	sdelay $0x1  }
0x26: {  	v4 =	vadd.s32 v1, v4;
	_ =	sdelay $0x3  }
0x27: {  	v3 =	vperm.xlane v3, v2  }
0x28: {  	[hbm4b:s3+s2] =	stream.indirect_vreg.scatter [tilespmem:s2], [sflag:$0x1], $0x80, v4, vm0, $0xb8;
	[tilespmem:$0xC100] =	vst v63  }
0x29: {  	v3 =	vadd.s32 v1, v3  }
0x2a: {  	[hbm4b:s4+s2] =	stream.indirect_vreg.scatter [tilespmem:s9], [sflag:$0x1], $0x80, v4, vm0, $0xb8;
	[tilespmem:$0xC100] =	vst v63  }
0x2b: {  	_ = 	snop  }
0x2c: {  	[hbm4b:s5+s2] =	stream.indirect_vreg.scatter [tilespmem:s10], [sflag:$0x1], $0x80, v4, vm0, $0xb8;
	[tilespmem:$0xC100] =	vst v63  }
0x2d: {  	_ = 	snop  }
0x2e: {  	[hbm4b:s3+s2] =	stream.indirect_vreg.scatter [tilespmem:s11], [sflag:$0x1], $0x80, v3, vm0, $0xb8;
	[tilespmem:$0xC100] =	vst v63  }
0x2f: {  	_ = 	snop  }
0x30: {  	[hbm4b:s4+s2] =	stream.indirect_vreg.scatter [tilespmem:s12], [sflag:$0x1], $0x80, v3, vm0, $0xb8;
	[tilespmem:$0xC100] =	vst v63  }
0x31: {  	_ = 	snop  }
0x32: {  	[hbm4b:s5+s2] =	stream.indirect_vreg.scatter [tilespmem:s13], [sflag:$0x1], $0x80, v3, vm0, $0xb8;
	[tilespmem:$0xC100] =	vst v63  }
0x33: {  	v3 =	vld [tilespmem:$0xC010];
	_ =	sdelay $0x4  }
0x34: {  	v57 =	vshrl.u32 v3, $0x3  }
0x35: {  	v4 =	vmul.u32 $0x30, v57  }
0x36: {  	v3 =	vand.u32 $0x7, v3  }
0x37: {  	v3 =	vor.u32 v3, v4  }
0x38: {  	v4 =	vperm.xlane v3, v0;
	_ =	sdelay $0x1  }
0x39: {  	v4 =	vadd.s32 v1, v4;
	_ =	sdelay $0x3  }
0x3a: {  	v3 =	vperm.xlane v3, v2  }
0x3b: {  	[hbm4b:s3+s2] =	stream.indirect_vreg.scatter [tilespmem:s14], [sflag:$0x1], $0x80, v4, vm0, $0xb8;
	[tilespmem:$0xC100] =	vst v63  }
0x3c: {  	v3 =	vadd.s32 v1, v3  }
0x3d: {  	[hbm4b:s4+s2] =	stream.indirect_vreg.scatter [tilespmem:s15], [sflag:$0x1], $0x80, v4, vm0, $0xb8;
	[tilespmem:$0xC100] =	vst v63  }
0x3e: {  	_ = 	snop  }
0x3f: {  	[hbm4b:s5+s2] =	stream.indirect_vreg.scatter [tilespmem:s16], [sflag:$0x1], $0x80, v4, vm0, $0xb8;
	[tilespmem:$0xC100] =	vst v63  }
0x40: {  	_ = 	snop  }
0x41: {  	[hbm4b:s3+s2] =	stream.indirect_vreg.scatter [tilespmem:s17], [sflag:$0x1], $0x80, v3, vm0, $0xb8;
	[tilespmem:$0xC100] =	vst v63  }
0x42: {  	_ = 	snop  }
0x43: {  	[hbm4b:s4+s2] =	stream.indirect_vreg.scatter [tilespmem:s18], [sflag:$0x1], $0x80, v3, vm0, $0xb8;
	[tilespmem:$0xC100] =	vst v63  }
0x44: {  	_ = 	snop  }
0x45: {  	[hbm4b:s5+s2] =	stream.indirect_vreg.scatter [tilespmem:s19], [sflag:$0x1], $0x80, v3, vm0, $0xb8;
	[tilespmem:$0xC100] =	vst v63  }
0x46: {  	v3 =	vld [tilespmem:$0xC020];
	_ =	sdelay $0x4  }
0x47: {  	v58 =	vshrl.u32 v3, $0x3  }
0x48: {  	v4 =	vmul.u32 $0x30, v58  }
0x49: {  	v3 =	vand.u32 $0x7, v3  }
0x4a: {  	v3 =	vor.u32 v3, v4  }
0x4b: {  	v4 =	vperm.xlane v3, v0;
	_ =	sdelay $0x1  }
0x4c: {  	v4 =	vadd.s32 v1, v4;
	_ =	sdelay $0x3  }
0x4d: {  	v3 =	vperm.xlane v3, v2  }
0x4e: {  	[hbm4b:s3+s2] =	stream.indirect_vreg.scatter [tilespmem:s20], [sflag:$0x1], $0x80, v4, vm0, $0xb8;
	[tilespmem:$0xC100] =	vst v63  }
0x4f: {  	v3 =	vadd.s32 v1, v3  }
0x50: {  	[hbm4b:s4+s2] =	stream.indirect_vreg.scatter [tilespmem:s21], [sflag:$0x1], $0x80, v4, vm0, $0xb8;
	[tilespmem:$0xC100] =	vst v63  }
0x51: {  	_ = 	snop  }
0x52: {  	[hbm4b:s5+s2] =	stream.indirect_vreg.scatter [tilespmem:s22], [sflag:$0x1], $0x80, v4, vm0, $0xb8;
	[tilespmem:$0xC100] =	vst v63  }
0x53: {  	_ = 	snop  }
0x54: {  	[hbm4b:s3+s2] =	stream.indirect_vreg.scatter [tilespmem:s23], [sflag:$0x1], $0x80, v3, vm0, $0xb8;
	[tilespmem:$0xC100] =	vst v63  }
0x55: {  	_ = 	snop  }
0x56: {  	[hbm4b:s4+s2] =	stream.indirect_vreg.scatter [tilespmem:s24], [sflag:$0x1], $0x80, v3, vm0, $0xb8;
	[tilespmem:$0xC100] =	vst v63  }
0x57: {  	_ = 	snop  }
0x58: {  	[hbm4b:s5+s2] =	stream.indirect_vreg.scatter [tilespmem:s25], [sflag:$0x1], $0x80, v3, vm0, $0xb8;
	[tilespmem:$0xC100] =	vst v63  }
0x59: {  	v3 =	vld [tilespmem:$0xC030];
	_ =	sdelay $0x4  }
0x5a: {  	v59 =	vshrl.u32 v3, $0x3  }
0x5b: {  	v4 =	vmul.u32 $0x30, v59  }
0x5c: {  	v3 =	vand.u32 $0x7, v3  }
0x5d: {  	v3 =	vor.u32 v3, v4  }
0x5e: {  	v4 =	vperm.xlane v3, v0;
	_ =	sdelay $0x1  }
0x5f: {  	v4 =	vadd.s32 v1, v4;
	_ =	sdelay $0x3  }
0x60: {  	v3 =	vperm.xlane v3, v2  }
0x61: {  	[hbm4b:s3+s2] =	stream.indirect_vreg.scatter [tilespmem:s26], [sflag:$0x1], $0x80, v4, vm0, $0xb8;
	[tilespmem:$0xC100] =	vst v63  }
0x62: {  	v3 =	vadd.s32 v1, v3  }
0x63: {  	[hbm4b:s4+s2] =	stream.indirect_vreg.scatter [tilespmem:s28], [sflag:$0x1], $0x80, v4, vm0, $0xb8;
	[tilespmem:$0xC100] =	vst v63  }
0x64: {  	_ = 	snop  }
0x65: {  	[hbm4b:s5+s2] =	stream.indirect_vreg.scatter [tilespmem:s29], [sflag:$0x1], $0x80, v4, vm0, $0xb8;
	[tilespmem:$0xC100] =	vst v63  }
0x66: {  	_ = 	snop  }
0x67: {  	[hbm4b:s3+s2] =	stream.indirect_vreg.scatter [tilespmem:s30], [sflag:$0x1], $0x80, v3, vm0, $0xb8;
	[tilespmem:$0xC100] =	vst v63  }
0x68: {  	_ = 	snop  }
0x69: {  	[hbm4b:s4+s2] =	stream.indirect_vreg.scatter [tilespmem:s31], [sflag:$0x1], $0x80, v3, vm0, $0xb8;
	[tilespmem:$0xC100] =	vst v63  }
0x6a: {  	_ = 	snop  }
0x6b: {  	[hbm4b:s5+s2] =	stream.indirect_vreg.scatter [tilespmem:s1], [sflag:$0x1], $0x80, v3, vm0, $0xb8;
	[tilespmem:$0xC100] =	vst v63  }
0x6c: {  	_ =	swait.ge [sflag:s7], $0xC000  }
0x6d: {  	[sflag:s7] =	ssyncset.done $0x0  }
0x6e: {  	[sflag:s7] =	ssyncadd.s32 $0xFFFF4000  }
0x6f: {  	v3 =	vld [tilespmem:$0xC080];
	_ =	sdelay $0x4  }
0x70: {  	v60 =	vshrl.u32 v3, $0x3  }
0x71: {  	v4 =	vmul.u32 $0x30, v60  }
0x72: {  	v3 =	vand.u32 $0x7, v3  }
0x73: {  	v3 =	vor.u32 v3, v4  }
0x74: {  	v4 =	vperm.xlane v3, v0;
	_ =	sdelay $0x1  }
0x75: {  	v4 =	vadd.s32 v1, v4;
	_ =	sdelay $0x3  }
0x76: {  	v3 =	vperm.xlane v3, v2  }
0x77: {  	[hbm4b:s3+s2] =	stream.indirect_vreg.scatter [tilespmem:s2], [sflag:$0x1], $0x80, v4, vm0, $0xb8;
	[tilespmem:$0xC100] =	vst v63  }
0x78: {  	v3 =	vadd.s32 v1, v3  }
0x79: {  	[hbm4b:s4+s2] =	stream.indirect_vreg.scatter [tilespmem:s9], [sflag:$0x1], $0x80, v4, vm0, $0xb8;
	[tilespmem:$0xC100] =	vst v63  }
0x7a: {  	_ = 	snop  }
0x7b: {  	[hbm4b:s5+s2] =	stream.indirect_vreg.scatter [tilespmem:s10], [sflag:$0x1], $0x80, v4, vm0, $0xb8;
	[tilespmem:$0xC100] =	vst v63  }
0x7c: {  	_ = 	snop  }
0x7d: {  	[hbm4b:s3+s2] =	stream.indirect_vreg.scatter [tilespmem:s11], [sflag:$0x1], $0x80, v3, vm0, $0xb8;
	[tilespmem:$0xC100] =	vst v63  }
0x7e: {  	_ = 	snop  }
0x7f: {  	[hbm4b:s4+s2] =	stream.indirect_vreg.scatter [tilespmem:s12], [sflag:$0x1], $0x80, v3, vm0, $0xb8;
	[tilespmem:$0xC100] =	vst v63  }
0x80: {  	_ = 	snop  }
0x81: {  	[hbm4b:s5+s2] =	stream.indirect_vreg.scatter [tilespmem:s13], [sflag:$0x1], $0x80, v3, vm0, $0xb8;
	[tilespmem:$0xC100] =	vst v63  }
0x82: {  	v3 =	vld [tilespmem:$0xC090];
	_ =	sdelay $0x4  }
0x83: {  	v61 =	vshrl.u32 v3, $0x3  }
0x84: {  	v4 =	vmul.u32 $0x30, v61  }
0x85: {  	v3 =	vand.u32 $0x7, v3  }
0x86: {  	v3 =	vor.u32 v3, v4  }
0x87: {  	v4 =	vperm.xlane v3, v0;
	_ =	sdelay $0x1  }
0x88: {  	v4 =	vadd.s32 v1, v4;
	_ =	sdelay $0x3  }
0x89: {  	v3 =	vperm.xlane v3, v2  }
0x8a: {  	[hbm4b:s3+s2] =	stream.indirect_vreg.scatter [tilespmem:s14], [sflag:$0x1], $0x80, v4, vm0, $0xb8;
	[tilespmem:$0xC100] =	vst v63  }
0x8b: {  	v3 =	vadd.s32 v1, v3  }
0x8c: {  	[hbm4b:s4+s2] =	stream.indirect_vreg.scatter [tilespmem:s15], [sflag:$0x1], $0x80, v4, vm0, $0xb8;
	[tilespmem:$0xC100] =	vst v63  }
0x8d: {  	_ = 	snop  }
0x8e: {  	[hbm4b:s5+s2] =	stream.indirect_vreg.scatter [tilespmem:s16], [sflag:$0x1], $0x80, v4, vm0, $0xb8;
	[tilespmem:$0xC100] =	vst v63  }
0x8f: {  	_ = 	snop  }
0x90: {  	[hbm4b:s3+s2] =	stream.indirect_vreg.scatter [tilespmem:s17], [sflag:$0x1], $0x80, v3, vm0, $0xb8;
	[tilespmem:$0xC100] =	vst v63  }
0x91: {  	_ = 	snop  }
0x92: {  	[hbm4b:s4+s2] =	stream.indirect_vreg.scatter [tilespmem:s18], [sflag:$0x1], $0x80, v3, vm0, $0xb8;
	[tilespmem:$0xC100] =	vst v63  }
0x93: {  	_ = 	snop  }
0x94: {  	[hbm4b:s5+s2] =	stream.indirect_vreg.scatter [tilespmem:s19], [sflag:$0x1], $0x80, v3, vm0, $0xb8;
	[tilespmem:$0xC100] =	vst v63  }
0x95: {  	v3 =	vld [tilespmem:$0xC0A0];
	_ =	sdelay $0x4  }
0x96: {  	v62 =	vshrl.u32 v3, $0x3  }
0x97: {  	v4 =	vmul.u32 $0x30, v62  }
0x98: {  	v3 =	vand.u32 $0x7, v3  }
0x99: {  	v3 =	vor.u32 v3, v4  }
0x9a: {  	v4 =	vperm.xlane v3, v0;
	_ =	sdelay $0x1  }
0x9b: {  	v4 =	vadd.s32 v1, v4;
	_ =	sdelay $0x3  }
0x9c: {  	v3 =	vperm.xlane v3, v2  }
0x9d: {  	[hbm4b:s3+s2] =	stream.indirect_vreg.scatter [tilespmem:s20], [sflag:$0x1], $0x80, v4, vm0, $0xb8;
	[tilespmem:$0xC100] =	vst v63  }
0x9e: {  	v3 =	vadd.s32 v1, v3  }
0x9f: {  	[hbm4b:s4+s2] =	stream.indirect_vreg.scatter [tilespmem:s21], [sflag:$0x1], $0x80, v4, vm0, $0xb8;
	[tilespmem:$0xC100] =	vst v63  }
0xa0: {  	_ = 	snop  }
0xa1: {  	[hbm4b:s5+s2] =	stream.indirect_vreg.scatter [tilespmem:s22], [sflag:$0x1], $0x80, v4, vm0, $0xb8;
	[tilespmem:$0xC100] =	vst v63  }
0xa2: {  	_ = 	snop  }
0xa3: {  	[hbm4b:s3+s2] =	stream.indirect_vreg.scatter [tilespmem:s23], [sflag:$0x1], $0x80, v3, vm0, $0xb8;
	[tilespmem:$0xC100] =	vst v63  }
0xa4: {  	_ = 	snop  }
0xa5: {  	[hbm4b:s4+s2] =	stream.indirect_vreg.scatter [tilespmem:s24], [sflag:$0x1], $0x80, v3, vm0, $0xb8;
	[tilespmem:$0xC100] =	vst v63  }
0xa6: {  	_ = 	snop  }
0xa7: {  	[hbm4b:s5+s2] =	stream.indirect_vreg.scatter [tilespmem:s25], [sflag:$0x1], $0x80, v3, vm0, $0xb8;
	[tilespmem:$0xC100] =	vst v63  }
0xa8: {  	v3 =	vld [tilespmem:$0xC0B0];
	_ =	sdelay $0x4  }
0xa9: {  	v63 =	vshrl.u32 v3, $0x3  }
0xaa: {  	v4 =	vmul.u32 $0x30, v63  }
0xab: {  	v3 =	vand.u32 $0x7, v3  }
0xac: {  	v3 =	vor.u32 v3, v4  }
0xad: {  	v4 =	vperm.xlane v3, v0;
	_ =	sdelay $0x1  }
0xae: {  	v4 =	vadd.s32 v1, v4;
	_ =	sdelay $0x3  }
0xaf: {  	v3 =	vperm.xlane v3, v2  }
0xb0: {  	[hbm4b:s3+s2] =	stream.indirect_vreg.scatter [tilespmem:s26], [sflag:$0x1], $0x80, v4, vm0, $0xb8;
	[tilespmem:$0xC100] =	vst v63  }
0xb1: {  	v3 =	vadd.s32 v1, v3  }
0xb2: {  	[hbm4b:s4+s2] =	stream.indirect_vreg.scatter [tilespmem:s28], [sflag:$0x1], $0x80, v4, vm0, $0xb8;
	[tilespmem:$0xC100] =	vst v63  }
0xb3: {  	_ = 	snop  }
0xb4: {  	[hbm4b:s5+s2] =	stream.indirect_vreg.scatter [tilespmem:s29], [sflag:$0x1], $0x80, v4, vm0, $0xb8;
	[tilespmem:$0xC100] =	vst v63  }
0xb5: {  	_ = 	snop  }
0xb6: {  	[hbm4b:s3+s2] =	stream.indirect_vreg.scatter [tilespmem:s30], [sflag:$0x1], $0x80, v3, vm0, $0xb8;
	[tilespmem:$0xC100] =	vst v63  }
0xb7: {  	p0 =	sne.s32 s6, $0x1  }
0xb8: {  	[hbm4b:s4+s2] =	stream.indirect_vreg.scatter [tilespmem:s31], [sflag:$0x1], $0x80, v3, vm0, $0xb8;
	[tilespmem:$0xC100] =	vst v63  }
.Ltmp0:
0xb9: {  	_ = 	snop;
	(pc) =	sbr.rel @p0 .LBB2_1-.Ltmp0, $4  }
0xba: {  	[hbm4b:s5+s2] =	stream.indirect_vreg.scatter [tilespmem:s1], [sflag:$0x1], $0x80, v3, vm0, $0xb8;
	[tilespmem:$0xC100] =	vst v63  }
0xbb: {  	_ =	swait.ge [sflag:s7], $0xC000  }
0xbc: {  	[sflag:s7] =	ssyncset.done $0x0  }
0xbd: {  	s6 =	sadd.s32 $0xFFFFFFFF, s6;
	[sflag:s7] =	ssyncadd.s32 $0xFFFF4000  }
0xbe: {  	_ =	sfence.sel $0x180000  }
0xbf: {  	[bflag:$0x0] =	sbarrier.arrive $0xFFFF  }
0xc0: {  	_ =	strace $0x90000047  }
0xc1: {  	s0 =	stileid.u32;
	[bflag:$0x2] =	sbarrier.arrive $0xFFFF  }
0xc2: {  	p0 =	sne.s32 s0, $0x0;
	s0 =	rddreg [dreg:$0x2]  }
0xc3: {  	s0 =	sadd.s32 @!p0 $0x100000, s0  }
0xc4: {  	[sflag:s0] =	ssyncadd.tile.s32 @!p0 $0x1;
	_ =	shalt  }
.Lfunc_end2:
_tile_overlayer_lowered:
.L_overlay_start_2:
0xc5: {  	(tag) =	ssettag $0x2  }
0xc6: {  	s0 =	rddreg [dreg:$0x0];
	s2 =	stileid.u32  }
0xc7: {  	s1 =	rddreg [dreg:$0x1];
	p0 =	sne.s32 s2, $0x0  }
0xc8: {  	s3 =	rddreg [dreg:$0x2];
	[bflag:$0x3] =	sbarrier.arrive $0xFFFF;
	s2 =	simm.s32 @!p0 $0x1C01  }
0xc9: {  	[timem:s3], [sflag:s2] =	dma.local @!p0 [hbm:s0], s1  }
0xca: {  	s0 =	simm.s32 @!p0 $0x1  }
0xcb: {  	_ =	swait.ge @!p0 [sflag:s0], s1  }
0xcc: {  	s1 =	ssub.s32 @!p0 $0x0, s1;
	[sflag:s0] =	ssyncset.done @!p0 $0x0  }
0xcd: {  	[sflag:s0] =	ssyncadd.s32 @!p0 s1  }
0xce: {  	[bflag:$0x3] =	sbarrier.arrive $0xFFFF  }
0xcf: {  	_ =	shalt  }

</sc_bundles>
